<compile_context>
chip_gen: v7x
topology: tpu7x:2x2x1
jax: 0.10.2.dev20260603
libtpu: 0.0.44.dev20260713+nightly
codegen_flags: <defaults>
</compile_context>

<pallas_src>
import jax
import jax.numpy as jnp
from jax import lax
from jax.experimental import pallas as pl
from jax.experimental.pallas import tpu as pltpu
from jax.experimental.pallas import tpu_sc as plsc

B, N, D = 32, 576, 384
LANES = 16
NC, NS = 2, 16

QUADS = 8
QROWS = N // QUADS
DC = 128
NDC = D // DC
GROUPS = ((0, 1, 2), (3, 4, 5), (6, 7))
NSLAB = len(GROUPS) * NDC
NBUF = 9

_sc_mesh = plsc.VectorSubcoreMesh(core_axis_name="c", subcore_axis_name="s")


def _slab(s):
    return GROUPS[s // NDC], (s % NDC) * DC, 3 * (s % 3)


def _sc_fn(x_hbm, p_hbm, o_hbm):
    def scoped(pos_v, bufs, gsems, ssems):
        cid = lax.axis_index("c")
        sid = lax.axis_index("s")
        wid = sid * NC + cid
        q = wid // 4
        m = wid % 4
        r0 = q * QROWS

        pltpu.sync_copy(p_hbm.at[pl.ds(r0, QROWS), :], pos_v)

        def start_gathers(s):
            ks, dc, jb = _slab(s)
            for u, k in enumerate(ks):
                pltpu.make_async_copy(
                    x_hbm.at[m + 4 * k, pl.ds(r0, QROWS), pl.ds(dc, DC)],
                    bufs[jb + u],
                    gsems[jb + u],
                ).start()

        def start_scatters(s):
            ks, dc, jb = _slab(s)
            for u, k in enumerate(ks):
                pltpu.make_async_copy(
                    bufs[jb + u],
                    o_hbm.at[m + 4 * k, pl.ds(r0, QROWS), pl.ds(dc, DC)],
                    ssems[jb + u],
                ).start()

        def wait_gathers(s):
            ks, _, jb = _slab(s)
            for u in range(len(ks)):
                pltpu.make_async_copy(
                    x_hbm.at[0, pl.ds(0, QROWS), pl.ds(0, DC)],
                    bufs[jb + u],
                    gsems[jb + u],
                ).wait()

        def wait_scatters(s):
            ks, _, jb = _slab(s)
            for u in range(len(ks)):
                pltpu.make_async_copy(
                    bufs[jb + u],
                    o_hbm.at[0, pl.ds(0, QROWS), pl.ds(0, DC)],
                    ssems[jb + u],
                ).wait()

        start_gathers(0)
        for s in range(NSLAB):
            if s + 1 < NSLAB:
                if s + 1 >= 3:
                    wait_scatters(s - 2)
                start_gathers(s + 1)
            wait_gathers(s)

            ks, dc, jb = _slab(s)
            ng = len(ks)

            @plsc.parallel_loop(0, QROWS, step=1, unroll=2)
            def _add(r):
                for c in range(DC // LANES):
                    v = pos_v[r, pl.ds(dc + c * LANES, LANES)]
                    for u in range(ng):
                        plsc.addupdate(
                            bufs[jb + u].at[r, pl.ds(c * LANES, LANES)], v
                        )

            start_scatters(s)
        for s in range(NSLAB - 3, NSLAB):
            wait_scatters(s)

    pl.run_scoped(
        scoped,
        pltpu.VMEM((QROWS, D), jnp.float32),
        [pltpu.VMEM((QROWS, DC), jnp.float32) for _ in range(NBUF)],
        [pltpu.SemaphoreType.DMA for _ in range(NBUF)],
        [pltpu.SemaphoreType.DMA for _ in range(NBUF)],
    )


_sc_add = pl.kernel(
    _sc_fn,
    out_type=jax.ShapeDtypeStruct((B, N, D), jnp.float32),
    mesh=_sc_mesh,
    compiler_params=pltpu.CompilerParams(use_tc_tiling_on_sc=True),
)


def kernel(inputs, pos_table):
    return _sc_add(inputs, pos_table)

# --- scband reference (transcript-rebuilt; emitter-appended) ---
"""Pipeline reference for scband-positional-encoder-78958678770286 (READ-ONLY COPY).

The authoritative reference and input builder live on the scoring server;
editing this copy changes nothing except your own understanding.
"""

import jax, jax.numpy as jnp
import numpy as np

B, N, D = 32, 576, 384

def setup_inputs(seed: int = 0) -> dict:
    key = jax.random.key(seed)
    k1, k2 = jax.random.split(key)
    inputs = jax.random.normal(k1, (B, N, D), dtype=jnp.float32)
    # learned positional embedding table, Embedding(input_dim=N, output_dim=D)
    pos_table = jax.random.uniform(k2, (N, D), dtype=jnp.float32, minval=-0.05, maxval=0.05)
    return {"inputs": inputs, "pos_table": pos_table}

def reference(inputs, pos_table):
    positions = jnp.arange(0, N, 1)
    pos_emb = jnp.take(pos_table, positions, axis=0)  # [N, D]
    encoded = inputs + pos_emb[None, :, :]
    return encoded

if __name__ == "__main__":
    import jax
    _d = setup_inputs()
    print(jax.jit(kernel)(*tuple(_d.values())))

</pallas_src>

<mosaic_0001>
#map = affine_map<(d0, d1) -> (0, 0, 0)>
#map1 = affine_map<(d0, d1) -> (0, 0)>
module attributes {stable_mosaic.version = 14 : i64} {
  func.func @_sc_fn(%arg0: i32, %arg1: i32, %arg2: memref<32x576x384xf32, #tpu.memory_space<hbm>>, %arg3: memref<576x384xf32, #tpu.memory_space<hbm>>, %arg4: memref<32x576x384xf32, #tpu.memory_space<hbm>>) attributes {dimension_semantics = [#tpu.dimension_semantics<core_parallel>, #tpu.dimension_semantics<subcore_parallel>], iteration_bounds = array<i64: 2, 16>, scalar_prefetch = 0 : i64, scratch_operands = 0 : i64, tpu.core_type = #tpu.core_type<sc_vector_subcore>, window_params = [{transform_indices = #map}, {transform_indices = #map1}, {transform_indices = #map}]} {
    "tpu.region"() ({
      %run_scoped3A = memref.alloca() : memref<72x384xf32, #tpu.memory_space<vmem>>
      %run_scoped3A_0 = memref.alloca() : memref<72x128xf32, #tpu.memory_space<vmem>>
      %run_scoped3A_1 = memref.alloca() : memref<72x128xf32, #tpu.memory_space<vmem>>
      %run_scoped3A_2 = memref.alloca() : memref<72x128xf32, #tpu.memory_space<vmem>>
      %run_scoped3A_3 = memref.alloca() : memref<72x128xf32, #tpu.memory_space<vmem>>
      %run_scoped3A_4 = memref.alloca() : memref<72x128xf32, #tpu.memory_space<vmem>>
      %run_scoped3A_5 = memref.alloca() : memref<72x128xf32, #tpu.memory_space<vmem>>
      %run_scoped3A_6 = memref.alloca() : memref<72x128xf32, #tpu.memory_space<vmem>>
      %run_scoped3A_7 = memref.alloca() : memref<72x128xf32, #tpu.memory_space<vmem>>
      %run_scoped3A_8 = memref.alloca() : memref<72x128xf32, #tpu.memory_space<vmem>>
      %run_scoped3A_9 = tpu.sem_alloc : memref<!tpu.dma_semaphore, #tpu.memory_space<semaphore_mem>>
      %run_scoped3A_10 = tpu.sem_alloc : memref<!tpu.dma_semaphore, #tpu.memory_space<semaphore_mem>>
      %run_scoped3A_11 = tpu.sem_alloc : memref<!tpu.dma_semaphore, #tpu.memory_space<semaphore_mem>>
      %run_scoped3A_12 = tpu.sem_alloc : memref<!tpu.dma_semaphore, #tpu.memory_space<semaphore_mem>>
      %run_scoped3A_13 = tpu.sem_alloc : memref<!tpu.dma_semaphore, #tpu.memory_space<semaphore_mem>>
      %run_scoped3A_14 = tpu.sem_alloc : memref<!tpu.dma_semaphore, #tpu.memory_space<semaphore_mem>>
      %run_scoped3A_15 = tpu.sem_alloc : memref<!tpu.dma_semaphore, #tpu.memory_space<semaphore_mem>>
      %run_scoped3A_16 = tpu.sem_alloc : memref<!tpu.dma_semaphore, #tpu.memory_space<semaphore_mem>>
      %run_scoped3A_17 = tpu.sem_alloc : memref<!tpu.dma_semaphore, #tpu.memory_space<semaphore_mem>>
      %run_scoped3A_18 = tpu.sem_alloc : memref<!tpu.dma_semaphore, #tpu.memory_space<semaphore_mem>>
      %run_scoped3A_19 = tpu.sem_alloc : memref<!tpu.dma_semaphore, #tpu.memory_space<semaphore_mem>>
      %run_scoped3A_20 = tpu.sem_alloc : memref<!tpu.dma_semaphore, #tpu.memory_space<semaphore_mem>>
      %run_scoped3A_21 = tpu.sem_alloc : memref<!tpu.dma_semaphore, #tpu.memory_space<semaphore_mem>>
      %run_scoped3A_22 = tpu.sem_alloc : memref<!tpu.dma_semaphore, #tpu.memory_space<semaphore_mem>>
      %run_scoped3A_23 = tpu.sem_alloc : memref<!tpu.dma_semaphore, #tpu.memory_space<semaphore_mem>>
      %run_scoped3A_24 = tpu.sem_alloc : memref<!tpu.dma_semaphore, #tpu.memory_space<semaphore_mem>>
      %run_scoped3A_25 = tpu.sem_alloc : memref<!tpu.dma_semaphore, #tpu.memory_space<semaphore_mem>>
      %run_scoped3A_26 = tpu.sem_alloc : memref<!tpu.dma_semaphore, #tpu.memory_space<semaphore_mem>>
      %mul3A = arith.constant 2 : i32
      %mul3A_27 = arith.muli %arg1, %mul3A : i32
      %add3A = arith.addi %mul3A_27, %arg0 : i32
      %jit3A = arith.constant 4 : i32
      %div3A = arith.divsi %add3A, %jit3A : i32
      %sign3A = arith.constant 0 : i32
      %sign3A_28 = arith.cmpi sgt, %add3A, %sign3A : i32
      %sign3A_29 = arith.extui %sign3A_28 : i1 to i32
      %sign3A_30 = arith.constant 0 : i32
      %sign3A_31 = arith.cmpi slt, %add3A, %sign3A_30 : i32
      %sign3A_32 = arith.extui %sign3A_31 : i1 to i32
      %sign3A_33 = arith.subi %sign3A_29, %sign3A_32 : i32
      %sign3A_34 = arith.constant 0 : i32
      %sign3A_35 = arith.cmpi sgt, %jit3A, %sign3A_34 : i32
      %sign3A_36 = arith.extui %sign3A_35 : i1 to i32
      %sign3A_37 = arith.constant 0 : i32
      %sign3A_38 = arith.cmpi slt, %jit3A, %sign3A_37 : i32
      %sign3A_39 = arith.extui %sign3A_38 : i1 to i32
      %sign3A_40 = arith.subi %sign3A_36, %sign3A_39 : i32
      %ne3A = arith.cmpi ne, %sign3A_33, %sign3A_40 : i32
      %rem3A = arith.remsi %add3A, %jit3A : i32
      %ne3A_41 = arith.constant 0 : i32
      %ne3A_42 = arith.cmpi ne, %rem3A, %ne3A_41 : i32
      %and3A = arith.andi %ne3A, %ne3A_42 : i1
      %sub3A = arith.constant 1 : i32
      %sub3A_43 = arith.subi %div3A, %sub3A : i32
      %select_n3A = arith.select %and3A, %sub3A_43, %div3A : i32
      %jit3A_44 = arith.constant 4 : i32
      %eq3A = arith.constant 0 : i32
      %eq3A_45 = arith.cmpi eq, %jit3A_44, %eq3A : i32
      %jit3A_46 = arith.constant 1 : i32
      %select_n3A_47 = arith.select %eq3A_45, %jit3A_46, %jit3A_44 : i32
      %rem3A_48 = arith.remsi %add3A, %select_n3A_47 : i32
      %ne3A_49 = arith.constant 0 : i32
      %ne3A_50 = arith.cmpi ne, %rem3A_48, %ne3A_49 : i32
      %lt3A = arith.constant 0 : i32
      %lt3A_51 = arith.cmpi slt, %rem3A_48, %lt3A : i32
      %lt3A_52 = arith.constant 0 : i32
      %lt3A_53 = arith.cmpi slt, %select_n3A_47, %lt3A_52 : i32
      %ne3A_54 = arith.xori %lt3A_51, %lt3A_53 : i1
      %and3A_55 = arith.andi %ne3A_54, %ne3A_50 : i1
      %add3A_56 = arith.addi %rem3A_48, %select_n3A_47 : i32
      %select_n3A_57 = arith.select %and3A_55, %add3A_56, %rem3A_48 : i32
      %mul3A_58 = arith.constant 72 : i32
      %mul3A_59 = arith.muli %select_n3A, %mul3A_58 : i32
      "tpu.region"() ({
        %run_scoped3A_900 = tpu.sem_alloc : memref<!tpu.dma_semaphore, #tpu.memory_space<semaphore_mem>>
        %dma_start3A_901 = arith.constant 0 : i32
        %dma_start3A_902 = tpu.memref_slice %arg3[%mul3A_59, %dma_start3A_901] : memref<576x384xf32, #tpu.memory_space<hbm>> -> memref<72x384xf32, #tpu.memory_space<hbm>>
        %dma_start3A_903 = arith.constant 0 : i32
        %dma_start3A_904 = tpu.memref_slice %arg3[%mul3A_59, %dma_start3A_903] : memref<576x384xf32, #tpu.memory_space<hbm>> -> memref<72x384xf32, #tpu.memory_space<hbm>>
        tpu.enqueue_dma source(%dma_start3A_904 : memref<72x384xf32, #tpu.memory_space<hbm>>) target(%run_scoped3A : memref<72x384xf32, #tpu.memory_space<vmem>>) target_semaphore(%run_scoped3A_900 : memref<!tpu.dma_semaphore, #tpu.memory_space<semaphore_mem>>)
        %dma_wait3A_905 = arith.constant 0 : i32
        %dma_wait3A_906 = tpu.memref_slice %arg3[%mul3A_59, %dma_wait3A_905] : memref<576x384xf32, #tpu.memory_space<hbm>> -> memref<72x384xf32, #tpu.memory_space<hbm>>
        %dma_wait3A_907 = arith.constant 0 : i32
        %dma_wait3A_908 = tpu.memref_slice %arg3[%mul3A_59, %dma_wait3A_907] : memref<576x384xf32, #tpu.memory_space<hbm>> -> memref<72x384xf32, #tpu.memory_space<hbm>>
        tpu.wait_dma2 semaphore(%run_scoped3A_900 : memref<!tpu.dma_semaphore, #tpu.memory_space<semaphore_mem>>) src(%dma_wait3A_908 : memref<72x384xf32, #tpu.memory_space<hbm>>) dst(%run_scoped3A : memref<72x384xf32, #tpu.memory_space<vmem>>)
        tpu.yield
      }) : () -> ()
      %add3A_60 = arith.constant 0 : i32
      %add3A_61 = arith.addi %select_n3A_57, %add3A_60 : i32
      %dma_start3A = arith.constant 0 : i32
      %dma_start3A_62 = tpu.memref_slice %arg2[%add3A_61, %mul3A_59, %dma_start3A] : memref<32x576x384xf32, #tpu.memory_space<hbm>> -> memref<1x72x128xf32, #tpu.memory_space<hbm>>
      %dma_start3A_63 = tpu.memref_squeeze %dma_start3A_62 : memref<1x72x128xf32, #tpu.memory_space<hbm>> -> memref<72x128xf32, #tpu.memory_space<hbm>>
      %dma_start3A_64 = arith.constant 0 : i32
      %dma_start3A_65 = tpu.memref_slice %arg2[%add3A_61, %mul3A_59, %dma_start3A_64] : memref<32x576x384xf32, #tpu.memory_space<hbm>> -> memref<1x72x128xf32, #tpu.memory_space<hbm>>
      %dma_start3A_66 = tpu.memref_squeeze %dma_start3A_65 : memref<1x72x128xf32, #tpu.memory_space<hbm>> -> memref<72x128xf32, #tpu.memory_space<hbm>>
      tpu.enqueue_dma source(%dma_start3A_66 : memref<72x128xf32, #tpu.memory_space<hbm>>) target(%run_scoped3A_0 : memref<72x128xf32, #tpu.memory_space<vmem>>) target_semaphore(%run_scoped3A_9 : memref<!tpu.dma_semaphore, #tpu.memory_space<semaphore_mem>>)
      %add3A_67 = arith.constant 4 : i32
      %add3A_68 = arith.addi %select_n3A_57, %add3A_67 : i32
      %dma_start3A_69 = arith.constant 0 : i32
      %dma_start3A_70 = tpu.memref_slice %arg2[%add3A_68, %mul3A_59, %dma_start3A_69] : memref<32x576x384xf32, #tpu.memory_space<hbm>> -> memref<1x72x128xf32, #tpu.memory_space<hbm>>
      %dma_start3A_71 = tpu.memref_squeeze %dma_start3A_70 : memref<1x72x128xf32, #tpu.memory_space<hbm>> -> memref<72x128xf32, #tpu.memory_space<hbm>>
      %dma_start3A_72 = arith.constant 0 : i32
      %dma_start3A_73 = tpu.memref_slice %arg2[%add3A_68, %mul3A_59, %dma_start3A_72] : memref<32x576x384xf32, #tpu.memory_space<hbm>> -> memref<1x72x128xf32, #tpu.memory_space<hbm>>
      %dma_start3A_74 = tpu.memref_squeeze %dma_start3A_73 : memref<1x72x128xf32, #tpu.memory_space<hbm>> -> memref<72x128xf32, #tpu.memory_space<hbm>>
      tpu.enqueue_dma source(%dma_start3A_74 : memref<72x128xf32, #tpu.memory_space<hbm>>) target(%run_scoped3A_1 : memref<72x128xf32, #tpu.memory_space<vmem>>) target_semaphore(%run_scoped3A_10 : memref<!tpu.dma_semaphore, #tpu.memory_space<semaphore_mem>>)
      %add3A_75 = arith.constant 8 : i32
      %add3A_76 = arith.addi %select_n3A_57, %add3A_75 : i32
      %dma_start3A_77 = arith.constant 0 : i32
      %dma_start3A_78 = tpu.memref_slice %arg2[%add3A_76, %mul3A_59, %dma_start3A_77] : memref<32x576x384xf32, #tpu.memory_space<hbm>> -> memref<1x72x128xf32, #tpu.memory_space<hbm>>
      %dma_start3A_79 = tpu.memref_squeeze %dma_start3A_78 : memref<1x72x128xf32, #tpu.memory_space<hbm>> -> memref<72x128xf32, #tpu.memory_space<hbm>>
      %dma_start3A_80 = arith.constant 0 : i32
      %dma_start3A_81 = tpu.memref_slice %arg2[%add3A_76, %mul3A_59, %dma_start3A_80] : memref<32x576x384xf32, #tpu.memory_space<hbm>> -> memref<1x72x128xf32, #tpu.memory_space<hbm>>
      %dma_start3A_82 = tpu.memref_squeeze %dma_start3A_81 : memref<1x72x128xf32, #tpu.memory_space<hbm>> -> memref<72x128xf32, #tpu.memory_space<hbm>>
      tpu.enqueue_dma source(%dma_start3A_82 : memref<72x128xf32, #tpu.memory_space<hbm>>) target(%run_scoped3A_2 : memref<72x128xf32, #tpu.memory_space<vmem>>) target_semaphore(%run_scoped3A_11 : memref<!tpu.dma_semaphore, #tpu.memory_space<semaphore_mem>>)
      %add3A_83 = arith.constant 0 : i32
      %add3A_84 = arith.addi %select_n3A_57, %add3A_83 : i32
      %dma_start3A_85 = arith.constant 128 : i32
      %dma_start3A_86 = tpu.memref_slice %arg2[%add3A_84, %mul3A_59, %dma_start3A_85] : memref<32x576x384xf32, #tpu.memory_space<hbm>> -> memref<1x72x128xf32, #tpu.memory_space<hbm>>
      %dma_start3A_87 = tpu.memref_squeeze %dma_start3A_86 : memref<1x72x128xf32, #tpu.memory_space<hbm>> -> memref<72x128xf32, #tpu.memory_space<hbm>>
      %dma_start3A_88 = arith.constant 128 : i32
      %dma_start3A_89 = tpu.memref_slice %arg2[%add3A_84, %mul3A_59, %dma_start3A_88] : memref<32x576x384xf32, #tpu.memory_space<hbm>> -> memref<1x72x128xf32, #tpu.memory_space<hbm>>
      %dma_start3A_90 = tpu.memref_squeeze %dma_start3A_89 : memref<1x72x128xf32, #tpu.memory_space<hbm>> -> memref<72x128xf32, #tpu.memory_space<hbm>>
      tpu.enqueue_dma source(%dma_start3A_90 : memref<72x128xf32, #tpu.memory_space<hbm>>) target(%run_scoped3A_3 : memref<72x128xf32, #tpu.memory_space<vmem>>) target_semaphore(%run_scoped3A_12 : memref<!tpu.dma_semaphore, #tpu.memory_space<semaphore_mem>>)
      %add3A_91 = arith.constant 4 : i32
      %add3A_92 = arith.addi %select_n3A_57, %add3A_91 : i32
      %dma_start3A_93 = arith.constant 128 : i32
      %dma_start3A_94 = tpu.memref_slice %arg2[%add3A_92, %mul3A_59, %dma_start3A_93] : memref<32x576x384xf32, #tpu.memory_space<hbm>> -> memref<1x72x128xf32, #tpu.memory_space<hbm>>
      %dma_start3A_95 = tpu.memref_squeeze %dma_start3A_94 : memref<1x72x128xf32, #tpu.memory_space<hbm>> -> memref<72x128xf32, #tpu.memory_space<hbm>>
      %dma_start3A_96 = arith.constant 128 : i32
      %dma_start3A_97 = tpu.memref_slice %arg2[%add3A_92, %mul3A_59, %dma_start3A_96] : memref<32x576x384xf32, #tpu.memory_space<hbm>> -> memref<1x72x128xf32, #tpu.memory_space<hbm>>
      %dma_start3A_98 = tpu.memref_squeeze %dma_start3A_97 : memref<1x72x128xf32, #tpu.memory_space<hbm>> -> memref<72x128xf32, #tpu.memory_space<hbm>>
      tpu.enqueue_dma source(%dma_start3A_98 : memref<72x128xf32, #tpu.memory_space<hbm>>) target(%run_scoped3A_4 : memref<72x128xf32, #tpu.memory_space<vmem>>) target_semaphore(%run_scoped3A_13 : memref<!tpu.dma_semaphore, #tpu.memory_space<semaphore_mem>>)
      %add3A_99 = arith.constant 8 : i32
      %add3A_100 = arith.addi %select_n3A_57, %add3A_99 : i32
      %dma_start3A_101 = arith.constant 128 : i32
      %dma_start3A_102 = tpu.memref_slice %arg2[%add3A_100, %mul3A_59, %dma_start3A_101] : memref<32x576x384xf32, #tpu.memory_space<hbm>> -> memref<1x72x128xf32, #tpu.memory_space<hbm>>
      %dma_start3A_103 = tpu.memref_squeeze %dma_start3A_102 : memref<1x72x128xf32, #tpu.memory_space<hbm>> -> memref<72x128xf32, #tpu.memory_space<hbm>>
      %dma_start3A_104 = arith.constant 128 : i32
      %dma_start3A_105 = tpu.memref_slice %arg2[%add3A_100, %mul3A_59, %dma_start3A_104] : memref<32x576x384xf32, #tpu.memory_space<hbm>> -> memref<1x72x128xf32, #tpu.memory_space<hbm>>
      %dma_start3A_106 = tpu.memref_squeeze %dma_start3A_105 : memref<1x72x128xf32, #tpu.memory_space<hbm>> -> memref<72x128xf32, #tpu.memory_space<hbm>>
      tpu.enqueue_dma source(%dma_start3A_106 : memref<72x128xf32, #tpu.memory_space<hbm>>) target(%run_scoped3A_5 : memref<72x128xf32, #tpu.memory_space<vmem>>) target_semaphore(%run_scoped3A_14 : memref<!tpu.dma_semaphore, #tpu.memory_space<semaphore_mem>>)
      %dma_wait3A = arith.constant 0 : i32
      %dma_wait3A_107 = arith.constant 0 : i32
      %dma_wait3A_108 = arith.constant 0 : i32
      %dma_wait3A_109 = tpu.memref_slice %arg2[%dma_wait3A, %dma_wait3A_107, %dma_wait3A_108] : memref<32x576x384xf32, #tpu.memory_space<hbm>> -> memref<1x72x128xf32, #tpu.memory_space<hbm>>
      %dma_wait3A_110 = tpu.memref_squeeze %dma_wait3A_109 : memref<1x72x128xf32, #tpu.memory_space<hbm>> -> memref<72x128xf32, #tpu.memory_space<hbm>>
      %dma_wait3A_111 = arith.constant 0 : i32
      %dma_wait3A_112 = arith.constant 0 : i32
      %dma_wait3A_113 = tpu.memref_slice %arg2[%dma_wait3A, %dma_wait3A_111, %dma_wait3A_112] : memref<32x576x384xf32, #tpu.memory_space<hbm>> -> memref<1x72x128xf32, #tpu.memory_space<hbm>>
      %dma_wait3A_114 = tpu.memref_squeeze %dma_wait3A_113 : memref<1x72x128xf32, #tpu.memory_space<hbm>> -> memref<72x128xf32, #tpu.memory_space<hbm>>
      tpu.wait_dma2 semaphore(%run_scoped3A_9 : memref<!tpu.dma_semaphore, #tpu.memory_space<semaphore_mem>>) src(%dma_wait3A_114 : memref<72x128xf32, #tpu.memory_space<hbm>>) dst(%run_scoped3A_0 : memref<72x128xf32, #tpu.memory_space<vmem>>)
      %dma_wait3A_115 = arith.constant 0 : i32
      %dma_wait3A_116 = arith.constant 0 : i32
      %dma_wait3A_117 = arith.constant 0 : i32
      %dma_wait3A_118 = tpu.memref_slice %arg2[%dma_wait3A_115, %dma_wait3A_116, %dma_wait3A_117] : memref<32x576x384xf32, #tpu.memory_space<hbm>> -> memref<1x72x128xf32, #tpu.memory_space<hbm>>
      %dma_wait3A_119 = tpu.memref_squeeze %dma_wait3A_118 : memref<1x72x128xf32, #tpu.memory_space<hbm>> -> memref<72x128xf32, #tpu.memory_space<hbm>>
      %dma_wait3A_120 = arith.constant 0 : i32
      %dma_wait3A_121 = arith.constant 0 : i32
      %dma_wait3A_122 = tpu.memref_slice %arg2[%dma_wait3A_115, %dma_wait3A_120, %dma_wait3A_121] : memref<32x576x384xf32, #tpu.memory_space<hbm>> -> memref<1x72x128xf32, #tpu.memory_space<hbm>>
      %dma_wait3A_123 = tpu.memref_squeeze %dma_wait3A_122 : memref<1x72x128xf32, #tpu.memory_space<hbm>> -> memref<72x128xf32, #tpu.memory_space<hbm>>
      tpu.wait_dma2 semaphore(%run_scoped3A_10 : memref<!tpu.dma_semaphore, #tpu.memory_space<semaphore_mem>>) src(%dma_wait3A_123 : memref<72x128xf32, #tpu.memory_space<hbm>>) dst(%run_scoped3A_1 : memref<72x128xf32, #tpu.memory_space<vmem>>)
      %dma_wait3A_124 = arith.constant 0 : i32
      %dma_wait3A_125 = arith.constant 0 : i32
      %dma_wait3A_126 = arith.constant 0 : i32
      %dma_wait3A_127 = tpu.memref_slice %arg2[%dma_wait3A_124, %dma_wait3A_125, %dma_wait3A_126] : memref<32x576x384xf32, #tpu.memory_space<hbm>> -> memref<1x72x128xf32, #tpu.memory_space<hbm>>
      %dma_wait3A_128 = tpu.memref_squeeze %dma_wait3A_127 : memref<1x72x128xf32, #tpu.memory_space<hbm>> -> memref<72x128xf32, #tpu.memory_space<hbm>>
      %dma_wait3A_129 = arith.constant 0 : i32
      %dma_wait3A_130 = arith.constant 0 : i32
      %dma_wait3A_131 = tpu.memref_slice %arg2[%dma_wait3A_124, %dma_wait3A_129, %dma_wait3A_130] : memref<32x576x384xf32, #tpu.memory_space<hbm>> -> memref<1x72x128xf32, #tpu.memory_space<hbm>>
      %dma_wait3A_132 = tpu.memref_squeeze %dma_wait3A_131 : memref<1x72x128xf32, #tpu.memory_space<hbm>> -> memref<72x128xf32, #tpu.memory_space<hbm>>
      tpu.wait_dma2 semaphore(%run_scoped3A_11 : memref<!tpu.dma_semaphore, #tpu.memory_space<semaphore_mem>>) src(%dma_wait3A_132 : memref<72x128xf32, #tpu.memory_space<hbm>>) dst(%run_scoped3A_2 : memref<72x128xf32, #tpu.memory_space<vmem>>)
      %parallel_loop3A = arith.constant 0 : i32
      %parallel_loop3A_133 = arith.constant 72 : i32
      %parallel_loop3A_134 = arith.constant 1 : i32
      scf.for %parallel_loop3A_900 = %parallel_loop3A to %parallel_loop3A_133 step %parallel_loop3A_134  : i32 {
        %parallel_loop3A_901 = arith.index_cast %parallel_loop3A_900 : i32 to index
        %parallel_loop3A_902 = arith.constant 0 : index
        %parallel_loop3A_903 = tpu.vector_load %run_scoped3A[%parallel_loop3A_901, %parallel_loop3A_902] {strides = array<i32>} : memref<72x384xf32, #tpu.memory_space<vmem>>, vector<1x16xf32>,
        %parallel_loop3A_904 = vector.shape_cast %parallel_loop3A_903 : vector<1x16xf32> to vector<16xf32>
        %parallel_loop3A_905 = arith.index_cast %parallel_loop3A_900 : i32 to index
        %parallel_loop3A_906 = arith.constant 0 : index
        %parallel_loop3A_907 = tpu.vector_load %run_scoped3A_0[%parallel_loop3A_905, %parallel_loop3A_906] {strides = array<i32>} : memref<72x128xf32, #tpu.memory_space<vmem>>, vector<1x16xf32>,
        %parallel_loop3A_908 = vector.shape_cast %parallel_loop3A_907 : vector<1x16xf32> to vector<16xf32>
        %parallel_loop3A_909 = vector.shape_cast %parallel_loop3A_904 : vector<16xf32> to vector<1x16xf32>
        tpu.vector_store %run_scoped3A_0[%parallel_loop3A_905, %parallel_loop3A_906], %parallel_loop3A_909 {add = true, strides = array<i32>} : memref<72x128xf32, #tpu.memory_space<vmem>>, vector<1x16xf32>,
        %parallel_loop3A_910 = arith.index_cast %parallel_loop3A_900 : i32 to index
        %parallel_loop3A_911 = arith.constant 0 : index
        %parallel_loop3A_912 = tpu.vector_load %run_scoped3A_1[%parallel_loop3A_910, %parallel_loop3A_911] {strides = array<i32>} : memref<72x128xf32, #tpu.memory_space<vmem>>, vector<1x16xf32>,
        %parallel_loop3A_913 = vector.shape_cast %parallel_loop3A_912 : vector<1x16xf32> to vector<16xf32>
        %parallel_loop3A_914 = vector.shape_cast %parallel_loop3A_904 : vector<16xf32> to vector<1x16xf32>
        tpu.vector_store %run_scoped3A_1[%parallel_loop3A_910, %parallel_loop3A_911], %parallel_loop3A_914 {add = true, strides = array<i32>} : memref<72x128xf32, #tpu.memory_space<vmem>>, vector<1x16xf32>,
        %parallel_loop3A_915 = arith.index_cast %parallel_loop3A_900 : i32 to index
        %parallel_loop3A_916 = arith.constant 0 : index
        %parallel_loop3A_917 = tpu.vector_load %run_scoped3A_2[%parallel_loop3A_915, %parallel_loop3A_916] {strides = array<i32>} : memref<72x128xf32, #tpu.memory_space<vmem>>, vector<1x16xf32>,
        %parallel_loop3A_918 = vector.shape_cast %parallel_loop3A_917 : vector<1x16xf32> to vector<16xf32>
        %parallel_loop3A_919 = vector.shape_cast %parallel_loop3A_904 : vector<16xf32> to vector<1x16xf32>
        tpu.vector_store %run_scoped3A_2[%parallel_loop3A_915, %parallel_loop3A_916], %parallel_loop3A_919 {add = true, strides = array<i32>} : memref<72x128xf32, #tpu.memory_space<vmem>>, vector<1x16xf32>,
        %parallel_loop3A_920 = arith.index_cast %parallel_loop3A_900 : i32 to index
        %parallel_loop3A_921 = arith.constant 16 : index
        %parallel_loop3A_922 = tpu.vector_load %run_scoped3A[%parallel_loop3A_920, %parallel_loop3A_921] {strides = array<i32>} : memref<72x384xf32, #tpu.memory_space<vmem>>, vector<1x16xf32>,
        %parallel_loop3A_923 = vector.shape_cast %parallel_loop3A_922 : vector<1x16xf32> to vector<16xf32>
        %parallel_loop3A_924 = arith.index_cast %parallel_loop3A_900 : i32 to index
        %parallel_loop3A_925 = arith.constant 16 : index
        %parallel_loop3A_926 = tpu.vector_load %run_scoped3A_0[%parallel_loop3A_924, %parallel_loop3A_925] {strides = array<i32>} : memref<72x128xf32, #tpu.memory_space<vmem>>, vector<1x16xf32>,
        %parallel_loop3A_927 = vector.shape_cast %parallel_loop3A_926 : vector<1x16xf32> to vector<16xf32>
        %parallel_loop3A_928 = vector.shape_cast %parallel_loop3A_923 : vector<16xf32> to vector<1x16xf32>
        tpu.vector_store %run_scoped3A_0[%parallel_loop3A_924, %parallel_loop3A_925], %parallel_loop3A_928 {add = true, strides = array<i32>} : memref<72x128xf32, #tpu.memory_space<vmem>>, vector<1x16xf32>,
        %parallel_loop3A_929 = arith.index_cast %parallel_loop3A_900 : i32 to index
        %parallel_loop3A_930 = arith.constant 16 : index
        %parallel_loop3A_931 = tpu.vector_load %run_scoped3A_1[%parallel_loop3A_929, %parallel_loop3A_930] {strides = array<i32>} : memref<72x128xf32, #tpu.memory_space<vmem>>, vector<1x16xf32>,
        %parallel_loop3A_932 = vector.shape_cast %parallel_loop3A_931 : vector<1x16xf32> to vector<16xf32>
        %parallel_loop3A_933 = vector.shape_cast %parallel_loop3A_923 : vector<16xf32> to vector<1x16xf32>
        tpu.vector_store %run_scoped3A_1[%parallel_loop3A_929, %parallel_loop3A_930], %parallel_loop3A_933 {add = true, strides = array<i32>} : memref<72x128xf32, #tpu.memory_space<vmem>>, vector<1x16xf32>,
        %parallel_loop3A_934 = arith.index_cast %parallel_loop3A_900 : i32 to index
        %parallel_loop3A_935 = arith.constant 16 : index
        %parallel_loop3A_936 = tpu.vector_load %run_scoped3A_2[%parallel_loop3A_934, %parallel_loop3A_935] {strides = array<i32>} : memref<72x128xf32, #tpu.memory_space<vmem>>, vector<1x16xf32>,
        %parallel_loop3A_937 = vector.shape_cast %parallel_loop3A_936 : vector<1x16xf32> to vector<16xf32>
        %parallel_loop3A_938 = vector.shape_cast %parallel_loop3A_923 : vector<16xf32> to vector<1x16xf32>
        tpu.vector_store %run_scoped3A_2[%parallel_loop3A_934, %parallel_loop3A_935], %parallel_loop3A_938 {add = true, strides = array<i32>} : memref<72x128xf32, #tpu.memory_space<vmem>>, vector<1x16xf32>,
        %parallel_loop3A_939 = arith.index_cast %parallel_loop3A_900 : i32 to index
        %parallel_loop3A_940 = arith.constant 32 : index
        %parallel_loop3A_941 = tpu.vector_load %run_scoped3A[%parallel_loop3A_939, %parallel_loop3A_940] {strides = array<i32>} : memref<72x384xf32, #tpu.memory_space<vmem>>, vector<1x16xf32>,
        %parallel_loop3A_942 = vector.shape_cast %parallel_loop3A_941 : vector<1x16xf32> to vector<16xf32>
        %parallel_loop3A_943 = arith.index_cast %parallel_loop3A_900 : i32 to index
        %parallel_loop3A_944 = arith.constant 32 : index
        %parallel_loop3A_945 = tpu.vector_load %run_scoped3A_0[%parallel_loop3A_943, %parallel_loop3A_944] {strides = array<i32>} : memref<72x128xf32, #tpu.memory_space<vmem>>, vector<1x16xf32>,
        %parallel_loop3A_946 = vector.shape_cast %parallel_loop3A_945 : vector<1x16xf32> to vector<16xf32>
        %parallel_loop3A_947 = vector.shape_cast %parallel_loop3A_942 : vector<16xf32> to vector<1x16xf32>
        tpu.vector_store %run_scoped3A_0[%parallel_loop3A_943, %parallel_loop3A_944], %parallel_loop3A_947 {add = true, strides = array<i32>} : memref<72x128xf32, #tpu.memory_space<vmem>>, vector<1x16xf32>,
        %parallel_loop3A_948 = arith.index_cast %parallel_loop3A_900 : i32 to index
        %parallel_loop3A_949 = arith.constant 32 : index
        %parallel_loop3A_950 = tpu.vector_load %run_scoped3A_1[%parallel_loop3A_948, %parallel_loop3A_949] {strides = array<i32>} : memref<72x128xf32, #tpu.memory_space<vmem>>, vector<1x16xf32>,
        %parallel_loop3A_951 = vector.shape_cast %parallel_loop3A_950 : vector<1x16xf32> to vector<16xf32>
        %parallel_loop3A_952 = vector.shape_cast %parallel_loop3A_942 : vector<16xf32> to vector<1x16xf32>
        tpu.vector_store %run_scoped3A_1[%parallel_loop3A_948, %parallel_loop3A_949], %parallel_loop3A_952 {add = true, strides = array<i32>} : memref<72x128xf32, #tpu.memory_space<vmem>>, vector<1x16xf32>,
        %parallel_loop3A_953 = arith.index_cast %parallel_loop3A_900 : i32 to index
        %parallel_loop3A_954 = arith.constant 32 : index
        %parallel_loop3A_955 = tpu.vector_load %run_scoped3A_2[%parallel_loop3A_953, %parallel_loop3A_954] {strides = array<i32>} : memref<72x128xf32, #tpu.memory_space<vmem>>, vector<1x16xf32>,
        %parallel_loop3A_956 = vector.shape_cast %parallel_loop3A_955 : vector<1x16xf32> to vector<16xf32>
        %parallel_loop3A_957 = vector.shape_cast %parallel_loop3A_942 : vector<16xf32> to vector<1x16xf32>
        tpu.vector_store %run_scoped3A_2[%parallel_loop3A_953, %parallel_loop3A_954], %parallel_loop3A_957 {add = true, strides = array<i32>} : memref<72x128xf32, #tpu.memory_space<vmem>>, vector<1x16xf32>,
        %parallel_loop3A_958 = arith.index_cast %parallel_loop3A_900 : i32 to index
        %parallel_loop3A_959 = arith.constant 48 : index
        %parallel_loop3A_960 = tpu.vector_load %run_scoped3A[%parallel_loop3A_958, %parallel_loop3A_959] {strides = array<i32>} : memref<72x384xf32, #tpu.memory_space<vmem>>, vector<1x16xf32>,
        %parallel_loop3A_961 = vector.shape_cast %parallel_loop3A_960 : vector<1x16xf32> to vector<16xf32>
        %parallel_loop3A_962 = arith.index_cast %parallel_loop3A_900 : i32 to index
        %parallel_loop3A_963 = arith.constant 48 : index
        %parallel_loop3A_964 = tpu.vector_load %run_scoped3A_0[%parallel_loop3A_962, %parallel_loop3A_963] {strides = array<i32>} : memref<72x128xf32, #tpu.memory_space<vmem>>, vector<1x16xf32>,
        %parallel_loop3A_965 = vector.shape_cast %parallel_loop3A_964 : vector<1x16xf32> to vector<16xf32>
        %parallel_loop3A_966 = vector.shape_cast %parallel_loop3A_961 : vector<16xf32> to vector<1x16xf32>
        tpu.vector_store %run_scoped3A_0[%parallel_loop3A_962, %parallel_loop3A_963], %parallel_loop3A_966 {add = true, strides = array<i32>} : memref<72x128xf32, #tpu.memory_space<vmem>>, vector<1x16xf32>,
        %parallel_loop3A_967 = arith.index_cast %parallel_loop3A_900 : i32 to index
        %parallel_loop3A_968 = arith.constant 48 : index
        %parallel_loop3A_969 = tpu.vector_load %run_scoped3A_1[%parallel_loop3A_967, %parallel_loop3A_968] {strides = array<i32>} : memref<72x128xf32, #tpu.memory_space<vmem>>, vector<1x16xf32>,
        %parallel_loop3A_970 = vector.shape_cast %parallel_loop3A_969 : vector<1x16xf32> to vector<16xf32>
        %parallel_loop3A_971 = vector.shape_cast %parallel_loop3A_961 : vector<16xf32> to vector<1x16xf32>
        tpu.vector_store %run_scoped3A_1[%parallel_loop3A_967, %parallel_loop3A_968], %parallel_loop3A_971 {add = true, strides = array<i32>} : memref<72x128xf32, #tpu.memory_space<vmem>>, vector<1x16xf32>,
        %parallel_loop3A_972 = arith.index_cast %parallel_loop3A_900 : i32 to index
        %parallel_loop3A_973 = arith.constant 48 : index
        %parallel_loop3A_974 = tpu.vector_load %run_scoped3A_2[%parallel_loop3A_972, %parallel_loop3A_973] {strides = array<i32>} : memref<72x128xf32, #tpu.memory_space<vmem>>, vector<1x16xf32>,
        %parallel_loop3A_975 = vector.shape_cast %parallel_loop3A_974 : vector<1x16xf32> to vector<16xf32>
        %parallel_loop3A_976 = vector.shape_cast %parallel_loop3A_961 : vector<16xf32> to vector<1x16xf32>
        tpu.vector_store %run_scoped3A_2[%parallel_loop3A_972, %parallel_loop3A_973], %parallel_loop3A_976 {add = true, strides = array<i32>} : memref<72x128xf32, #tpu.memory_space<vmem>>, vector<1x16xf32>,
        %parallel_loop3A_977 = arith.index_cast %parallel_loop3A_900 : i32 to index
        %parallel_loop3A_978 = arith.constant 64 : index
        %parallel_loop3A_979 = tpu.vector_load %run_scoped3A[%parallel_loop3A_977, %parallel_loop3A_978] {strides = array<i32>} : memref<72x384xf32, #tpu.memory_space<vmem>>, vector<1x16xf32>,
        %parallel_loop3A_980 = vector.shape_cast %parallel_loop3A_979 : vector<1x16xf32> to vector<16xf32>
        %parallel_loop3A_981 = arith.index_cast %parallel_loop3A_900 : i32 to index
        %parallel_loop3A_982 = arith.constant 64 : index
        %parallel_loop3A_983 = tpu.vector_load %run_scoped3A_0[%parallel_loop3A_981, %parallel_loop3A_982] {strides = array<i32>} : memref<72x128xf32, #tpu.memory_space<vmem>>, vector<1x16xf32>,
        %parallel_loop3A_984 = vector.shape_cast %parallel_loop3A_983 : vector<1x16xf32> to vector<16xf32>
        %parallel_loop3A_985 = vector.shape_cast %parallel_loop3A_980 : vector<16xf32> to vector<1x16xf32>
        tpu.vector_store %run_scoped3A_0[%parallel_loop3A_981, %parallel_loop3A_982], %parallel_loop3A_985 {add = true, strides = array<i32>} : memref<72x128xf32, #tpu.memory_space<vmem>>, vector<1x16xf32>,
        %parallel_loop3A_986 = arith.index_cast %parallel_loop3A_900 : i32 to index
        %parallel_loop3A_987 = arith.constant 64 : index
        %parallel_loop3A_988 = tpu.vector_load %run_scoped3A_1[%parallel_loop3A_986, %parallel_loop3A_987] {strides = array<i32>} : memref<72x128xf32, #tpu.memory_space<vmem>>, vector<1x16xf32>,
        %parallel_loop3A_989 = vector.shape_cast %parallel_loop3A_988 : vector<1x16xf32> to vector<16xf32>
        %parallel_loop3A_990 = vector.shape_cast %parallel_loop3A_980 : vector<16xf32> to vector<1x16xf32>
        tpu.vector_store %run_scoped3A_1[%parallel_loop3A_986, %parallel_loop3A_987], %parallel_loop3A_990 {add = true, strides = array<i32>} : memref<72x128xf32, #tpu.memory_space<vmem>>, vector<1x16xf32>,
        %parallel_loop3A_991 = arith.index_cast %parallel_loop3A_900 : i32 to index
        %parallel_loop3A_992 = arith.constant 64 : index
        %parallel_loop3A_993 = tpu.vector_load %run_scoped3A_2[%parallel_loop3A_991, %parallel_loop3A_992] {strides = array<i32>} : memref<72x128xf32, #tpu.memory_space<vmem>>, vector<1x16xf32>,
        %parallel_loop3A_994 = vector.shape_cast %parallel_loop3A_993 : vector<1x16xf32> to vector<16xf32>
        %parallel_loop3A_995 = vector.shape_cast %parallel_loop3A_980 : vector<16xf32> to vector<1x16xf32>
        tpu.vector_store %run_scoped3A_2[%parallel_loop3A_991, %parallel_loop3A_992], %parallel_loop3A_995 {add = true, strides = array<i32>} : memref<72x128xf32, #tpu.memory_space<vmem>>, vector<1x16xf32>,
        %parallel_loop3A_996 = arith.index_cast %parallel_loop3A_900 : i32 to index
        %parallel_loop3A_997 = arith.constant 80 : index
        %parallel_loop3A_998 = tpu.vector_load %run_scoped3A[%parallel_loop3A_996, %parallel_loop3A_997] {strides = array<i32>} : memref<72x384xf32, #tpu.memory_space<vmem>>, vector<1x16xf32>,
        %parallel_loop3A_999 = vector.shape_cast %parallel_loop3A_998 : vector<1x16xf32> to vector<16xf32>
        %parallel_loop3A_1000 = arith.index_cast %parallel_loop3A_900 : i32 to index
        %parallel_loop3A_1001 = arith.constant 80 : index
        %parallel_loop3A_1002 = tpu.vector_load %run_scoped3A_0[%parallel_loop3A_1000, %parallel_loop3A_1001] {strides = array<i32>} : memref<72x128xf32, #tpu.memory_space<vmem>>, vector<1x16xf32>,
        %parallel_loop3A_1003 = vector.shape_cast %parallel_loop3A_1002 : vector<1x16xf32> to vector<16xf32>
        %parallel_loop3A_1004 = vector.shape_cast %parallel_loop3A_999 : vector<16xf32> to vector<1x16xf32>
        tpu.vector_store %run_scoped3A_0[%parallel_loop3A_1000, %parallel_loop3A_1001], %parallel_loop3A_1004 {add = true, strides = array<i32>} : memref<72x128xf32, #tpu.memory_space<vmem>>, vector<1x16xf32>,
        %parallel_loop3A_1005 = arith.index_cast %parallel_loop3A_900 : i32 to index
        %parallel_loop3A_1006 = arith.constant 80 : index
        %parallel_loop3A_1007 = tpu.vector_load %run_scoped3A_1[%parallel_loop3A_1005, %parallel_loop3A_1006] {strides = array<i32>} : memref<72x128xf32, #tpu.memory_space<vmem>>, vector<1x16xf32>,
        %parallel_loop3A_1008 = vector.shape_cast %parallel_loop3A_1007 : vector<1x16xf32> to vector<16xf32>
        %parallel_loop3A_1009 = vector.shape_cast %parallel_loop3A_999 : vector<16xf32> to vector<1x16xf32>
        tpu.vector_store %run_scoped3A_1[%parallel_loop3A_1005, %parallel_loop3A_1006], %parallel_loop3A_1009 {add = true, strides = array<i32>} : memref<72x128xf32, #tpu.memory_space<vmem>>, vector<1x16xf32>,
        %parallel_loop3A_1010 = arith.index_cast %parallel_loop3A_900 : i32 to index
        %parallel_loop3A_1011 = arith.constant 80 : index
        %parallel_loop3A_1012 = tpu.vector_load %run_scoped3A_2[%parallel_loop3A_1010, %parallel_loop3A_1011] {strides = array<i32>} : memref<72x128xf32, #tpu.memory_space<vmem>>, vector<1x16xf32>,
        %parallel_loop3A_1013 = vector.shape_cast %parallel_loop3A_1012 : vector<1x16xf32> to vector<16xf32>
        %parallel_loop3A_1014 = vector.shape_cast %parallel_loop3A_999 : vector<16xf32> to vector<1x16xf32>
        tpu.vector_store %run_scoped3A_2[%parallel_loop3A_1010, %parallel_loop3A_1011], %parallel_loop3A_1014 {add = true, strides = array<i32>} : memref<72x128xf32, #tpu.memory_space<vmem>>, vector<1x16xf32>,
        %parallel_loop3A_1015 = arith.index_cast %parallel_loop3A_900 : i32 to index
        %parallel_loop3A_1016 = arith.constant 96 : index
        %parallel_loop3A_1017 = tpu.vector_load %run_scoped3A[%parallel_loop3A_1015, %parallel_loop3A_1016] {strides = array<i32>} : memref<72x384xf32, #tpu.memory_space<vmem>>, vector<1x16xf32>,
        %parallel_loop3A_1018 = vector.shape_cast %parallel_loop3A_1017 : vector<1x16xf32> to vector<16xf32>
        %parallel_loop3A_1019 = arith.index_cast %parallel_loop3A_900 : i32 to index
        %parallel_loop3A_1020 = arith.constant 96 : index
        %parallel_loop3A_1021 = tpu.vector_load %run_scoped3A_0[%parallel_loop3A_1019, %parallel_loop3A_1020] {strides = array<i32>} : memref<72x128xf32, #tpu.memory_space<vmem>>, vector<1x16xf32>,
        %parallel_loop3A_1022 = vector.shape_cast %parallel_loop3A_1021 : vector<1x16xf32> to vector<16xf32>
        %parallel_loop3A_1023 = vector.shape_cast %parallel_loop3A_1018 : vector<16xf32> to vector<1x16xf32>
        tpu.vector_store %run_scoped3A_0[%parallel_loop3A_1019, %parallel_loop3A_1020], %parallel_loop3A_1023 {add = true, strides = array<i32>} : memref<72x128xf32, #tpu.memory_space<vmem>>, vector<1x16xf32>,
        %parallel_loop3A_1024 = arith.index_cast %parallel_loop3A_900 : i32 to index
        %parallel_loop3A_1025 = arith.constant 96 : index
        %parallel_loop3A_1026 = tpu.vector_load %run_scoped3A_1[%parallel_loop3A_1024, %parallel_loop3A_1025] {strides = array<i32>} : memref<72x128xf32, #tpu.memory_space<vmem>>, vector<1x16xf32>,
        %parallel_loop3A_1027 = vector.shape_cast %parallel_loop3A_1026 : vector<1x16xf32> to vector<16xf32>
        %parallel_loop3A_1028 = vector.shape_cast %parallel_loop3A_1018 : vector<16xf32> to vector<1x16xf32>
        tpu.vector_store %run_scoped3A_1[%parallel_loop3A_1024, %parallel_loop3A_1025], %parallel_loop3A_1028 {add = true, strides = array<i32>} : memref<72x128xf32, #tpu.memory_space<vmem>>, vector<1x16xf32>,
        %parallel_loop3A_1029 = arith.index_cast %parallel_loop3A_900 : i32 to index
        %parallel_loop3A_1030 = arith.constant 96 : index
        %parallel_loop3A_1031 = tpu.vector_load %run_scoped3A_2[%parallel_loop3A_1029, %parallel_loop3A_1030] {strides = array<i32>} : memref<72x128xf32, #tpu.memory_space<vmem>>, vector<1x16xf32>,
        %parallel_loop3A_1032 = vector.shape_cast %parallel_loop3A_1031 : vector<1x16xf32> to vector<16xf32>
        %parallel_loop3A_1033 = vector.shape_cast %parallel_loop3A_1018 : vector<16xf32> to vector<1x16xf32>
        tpu.vector_store %run_scoped3A_2[%parallel_loop3A_1029, %parallel_loop3A_1030], %parallel_loop3A_1033 {add = true, strides = array<i32>} : memref<72x128xf32, #tpu.memory_space<vmem>>, vector<1x16xf32>,
        %parallel_loop3A_1034 = arith.index_cast %parallel_loop3A_900 : i32 to index
        %parallel_loop3A_1035 = arith.constant 112 : index
        %parallel_loop3A_1036 = tpu.vector_load %run_scoped3A[%parallel_loop3A_1034, %parallel_loop3A_1035] {strides = array<i32>} : memref<72x384xf32, #tpu.memory_space<vmem>>, vector<1x16xf32>,
        %parallel_loop3A_1037 = vector.shape_cast %parallel_loop3A_1036 : vector<1x16xf32> to vector<16xf32>
        %parallel_loop3A_1038 = arith.index_cast %parallel_loop3A_900 : i32 to index
        %parallel_loop3A_1039 = arith.constant 112 : index
        %parallel_loop3A_1040 = tpu.vector_load %run_scoped3A_0[%parallel_loop3A_1038, %parallel_loop3A_1039] {strides = array<i32>} : memref<72x128xf32, #tpu.memory_space<vmem>>, vector<1x16xf32>,
        %parallel_loop3A_1041 = vector.shape_cast %parallel_loop3A_1040 : vector<1x16xf32> to vector<16xf32>
        %parallel_loop3A_1042 = vector.shape_cast %parallel_loop3A_1037 : vector<16xf32> to vector<1x16xf32>
        tpu.vector_store %run_scoped3A_0[%parallel_loop3A_1038, %parallel_loop3A_1039], %parallel_loop3A_1042 {add = true, strides = array<i32>} : memref<72x128xf32, #tpu.memory_space<vmem>>, vector<1x16xf32>,
        %parallel_loop3A_1043 = arith.index_cast %parallel_loop3A_900 : i32 to index
        %parallel_loop3A_1044 = arith.constant 112 : index
        %parallel_loop3A_1045 = tpu.vector_load %run_scoped3A_1[%parallel_loop3A_1043, %parallel_loop3A_1044] {strides = array<i32>} : memref<72x128xf32, #tpu.memory_space<vmem>>, vector<1x16xf32>,
        %parallel_loop3A_1046 = vector.shape_cast %parallel_loop3A_1045 : vector<1x16xf32> to vector<16xf32>
        %parallel_loop3A_1047 = vector.shape_cast %parallel_loop3A_1037 : vector<16xf32> to vector<1x16xf32>
        tpu.vector_store %run_scoped3A_1[%parallel_loop3A_1043, %parallel_loop3A_1044], %parallel_loop3A_1047 {add = true, strides = array<i32>} : memref<72x128xf32, #tpu.memory_space<vmem>>, vector<1x16xf32>,
        %parallel_loop3A_1048 = arith.index_cast %parallel_loop3A_900 : i32 to index
        %parallel_loop3A_1049 = arith.constant 112 : index
        %parallel_loop3A_1050 = tpu.vector_load %run_scoped3A_2[%parallel_loop3A_1048, %parallel_loop3A_1049] {strides = array<i32>} : memref<72x128xf32, #tpu.memory_space<vmem>>, vector<1x16xf32>,
        %parallel_loop3A_1051 = vector.shape_cast %parallel_loop3A_1050 : vector<1x16xf32> to vector<16xf32>
        %parallel_loop3A_1052 = vector.shape_cast %parallel_loop3A_1037 : vector<16xf32> to vector<1x16xf32>
        tpu.vector_store %run_scoped3A_2[%parallel_loop3A_1048, %parallel_loop3A_1049], %parallel_loop3A_1052 {add = true, strides = array<i32>} : memref<72x128xf32, #tpu.memory_space<vmem>>, vector<1x16xf32>,
      } {sc.loop_unroll_factor = 2 : i64, sc.parallel_access}
      %add3A_135 = arith.constant 0 : i32
      %add3A_136 = arith.addi %select_n3A_57, %add3A_135 : i32
      %dma_start3A_137 = arith.constant 0 : i32
      %dma_start3A_138 = tpu.memref_slice %arg4[%add3A_136, %mul3A_59, %dma_start3A_137] : memref<32x576x384xf32, #tpu.memory_space<hbm>> -> memref<1x72x128xf32, #tpu.memory_space<hbm>>
      %dma_start3A_139 = tpu.memref_squeeze %dma_start3A_138 : memref<1x72x128xf32, #tpu.memory_space<hbm>> -> memref<72x128xf32, #tpu.memory_space<hbm>>
      %dma_start3A_140 = arith.constant 0 : i32
      %dma_start3A_141 = tpu.memref_slice %arg4[%add3A_136, %mul3A_59, %dma_start3A_140] : memref<32x576x384xf32, #tpu.memory_space<hbm>> -> memref<1x72x128xf32, #tpu.memory_space<hbm>>
      %dma_start3A_142 = tpu.memref_squeeze %dma_start3A_141 : memref<1x72x128xf32, #tpu.memory_space<hbm>> -> memref<72x128xf32, #tpu.memory_space<hbm>>
      tpu.enqueue_dma source(%run_scoped3A_0 : memref<72x128xf32, #tpu.memory_space<vmem>>) target(%dma_start3A_142 : memref<72x128xf32, #tpu.memory_space<hbm>>) target_semaphore(%run_scoped3A_18 : memref<!tpu.dma_semaphore, #tpu.memory_space<semaphore_mem>>)
      %add3A_143 = arith.constant 4 : i32
      %add3A_144 = arith.addi %select_n3A_57, %add3A_143 : i32
      %dma_start3A_145 = arith.constant 0 : i32
      %dma_start3A_146 = tpu.memref_slice %arg4[%add3A_144, %mul3A_59, %dma_start3A_145] : memref<32x576x384xf32, #tpu.memory_space<hbm>> -> memref<1x72x128xf32, #tpu.memory_space<hbm>>
      %dma_start3A_147 = tpu.memref_squeeze %dma_start3A_146 : memref<1x72x128xf32, #tpu.memory_space<hbm>> -> memref<72x128xf32, #tpu.memory_space<hbm>>
      %dma_start3A_148 = arith.constant 0 : i32
      %dma_start3A_149 = tpu.memref_slice %arg4[%add3A_144, %mul3A_59, %dma_start3A_148] : memref<32x576x384xf32, #tpu.memory_space<hbm>> -> memref<1x72x128xf32, #tpu.memory_space<hbm>>
      %dma_start3A_150 = tpu.memref_squeeze %dma_start3A_149 : memref<1x72x128xf32, #tpu.memory_space<hbm>> -> memref<72x128xf32, #tpu.memory_space<hbm>>
      tpu.enqueue_dma source(%run_scoped3A_1 : memref<72x128xf32, #tpu.memory_space<vmem>>) target(%dma_start3A_150 : memref<72x128xf32, #tpu.memory_space<hbm>>) target_semaphore(%run_scoped3A_19 : memref<!tpu.dma_semaphore, #tpu.memory_space<semaphore_mem>>)
      %add3A_151 = arith.constant 8 : i32
      %add3A_152 = arith.addi %select_n3A_57, %add3A_151 : i32
      %dma_start3A_153 = arith.constant 0 : i32
      %dma_start3A_154 = tpu.memref_slice %arg4[%add3A_152, %mul3A_59, %dma_start3A_153] : memref<32x576x384xf32, #tpu.memory_space<hbm>> -> memref<1x72x128xf32, #tpu.memory_space<hbm>>
      %dma_start3A_155 = tpu.memref_squeeze %dma_start3A_154 : memref<1x72x128xf32, #tpu.memory_space<hbm>> -> memref<72x128xf32, #tpu.memory_space<hbm>>
      %dma_start3A_156 = arith.constant 0 : i32
      %dma_start3A_157 = tpu.memref_slice %arg4[%add3A_152, %mul3A_59, %dma_start3A_156] : memref<32x576x384xf32, #tpu.memory_space<hbm>> -> memref<1x72x128xf32, #tpu.memory_space<hbm>>
      %dma_start3A_158 = tpu.memref_squeeze %dma_start3A_157 : memref<1x72x128xf32, #tpu.memory_space<hbm>> -> memref<72x128xf32, #tpu.memory_space<hbm>>
      tpu.enqueue_dma source(%run_scoped3A_2 : memref<72x128xf32, #tpu.memory_space<vmem>>) target(%dma_start3A_158 : memref<72x128xf32, #tpu.memory_space<hbm>>) target_semaphore(%run_scoped3A_20 : memref<!tpu.dma_semaphore, #tpu.memory_space<semaphore_mem>>)
      %add3A_159 = arith.constant 0 : i32
      %add3A_160 = arith.addi %select_n3A_57, %add3A_159 : i32
      %dma_start3A_161 = arith.constant 256 : i32
      %dma_start3A_162 = tpu.memref_slice %arg2[%add3A_160, %mul3A_59, %dma_start3A_161] : memref<32x576x384xf32, #tpu.memory_space<hbm>> -> memref<1x72x128xf32, #tpu.memory_space<hbm>>
      %dma_start3A_163 = tpu.memref_squeeze %dma_start3A_162 : memref<1x72x128xf32, #tpu.memory_space<hbm>> -> memref<72x128xf32, #tpu.memory_space<hbm>>
      %dma_start3A_164 = arith.constant 256 : i32
      %dma_start3A_165 = tpu.memref_slice %arg2[%add3A_160, %mul3A_59, %dma_start3A_164] : memref<32x576x384xf32, #tpu.memory_space<hbm>> -> memref<1x72x128xf32, #tpu.memory_space<hbm>>
      %dma_start3A_166 = tpu.memref_squeeze %dma_start3A_165 : memref<1x72x128xf32, #tpu.memory_space<hbm>> -> memref<72x128xf32, #tpu.memory_space<hbm>>
      tpu.enqueue_dma source(%dma_start3A_166 : memref<72x128xf32, #tpu.memory_space<hbm>>) target(%run_scoped3A_6 : memref<72x128xf32, #tpu.memory_space<vmem>>) target_semaphore(%run_scoped3A_15 : memref<!tpu.dma_semaphore, #tpu.memory_space<semaphore_mem>>)
      %add3A_167 = arith.constant 4 : i32
      %add3A_168 = arith.addi %select_n3A_57, %add3A_167 : i32
      %dma_start3A_169 = arith.constant 256 : i32
      %dma_start3A_170 = tpu.memref_slice %arg2[%add3A_168, %mul3A_59, %dma_start3A_169] : memref<32x576x384xf32, #tpu.memory_space<hbm>> -> memref<1x72x128xf32, #tpu.memory_space<hbm>>
      %dma_start3A_171 = tpu.memref_squeeze %dma_start3A_170 : memref<1x72x128xf32, #tpu.memory_space<hbm>> -> memref<72x128xf32, #tpu.memory_space<hbm>>
      %dma_start3A_172 = arith.constant 256 : i32
      %dma_start3A_173 = tpu.memref_slice %arg2[%add3A_168, %mul3A_59, %dma_start3A_172] : memref<32x576x384xf32, #tpu.memory_space<hbm>> -> memref<1x72x128xf32, #tpu.memory_space<hbm>>
      %dma_start3A_174 = tpu.memref_squeeze %dma_start3A_173 : memref<1x72x128xf32, #tpu.memory_space<hbm>> -> memref<72x128xf32, #tpu.memory_space<hbm>>
      tpu.enqueue_dma source(%dma_start3A_174 : memref<72x128xf32, #tpu.memory_space<hbm>>) target(%run_scoped3A_7 : memref<72x128xf32, #tpu.memory_space<vmem>>) target_semaphore(%run_scoped3A_16 : memref<!tpu.dma_semaphore, #tpu.memory_space<semaphore_mem>>)
      %add3A_175 = arith.constant 8 : i32
      %add3A_176 = arith.addi %select_n3A_57, %add3A_175 : i32
      %dma_start3A_177 = arith.constant 256 : i32
      %dma_start3A_178 = tpu.memref_slice %arg2[%add3A_176, %mul3A_59, %dma_start3A_177] : memref<32x576x384xf32, #tpu.memory_space<hbm>> -> memref<1x72x128xf32, #tpu.memory_space<hbm>>
      %dma_start3A_179 = tpu.memref_squeeze %dma_start3A_178 : memref<1x72x128xf32, #tpu.memory_space<hbm>> -> memref<72x128xf32, #tpu.memory_space<hbm>>
      %dma_start3A_180 = arith.constant 256 : i32
      %dma_start3A_181 = tpu.memref_slice %arg2[%add3A_176, %mul3A_59, %dma_start3A_180] : memref<32x576x384xf32, #tpu.memory_space<hbm>> -> memref<1x72x128xf32, #tpu.memory_space<hbm>>
      %dma_start3A_182 = tpu.memref_squeeze %dma_start3A_181 : memref<1x72x128xf32, #tpu.memory_space<hbm>> -> memref<72x128xf32, #tpu.memory_space<hbm>>
      tpu.enqueue_dma source(%dma_start3A_182 : memref<72x128xf32, #tpu.memory_space<hbm>>) target(%run_scoped3A_8 : memref<72x128xf32, #tpu.memory_space<vmem>>) target_semaphore(%run_scoped3A_17 : memref<!tpu.dma_semaphore, #tpu.memory_space<semaphore_mem>>)
      %dma_wait3A_183 = arith.constant 0 : i32
      %dma_wait3A_184 = arith.constant 0 : i32
      %dma_wait3A_185 = arith.constant 0 : i32
      %dma_wait3A_186 = tpu.memref_slice %arg2[%dma_wait3A_183, %dma_wait3A_184, %dma_wait3A_185] : memref<32x576x384xf32, #tpu.memory_space<hbm>> -> memref<1x72x128xf32, #tpu.memory_space<hbm>>
      %dma_wait3A_187 = tpu.memref_squeeze %dma_wait3A_186 : memref<1x72x128xf32, #tpu.memory_space<hbm>> -> memref<72x128xf32, #tpu.memory_space<hbm>>
      %dma_wait3A_188 = arith.constant 0 : i32
      %dma_wait3A_189 = arith.constant 0 : i32
      %dma_wait3A_190 = tpu.memref_slice %arg2[%dma_wait3A_183, %dma_wait3A_188, %dma_wait3A_189] : memref<32x576x384xf32, #tpu.memory_space<hbm>> -> memref<1x72x128xf32, #tpu.memory_space<hbm>>
      %dma_wait3A_191 = tpu.memref_squeeze %dma_wait3A_190 : memref<1x72x128xf32, #tpu.memory_space<hbm>> -> memref<72x128xf32, #tpu.memory_space<hbm>>
      tpu.wait_dma2 semaphore(%run_scoped3A_12 : memref<!tpu.dma_semaphore, #tpu.memory_space<semaphore_mem>>) src(%dma_wait3A_191 : memref<72x128xf32, #tpu.memory_space<hbm>>) dst(%run_scoped3A_3 : memref<72x128xf32, #tpu.memory_space<vmem>>)
      %dma_wait3A_192 = arith.constant 0 : i32
      %dma_wait3A_193 = arith.constant 0 : i32
      %dma_wait3A_194 = arith.constant 0 : i32
      %dma_wait3A_195 = tpu.memref_slice %arg2[%dma_wait3A_192, %dma_wait3A_193, %dma_wait3A_194] : memref<32x576x384xf32, #tpu.memory_space<hbm>> -> memref<1x72x128xf32, #tpu.memory_space<hbm>>
      %dma_wait3A_196 = tpu.memref_squeeze %dma_wait3A_195 : memref<1x72x128xf32, #tpu.memory_space<hbm>> -> memref<72x128xf32, #tpu.memory_space<hbm>>
      %dma_wait3A_197 = arith.constant 0 : i32
      %dma_wait3A_198 = arith.constant 0 : i32
      %dma_wait3A_199 = tpu.memref_slice %arg2[%dma_wait3A_192, %dma_wait3A_197, %dma_wait3A_198] : memref<32x576x384xf32, #tpu.memory_space<hbm>> -> memref<1x72x128xf32, #tpu.memory_space<hbm>>
      %dma_wait3A_200 = tpu.memref_squeeze %dma_wait3A_199 : memref<1x72x128xf32, #tpu.memory_space<hbm>> -> memref<72x128xf32, #tpu.memory_space<hbm>>
      tpu.wait_dma2 semaphore(%run_scoped3A_13 : memref<!tpu.dma_semaphore, #tpu.memory_space<semaphore_mem>>) src(%dma_wait3A_200 : memref<72x128xf32, #tpu.memory_space<hbm>>) dst(%run_scoped3A_4 : memref<72x128xf32, #tpu.memory_space<vmem>>)
      %dma_wait3A_201 = arith.constant 0 : i32
      %dma_wait3A_202 = arith.constant 0 : i32
      %dma_wait3A_203 = arith.constant 0 : i32
      %dma_wait3A_204 = tpu.memref_slice %arg2[%dma_wait3A_201, %dma_wait3A_202, %dma_wait3A_203] : memref<32x576x384xf32, #tpu.memory_space<hbm>> -> memref<1x72x128xf32, #tpu.memory_space<hbm>>
      %dma_wait3A_205 = tpu.memref_squeeze %dma_wait3A_204 : memref<1x72x128xf32, #tpu.memory_space<hbm>> -> memref<72x128xf32, #tpu.memory_space<hbm>>
      %dma_wait3A_206 = arith.constant 0 : i32
      %dma_wait3A_207 = arith.constant 0 : i32
      %dma_wait3A_208 = tpu.memref_slice %arg2[%dma_wait3A_201, %dma_wait3A_206, %dma_wait3A_207] : memref<32x576x384xf32, #tpu.memory_space<hbm>> -> memref<1x72x128xf32, #tpu.memory_space<hbm>>
      %dma_wait3A_209 = tpu.memref_squeeze %dma_wait3A_208 : memref<1x72x128xf32, #tpu.memory_space<hbm>> -> memref<72x128xf32, #tpu.memory_space<hbm>>
      tpu.wait_dma2 semaphore(%run_scoped3A_14 : memref<!tpu.dma_semaphore, #tpu.memory_space<semaphore_mem>>) src(%dma_wait3A_209 : memref<72x128xf32, #tpu.memory_space<hbm>>) dst(%run_scoped3A_5 : memref<72x128xf32, #tpu.memory_space<vmem>>)
      %parallel_loop3A_210 = arith.constant 0 : i32
      %parallel_loop3A_211 = arith.constant 72 : i32
      %parallel_loop3A_212 = arith.constant 1 : i32
      scf.for %parallel_loop3A_900 = %parallel_loop3A_210 to %parallel_loop3A_211 step %parallel_loop3A_212  : i32 {
        %parallel_loop3A_901 = arith.index_cast %parallel_loop3A_900 : i32 to index
        %parallel_loop3A_902 = arith.constant 128 : index
        %parallel_loop3A_903 = tpu.vector_load %run_scoped3A[%parallel_loop3A_901, %parallel_loop3A_902] {strides = array<i32>} : memref<72x384xf32, #tpu.memory_space<vmem>>, vector<1x16xf32>,
        %parallel_loop3A_904 = vector.shape_cast %parallel_loop3A_903 : vector<1x16xf32> to vector<16xf32>
        %parallel_loop3A_905 = arith.index_cast %parallel_loop3A_900 : i32 to index
        %parallel_loop3A_906 = arith.constant 0 : index
        %parallel_loop3A_907 = tpu.vector_load %run_scoped3A_3[%parallel_loop3A_905, %parallel_loop3A_906] {strides = array<i32>} : memref<72x128xf32, #tpu.memory_space<vmem>>, vector<1x16xf32>,
        %parallel_loop3A_908 = vector.shape_cast %parallel_loop3A_907 : vector<1x16xf32> to vector<16xf32>
        %parallel_loop3A_909 = vector.shape_cast %parallel_loop3A_904 : vector<16xf32> to vector<1x16xf32>
        tpu.vector_store %run_scoped3A_3[%parallel_loop3A_905, %parallel_loop3A_906], %parallel_loop3A_909 {add = true, strides = array<i32>} : memref<72x128xf32, #tpu.memory_space<vmem>>, vector<1x16xf32>,
        %parallel_loop3A_910 = arith.index_cast %parallel_loop3A_900 : i32 to index
        %parallel_loop3A_911 = arith.constant 0 : index
        %parallel_loop3A_912 = tpu.vector_load %run_scoped3A_4[%parallel_loop3A_910, %parallel_loop3A_911] {strides = array<i32>} : memref<72x128xf32, #tpu.memory_space<vmem>>, vector<1x16xf32>,
        %parallel_loop3A_913 = vector.shape_cast %parallel_loop3A_912 : vector<1x16xf32> to vector<16xf32>
        %parallel_loop3A_914 = vector.shape_cast %parallel_loop3A_904 : vector<16xf32> to vector<1x16xf32>
        tpu.vector_store %run_scoped3A_4[%parallel_loop3A_910, %parallel_loop3A_911], %parallel_loop3A_914 {add = true, strides = array<i32>} : memref<72x128xf32, #tpu.memory_space<vmem>>, vector<1x16xf32>,
        %parallel_loop3A_915 = arith.index_cast %parallel_loop3A_900 : i32 to index
        %parallel_loop3A_916 = arith.constant 0 : index
        %parallel_loop3A_917 = tpu.vector_load %run_scoped3A_5[%parallel_loop3A_915, %parallel_loop3A_916] {strides = array<i32>} : memref<72x128xf32, #tpu.memory_space<vmem>>, vector<1x16xf32>,
        %parallel_loop3A_918 = vector.shape_cast %parallel_loop3A_917 : vector<1x16xf32> to vector<16xf32>
        %parallel_loop3A_919 = vector.shape_cast %parallel_loop3A_904 : vector<16xf32> to vector<1x16xf32>
        tpu.vector_store %run_scoped3A_5[%parallel_loop3A_915, %parallel_loop3A_916], %parallel_loop3A_919 {add = true, strides = array<i32>} : memref<72x128xf32, #tpu.memory_space<vmem>>, vector<1x16xf32>,
        %parallel_loop3A_920 = arith.index_cast %parallel_loop3A_900 : i32 to index
        %parallel_loop3A_921 = arith.constant 144 : index
        %parallel_loop3A_922 = tpu.vector_load %run_scoped3A[%parallel_loop3A_920, %parallel_loop3A_921] {strides = array<i32>} : memref<72x384xf32, #tpu.memory_space<vmem>>, vector<1x16xf32>,
        %parallel_loop3A_923 = vector.shape_cast %parallel_loop3A_922 : vector<1x16xf32> to vector<16xf32>
        %parallel_loop3A_924 = arith.index_cast %parallel_loop3A_900 : i32 to index
        %parallel_loop3A_925 = arith.constant 16 : index
        %parallel_loop3A_926 = tpu.vector_load %run_scoped3A_3[%parallel_loop3A_924, %parallel_loop3A_925] {strides = array<i32>} : memref<72x128xf32, #tpu.memory_space<vmem>>, vector<1x16xf32>,
        %parallel_loop3A_927 = vector.shape_cast %parallel_loop3A_926 : vector<1x16xf32> to vector<16xf32>
        %parallel_loop3A_928 = vector.shape_cast %parallel_loop3A_923 : vector<16xf32> to vector<1x16xf32>
        tpu.vector_store %run_scoped3A_3[%parallel_loop3A_924, %parallel_loop3A_925], %parallel_loop3A_928 {add = true, strides = array<i32>} : memref<72x128xf32, #tpu.memory_space<vmem>>, vector<1x16xf32>,
        %parallel_loop3A_929 = arith.index_cast %parallel_loop3A_900 : i32 to index
        %parallel_loop3A_930 = arith.constant 16 : index
        %parallel_loop3A_931 = tpu.vector_load %run_scoped3A_4[%parallel_loop3A_929, %parallel_loop3A_930] {strides = array<i32>} : memref<72x128xf32, #tpu.memory_space<vmem>>, vector<1x16xf32>,
        %parallel_loop3A_932 = vector.shape_cast %parallel_loop3A_931 : vector<1x16xf32> to vector<16xf32>
        %parallel_loop3A_933 = vector.shape_cast %parallel_loop3A_923 : vector<16xf32> to vector<1x16xf32>
        tpu.vector_store %run_scoped3A_4[%parallel_loop3A_929, %parallel_loop3A_930], %parallel_loop3A_933 {add = true, strides = array<i32>} : memref<72x128xf32, #tpu.memory_space<vmem>>, vector<1x16xf32>,
        %parallel_loop3A_934 = arith.index_cast %parallel_loop3A_900 : i32 to index
        %parallel_loop3A_935 = arith.constant 16 : index
        %parallel_loop3A_936 = tpu.vector_load %run_scoped3A_5[%parallel_loop3A_934, %parallel_loop3A_935] {strides = array<i32>} : memref<72x128xf32, #tpu.memory_space<vmem>>, vector<1x16xf32>,
        %parallel_loop3A_937 = vector.shape_cast %parallel_loop3A_936 : vector<1x16xf32> to vector<16xf32>
        %parallel_loop3A_938 = vector.shape_cast %parallel_loop3A_923 : vector<16xf32> to vector<1x16xf32>
        tpu.vector_store %run_scoped3A_5[%parallel_loop3A_934, %parallel_loop3A_935], %parallel_loop3A_938 {add = true, strides = array<i32>} : memref<72x128xf32, #tpu.memory_space<vmem>>, vector<1x16xf32>,
        %parallel_loop3A_939 = arith.index_cast %parallel_loop3A_900 : i32 to index
        %parallel_loop3A_940 = arith.constant 160 : index
        %parallel_loop3A_941 = tpu.vector_load %run_scoped3A[%parallel_loop3A_939, %parallel_loop3A_940] {strides = array<i32>} : memref<72x384xf32, #tpu.memory_space<vmem>>, vector<1x16xf32>,
        %parallel_loop3A_942 = vector.shape_cast %parallel_loop3A_941 : vector<1x16xf32> to vector<16xf32>
        %parallel_loop3A_943 = arith.index_cast %parallel_loop3A_900 : i32 to index
        %parallel_loop3A_944 = arith.constant 32 : index
        %parallel_loop3A_945 = tpu.vector_load %run_scoped3A_3[%parallel_loop3A_943, %parallel_loop3A_944] {strides = array<i32>} : memref<72x128xf32, #tpu.memory_space<vmem>>, vector<1x16xf32>,
        %parallel_loop3A_946 = vector.shape_cast %parallel_loop3A_945 : vector<1x16xf32> to vector<16xf32>
        %parallel_loop3A_947 = vector.shape_cast %parallel_loop3A_942 : vector<16xf32> to vector<1x16xf32>
        tpu.vector_store %run_scoped3A_3[%parallel_loop3A_943, %parallel_loop3A_944], %parallel_loop3A_947 {add = true, strides = array<i32>} : memref<72x128xf32, #tpu.memory_space<vmem>>, vector<1x16xf32>,
        %parallel_loop3A_948 = arith.index_cast %parallel_loop3A_900 : i32 to index
        %parallel_loop3A_949 = arith.constant 32 : index
        %parallel_loop3A_950 = tpu.vector_load %run_scoped3A_4[%parallel_loop3A_948, %parallel_loop3A_949] {strides = array<i32>} : memref<72x128xf32, #tpu.memory_space<vmem>>, vector<1x16xf32>,
        %parallel_loop3A_951 = vector.shape_cast %parallel_loop3A_950 : vector<1x16xf32> to vector<16xf32>
        %parallel_loop3A_952 = vector.shape_cast %parallel_loop3A_942 : vector<16xf32> to vector<1x16xf32>
        tpu.vector_store %run_scoped3A_4[%parallel_loop3A_948, %parallel_loop3A_949], %parallel_loop3A_952 {add = true, strides = array<i32>} : memref<72x128xf32, #tpu.memory_space<vmem>>, vector<1x16xf32>,
        %parallel_loop3A_953 = arith.index_cast %parallel_loop3A_900 : i32 to index
        %parallel_loop3A_954 = arith.constant 32 : index
        %parallel_loop3A_955 = tpu.vector_load %run_scoped3A_5[%parallel_loop3A_953, %parallel_loop3A_954] {strides = array<i32>} : memref<72x128xf32, #tpu.memory_space<vmem>>, vector<1x16xf32>,
        %parallel_loop3A_956 = vector.shape_cast %parallel_loop3A_955 : vector<1x16xf32> to vector<16xf32>
        %parallel_loop3A_957 = vector.shape_cast %parallel_loop3A_942 : vector<16xf32> to vector<1x16xf32>
        tpu.vector_store %run_scoped3A_5[%parallel_loop3A_953, %parallel_loop3A_954], %parallel_loop3A_957 {add = true, strides = array<i32>} : memref<72x128xf32, #tpu.memory_space<vmem>>, vector<1x16xf32>,
        %parallel_loop3A_958 = arith.index_cast %parallel_loop3A_900 : i32 to index
        %parallel_loop3A_959 = arith.constant 176 : index
        %parallel_loop3A_960 = tpu.vector_load %run_scoped3A[%parallel_loop3A_958, %parallel_loop3A_959] {strides = array<i32>} : memref<72x384xf32, #tpu.memory_space<vmem>>, vector<1x16xf32>,
        %parallel_loop3A_961 = vector.shape_cast %parallel_loop3A_960 : vector<1x16xf32> to vector<16xf32>
        %parallel_loop3A_962 = arith.index_cast %parallel_loop3A_900 : i32 to index
        %parallel_loop3A_963 = arith.constant 48 : index
        %parallel_loop3A_964 = tpu.vector_load %run_scoped3A_3[%parallel_loop3A_962, %parallel_loop3A_963] {strides = array<i32>} : memref<72x128xf32, #tpu.memory_space<vmem>>, vector<1x16xf32>,
        %parallel_loop3A_965 = vector.shape_cast %parallel_loop3A_964 : vector<1x16xf32> to vector<16xf32>
        %parallel_loop3A_966 = vector.shape_cast %parallel_loop3A_961 : vector<16xf32> to vector<1x16xf32>
        tpu.vector_store %run_scoped3A_3[%parallel_loop3A_962, %parallel_loop3A_963], %parallel_loop3A_966 {add = true, strides = array<i32>} : memref<72x128xf32, #tpu.memory_space<vmem>>, vector<1x16xf32>,
        %parallel_loop3A_967 = arith.index_cast %parallel_loop3A_900 : i32 to index
        %parallel_loop3A_968 = arith.constant 48 : index
        %parallel_loop3A_969 = tpu.vector_load %run_scoped3A_4[%parallel_loop3A_967, %parallel_loop3A_968] {strides = array<i32>} : memref<72x128xf32, #tpu.memory_space<vmem>>, vector<1x16xf32>,
        %parallel_loop3A_970 = vector.shape_cast %parallel_loop3A_969 : vector<1x16xf32> to vector<16xf32>
        %parallel_loop3A_971 = vector.shape_cast %parallel_loop3A_961 : vector<16xf32> to vector<1x16xf32>
        tpu.vector_store %run_scoped3A_4[%parallel_loop3A_967, %parallel_loop3A_968], %parallel_loop3A_971 {add = true, strides = array<i32>} : memref<72x128xf32, #tpu.memory_space<vmem>>, vector<1x16xf32>,
        %parallel_loop3A_972 = arith.index_cast %parallel_loop3A_900 : i32 to index
        %parallel_loop3A_973 = arith.constant 48 : index
        %parallel_loop3A_974 = tpu.vector_load %run_scoped3A_5[%parallel_loop3A_972, %parallel_loop3A_973] {strides = array<i32>} : memref<72x128xf32, #tpu.memory_space<vmem>>, vector<1x16xf32>,
        %parallel_loop3A_975 = vector.shape_cast %parallel_loop3A_974 : vector<1x16xf32> to vector<16xf32>
        %parallel_loop3A_976 = vector.shape_cast %parallel_loop3A_961 : vector<16xf32> to vector<1x16xf32>
        tpu.vector_store %run_scoped3A_5[%parallel_loop3A_972, %parallel_loop3A_973], %parallel_loop3A_976 {add = true, strides = array<i32>} : memref<72x128xf32, #tpu.memory_space<vmem>>, vector<1x16xf32>,
        %parallel_loop3A_977 = arith.index_cast %parallel_loop3A_900 : i32 to index
        %parallel_loop3A_978 = arith.constant 192 : index
        %parallel_loop3A_979 = tpu.vector_load %run_scoped3A[%parallel_loop3A_977, %parallel_loop3A_978] {strides = array<i32>} : memref<72x384xf32, #tpu.memory_space<vmem>>, vector<1x16xf32>,
        %parallel_loop3A_980 = vector.shape_cast %parallel_loop3A_979 : vector<1x16xf32> to vector<16xf32>
        %parallel_loop3A_981 = arith.index_cast %parallel_loop3A_900 : i32 to index
        %parallel_loop3A_982 = arith.constant 64 : index
        %parallel_loop3A_983 = tpu.vector_load %run_scoped3A_3[%parallel_loop3A_981, %parallel_loop3A_982] {strides = array<i32>} : memref<72x128xf32, #tpu.memory_space<vmem>>, vector<1x16xf32>,
        %parallel_loop3A_984 = vector.shape_cast %parallel_loop3A_983 : vector<1x16xf32> to vector<16xf32>
        %parallel_loop3A_985 = vector.shape_cast %parallel_loop3A_980 : vector<16xf32> to vector<1x16xf32>
        tpu.vector_store %run_scoped3A_3[%parallel_loop3A_981, %parallel_loop3A_982], %parallel_loop3A_985 {add = true, strides = array<i32>} : memref<72x128xf32, #tpu.memory_space<vmem>>, vector<1x16xf32>,
        %parallel_loop3A_986 = arith.index_cast %parallel_loop3A_900 : i32 to index
        %parallel_loop3A_987 = arith.constant 64 : index
        %parallel_loop3A_988 = tpu.vector_load %run_scoped3A_4[%parallel_loop3A_986, %parallel_loop3A_987] {strides = array<i32>} : memref<72x128xf32, #tpu.memory_space<vmem>>, vector<1x16xf32>,
        %parallel_loop3A_989 = vector.shape_cast %parallel_loop3A_988 : vector<1x16xf32> to vector<16xf32>
        %parallel_loop3A_990 = vector.shape_cast %parallel_loop3A_980 : vector<16xf32> to vector<1x16xf32>
        tpu.vector_store %run_scoped3A_4[%parallel_loop3A_986, %parallel_loop3A_987], %parallel_loop3A_990 {add = true, strides = array<i32>} : memref<72x128xf32, #tpu.memory_space<vmem>>, vector<1x16xf32>,
        %parallel_loop3A_991 = arith.index_cast %parallel_loop3A_900 : i32 to index
        %parallel_loop3A_992 = arith.constant 64 : index
        %parallel_loop3A_993 = tpu.vector_load %run_scoped3A_5[%parallel_loop3A_991, %parallel_loop3A_992] {strides = array<i32>} : memref<72x128xf32, #tpu.memory_space<vmem>>, vector<1x16xf32>,
        %parallel_loop3A_994 = vector.shape_cast %parallel_loop3A_993 : vector<1x16xf32> to vector<16xf32>
        %parallel_loop3A_995 = vector.shape_cast %parallel_loop3A_980 : vector<16xf32> to vector<1x16xf32>
        tpu.vector_store %run_scoped3A_5[%parallel_loop3A_991, %parallel_loop3A_992], %parallel_loop3A_995 {add = true, strides = array<i32>} : memref<72x128xf32, #tpu.memory_space<vmem>>, vector<1x16xf32>,
        %parallel_loop3A_996 = arith.index_cast %parallel_loop3A_900 : i32 to index
        %parallel_loop3A_997 = arith.constant 208 : index
        %parallel_loop3A_998 = tpu.vector_load %run_scoped3A[%parallel_loop3A_996, %parallel_loop3A_997] {strides = array<i32>} : memref<72x384xf32, #tpu.memory_space<vmem>>, vector<1x16xf32>,
        %parallel_loop3A_999 = vector.shape_cast %parallel_loop3A_998 : vector<1x16xf32> to vector<16xf32>
        %parallel_loop3A_1000 = arith.index_cast %parallel_loop3A_900 : i32 to index
        %parallel_loop3A_1001 = arith.constant 80 : index
        %parallel_loop3A_1002 = tpu.vector_load %run_scoped3A_3[%parallel_loop3A_1000, %parallel_loop3A_1001] {strides = array<i32>} : memref<72x128xf32, #tpu.memory_space<vmem>>, vector<1x16xf32>,
        %parallel_loop3A_1003 = vector.shape_cast %parallel_loop3A_1002 : vector<1x16xf32> to vector<16xf32>
        %parallel_loop3A_1004 = vector.shape_cast %parallel_loop3A_999 : vector<16xf32> to vector<1x16xf32>
        tpu.vector_store %run_scoped3A_3[%parallel_loop3A_1000, %parallel_loop3A_1001], %parallel_loop3A_1004 {add = true, strides = array<i32>} : memref<72x128xf32, #tpu.memory_space<vmem>>, vector<1x16xf32>,
        %parallel_loop3A_1005 = arith.index_cast %parallel_loop3A_900 : i32 to index
        %parallel_loop3A_1006 = arith.constant 80 : index
        %parallel_loop3A_1007 = tpu.vector_load %run_scoped3A_4[%parallel_loop3A_1005, %parallel_loop3A_1006] {strides = array<i32>} : memref<72x128xf32, #tpu.memory_space<vmem>>, vector<1x16xf32>,
        %parallel_loop3A_1008 = vector.shape_cast %parallel_loop3A_1007 : vector<1x16xf32> to vector<16xf32>
        %parallel_loop3A_1009 = vector.shape_cast %parallel_loop3A_999 : vector<16xf32> to vector<1x16xf32>
        tpu.vector_store %run_scoped3A_4[%parallel_loop3A_1005, %parallel_loop3A_1006], %parallel_loop3A_1009 {add = true, strides = array<i32>} : memref<72x128xf32, #tpu.memory_space<vmem>>, vector<1x16xf32>,
        %parallel_loop3A_1010 = arith.index_cast %parallel_loop3A_900 : i32 to index
        %parallel_loop3A_1011 = arith.constant 80 : index
        %parallel_loop3A_1012 = tpu.vector_load %run_scoped3A_5[%parallel_loop3A_1010, %parallel_loop3A_1011] {strides = array<i32>} : memref<72x128xf32, #tpu.memory_space<vmem>>, vector<1x16xf32>,
        %parallel_loop3A_1013 = vector.shape_cast %parallel_loop3A_1012 : vector<1x16xf32> to vector<16xf32>
        %parallel_loop3A_1014 = vector.shape_cast %parallel_loop3A_999 : vector<16xf32> to vector<1x16xf32>
        tpu.vector_store %run_scoped3A_5[%parallel_loop3A_1010, %parallel_loop3A_1011], %parallel_loop3A_1014 {add = true, strides = array<i32>} : memref<72x128xf32, #tpu.memory_space<vmem>>, vector<1x16xf32>,
        %parallel_loop3A_1015 = arith.index_cast %parallel_loop3A_900 : i32 to index
        %parallel_loop3A_1016 = arith.constant 224 : index
        %parallel_loop3A_1017 = tpu.vector_load %run_scoped3A[%parallel_loop3A_1015, %parallel_loop3A_1016] {strides = array<i32>} : memref<72x384xf32, #tpu.memory_space<vmem>>, vector<1x16xf32>,
        %parallel_loop3A_1018 = vector.shape_cast %parallel_loop3A_1017 : vector<1x16xf32> to vector<16xf32>
        %parallel_loop3A_1019 = arith.index_cast %parallel_loop3A_900 : i32 to index
        %parallel_loop3A_1020 = arith.constant 96 : index
        %parallel_loop3A_1021 = tpu.vector_load %run_scoped3A_3[%parallel_loop3A_1019, %parallel_loop3A_1020] {strides = array<i32>} : memref<72x128xf32, #tpu.memory_space<vmem>>, vector<1x16xf32>,
        %parallel_loop3A_1022 = vector.shape_cast %parallel_loop3A_1021 : vector<1x16xf32> to vector<16xf32>
        %parallel_loop3A_1023 = vector.shape_cast %parallel_loop3A_1018 : vector<16xf32> to vector<1x16xf32>
        tpu.vector_store %run_scoped3A_3[%parallel_loop3A_1019, %parallel_loop3A_1020], %parallel_loop3A_1023 {add = true, strides = array<i32>} : memref<72x128xf32, #tpu.memory_space<vmem>>, vector<1x16xf32>,
        %parallel_loop3A_1024 = arith.index_cast %parallel_loop3A_900 : i32 to index
        %parallel_loop3A_1025 = arith.constant 96 : index
        %parallel_loop3A_1026 = tpu.vector_load %run_scoped3A_4[%parallel_loop3A_1024, %parallel_loop3A_1025] {strides = array<i32>} : memref<72x128xf32, #tpu.memory_space<vmem>>, vector<1x16xf32>,
        %parallel_loop3A_1027 = vector.shape_cast %parallel_loop3A_1026 : vector<1x16xf32> to vector<16xf32>
        %parallel_loop3A_1028 = vector.shape_cast %parallel_loop3A_1018 : vector<16xf32> to vector<1x16xf32>
        tpu.vector_store %run_scoped3A_4[%parallel_loop3A_1024, %parallel_loop3A_1025], %parallel_loop3A_1028 {add = true, strides = array<i32>} : memref<72x128xf32, #tpu.memory_space<vmem>>, vector<1x16xf32>,
        %parallel_loop3A_1029 = arith.index_cast %parallel_loop3A_900 : i32 to index
        %parallel_loop3A_1030 = arith.constant 96 : index
        %parallel_loop3A_1031 = tpu.vector_load %run_scoped3A_5[%parallel_loop3A_1029, %parallel_loop3A_1030] {strides = array<i32>} : memref<72x128xf32, #tpu.memory_space<vmem>>, vector<1x16xf32>,
        %parallel_loop3A_1032 = vector.shape_cast %parallel_loop3A_1031 : vector<1x16xf32> to vector<16xf32>
        %parallel_loop3A_1033 = vector.shape_cast %parallel_loop3A_1018 : vector<16xf32> to vector<1x16xf32>
        tpu.vector_store %run_scoped3A_5[%parallel_loop3A_1029, %parallel_loop3A_1030], %parallel_loop3A_1033 {add = true, strides = array<i32>} : memref<72x128xf32, #tpu.memory_space<vmem>>, vector<1x16xf32>,
        %parallel_loop3A_1034 = arith.index_cast %parallel_loop3A_900 : i32 to index
        %parallel_loop3A_1035 = arith.constant 240 : index
        %parallel_loop3A_1036 = tpu.vector_load %run_scoped3A[%parallel_loop3A_1034, %parallel_loop3A_1035] {strides = array<i32>} : memref<72x384xf32, #tpu.memory_space<vmem>>, vector<1x16xf32>,
        %parallel_loop3A_1037 = vector.shape_cast %parallel_loop3A_1036 : vector<1x16xf32> to vector<16xf32>
        %parallel_loop3A_1038 = arith.index_cast %parallel_loop3A_900 : i32 to index
        %parallel_loop3A_1039 = arith.constant 112 : index
        %parallel_loop3A_1040 = tpu.vector_load %run_scoped3A_3[%parallel_loop3A_1038, %parallel_loop3A_1039] {strides = array<i32>} : memref<72x128xf32, #tpu.memory_space<vmem>>, vector<1x16xf32>,
        %parallel_loop3A_1041 = vector.shape_cast %parallel_loop3A_1040 : vector<1x16xf32> to vector<16xf32>
        %parallel_loop3A_1042 = vector.shape_cast %parallel_loop3A_1037 : vector<16xf32> to vector<1x16xf32>
        tpu.vector_store %run_scoped3A_3[%parallel_loop3A_1038, %parallel_loop3A_1039], %parallel_loop3A_1042 {add = true, strides = array<i32>} : memref<72x128xf32, #tpu.memory_space<vmem>>, vector<1x16xf32>,
        %parallel_loop3A_1043 = arith.index_cast %parallel_loop3A_900 : i32 to index
        %parallel_loop3A_1044 = arith.constant 112 : index
        %parallel_loop3A_1045 = tpu.vector_load %run_scoped3A_4[%parallel_loop3A_1043, %parallel_loop3A_1044] {strides = array<i32>} : memref<72x128xf32, #tpu.memory_space<vmem>>, vector<1x16xf32>,
        %parallel_loop3A_1046 = vector.shape_cast %parallel_loop3A_1045 : vector<1x16xf32> to vector<16xf32>
        %parallel_loop3A_1047 = vector.shape_cast %parallel_loop3A_1037 : vector<16xf32> to vector<1x16xf32>
        tpu.vector_store %run_scoped3A_4[%parallel_loop3A_1043, %parallel_loop3A_1044], %parallel_loop3A_1047 {add = true, strides = array<i32>} : memref<72x128xf32, #tpu.memory_space<vmem>>, vector<1x16xf32>,
        %parallel_loop3A_1048 = arith.index_cast %parallel_loop3A_900 : i32 to index
        %parallel_loop3A_1049 = arith.constant 112 : index
        %parallel_loop3A_1050 = tpu.vector_load %run_scoped3A_5[%parallel_loop3A_1048, %parallel_loop3A_1049] {strides = array<i32>} : memref<72x128xf32, #tpu.memory_space<vmem>>, vector<1x16xf32>,
        %parallel_loop3A_1051 = vector.shape_cast %parallel_loop3A_1050 : vector<1x16xf32> to vector<16xf32>
        %parallel_loop3A_1052 = vector.shape_cast %parallel_loop3A_1037 : vector<16xf32> to vector<1x16xf32>
        tpu.vector_store %run_scoped3A_5[%parallel_loop3A_1048, %parallel_loop3A_1049], %parallel_loop3A_1052 {add = true, strides = array<i32>} : memref<72x128xf32, #tpu.memory_space<vmem>>, vector<1x16xf32>,
      } {sc.loop_unroll_factor = 2 : i64, sc.parallel_access}
      %add3A_213 = arith.constant 0 : i32
      %add3A_214 = arith.addi %select_n3A_57, %add3A_213 : i32
      %dma_start3A_215 = arith.constant 128 : i32
      %dma_start3A_216 = tpu.memref_slice %arg4[%add3A_214, %mul3A_59, %dma_start3A_215] : memref<32x576x384xf32, #tpu.memory_space<hbm>> -> memref<1x72x128xf32, #tpu.memory_space<hbm>>
      %dma_start3A_217 = tpu.memref_squeeze %dma_start3A_216 : memref<1x72x128xf32, #tpu.memory_space<hbm>> -> memref<72x128xf32, #tpu.memory_space<hbm>>
      %dma_start3A_218 = arith.constant 128 : i32
      %dma_start3A_219 = tpu.memref_slice %arg4[%add3A_214, %mul3A_59, %dma_start3A_218] : memref<32x576x384xf32, #tpu.memory_space<hbm>> -> memref<1x72x128xf32, #tpu.memory_space<hbm>>
      %dma_start3A_220 = tpu.memref_squeeze %dma_start3A_219 : memref<1x72x128xf32, #tpu.memory_space<hbm>> -> memref<72x128xf32, #tpu.memory_space<hbm>>
      tpu.enqueue_dma source(%run_scoped3A_3 : memref<72x128xf32, #tpu.memory_space<vmem>>) target(%dma_start3A_220 : memref<72x128xf32, #tpu.memory_space<hbm>>) target_semaphore(%run_scoped3A_21 : memref<!tpu.dma_semaphore, #tpu.memory_space<semaphore_mem>>)
      %add3A_221 = arith.constant 4 : i32
      %add3A_222 = arith.addi %select_n3A_57, %add3A_221 : i32
      %dma_start3A_223 = arith.constant 128 : i32
      %dma_start3A_224 = tpu.memref_slice %arg4[%add3A_222, %mul3A_59, %dma_start3A_223] : memref<32x576x384xf32, #tpu.memory_space<hbm>> -> memref<1x72x128xf32, #tpu.memory_space<hbm>>
      %dma_start3A_225 = tpu.memref_squeeze %dma_start3A_224 : memref<1x72x128xf32, #tpu.memory_space<hbm>> -> memref<72x128xf32, #tpu.memory_space<hbm>>
      %dma_start3A_226 = arith.constant 128 : i32
      %dma_start3A_227 = tpu.memref_slice %arg4[%add3A_222, %mul3A_59, %dma_start3A_226] : memref<32x576x384xf32, #tpu.memory_space<hbm>> -> memref<1x72x128xf32, #tpu.memory_space<hbm>>
      %dma_start3A_228 = tpu.memref_squeeze %dma_start3A_227 : memref<1x72x128xf32, #tpu.memory_space<hbm>> -> memref<72x128xf32, #tpu.memory_space<hbm>>
      tpu.enqueue_dma source(%run_scoped3A_4 : memref<72x128xf32, #tpu.memory_space<vmem>>) target(%dma_start3A_228 : memref<72x128xf32, #tpu.memory_space<hbm>>) target_semaphore(%run_scoped3A_22 : memref<!tpu.dma_semaphore, #tpu.memory_space<semaphore_mem>>)
      %add3A_229 = arith.constant 8 : i32
      %add3A_230 = arith.addi %select_n3A_57, %add3A_229 : i32
      %dma_start3A_231 = arith.constant 128 : i32
      %dma_start3A_232 = tpu.memref_slice %arg4[%add3A_230, %mul3A_59, %dma_start3A_231] : memref<32x576x384xf32, #tpu.memory_space<hbm>> -> memref<1x72x128xf32, #tpu.memory_space<hbm>>
      %dma_start3A_233 = tpu.memref_squeeze %dma_start3A_232 : memref<1x72x128xf32, #tpu.memory_space<hbm>> -> memref<72x128xf32, #tpu.memory_space<hbm>>
      %dma_start3A_234 = arith.constant 128 : i32
      %dma_start3A_235 = tpu.memref_slice %arg4[%add3A_230, %mul3A_59, %dma_start3A_234] : memref<32x576x384xf32, #tpu.memory_space<hbm>> -> memref<1x72x128xf32, #tpu.memory_space<hbm>>
      %dma_start3A_236 = tpu.memref_squeeze %dma_start3A_235 : memref<1x72x128xf32, #tpu.memory_space<hbm>> -> memref<72x128xf32, #tpu.memory_space<hbm>>
      tpu.enqueue_dma source(%run_scoped3A_5 : memref<72x128xf32, #tpu.memory_space<vmem>>) target(%dma_start3A_236 : memref<72x128xf32, #tpu.memory_space<hbm>>) target_semaphore(%run_scoped3A_23 : memref<!tpu.dma_semaphore, #tpu.memory_space<semaphore_mem>>)
      %dma_wait3A_237 = arith.constant 0 : i32
      %dma_wait3A_238 = arith.constant 0 : i32
      %dma_wait3A_239 = arith.constant 0 : i32
      %dma_wait3A_240 = tpu.memref_slice %arg4[%dma_wait3A_237, %dma_wait3A_238, %dma_wait3A_239] : memref<32x576x384xf32, #tpu.memory_space<hbm>> -> memref<1x72x128xf32, #tpu.memory_space<hbm>>
      %dma_wait3A_241 = tpu.memref_squeeze %dma_wait3A_240 : memref<1x72x128xf32, #tpu.memory_space<hbm>> -> memref<72x128xf32, #tpu.memory_space<hbm>>
      %dma_wait3A_242 = arith.constant 0 : i32
      %dma_wait3A_243 = arith.constant 0 : i32
      %dma_wait3A_244 = tpu.memref_slice %arg4[%dma_wait3A_237, %dma_wait3A_242, %dma_wait3A_243] : memref<32x576x384xf32, #tpu.memory_space<hbm>> -> memref<1x72x128xf32, #tpu.memory_space<hbm>>
      %dma_wait3A_245 = tpu.memref_squeeze %dma_wait3A_244 : memref<1x72x128xf32, #tpu.memory_space<hbm>> -> memref<72x128xf32, #tpu.memory_space<hbm>>
      tpu.wait_dma2 semaphore(%run_scoped3A_18 : memref<!tpu.dma_semaphore, #tpu.memory_space<semaphore_mem>>) src(%run_scoped3A_0 : memref<72x128xf32, #tpu.memory_space<vmem>>) dst(%dma_wait3A_245 : memref<72x128xf32, #tpu.memory_space<hbm>>)
      %dma_wait3A_246 = arith.constant 0 : i32
      %dma_wait3A_247 = arith.constant 0 : i32
      %dma_wait3A_248 = arith.constant 0 : i32
      %dma_wait3A_249 = tpu.memref_slice %arg4[%dma_wait3A_246, %dma_wait3A_247, %dma_wait3A_248] : memref<32x576x384xf32, #tpu.memory_space<hbm>> -> memref<1x72x128xf32, #tpu.memory_space<hbm>>
      %dma_wait3A_250 = tpu.memref_squeeze %dma_wait3A_249 : memref<1x72x128xf32, #tpu.memory_space<hbm>> -> memref<72x128xf32, #tpu.memory_space<hbm>>
      %dma_wait3A_251 = arith.constant 0 : i32
      %dma_wait3A_252 = arith.constant 0 : i32
      %dma_wait3A_253 = tpu.memref_slice %arg4[%dma_wait3A_246, %dma_wait3A_251, %dma_wait3A_252] : memref<32x576x384xf32, #tpu.memory_space<hbm>> -> memref<1x72x128xf32, #tpu.memory_space<hbm>>
      %dma_wait3A_254 = tpu.memref_squeeze %dma_wait3A_253 : memref<1x72x128xf32, #tpu.memory_space<hbm>> -> memref<72x128xf32, #tpu.memory_space<hbm>>
      tpu.wait_dma2 semaphore(%run_scoped3A_19 : memref<!tpu.dma_semaphore, #tpu.memory_space<semaphore_mem>>) src(%run_scoped3A_1 : memref<72x128xf32, #tpu.memory_space<vmem>>) dst(%dma_wait3A_254 : memref<72x128xf32, #tpu.memory_space<hbm>>)
      %dma_wait3A_255 = arith.constant 0 : i32
      %dma_wait3A_256 = arith.constant 0 : i32
      %dma_wait3A_257 = arith.constant 0 : i32
      %dma_wait3A_258 = tpu.memref_slice %arg4[%dma_wait3A_255, %dma_wait3A_256, %dma_wait3A_257] : memref<32x576x384xf32, #tpu.memory_space<hbm>> -> memref<1x72x128xf32, #tpu.memory_space<hbm>>
      %dma_wait3A_259 = tpu.memref_squeeze %dma_wait3A_258 : memref<1x72x128xf32, #tpu.memory_space<hbm>> -> memref<72x128xf32, #tpu.memory_space<hbm>>
      %dma_wait3A_260 = arith.constant 0 : i32
      %dma_wait3A_261 = arith.constant 0 : i32
      %dma_wait3A_262 = tpu.memref_slice %arg4[%dma_wait3A_255, %dma_wait3A_260, %dma_wait3A_261] : memref<32x576x384xf32, #tpu.memory_space<hbm>> -> memref<1x72x128xf32, #tpu.memory_space<hbm>>
      %dma_wait3A_263 = tpu.memref_squeeze %dma_wait3A_262 : memref<1x72x128xf32, #tpu.memory_space<hbm>> -> memref<72x128xf32, #tpu.memory_space<hbm>>
      tpu.wait_dma2 semaphore(%run_scoped3A_20 : memref<!tpu.dma_semaphore, #tpu.memory_space<semaphore_mem>>) src(%run_scoped3A_2 : memref<72x128xf32, #tpu.memory_space<vmem>>) dst(%dma_wait3A_263 : memref<72x128xf32, #tpu.memory_space<hbm>>)
      %add3A_264 = arith.constant 12 : i32
      %add3A_265 = arith.addi %select_n3A_57, %add3A_264 : i32
      %dma_start3A_266 = arith.constant 0 : i32
      %dma_start3A_267 = tpu.memref_slice %arg2[%add3A_265, %mul3A_59, %dma_start3A_266] : memref<32x576x384xf32, #tpu.memory_space<hbm>> -> memref<1x72x128xf32, #tpu.memory_space<hbm>>
      %dma_start3A_268 = tpu.memref_squeeze %dma_start3A_267 : memref<1x72x128xf32, #tpu.memory_space<hbm>> -> memref<72x128xf32, #tpu.memory_space<hbm>>
      %dma_start3A_269 = arith.constant 0 : i32
      %dma_start3A_270 = tpu.memref_slice %arg2[%add3A_265, %mul3A_59, %dma_start3A_269] : memref<32x576x384xf32, #tpu.memory_space<hbm>> -> memref<1x72x128xf32, #tpu.memory_space<hbm>>
      %dma_start3A_271 = tpu.memref_squeeze %dma_start3A_270 : memref<1x72x128xf32, #tpu.memory_space<hbm>> -> memref<72x128xf32, #tpu.memory_space<hbm>>
      tpu.enqueue_dma source(%dma_start3A_271 : memref<72x128xf32, #tpu.memory_space<hbm>>) target(%run_scoped3A_0 : memref<72x128xf32, #tpu.memory_space<vmem>>) target_semaphore(%run_scoped3A_9 : memref<!tpu.dma_semaphore, #tpu.memory_space<semaphore_mem>>)
      %add3A_272 = arith.constant 16 : i32
      %add3A_273 = arith.addi %select_n3A_57, %add3A_272 : i32
      %dma_start3A_274 = arith.constant 0 : i32
      %dma_start3A_275 = tpu.memref_slice %arg2[%add3A_273, %mul3A_59, %dma_start3A_274] : memref<32x576x384xf32, #tpu.memory_space<hbm>> -> memref<1x72x128xf32, #tpu.memory_space<hbm>>
      %dma_start3A_276 = tpu.memref_squeeze %dma_start3A_275 : memref<1x72x128xf32, #tpu.memory_space<hbm>> -> memref<72x128xf32, #tpu.memory_space<hbm>>
      %dma_start3A_277 = arith.constant 0 : i32
      %dma_start3A_278 = tpu.memref_slice %arg2[%add3A_273, %mul3A_59, %dma_start3A_277] : memref<32x576x384xf32, #tpu.memory_space<hbm>> -> memref<1x72x128xf32, #tpu.memory_space<hbm>>
      %dma_start3A_279 = tpu.memref_squeeze %dma_start3A_278 : memref<1x72x128xf32, #tpu.memory_space<hbm>> -> memref<72x128xf32, #tpu.memory_space<hbm>>
      tpu.enqueue_dma source(%dma_start3A_279 : memref<72x128xf32, #tpu.memory_space<hbm>>) target(%run_scoped3A_1 : memref<72x128xf32, #tpu.memory_space<vmem>>) target_semaphore(%run_scoped3A_10 : memref<!tpu.dma_semaphore, #tpu.memory_space<semaphore_mem>>)
      %add3A_280 = arith.constant 20 : i32
      %add3A_281 = arith.addi %select_n3A_57, %add3A_280 : i32
      %dma_start3A_282 = arith.constant 0 : i32
      %dma_start3A_283 = tpu.memref_slice %arg2[%add3A_281, %mul3A_59, %dma_start3A_282] : memref<32x576x384xf32, #tpu.memory_space<hbm>> -> memref<1x72x128xf32, #tpu.memory_space<hbm>>
      %dma_start3A_284 = tpu.memref_squeeze %dma_start3A_283 : memref<1x72x128xf32, #tpu.memory_space<hbm>> -> memref<72x128xf32, #tpu.memory_space<hbm>>
      %dma_start3A_285 = arith.constant 0 : i32
      %dma_start3A_286 = tpu.memref_slice %arg2[%add3A_281, %mul3A_59, %dma_start3A_285] : memref<32x576x384xf32, #tpu.memory_space<hbm>> -> memref<1x72x128xf32, #tpu.memory_space<hbm>>
      %dma_start3A_287 = tpu.memref_squeeze %dma_start3A_286 : memref<1x72x128xf32, #tpu.memory_space<hbm>> -> memref<72x128xf32, #tpu.memory_space<hbm>>
      tpu.enqueue_dma source(%dma_start3A_287 : memref<72x128xf32, #tpu.memory_space<hbm>>) target(%run_scoped3A_2 : memref<72x128xf32, #tpu.memory_space<vmem>>) target_semaphore(%run_scoped3A_11 : memref<!tpu.dma_semaphore, #tpu.memory_space<semaphore_mem>>)
      %dma_wait3A_288 = arith.constant 0 : i32
      %dma_wait3A_289 = arith.constant 0 : i32
      %dma_wait3A_290 = arith.constant 0 : i32
      %dma_wait3A_291 = tpu.memref_slice %arg2[%dma_wait3A_288, %dma_wait3A_289, %dma_wait3A_290] : memref<32x576x384xf32, #tpu.memory_space<hbm>> -> memref<1x72x128xf32, #tpu.memory_space<hbm>>
      %dma_wait3A_292 = tpu.memref_squeeze %dma_wait3A_291 : memref<1x72x128xf32, #tpu.memory_space<hbm>> -> memref<72x128xf32, #tpu.memory_space<hbm>>
      %dma_wait3A_293 = arith.constant 0 : i32
      %dma_wait3A_294 = arith.constant 0 : i32
      %dma_wait3A_295 = tpu.memref_slice %arg2[%dma_wait3A_288, %dma_wait3A_293, %dma_wait3A_294] : memref<32x576x384xf32, #tpu.memory_space<hbm>> -> memref<1x72x128xf32, #tpu.memory_space<hbm>>
      %dma_wait3A_296 = tpu.memref_squeeze %dma_wait3A_295 : memref<1x72x128xf32, #tpu.memory_space<hbm>> -> memref<72x128xf32, #tpu.memory_space<hbm>>
      tpu.wait_dma2 semaphore(%run_scoped3A_15 : memref<!tpu.dma_semaphore, #tpu.memory_space<semaphore_mem>>) src(%dma_wait3A_296 : memref<72x128xf32, #tpu.memory_space<hbm>>) dst(%run_scoped3A_6 : memref<72x128xf32, #tpu.memory_space<vmem>>)
      %dma_wait3A_297 = arith.constant 0 : i32
      %dma_wait3A_298 = arith.constant 0 : i32
      %dma_wait3A_299 = arith.constant 0 : i32
      %dma_wait3A_300 = tpu.memref_slice %arg2[%dma_wait3A_297, %dma_wait3A_298, %dma_wait3A_299] : memref<32x576x384xf32, #tpu.memory_space<hbm>> -> memref<1x72x128xf32, #tpu.memory_space<hbm>>
      %dma_wait3A_301 = tpu.memref_squeeze %dma_wait3A_300 : memref<1x72x128xf32, #tpu.memory_space<hbm>> -> memref<72x128xf32, #tpu.memory_space<hbm>>
      %dma_wait3A_302 = arith.constant 0 : i32
      %dma_wait3A_303 = arith.constant 0 : i32
      %dma_wait3A_304 = tpu.memref_slice %arg2[%dma_wait3A_297, %dma_wait3A_302, %dma_wait3A_303] : memref<32x576x384xf32, #tpu.memory_space<hbm>> -> memref<1x72x128xf32, #tpu.memory_space<hbm>>
      %dma_wait3A_305 = tpu.memref_squeeze %dma_wait3A_304 : memref<1x72x128xf32, #tpu.memory_space<hbm>> -> memref<72x128xf32, #tpu.memory_space<hbm>>
      tpu.wait_dma2 semaphore(%run_scoped3A_16 : memref<!tpu.dma_semaphore, #tpu.memory_space<semaphore_mem>>) src(%dma_wait3A_305 : memref<72x128xf32, #tpu.memory_space<hbm>>) dst(%run_scoped3A_7 : memref<72x128xf32, #tpu.memory_space<vmem>>)
      %dma_wait3A_306 = arith.constant 0 : i32
      %dma_wait3A_307 = arith.constant 0 : i32
      %dma_wait3A_308 = arith.constant 0 : i32
      %dma_wait3A_309 = tpu.memref_slice %arg2[%dma_wait3A_306, %dma_wait3A_307, %dma_wait3A_308] : memref<32x576x384xf32, #tpu.memory_space<hbm>> -> memref<1x72x128xf32, #tpu.memory_space<hbm>>
      %dma_wait3A_310 = tpu.memref_squeeze %dma_wait3A_309 : memref<1x72x128xf32, #tpu.memory_space<hbm>> -> memref<72x128xf32, #tpu.memory_space<hbm>>
      %dma_wait3A_311 = arith.constant 0 : i32
      %dma_wait3A_312 = arith.constant 0 : i32
      %dma_wait3A_313 = tpu.memref_slice %arg2[%dma_wait3A_306, %dma_wait3A_311, %dma_wait3A_312] : memref<32x576x384xf32, #tpu.memory_space<hbm>> -> memref<1x72x128xf32, #tpu.memory_space<hbm>>
      %dma_wait3A_314 = tpu.memref_squeeze %dma_wait3A_313 : memref<1x72x128xf32, #tpu.memory_space<hbm>> -> memref<72x128xf32, #tpu.memory_space<hbm>>
      tpu.wait_dma2 semaphore(%run_scoped3A_17 : memref<!tpu.dma_semaphore, #tpu.memory_space<semaphore_mem>>) src(%dma_wait3A_314 : memref<72x128xf32, #tpu.memory_space<hbm>>) dst(%run_scoped3A_8 : memref<72x128xf32, #tpu.memory_space<vmem>>)
      %parallel_loop3A_315 = arith.constant 0 : i32
      %parallel_loop3A_316 = arith.constant 72 : i32
      %parallel_loop3A_317 = arith.constant 1 : i32
      scf.for %parallel_loop3A_900 = %parallel_loop3A_315 to %parallel_loop3A_316 step %parallel_loop3A_317  : i32 {
        %parallel_loop3A_901 = arith.index_cast %parallel_loop3A_900 : i32 to index
        %parallel_loop3A_902 = arith.constant 256 : index
        %parallel_loop3A_903 = tpu.vector_load %run_scoped3A[%parallel_loop3A_901, %parallel_loop3A_902] {strides = array<i32>} : memref<72x384xf32, #tpu.memory_space<vmem>>, vector<1x16xf32>,
        %parallel_loop3A_904 = vector.shape_cast %parallel_loop3A_903 : vector<1x16xf32> to vector<16xf32>
        %parallel_loop3A_905 = arith.index_cast %parallel_loop3A_900 : i32 to index
        %parallel_loop3A_906 = arith.constant 0 : index
        %parallel_loop3A_907 = tpu.vector_load %run_scoped3A_6[%parallel_loop3A_905, %parallel_loop3A_906] {strides = array<i32>} : memref<72x128xf32, #tpu.memory_space<vmem>>, vector<1x16xf32>,
        %parallel_loop3A_908 = vector.shape_cast %parallel_loop3A_907 : vector<1x16xf32> to vector<16xf32>
        %parallel_loop3A_909 = vector.shape_cast %parallel_loop3A_904 : vector<16xf32> to vector<1x16xf32>
        tpu.vector_store %run_scoped3A_6[%parallel_loop3A_905, %parallel_loop3A_906], %parallel_loop3A_909 {add = true, strides = array<i32>} : memref<72x128xf32, #tpu.memory_space<vmem>>, vector<1x16xf32>,
        %parallel_loop3A_910 = arith.index_cast %parallel_loop3A_900 : i32 to index
        %parallel_loop3A_911 = arith.constant 0 : index
        %parallel_loop3A_912 = tpu.vector_load %run_scoped3A_7[%parallel_loop3A_910, %parallel_loop3A_911] {strides = array<i32>} : memref<72x128xf32, #tpu.memory_space<vmem>>, vector<1x16xf32>,
        %parallel_loop3A_913 = vector.shape_cast %parallel_loop3A_912 : vector<1x16xf32> to vector<16xf32>
        %parallel_loop3A_914 = vector.shape_cast %parallel_loop3A_904 : vector<16xf32> to vector<1x16xf32>
        tpu.vector_store %run_scoped3A_7[%parallel_loop3A_910, %parallel_loop3A_911], %parallel_loop3A_914 {add = true, strides = array<i32>} : memref<72x128xf32, #tpu.memory_space<vmem>>, vector<1x16xf32>,
        %parallel_loop3A_915 = arith.index_cast %parallel_loop3A_900 : i32 to index
        %parallel_loop3A_916 = arith.constant 0 : index
        %parallel_loop3A_917 = tpu.vector_load %run_scoped3A_8[%parallel_loop3A_915, %parallel_loop3A_916] {strides = array<i32>} : memref<72x128xf32, #tpu.memory_space<vmem>>, vector<1x16xf32>,
        %parallel_loop3A_918 = vector.shape_cast %parallel_loop3A_917 : vector<1x16xf32> to vector<16xf32>
        %parallel_loop3A_919 = vector.shape_cast %parallel_loop3A_904 : vector<16xf32> to vector<1x16xf32>
        tpu.vector_store %run_scoped3A_8[%parallel_loop3A_915, %parallel_loop3A_916], %parallel_loop3A_919 {add = true, strides = array<i32>} : memref<72x128xf32, #tpu.memory_space<vmem>>, vector<1x16xf32>,
        %parallel_loop3A_920 = arith.index_cast %parallel_loop3A_900 : i32 to index
        %parallel_loop3A_921 = arith.constant 272 : index
        %parallel_loop3A_922 = tpu.vector_load %run_scoped3A[%parallel_loop3A_920, %parallel_loop3A_921] {strides = array<i32>} : memref<72x384xf32, #tpu.memory_space<vmem>>, vector<1x16xf32>,
        %parallel_loop3A_923 = vector.shape_cast %parallel_loop3A_922 : vector<1x16xf32> to vector<16xf32>
        %parallel_loop3A_924 = arith.index_cast %parallel_loop3A_900 : i32 to index
        %parallel_loop3A_925 = arith.constant 16 : index
        %parallel_loop3A_926 = tpu.vector_load %run_scoped3A_6[%parallel_loop3A_924, %parallel_loop3A_925] {strides = array<i32>} : memref<72x128xf32, #tpu.memory_space<vmem>>, vector<1x16xf32>,
        %parallel_loop3A_927 = vector.shape_cast %parallel_loop3A_926 : vector<1x16xf32> to vector<16xf32>
        %parallel_loop3A_928 = vector.shape_cast %parallel_loop3A_923 : vector<16xf32> to vector<1x16xf32>
        tpu.vector_store %run_scoped3A_6[%parallel_loop3A_924, %parallel_loop3A_925], %parallel_loop3A_928 {add = true, strides = array<i32>} : memref<72x128xf32, #tpu.memory_space<vmem>>, vector<1x16xf32>,
        %parallel_loop3A_929 = arith.index_cast %parallel_loop3A_900 : i32 to index
        %parallel_loop3A_930 = arith.constant 16 : index
        %parallel_loop3A_931 = tpu.vector_load %run_scoped3A_7[%parallel_loop3A_929, %parallel_loop3A_930] {strides = array<i32>} : memref<72x128xf32, #tpu.memory_space<vmem>>, vector<1x16xf32>,
        %parallel_loop3A_932 = vector.shape_cast %parallel_loop3A_931 : vector<1x16xf32> to vector<16xf32>
        %parallel_loop3A_933 = vector.shape_cast %parallel_loop3A_923 : vector<16xf32> to vector<1x16xf32>
        tpu.vector_store %run_scoped3A_7[%parallel_loop3A_929, %parallel_loop3A_930], %parallel_loop3A_933 {add = true, strides = array<i32>} : memref<72x128xf32, #tpu.memory_space<vmem>>, vector<1x16xf32>,
        %parallel_loop3A_934 = arith.index_cast %parallel_loop3A_900 : i32 to index
        %parallel_loop3A_935 = arith.constant 16 : index
        %parallel_loop3A_936 = tpu.vector_load %run_scoped3A_8[%parallel_loop3A_934, %parallel_loop3A_935] {strides = array<i32>} : memref<72x128xf32, #tpu.memory_space<vmem>>, vector<1x16xf32>,
        %parallel_loop3A_937 = vector.shape_cast %parallel_loop3A_936 : vector<1x16xf32> to vector<16xf32>
        %parallel_loop3A_938 = vector.shape_cast %parallel_loop3A_923 : vector<16xf32> to vector<1x16xf32>
        tpu.vector_store %run_scoped3A_8[%parallel_loop3A_934, %parallel_loop3A_935], %parallel_loop3A_938 {add = true, strides = array<i32>} : memref<72x128xf32, #tpu.memory_space<vmem>>, vector<1x16xf32>,
        %parallel_loop3A_939 = arith.index_cast %parallel_loop3A_900 : i32 to index
        %parallel_loop3A_940 = arith.constant 288 : index
        %parallel_loop3A_941 = tpu.vector_load %run_scoped3A[%parallel_loop3A_939, %parallel_loop3A_940] {strides = array<i32>} : memref<72x384xf32, #tpu.memory_space<vmem>>, vector<1x16xf32>,
        %parallel_loop3A_942 = vector.shape_cast %parallel_loop3A_941 : vector<1x16xf32> to vector<16xf32>
        %parallel_loop3A_943 = arith.index_cast %parallel_loop3A_900 : i32 to index
        %parallel_loop3A_944 = arith.constant 32 : index
        %parallel_loop3A_945 = tpu.vector_load %run_scoped3A_6[%parallel_loop3A_943, %parallel_loop3A_944] {strides = array<i32>} : memref<72x128xf32, #tpu.memory_space<vmem>>, vector<1x16xf32>,
        %parallel_loop3A_946 = vector.shape_cast %parallel_loop3A_945 : vector<1x16xf32> to vector<16xf32>
        %parallel_loop3A_947 = vector.shape_cast %parallel_loop3A_942 : vector<16xf32> to vector<1x16xf32>
        tpu.vector_store %run_scoped3A_6[%parallel_loop3A_943, %parallel_loop3A_944], %parallel_loop3A_947 {add = true, strides = array<i32>} : memref<72x128xf32, #tpu.memory_space<vmem>>, vector<1x16xf32>,
        %parallel_loop3A_948 = arith.index_cast %parallel_loop3A_900 : i32 to index
        %parallel_loop3A_949 = arith.constant 32 : index
        %parallel_loop3A_950 = tpu.vector_load %run_scoped3A_7[%parallel_loop3A_948, %parallel_loop3A_949] {strides = array<i32>} : memref<72x128xf32, #tpu.memory_space<vmem>>, vector<1x16xf32>,
        %parallel_loop3A_951 = vector.shape_cast %parallel_loop3A_950 : vector<1x16xf32> to vector<16xf32>
        %parallel_loop3A_952 = vector.shape_cast %parallel_loop3A_942 : vector<16xf32> to vector<1x16xf32>
        tpu.vector_store %run_scoped3A_7[%parallel_loop3A_948, %parallel_loop3A_949], %parallel_loop3A_952 {add = true, strides = array<i32>} : memref<72x128xf32, #tpu.memory_space<vmem>>, vector<1x16xf32>,
        %parallel_loop3A_953 = arith.index_cast %parallel_loop3A_900 : i32 to index
        %parallel_loop3A_954 = arith.constant 32 : index
        %parallel_loop3A_955 = tpu.vector_load %run_scoped3A_8[%parallel_loop3A_953, %parallel_loop3A_954] {strides = array<i32>} : memref<72x128xf32, #tpu.memory_space<vmem>>, vector<1x16xf32>,
        %parallel_loop3A_956 = vector.shape_cast %parallel_loop3A_955 : vector<1x16xf32> to vector<16xf32>
        %parallel_loop3A_957 = vector.shape_cast %parallel_loop3A_942 : vector<16xf32> to vector<1x16xf32>
        tpu.vector_store %run_scoped3A_8[%parallel_loop3A_953, %parallel_loop3A_954], %parallel_loop3A_957 {add = true, strides = array<i32>} : memref<72x128xf32, #tpu.memory_space<vmem>>, vector<1x16xf32>,
        %parallel_loop3A_958 = arith.index_cast %parallel_loop3A_900 : i32 to index
        %parallel_loop3A_959 = arith.constant 304 : index
        %parallel_loop3A_960 = tpu.vector_load %run_scoped3A[%parallel_loop3A_958, %parallel_loop3A_959] {strides = array<i32>} : memref<72x384xf32, #tpu.memory_space<vmem>>, vector<1x16xf32>,
        %parallel_loop3A_961 = vector.shape_cast %parallel_loop3A_960 : vector<1x16xf32> to vector<16xf32>
        %parallel_loop3A_962 = arith.index_cast %parallel_loop3A_900 : i32 to index
        %parallel_loop3A_963 = arith.constant 48 : index
        %parallel_loop3A_964 = tpu.vector_load %run_scoped3A_6[%parallel_loop3A_962, %parallel_loop3A_963] {strides = array<i32>} : memref<72x128xf32, #tpu.memory_space<vmem>>, vector<1x16xf32>,
        %parallel_loop3A_965 = vector.shape_cast %parallel_loop3A_964 : vector<1x16xf32> to vector<16xf32>
        %parallel_loop3A_966 = vector.shape_cast %parallel_loop3A_961 : vector<16xf32> to vector<1x16xf32>
        tpu.vector_store %run_scoped3A_6[%parallel_loop3A_962, %parallel_loop3A_963], %parallel_loop3A_966 {add = true, strides = array<i32>} : memref<72x128xf32, #tpu.memory_space<vmem>>, vector<1x16xf32>,
        %parallel_loop3A_967 = arith.index_cast %parallel_loop3A_900 : i32 to index
        %parallel_loop3A_968 = arith.constant 48 : index
        %parallel_loop3A_969 = tpu.vector_load %run_scoped3A_7[%parallel_loop3A_967, %parallel_loop3A_968] {strides = array<i32>} : memref<72x128xf32, #tpu.memory_space<vmem>>, vector<1x16xf32>,
        %parallel_loop3A_970 = vector.shape_cast %parallel_loop3A_969 : vector<1x16xf32> to vector<16xf32>
        %parallel_loop3A_971 = vector.shape_cast %parallel_loop3A_961 : vector<16xf32> to vector<1x16xf32>
        tpu.vector_store %run_scoped3A_7[%parallel_loop3A_967, %parallel_loop3A_968], %parallel_loop3A_971 {add = true, strides = array<i32>} : memref<72x128xf32, #tpu.memory_space<vmem>>, vector<1x16xf32>,
        %parallel_loop3A_972 = arith.index_cast %parallel_loop3A_900 : i32 to index
        %parallel_loop3A_973 = arith.constant 48 : index
        %parallel_loop3A_974 = tpu.vector_load %run_scoped3A_8[%parallel_loop3A_972, %parallel_loop3A_973] {strides = array<i32>} : memref<72x128xf32, #tpu.memory_space<vmem>>, vector<1x16xf32>,
        %parallel_loop3A_975 = vector.shape_cast %parallel_loop3A_974 : vector<1x16xf32> to vector<16xf32>
        %parallel_loop3A_976 = vector.shape_cast %parallel_loop3A_961 : vector<16xf32> to vector<1x16xf32>
        tpu.vector_store %run_scoped3A_8[%parallel_loop3A_972, %parallel_loop3A_973], %parallel_loop3A_976 {add = true, strides = array<i32>} : memref<72x128xf32, #tpu.memory_space<vmem>>, vector<1x16xf32>,
        %parallel_loop3A_977 = arith.index_cast %parallel_loop3A_900 : i32 to index
        %parallel_loop3A_978 = arith.constant 320 : index
        %parallel_loop3A_979 = tpu.vector_load %run_scoped3A[%parallel_loop3A_977, %parallel_loop3A_978] {strides = array<i32>} : memref<72x384xf32, #tpu.memory_space<vmem>>, vector<1x16xf32>,
        %parallel_loop3A_980 = vector.shape_cast %parallel_loop3A_979 : vector<1x16xf32> to vector<16xf32>
        %parallel_loop3A_981 = arith.index_cast %parallel_loop3A_900 : i32 to index
        %parallel_loop3A_982 = arith.constant 64 : index
        %parallel_loop3A_983 = tpu.vector_load %run_scoped3A_6[%parallel_loop3A_981, %parallel_loop3A_982] {strides = array<i32>} : memref<72x128xf32, #tpu.memory_space<vmem>>, vector<1x16xf32>,
        %parallel_loop3A_984 = vector.shape_cast %parallel_loop3A_983 : vector<1x16xf32> to vector<16xf32>
        %parallel_loop3A_985 = vector.shape_cast %parallel_loop3A_980 : vector<16xf32> to vector<1x16xf32>
        tpu.vector_store %run_scoped3A_6[%parallel_loop3A_981, %parallel_loop3A_982], %parallel_loop3A_985 {add = true, strides = array<i32>} : memref<72x128xf32, #tpu.memory_space<vmem>>, vector<1x16xf32>,
        %parallel_loop3A_986 = arith.index_cast %parallel_loop3A_900 : i32 to index
        %parallel_loop3A_987 = arith.constant 64 : index
        %parallel_loop3A_988 = tpu.vector_load %run_scoped3A_7[%parallel_loop3A_986, %parallel_loop3A_987] {strides = array<i32>} : memref<72x128xf32, #tpu.memory_space<vmem>>, vector<1x16xf32>,
        %parallel_loop3A_989 = vector.shape_cast %parallel_loop3A_988 : vector<1x16xf32> to vector<16xf32>
        %parallel_loop3A_990 = vector.shape_cast %parallel_loop3A_980 : vector<16xf32> to vector<1x16xf32>
        tpu.vector_store %run_scoped3A_7[%parallel_loop3A_986, %parallel_loop3A_987], %parallel_loop3A_990 {add = true, strides = array<i32>} : memref<72x128xf32, #tpu.memory_space<vmem>>, vector<1x16xf32>,
        %parallel_loop3A_991 = arith.index_cast %parallel_loop3A_900 : i32 to index
        %parallel_loop3A_992 = arith.constant 64 : index
        %parallel_loop3A_993 = tpu.vector_load %run_scoped3A_8[%parallel_loop3A_991, %parallel_loop3A_992] {strides = array<i32>} : memref<72x128xf32, #tpu.memory_space<vmem>>, vector<1x16xf32>,
        %parallel_loop3A_994 = vector.shape_cast %parallel_loop3A_993 : vector<1x16xf32> to vector<16xf32>
        %parallel_loop3A_995 = vector.shape_cast %parallel_loop3A_980 : vector<16xf32> to vector<1x16xf32>
        tpu.vector_store %run_scoped3A_8[%parallel_loop3A_991, %parallel_loop3A_992], %parallel_loop3A_995 {add = true, strides = array<i32>} : memref<72x128xf32, #tpu.memory_space<vmem>>, vector<1x16xf32>,
        %parallel_loop3A_996 = arith.index_cast %parallel_loop3A_900 : i32 to index
        %parallel_loop3A_997 = arith.constant 336 : index
        %parallel_loop3A_998 = tpu.vector_load %run_scoped3A[%parallel_loop3A_996, %parallel_loop3A_997] {strides = array<i32>} : memref<72x384xf32, #tpu.memory_space<vmem>>, vector<1x16xf32>,
        %parallel_loop3A_999 = vector.shape_cast %parallel_loop3A_998 : vector<1x16xf32> to vector<16xf32>
        %parallel_loop3A_1000 = arith.index_cast %parallel_loop3A_900 : i32 to index
        %parallel_loop3A_1001 = arith.constant 80 : index
        %parallel_loop3A_1002 = tpu.vector_load %run_scoped3A_6[%parallel_loop3A_1000, %parallel_loop3A_1001] {strides = array<i32>} : memref<72x128xf32, #tpu.memory_space<vmem>>, vector<1x16xf32>,
        %parallel_loop3A_1003 = vector.shape_cast %parallel_loop3A_1002 : vector<1x16xf32> to vector<16xf32>
        %parallel_loop3A_1004 = vector.shape_cast %parallel_loop3A_999 : vector<16xf32> to vector<1x16xf32>
        tpu.vector_store %run_scoped3A_6[%parallel_loop3A_1000, %parallel_loop3A_1001], %parallel_loop3A_1004 {add = true, strides = array<i32>} : memref<72x128xf32, #tpu.memory_space<vmem>>, vector<1x16xf32>,
        %parallel_loop3A_1005 = arith.index_cast %parallel_loop3A_900 : i32 to index
        %parallel_loop3A_1006 = arith.constant 80 : index
        %parallel_loop3A_1007 = tpu.vector_load %run_scoped3A_7[%parallel_loop3A_1005, %parallel_loop3A_1006] {strides = array<i32>} : memref<72x128xf32, #tpu.memory_space<vmem>>, vector<1x16xf32>,
        %parallel_loop3A_1008 = vector.shape_cast %parallel_loop3A_1007 : vector<1x16xf32> to vector<16xf32>
        %parallel_loop3A_1009 = vector.shape_cast %parallel_loop3A_999 : vector<16xf32> to vector<1x16xf32>
        tpu.vector_store %run_scoped3A_7[%parallel_loop3A_1005, %parallel_loop3A_1006], %parallel_loop3A_1009 {add = true, strides = array<i32>} : memref<72x128xf32, #tpu.memory_space<vmem>>, vector<1x16xf32>,
        %parallel_loop3A_1010 = arith.index_cast %parallel_loop3A_900 : i32 to index
        %parallel_loop3A_1011 = arith.constant 80 : index
        %parallel_loop3A_1012 = tpu.vector_load %run_scoped3A_8[%parallel_loop3A_1010, %parallel_loop3A_1011] {strides = array<i32>} : memref<72x128xf32, #tpu.memory_space<vmem>>, vector<1x16xf32>,
        %parallel_loop3A_1013 = vector.shape_cast %parallel_loop3A_1012 : vector<1x16xf32> to vector<16xf32>
        %parallel_loop3A_1014 = vector.shape_cast %parallel_loop3A_999 : vector<16xf32> to vector<1x16xf32>
        tpu.vector_store %run_scoped3A_8[%parallel_loop3A_1010, %parallel_loop3A_1011], %parallel_loop3A_1014 {add = true, strides = array<i32>} : memref<72x128xf32, #tpu.memory_space<vmem>>, vector<1x16xf32>,
        %parallel_loop3A_1015 = arith.index_cast %parallel_loop3A_900 : i32 to index
        %parallel_loop3A_1016 = arith.constant 352 : index
        %parallel_loop3A_1017 = tpu.vector_load %run_scoped3A[%parallel_loop3A_1015, %parallel_loop3A_1016] {strides = array<i32>} : memref<72x384xf32, #tpu.memory_space<vmem>>, vector<1x16xf32>,
        %parallel_loop3A_1018 = vector.shape_cast %parallel_loop3A_1017 : vector<1x16xf32> to vector<16xf32>
        %parallel_loop3A_1019 = arith.index_cast %parallel_loop3A_900 : i32 to index
        %parallel_loop3A_1020 = arith.constant 96 : index
        %parallel_loop3A_1021 = tpu.vector_load %run_scoped3A_6[%parallel_loop3A_1019, %parallel_loop3A_1020] {strides = array<i32>} : memref<72x128xf32, #tpu.memory_space<vmem>>, vector<1x16xf32>,
        %parallel_loop3A_1022 = vector.shape_cast %parallel_loop3A_1021 : vector<1x16xf32> to vector<16xf32>
        %parallel_loop3A_1023 = vector.shape_cast %parallel_loop3A_1018 : vector<16xf32> to vector<1x16xf32>
        tpu.vector_store %run_scoped3A_6[%parallel_loop3A_1019, %parallel_loop3A_1020], %parallel_loop3A_1023 {add = true, strides = array<i32>} : memref<72x128xf32, #tpu.memory_space<vmem>>, vector<1x16xf32>,
        %parallel_loop3A_1024 = arith.index_cast %parallel_loop3A_900 : i32 to index
        %parallel_loop3A_1025 = arith.constant 96 : index
        %parallel_loop3A_1026 = tpu.vector_load %run_scoped3A_7[%parallel_loop3A_1024, %parallel_loop3A_1025] {strides = array<i32>} : memref<72x128xf32, #tpu.memory_space<vmem>>, vector<1x16xf32>,
        %parallel_loop3A_1027 = vector.shape_cast %parallel_loop3A_1026 : vector<1x16xf32> to vector<16xf32>
        %parallel_loop3A_1028 = vector.shape_cast %parallel_loop3A_1018 : vector<16xf32> to vector<1x16xf32>
        tpu.vector_store %run_scoped3A_7[%parallel_loop3A_1024, %parallel_loop3A_1025], %parallel_loop3A_1028 {add = true, strides = array<i32>} : memref<72x128xf32, #tpu.memory_space<vmem>>, vector<1x16xf32>,
        %parallel_loop3A_1029 = arith.index_cast %parallel_loop3A_900 : i32 to index
        %parallel_loop3A_1030 = arith.constant 96 : index
        %parallel_loop3A_1031 = tpu.vector_load %run_scoped3A_8[%parallel_loop3A_1029, %parallel_loop3A_1030] {strides = array<i32>} : memref<72x128xf32, #tpu.memory_space<vmem>>, vector<1x16xf32>,
        %parallel_loop3A_1032 = vector.shape_cast %parallel_loop3A_1031 : vector<1x16xf32> to vector<16xf32>
        %parallel_loop3A_1033 = vector.shape_cast %parallel_loop3A_1018 : vector<16xf32> to vector<1x16xf32>
        tpu.vector_store %run_scoped3A_8[%parallel_loop3A_1029, %parallel_loop3A_1030], %parallel_loop3A_1033 {add = true, strides = array<i32>} : memref<72x128xf32, #tpu.memory_space<vmem>>, vector<1x16xf32>,
        %parallel_loop3A_1034 = arith.index_cast %parallel_loop3A_900 : i32 to index
        %parallel_loop3A_1035 = arith.constant 368 : index
        %parallel_loop3A_1036 = tpu.vector_load %run_scoped3A[%parallel_loop3A_1034, %parallel_loop3A_1035] {strides = array<i32>} : memref<72x384xf32, #tpu.memory_space<vmem>>, vector<1x16xf32>,
        %parallel_loop3A_1037 = vector.shape_cast %parallel_loop3A_1036 : vector<1x16xf32> to vector<16xf32>
        %parallel_loop3A_1038 = arith.index_cast %parallel_loop3A_900 : i32 to index
        %parallel_loop3A_1039 = arith.constant 112 : index
        %parallel_loop3A_1040 = tpu.vector_load %run_scoped3A_6[%parallel_loop3A_1038, %parallel_loop3A_1039] {strides = array<i32>} : memref<72x128xf32, #tpu.memory_space<vmem>>, vector<1x16xf32>,
        %parallel_loop3A_1041 = vector.shape_cast %parallel_loop3A_1040 : vector<1x16xf32> to vector<16xf32>
        %parallel_loop3A_1042 = vector.shape_cast %parallel_loop3A_1037 : vector<16xf32> to vector<1x16xf32>
        tpu.vector_store %run_scoped3A_6[%parallel_loop3A_1038, %parallel_loop3A_1039], %parallel_loop3A_1042 {add = true, strides = array<i32>} : memref<72x128xf32, #tpu.memory_space<vmem>>, vector<1x16xf32>,
        %parallel_loop3A_1043 = arith.index_cast %parallel_loop3A_900 : i32 to index
        %parallel_loop3A_1044 = arith.constant 112 : index
        %parallel_loop3A_1045 = tpu.vector_load %run_scoped3A_7[%parallel_loop3A_1043, %parallel_loop3A_1044] {strides = array<i32>} : memref<72x128xf32, #tpu.memory_space<vmem>>, vector<1x16xf32>,
        %parallel_loop3A_1046 = vector.shape_cast %parallel_loop3A_1045 : vector<1x16xf32> to vector<16xf32>
        %parallel_loop3A_1047 = vector.shape_cast %parallel_loop3A_1037 : vector<16xf32> to vector<1x16xf32>
        tpu.vector_store %run_scoped3A_7[%parallel_loop3A_1043, %parallel_loop3A_1044], %parallel_loop3A_1047 {add = true, strides = array<i32>} : memref<72x128xf32, #tpu.memory_space<vmem>>, vector<1x16xf32>,
        %parallel_loop3A_1048 = arith.index_cast %parallel_loop3A_900 : i32 to index
        %parallel_loop3A_1049 = arith.constant 112 : index
        %parallel_loop3A_1050 = tpu.vector_load %run_scoped3A_8[%parallel_loop3A_1048, %parallel_loop3A_1049] {strides = array<i32>} : memref<72x128xf32, #tpu.memory_space<vmem>>, vector<1x16xf32>,
        %parallel_loop3A_1051 = vector.shape_cast %parallel_loop3A_1050 : vector<1x16xf32> to vector<16xf32>
        %parallel_loop3A_1052 = vector.shape_cast %parallel_loop3A_1037 : vector<16xf32> to vector<1x16xf32>
        tpu.vector_store %run_scoped3A_8[%parallel_loop3A_1048, %parallel_loop3A_1049], %parallel_loop3A_1052 {add = true, strides = array<i32>} : memref<72x128xf32, #tpu.memory_space<vmem>>, vector<1x16xf32>,
      } {sc.loop_unroll_factor = 2 : i64, sc.parallel_access}
      %add3A_318 = arith.constant 0 : i32
      %add3A_319 = arith.addi %select_n3A_57, %add3A_318 : i32
      %dma_start3A_320 = arith.constant 256 : i32
      %dma_start3A_321 = tpu.memref_slice %arg4[%add3A_319, %mul3A_59, %dma_start3A_320] : memref<32x576x384xf32, #tpu.memory_space<hbm>> -> memref<1x72x128xf32, #tpu.memory_space<hbm>>
      %dma_start3A_322 = tpu.memref_squeeze %dma_start3A_321 : memref<1x72x128xf32, #tpu.memory_space<hbm>> -> memref<72x128xf32, #tpu.memory_space<hbm>>
      %dma_start3A_323 = arith.constant 256 : i32
      %dma_start3A_324 = tpu.memref_slice %arg4[%add3A_319, %mul3A_59, %dma_start3A_323] : memref<32x576x384xf32, #tpu.memory_space<hbm>> -> memref<1x72x128xf32, #tpu.memory_space<hbm>>
      %dma_start3A_325 = tpu.memref_squeeze %dma_start3A_324 : memref<1x72x128xf32, #tpu.memory_space<hbm>> -> memref<72x128xf32, #tpu.memory_space<hbm>>
      tpu.enqueue_dma source(%run_scoped3A_6 : memref<72x128xf32, #tpu.memory_space<vmem>>) target(%dma_start3A_325 : memref<72x128xf32, #tpu.memory_space<hbm>>) target_semaphore(%run_scoped3A_24 : memref<!tpu.dma_semaphore, #tpu.memory_space<semaphore_mem>>)
      %add3A_326 = arith.constant 4 : i32
      %add3A_327 = arith.addi %select_n3A_57, %add3A_326 : i32
      %dma_start3A_328 = arith.constant 256 : i32
      %dma_start3A_329 = tpu.memref_slice %arg4[%add3A_327, %mul3A_59, %dma_start3A_328] : memref<32x576x384xf32, #tpu.memory_space<hbm>> -> memref<1x72x128xf32, #tpu.memory_space<hbm>>
      %dma_start3A_330 = tpu.memref_squeeze %dma_start3A_329 : memref<1x72x128xf32, #tpu.memory_space<hbm>> -> memref<72x128xf32, #tpu.memory_space<hbm>>
      %dma_start3A_331 = arith.constant 256 : i32
      %dma_start3A_332 = tpu.memref_slice %arg4[%add3A_327, %mul3A_59, %dma_start3A_331] : memref<32x576x384xf32, #tpu.memory_space<hbm>> -> memref<1x72x128xf32, #tpu.memory_space<hbm>>
      %dma_start3A_333 = tpu.memref_squeeze %dma_start3A_332 : memref<1x72x128xf32, #tpu.memory_space<hbm>> -> memref<72x128xf32, #tpu.memory_space<hbm>>
      tpu.enqueue_dma source(%run_scoped3A_7 : memref<72x128xf32, #tpu.memory_space<vmem>>) target(%dma_start3A_333 : memref<72x128xf32, #tpu.memory_space<hbm>>) target_semaphore(%run_scoped3A_25 : memref<!tpu.dma_semaphore, #tpu.memory_space<semaphore_mem>>)
      %add3A_334 = arith.constant 8 : i32
      %add3A_335 = arith.addi %select_n3A_57, %add3A_334 : i32
      %dma_start3A_336 = arith.constant 256 : i32
      %dma_start3A_337 = tpu.memref_slice %arg4[%add3A_335, %mul3A_59, %dma_start3A_336] : memref<32x576x384xf32, #tpu.memory_space<hbm>> -> memref<1x72x128xf32, #tpu.memory_space<hbm>>
      %dma_start3A_338 = tpu.memref_squeeze %dma_start3A_337 : memref<1x72x128xf32, #tpu.memory_space<hbm>> -> memref<72x128xf32, #tpu.memory_space<hbm>>
      %dma_start3A_339 = arith.constant 256 : i32
      %dma_start3A_340 = tpu.memref_slice %arg4[%add3A_335, %mul3A_59, %dma_start3A_339] : memref<32x576x384xf32, #tpu.memory_space<hbm>> -> memref<1x72x128xf32, #tpu.memory_space<hbm>>
      %dma_start3A_341 = tpu.memref_squeeze %dma_start3A_340 : memref<1x72x128xf32, #tpu.memory_space<hbm>> -> memref<72x128xf32, #tpu.memory_space<hbm>>
      tpu.enqueue_dma source(%run_scoped3A_8 : memref<72x128xf32, #tpu.memory_space<vmem>>) target(%dma_start3A_341 : memref<72x128xf32, #tpu.memory_space<hbm>>) target_semaphore(%run_scoped3A_26 : memref<!tpu.dma_semaphore, #tpu.memory_space<semaphore_mem>>)
      %dma_wait3A_342 = arith.constant 0 : i32
      %dma_wait3A_343 = arith.constant 0 : i32
      %dma_wait3A_344 = arith.constant 0 : i32
      %dma_wait3A_345 = tpu.memref_slice %arg4[%dma_wait3A_342, %dma_wait3A_343, %dma_wait3A_344] : memref<32x576x384xf32, #tpu.memory_space<hbm>> -> memref<1x72x128xf32, #tpu.memory_space<hbm>>
      %dma_wait3A_346 = tpu.memref_squeeze %dma_wait3A_345 : memref<1x72x128xf32, #tpu.memory_space<hbm>> -> memref<72x128xf32, #tpu.memory_space<hbm>>
      %dma_wait3A_347 = arith.constant 0 : i32
      %dma_wait3A_348 = arith.constant 0 : i32
      %dma_wait3A_349 = tpu.memref_slice %arg4[%dma_wait3A_342, %dma_wait3A_347, %dma_wait3A_348] : memref<32x576x384xf32, #tpu.memory_space<hbm>> -> memref<1x72x128xf32, #tpu.memory_space<hbm>>
      %dma_wait3A_350 = tpu.memref_squeeze %dma_wait3A_349 : memref<1x72x128xf32, #tpu.memory_space<hbm>> -> memref<72x128xf32, #tpu.memory_space<hbm>>
      tpu.wait_dma2 semaphore(%run_scoped3A_21 : memref<!tpu.dma_semaphore, #tpu.memory_space<semaphore_mem>>) src(%run_scoped3A_3 : memref<72x128xf32, #tpu.memory_space<vmem>>) dst(%dma_wait3A_350 : memref<72x128xf32, #tpu.memory_space<hbm>>)
      %dma_wait3A_351 = arith.constant 0 : i32
      %dma_wait3A_352 = arith.constant 0 : i32
      %dma_wait3A_353 = arith.constant 0 : i32
      %dma_wait3A_354 = tpu.memref_slice %arg4[%dma_wait3A_351, %dma_wait3A_352, %dma_wait3A_353] : memref<32x576x384xf32, #tpu.memory_space<hbm>> -> memref<1x72x128xf32, #tpu.memory_space<hbm>>
      %dma_wait3A_355 = tpu.memref_squeeze %dma_wait3A_354 : memref<1x72x128xf32, #tpu.memory_space<hbm>> -> memref<72x128xf32, #tpu.memory_space<hbm>>
      %dma_wait3A_356 = arith.constant 0 : i32
      %dma_wait3A_357 = arith.constant 0 : i32
      %dma_wait3A_358 = tpu.memref_slice %arg4[%dma_wait3A_351, %dma_wait3A_356, %dma_wait3A_357] : memref<32x576x384xf32, #tpu.memory_space<hbm>> -> memref<1x72x128xf32, #tpu.memory_space<hbm>>
      %dma_wait3A_359 = tpu.memref_squeeze %dma_wait3A_358 : memref<1x72x128xf32, #tpu.memory_space<hbm>> -> memref<72x128xf32, #tpu.memory_space<hbm>>
      tpu.wait_dma2 semaphore(%run_scoped3A_22 : memref<!tpu.dma_semaphore, #tpu.memory_space<semaphore_mem>>) src(%run_scoped3A_4 : memref<72x128xf32, #tpu.memory_space<vmem>>) dst(%dma_wait3A_359 : memref<72x128xf32, #tpu.memory_space<hbm>>)
      %dma_wait3A_360 = arith.constant 0 : i32
      %dma_wait3A_361 = arith.constant 0 : i32
      %dma_wait3A_362 = arith.constant 0 : i32
      %dma_wait3A_363 = tpu.memref_slice %arg4[%dma_wait3A_360, %dma_wait3A_361, %dma_wait3A_362] : memref<32x576x384xf32, #tpu.memory_space<hbm>> -> memref<1x72x128xf32, #tpu.memory_space<hbm>>
      %dma_wait3A_364 = tpu.memref_squeeze %dma_wait3A_363 : memref<1x72x128xf32, #tpu.memory_space<hbm>> -> memref<72x128xf32, #tpu.memory_space<hbm>>
      %dma_wait3A_365 = arith.constant 0 : i32
      %dma_wait3A_366 = arith.constant 0 : i32
      %dma_wait3A_367 = tpu.memref_slice %arg4[%dma_wait3A_360, %dma_wait3A_365, %dma_wait3A_366] : memref<32x576x384xf32, #tpu.memory_space<hbm>> -> memref<1x72x128xf32, #tpu.memory_space<hbm>>
      %dma_wait3A_368 = tpu.memref_squeeze %dma_wait3A_367 : memref<1x72x128xf32, #tpu.memory_space<hbm>> -> memref<72x128xf32, #tpu.memory_space<hbm>>
      tpu.wait_dma2 semaphore(%run_scoped3A_23 : memref<!tpu.dma_semaphore, #tpu.memory_space<semaphore_mem>>) src(%run_scoped3A_5 : memref<72x128xf32, #tpu.memory_space<vmem>>) dst(%dma_wait3A_368 : memref<72x128xf32, #tpu.memory_space<hbm>>)
      %add3A_369 = arith.constant 12 : i32
      %add3A_370 = arith.addi %select_n3A_57, %add3A_369 : i32
      %dma_start3A_371 = arith.constant 128 : i32
      %dma_start3A_372 = tpu.memref_slice %arg2[%add3A_370, %mul3A_59, %dma_start3A_371] : memref<32x576x384xf32, #tpu.memory_space<hbm>> -> memref<1x72x128xf32, #tpu.memory_space<hbm>>
      %dma_start3A_373 = tpu.memref_squeeze %dma_start3A_372 : memref<1x72x128xf32, #tpu.memory_space<hbm>> -> memref<72x128xf32, #tpu.memory_space<hbm>>
      %dma_start3A_374 = arith.constant 128 : i32
      %dma_start3A_375 = tpu.memref_slice %arg2[%add3A_370, %mul3A_59, %dma_start3A_374] : memref<32x576x384xf32, #tpu.memory_space<hbm>> -> memref<1x72x128xf32, #tpu.memory_space<hbm>>
      %dma_start3A_376 = tpu.memref_squeeze %dma_start3A_375 : memref<1x72x128xf32, #tpu.memory_space<hbm>> -> memref<72x128xf32, #tpu.memory_space<hbm>>
      tpu.enqueue_dma source(%dma_start3A_376 : memref<72x128xf32, #tpu.memory_space<hbm>>) target(%run_scoped3A_3 : memref<72x128xf32, #tpu.memory_space<vmem>>) target_semaphore(%run_scoped3A_12 : memref<!tpu.dma_semaphore, #tpu.memory_space<semaphore_mem>>)
      %add3A_377 = arith.constant 16 : i32
      %add3A_378 = arith.addi %select_n3A_57, %add3A_377 : i32
      %dma_start3A_379 = arith.constant 128 : i32
      %dma_start3A_380 = tpu.memref_slice %arg2[%add3A_378, %mul3A_59, %dma_start3A_379] : memref<32x576x384xf32, #tpu.memory_space<hbm>> -> memref<1x72x128xf32, #tpu.memory_space<hbm>>
      %dma_start3A_381 = tpu.memref_squeeze %dma_start3A_380 : memref<1x72x128xf32, #tpu.memory_space<hbm>> -> memref<72x128xf32, #tpu.memory_space<hbm>>
      %dma_start3A_382 = arith.constant 128 : i32
      %dma_start3A_383 = tpu.memref_slice %arg2[%add3A_378, %mul3A_59, %dma_start3A_382] : memref<32x576x384xf32, #tpu.memory_space<hbm>> -> memref<1x72x128xf32, #tpu.memory_space<hbm>>
      %dma_start3A_384 = tpu.memref_squeeze %dma_start3A_383 : memref<1x72x128xf32, #tpu.memory_space<hbm>> -> memref<72x128xf32, #tpu.memory_space<hbm>>
      tpu.enqueue_dma source(%dma_start3A_384 : memref<72x128xf32, #tpu.memory_space<hbm>>) target(%run_scoped3A_4 : memref<72x128xf32, #tpu.memory_space<vmem>>) target_semaphore(%run_scoped3A_13 : memref<!tpu.dma_semaphore, #tpu.memory_space<semaphore_mem>>)
      %add3A_385 = arith.constant 20 : i32
      %add3A_386 = arith.addi %select_n3A_57, %add3A_385 : i32
      %dma_start3A_387 = arith.constant 128 : i32
      %dma_start3A_388 = tpu.memref_slice %arg2[%add3A_386, %mul3A_59, %dma_start3A_387] : memref<32x576x384xf32, #tpu.memory_space<hbm>> -> memref<1x72x128xf32, #tpu.memory_space<hbm>>
      %dma_start3A_389 = tpu.memref_squeeze %dma_start3A_388 : memref<1x72x128xf32, #tpu.memory_space<hbm>> -> memref<72x128xf32, #tpu.memory_space<hbm>>
      %dma_start3A_390 = arith.constant 128 : i32
      %dma_start3A_391 = tpu.memref_slice %arg2[%add3A_386, %mul3A_59, %dma_start3A_390] : memref<32x576x384xf32, #tpu.memory_space<hbm>> -> memref<1x72x128xf32, #tpu.memory_space<hbm>>
      %dma_start3A_392 = tpu.memref_squeeze %dma_start3A_391 : memref<1x72x128xf32, #tpu.memory_space<hbm>> -> memref<72x128xf32, #tpu.memory_space<hbm>>
      tpu.enqueue_dma source(%dma_start3A_392 : memref<72x128xf32, #tpu.memory_space<hbm>>) target(%run_scoped3A_5 : memref<72x128xf32, #tpu.memory_space<vmem>>) target_semaphore(%run_scoped3A_14 : memref<!tpu.dma_semaphore, #tpu.memory_space<semaphore_mem>>)
      %dma_wait3A_393 = arith.constant 0 : i32
      %dma_wait3A_394 = arith.constant 0 : i32
      %dma_wait3A_395 = arith.constant 0 : i32
      %dma_wait3A_396 = tpu.memref_slice %arg2[%dma_wait3A_393, %dma_wait3A_394, %dma_wait3A_395] : memref<32x576x384xf32, #tpu.memory_space<hbm>> -> memref<1x72x128xf32, #tpu.memory_space<hbm>>
      %dma_wait3A_397 = tpu.memref_squeeze %dma_wait3A_396 : memref<1x72x128xf32, #tpu.memory_space<hbm>> -> memref<72x128xf32, #tpu.memory_space<hbm>>
      %dma_wait3A_398 = arith.constant 0 : i32
      %dma_wait3A_399 = arith.constant 0 : i32
      %dma_wait3A_400 = tpu.memref_slice %arg2[%dma_wait3A_393, %dma_wait3A_398, %dma_wait3A_399] : memref<32x576x384xf32, #tpu.memory_space<hbm>> -> memref<1x72x128xf32, #tpu.memory_space<hbm>>
      %dma_wait3A_401 = tpu.memref_squeeze %dma_wait3A_400 : memref<1x72x128xf32, #tpu.memory_space<hbm>> -> memref<72x128xf32, #tpu.memory_space<hbm>>
      tpu.wait_dma2 semaphore(%run_scoped3A_9 : memref<!tpu.dma_semaphore, #tpu.memory_space<semaphore_mem>>) src(%dma_wait3A_401 : memref<72x128xf32, #tpu.memory_space<hbm>>) dst(%run_scoped3A_0 : memref<72x128xf32, #tpu.memory_space<vmem>>)
      %dma_wait3A_402 = arith.constant 0 : i32
      %dma_wait3A_403 = arith.constant 0 : i32
      %dma_wait3A_404 = arith.constant 0 : i32
      %dma_wait3A_405 = tpu.memref_slice %arg2[%dma_wait3A_402, %dma_wait3A_403, %dma_wait3A_404] : memref<32x576x384xf32, #tpu.memory_space<hbm>> -> memref<1x72x128xf32, #tpu.memory_space<hbm>>
      %dma_wait3A_406 = tpu.memref_squeeze %dma_wait3A_405 : memref<1x72x128xf32, #tpu.memory_space<hbm>> -> memref<72x128xf32, #tpu.memory_space<hbm>>
      %dma_wait3A_407 = arith.constant 0 : i32
      %dma_wait3A_408 = arith.constant 0 : i32
      %dma_wait3A_409 = tpu.memref_slice %arg2[%dma_wait3A_402, %dma_wait3A_407, %dma_wait3A_408] : memref<32x576x384xf32, #tpu.memory_space<hbm>> -> memref<1x72x128xf32, #tpu.memory_space<hbm>>
      %dma_wait3A_410 = tpu.memref_squeeze %dma_wait3A_409 : memref<1x72x128xf32, #tpu.memory_space<hbm>> -> memref<72x128xf32, #tpu.memory_space<hbm>>
      tpu.wait_dma2 semaphore(%run_scoped3A_10 : memref<!tpu.dma_semaphore, #tpu.memory_space<semaphore_mem>>) src(%dma_wait3A_410 : memref<72x128xf32, #tpu.memory_space<hbm>>) dst(%run_scoped3A_1 : memref<72x128xf32, #tpu.memory_space<vmem>>)
      %dma_wait3A_411 = arith.constant 0 : i32
      %dma_wait3A_412 = arith.constant 0 : i32
      %dma_wait3A_413 = arith.constant 0 : i32
      %dma_wait3A_414 = tpu.memref_slice %arg2[%dma_wait3A_411, %dma_wait3A_412, %dma_wait3A_413] : memref<32x576x384xf32, #tpu.memory_space<hbm>> -> memref<1x72x128xf32, #tpu.memory_space<hbm>>
      %dma_wait3A_415 = tpu.memref_squeeze %dma_wait3A_414 : memref<1x72x128xf32, #tpu.memory_space<hbm>> -> memref<72x128xf32, #tpu.memory_space<hbm>>
      %dma_wait3A_416 = arith.constant 0 : i32
      %dma_wait3A_417 = arith.constant 0 : i32
      %dma_wait3A_418 = tpu.memref_slice %arg2[%dma_wait3A_411, %dma_wait3A_416, %dma_wait3A_417] : memref<32x576x384xf32, #tpu.memory_space<hbm>> -> memref<1x72x128xf32, #tpu.memory_space<hbm>>
      %dma_wait3A_419 = tpu.memref_squeeze %dma_wait3A_418 : memref<1x72x128xf32, #tpu.memory_space<hbm>> -> memref<72x128xf32, #tpu.memory_space<hbm>>
      tpu.wait_dma2 semaphore(%run_scoped3A_11 : memref<!tpu.dma_semaphore, #tpu.memory_space<semaphore_mem>>) src(%dma_wait3A_419 : memref<72x128xf32, #tpu.memory_space<hbm>>) dst(%run_scoped3A_2 : memref<72x128xf32, #tpu.memory_space<vmem>>)
      %parallel_loop3A_420 = arith.constant 0 : i32
      %parallel_loop3A_421 = arith.constant 72 : i32
      %parallel_loop3A_422 = arith.constant 1 : i32
      scf.for %parallel_loop3A_900 = %parallel_loop3A_420 to %parallel_loop3A_421 step %parallel_loop3A_422  : i32 {
        %parallel_loop3A_901 = arith.index_cast %parallel_loop3A_900 : i32 to index
        %parallel_loop3A_902 = arith.constant 0 : index
        %parallel_loop3A_903 = tpu.vector_load %run_scoped3A[%parallel_loop3A_901, %parallel_loop3A_902] {strides = array<i32>} : memref<72x384xf32, #tpu.memory_space<vmem>>, vector<1x16xf32>,
        %parallel_loop3A_904 = vector.shape_cast %parallel_loop3A_903 : vector<1x16xf32> to vector<16xf32>
        %parallel_loop3A_905 = arith.index_cast %parallel_loop3A_900 : i32 to index
        %parallel_loop3A_906 = arith.constant 0 : index
        %parallel_loop3A_907 = tpu.vector_load %run_scoped3A_0[%parallel_loop3A_905, %parallel_loop3A_906] {strides = array<i32>} : memref<72x128xf32, #tpu.memory_space<vmem>>, vector<1x16xf32>,
        %parallel_loop3A_908 = vector.shape_cast %parallel_loop3A_907 : vector<1x16xf32> to vector<16xf32>
        %parallel_loop3A_909 = vector.shape_cast %parallel_loop3A_904 : vector<16xf32> to vector<1x16xf32>
        tpu.vector_store %run_scoped3A_0[%parallel_loop3A_905, %parallel_loop3A_906], %parallel_loop3A_909 {add = true, strides = array<i32>} : memref<72x128xf32, #tpu.memory_space<vmem>>, vector<1x16xf32>,
        %parallel_loop3A_910 = arith.index_cast %parallel_loop3A_900 : i32 to index
        %parallel_loop3A_911 = arith.constant 0 : index
        %parallel_loop3A_912 = tpu.vector_load %run_scoped3A_1[%parallel_loop3A_910, %parallel_loop3A_911] {strides = array<i32>} : memref<72x128xf32, #tpu.memory_space<vmem>>, vector<1x16xf32>,
        %parallel_loop3A_913 = vector.shape_cast %parallel_loop3A_912 : vector<1x16xf32> to vector<16xf32>
        %parallel_loop3A_914 = vector.shape_cast %parallel_loop3A_904 : vector<16xf32> to vector<1x16xf32>
        tpu.vector_store %run_scoped3A_1[%parallel_loop3A_910, %parallel_loop3A_911], %parallel_loop3A_914 {add = true, strides = array<i32>} : memref<72x128xf32, #tpu.memory_space<vmem>>, vector<1x16xf32>,
        %parallel_loop3A_915 = arith.index_cast %parallel_loop3A_900 : i32 to index
        %parallel_loop3A_916 = arith.constant 0 : index
        %parallel_loop3A_917 = tpu.vector_load %run_scoped3A_2[%parallel_loop3A_915, %parallel_loop3A_916] {strides = array<i32>} : memref<72x128xf32, #tpu.memory_space<vmem>>, vector<1x16xf32>,
        %parallel_loop3A_918 = vector.shape_cast %parallel_loop3A_917 : vector<1x16xf32> to vector<16xf32>
        %parallel_loop3A_919 = vector.shape_cast %parallel_loop3A_904 : vector<16xf32> to vector<1x16xf32>
        tpu.vector_store %run_scoped3A_2[%parallel_loop3A_915, %parallel_loop3A_916], %parallel_loop3A_919 {add = true, strides = array<i32>} : memref<72x128xf32, #tpu.memory_space<vmem>>, vector<1x16xf32>,
        %parallel_loop3A_920 = arith.index_cast %parallel_loop3A_900 : i32 to index
        %parallel_loop3A_921 = arith.constant 16 : index
        %parallel_loop3A_922 = tpu.vector_load %run_scoped3A[%parallel_loop3A_920, %parallel_loop3A_921] {strides = array<i32>} : memref<72x384xf32, #tpu.memory_space<vmem>>, vector<1x16xf32>,
        %parallel_loop3A_923 = vector.shape_cast %parallel_loop3A_922 : vector<1x16xf32> to vector<16xf32>
        %parallel_loop3A_924 = arith.index_cast %parallel_loop3A_900 : i32 to index
        %parallel_loop3A_925 = arith.constant 16 : index
        %parallel_loop3A_926 = tpu.vector_load %run_scoped3A_0[%parallel_loop3A_924, %parallel_loop3A_925] {strides = array<i32>} : memref<72x128xf32, #tpu.memory_space<vmem>>, vector<1x16xf32>,
        %parallel_loop3A_927 = vector.shape_cast %parallel_loop3A_926 : vector<1x16xf32> to vector<16xf32>
        %parallel_loop3A_928 = vector.shape_cast %parallel_loop3A_923 : vector<16xf32> to vector<1x16xf32>
        tpu.vector_store %run_scoped3A_0[%parallel_loop3A_924, %parallel_loop3A_925], %parallel_loop3A_928 {add = true, strides = array<i32>} : memref<72x128xf32, #tpu.memory_space<vmem>>, vector<1x16xf32>,
        %parallel_loop3A_929 = arith.index_cast %parallel_loop3A_900 : i32 to index
        %parallel_loop3A_930 = arith.constant 16 : index
        %parallel_loop3A_931 = tpu.vector_load %run_scoped3A_1[%parallel_loop3A_929, %parallel_loop3A_930] {strides = array<i32>} : memref<72x128xf32, #tpu.memory_space<vmem>>, vector<1x16xf32>,
        %parallel_loop3A_932 = vector.shape_cast %parallel_loop3A_931 : vector<1x16xf32> to vector<16xf32>
        %parallel_loop3A_933 = vector.shape_cast %parallel_loop3A_923 : vector<16xf32> to vector<1x16xf32>
        tpu.vector_store %run_scoped3A_1[%parallel_loop3A_929, %parallel_loop3A_930], %parallel_loop3A_933 {add = true, strides = array<i32>} : memref<72x128xf32, #tpu.memory_space<vmem>>, vector<1x16xf32>,
        %parallel_loop3A_934 = arith.index_cast %parallel_loop3A_900 : i32 to index
        %parallel_loop3A_935 = arith.constant 16 : index
        %parallel_loop3A_936 = tpu.vector_load %run_scoped3A_2[%parallel_loop3A_934, %parallel_loop3A_935] {strides = array<i32>} : memref<72x128xf32, #tpu.memory_space<vmem>>, vector<1x16xf32>,
        %parallel_loop3A_937 = vector.shape_cast %parallel_loop3A_936 : vector<1x16xf32> to vector<16xf32>
        %parallel_loop3A_938 = vector.shape_cast %parallel_loop3A_923 : vector<16xf32> to vector<1x16xf32>
        tpu.vector_store %run_scoped3A_2[%parallel_loop3A_934, %parallel_loop3A_935], %parallel_loop3A_938 {add = true, strides = array<i32>} : memref<72x128xf32, #tpu.memory_space<vmem>>, vector<1x16xf32>,
        %parallel_loop3A_939 = arith.index_cast %parallel_loop3A_900 : i32 to index
        %parallel_loop3A_940 = arith.constant 32 : index
        %parallel_loop3A_941 = tpu.vector_load %run_scoped3A[%parallel_loop3A_939, %parallel_loop3A_940] {strides = array<i32>} : memref<72x384xf32, #tpu.memory_space<vmem>>, vector<1x16xf32>,
        %parallel_loop3A_942 = vector.shape_cast %parallel_loop3A_941 : vector<1x16xf32> to vector<16xf32>
        %parallel_loop3A_943 = arith.index_cast %parallel_loop3A_900 : i32 to index
        %parallel_loop3A_944 = arith.constant 32 : index
        %parallel_loop3A_945 = tpu.vector_load %run_scoped3A_0[%parallel_loop3A_943, %parallel_loop3A_944] {strides = array<i32>} : memref<72x128xf32, #tpu.memory_space<vmem>>, vector<1x16xf32>,
        %parallel_loop3A_946 = vector.shape_cast %parallel_loop3A_945 : vector<1x16xf32> to vector<16xf32>
        %parallel_loop3A_947 = vector.shape_cast %parallel_loop3A_942 : vector<16xf32> to vector<1x16xf32>
        tpu.vector_store %run_scoped3A_0[%parallel_loop3A_943, %parallel_loop3A_944], %parallel_loop3A_947 {add = true, strides = array<i32>} : memref<72x128xf32, #tpu.memory_space<vmem>>, vector<1x16xf32>,
        %parallel_loop3A_948 = arith.index_cast %parallel_loop3A_900 : i32 to index
        %parallel_loop3A_949 = arith.constant 32 : index
        %parallel_loop3A_950 = tpu.vector_load %run_scoped3A_1[%parallel_loop3A_948, %parallel_loop3A_949] {strides = array<i32>} : memref<72x128xf32, #tpu.memory_space<vmem>>, vector<1x16xf32>,
        %parallel_loop3A_951 = vector.shape_cast %parallel_loop3A_950 : vector<1x16xf32> to vector<16xf32>
        %parallel_loop3A_952 = vector.shape_cast %parallel_loop3A_942 : vector<16xf32> to vector<1x16xf32>
        tpu.vector_store %run_scoped3A_1[%parallel_loop3A_948, %parallel_loop3A_949], %parallel_loop3A_952 {add = true, strides = array<i32>} : memref<72x128xf32, #tpu.memory_space<vmem>>, vector<1x16xf32>,
        %parallel_loop3A_953 = arith.index_cast %parallel_loop3A_900 : i32 to index
        %parallel_loop3A_954 = arith.constant 32 : index
        %parallel_loop3A_955 = tpu.vector_load %run_scoped3A_2[%parallel_loop3A_953, %parallel_loop3A_954] {strides = array<i32>} : memref<72x128xf32, #tpu.memory_space<vmem>>, vector<1x16xf32>,
        %parallel_loop3A_956 = vector.shape_cast %parallel_loop3A_955 : vector<1x16xf32> to vector<16xf32>
        %parallel_loop3A_957 = vector.shape_cast %parallel_loop3A_942 : vector<16xf32> to vector<1x16xf32>
        tpu.vector_store %run_scoped3A_2[%parallel_loop3A_953, %parallel_loop3A_954], %parallel_loop3A_957 {add = true, strides = array<i32>} : memref<72x128xf32, #tpu.memory_space<vmem>>, vector<1x16xf32>,
        %parallel_loop3A_958 = arith.index_cast %parallel_loop3A_900 : i32 to index
        %parallel_loop3A_959 = arith.constant 48 : index
        %parallel_loop3A_960 = tpu.vector_load %run_scoped3A[%parallel_loop3A_958, %parallel_loop3A_959] {strides = array<i32>} : memref<72x384xf32, #tpu.memory_space<vmem>>, vector<1x16xf32>,
        %parallel_loop3A_961 = vector.shape_cast %parallel_loop3A_960 : vector<1x16xf32> to vector<16xf32>
        %parallel_loop3A_962 = arith.index_cast %parallel_loop3A_900 : i32 to index
        %parallel_loop3A_963 = arith.constant 48 : index
        %parallel_loop3A_964 = tpu.vector_load %run_scoped3A_0[%parallel_loop3A_962, %parallel_loop3A_963] {strides = array<i32>} : memref<72x128xf32, #tpu.memory_space<vmem>>, vector<1x16xf32>,
        %parallel_loop3A_965 = vector.shape_cast %parallel_loop3A_964 : vector<1x16xf32> to vector<16xf32>
        %parallel_loop3A_966 = vector.shape_cast %parallel_loop3A_961 : vector<16xf32> to vector<1x16xf32>
        tpu.vector_store %run_scoped3A_0[%parallel_loop3A_962, %parallel_loop3A_963], %parallel_loop3A_966 {add = true, strides = array<i32>} : memref<72x128xf32, #tpu.memory_space<vmem>>, vector<1x16xf32>,
        %parallel_loop3A_967 = arith.index_cast %parallel_loop3A_900 : i32 to index
        %parallel_loop3A_968 = arith.constant 48 : index
        %parallel_loop3A_969 = tpu.vector_load %run_scoped3A_1[%parallel_loop3A_967, %parallel_loop3A_968] {strides = array<i32>} : memref<72x128xf32, #tpu.memory_space<vmem>>, vector<1x16xf32>,
        %parallel_loop3A_970 = vector.shape_cast %parallel_loop3A_969 : vector<1x16xf32> to vector<16xf32>
        %parallel_loop3A_971 = vector.shape_cast %parallel_loop3A_961 : vector<16xf32> to vector<1x16xf32>
        tpu.vector_store %run_scoped3A_1[%parallel_loop3A_967, %parallel_loop3A_968], %parallel_loop3A_971 {add = true, strides = array<i32>} : memref<72x128xf32, #tpu.memory_space<vmem>>, vector<1x16xf32>,
        %parallel_loop3A_972 = arith.index_cast %parallel_loop3A_900 : i32 to index
        %parallel_loop3A_973 = arith.constant 48 : index
        %parallel_loop3A_974 = tpu.vector_load %run_scoped3A_2[%parallel_loop3A_972, %parallel_loop3A_973] {strides = array<i32>} : memref<72x128xf32, #tpu.memory_space<vmem>>, vector<1x16xf32>,
        %parallel_loop3A_975 = vector.shape_cast %parallel_loop3A_974 : vector<1x16xf32> to vector<16xf32>
        %parallel_loop3A_976 = vector.shape_cast %parallel_loop3A_961 : vector<16xf32> to vector<1x16xf32>
        tpu.vector_store %run_scoped3A_2[%parallel_loop3A_972, %parallel_loop3A_973], %parallel_loop3A_976 {add = true, strides = array<i32>} : memref<72x128xf32, #tpu.memory_space<vmem>>, vector<1x16xf32>,
        %parallel_loop3A_977 = arith.index_cast %parallel_loop3A_900 : i32 to index
        %parallel_loop3A_978 = arith.constant 64 : index
        %parallel_loop3A_979 = tpu.vector_load %run_scoped3A[%parallel_loop3A_977, %parallel_loop3A_978] {strides = array<i32>} : memref<72x384xf32, #tpu.memory_space<vmem>>, vector<1x16xf32>,
        %parallel_loop3A_980 = vector.shape_cast %parallel_loop3A_979 : vector<1x16xf32> to vector<16xf32>
        %parallel_loop3A_981 = arith.index_cast %parallel_loop3A_900 : i32 to index
        %parallel_loop3A_982 = arith.constant 64 : index
        %parallel_loop3A_983 = tpu.vector_load %run_scoped3A_0[%parallel_loop3A_981, %parallel_loop3A_982] {strides = array<i32>} : memref<72x128xf32, #tpu.memory_space<vmem>>, vector<1x16xf32>,
        %parallel_loop3A_984 = vector.shape_cast %parallel_loop3A_983 : vector<1x16xf32> to vector<16xf32>
        %parallel_loop3A_985 = vector.shape_cast %parallel_loop3A_980 : vector<16xf32> to vector<1x16xf32>
        tpu.vector_store %run_scoped3A_0[%parallel_loop3A_981, %parallel_loop3A_982], %parallel_loop3A_985 {add = true, strides = array<i32>} : memref<72x128xf32, #tpu.memory_space<vmem>>, vector<1x16xf32>,
        %parallel_loop3A_986 = arith.index_cast %parallel_loop3A_900 : i32 to index
        %parallel_loop3A_987 = arith.constant 64 : index
        %parallel_loop3A_988 = tpu.vector_load %run_scoped3A_1[%parallel_loop3A_986, %parallel_loop3A_987] {strides = array<i32>} : memref<72x128xf32, #tpu.memory_space<vmem>>, vector<1x16xf32>,
        %parallel_loop3A_989 = vector.shape_cast %parallel_loop3A_988 : vector<1x16xf32> to vector<16xf32>
        %parallel_loop3A_990 = vector.shape_cast %parallel_loop3A_980 : vector<16xf32> to vector<1x16xf32>
        tpu.vector_store %run_scoped3A_1[%parallel_loop3A_986, %parallel_loop3A_987], %parallel_loop3A_990 {add = true, strides = array<i32>} : memref<72x128xf32, #tpu.memory_space<vmem>>, vector<1x16xf32>,
        %parallel_loop3A_991 = arith.index_cast %parallel_loop3A_900 : i32 to index
        %parallel_loop3A_992 = arith.constant 64 : index
        %parallel_loop3A_993 = tpu.vector_load %run_scoped3A_2[%parallel_loop3A_991, %parallel_loop3A_992] {strides = array<i32>} : memref<72x128xf32, #tpu.memory_space<vmem>>, vector<1x16xf32>,
        %parallel_loop3A_994 = vector.shape_cast %parallel_loop3A_993 : vector<1x16xf32> to vector<16xf32>
        %parallel_loop3A_995 = vector.shape_cast %parallel_loop3A_980 : vector<16xf32> to vector<1x16xf32>
        tpu.vector_store %run_scoped3A_2[%parallel_loop3A_991, %parallel_loop3A_992], %parallel_loop3A_995 {add = true, strides = array<i32>} : memref<72x128xf32, #tpu.memory_space<vmem>>, vector<1x16xf32>,
        %parallel_loop3A_996 = arith.index_cast %parallel_loop3A_900 : i32 to index
        %parallel_loop3A_997 = arith.constant 80 : index
        %parallel_loop3A_998 = tpu.vector_load %run_scoped3A[%parallel_loop3A_996, %parallel_loop3A_997] {strides = array<i32>} : memref<72x384xf32, #tpu.memory_space<vmem>>, vector<1x16xf32>,
        %parallel_loop3A_999 = vector.shape_cast %parallel_loop3A_998 : vector<1x16xf32> to vector<16xf32>
        %parallel_loop3A_1000 = arith.index_cast %parallel_loop3A_900 : i32 to index
        %parallel_loop3A_1001 = arith.constant 80 : index
        %parallel_loop3A_1002 = tpu.vector_load %run_scoped3A_0[%parallel_loop3A_1000, %parallel_loop3A_1001] {strides = array<i32>} : memref<72x128xf32, #tpu.memory_space<vmem>>, vector<1x16xf32>,
        %parallel_loop3A_1003 = vector.shape_cast %parallel_loop3A_1002 : vector<1x16xf32> to vector<16xf32>
        %parallel_loop3A_1004 = vector.shape_cast %parallel_loop3A_999 : vector<16xf32> to vector<1x16xf32>
        tpu.vector_store %run_scoped3A_0[%parallel_loop3A_1000, %parallel_loop3A_1001], %parallel_loop3A_1004 {add = true, strides = array<i32>} : memref<72x128xf32, #tpu.memory_space<vmem>>, vector<1x16xf32>,
        %parallel_loop3A_1005 = arith.index_cast %parallel_loop3A_900 : i32 to index
        %parallel_loop3A_1006 = arith.constant 80 : index
        %parallel_loop3A_1007 = tpu.vector_load %run_scoped3A_1[%parallel_loop3A_1005, %parallel_loop3A_1006] {strides = array<i32>} : memref<72x128xf32, #tpu.memory_space<vmem>>, vector<1x16xf32>,
        %parallel_loop3A_1008 = vector.shape_cast %parallel_loop3A_1007 : vector<1x16xf32> to vector<16xf32>
        %parallel_loop3A_1009 = vector.shape_cast %parallel_loop3A_999 : vector<16xf32> to vector<1x16xf32>
        tpu.vector_store %run_scoped3A_1[%parallel_loop3A_1005, %parallel_loop3A_1006], %parallel_loop3A_1009 {add = true, strides = array<i32>} : memref<72x128xf32, #tpu.memory_space<vmem>>, vector<1x16xf32>,
        %parallel_loop3A_1010 = arith.index_cast %parallel_loop3A_900 : i32 to index
        %parallel_loop3A_1011 = arith.constant 80 : index
        %parallel_loop3A_1012 = tpu.vector_load %run_scoped3A_2[%parallel_loop3A_1010, %parallel_loop3A_1011] {strides = array<i32>} : memref<72x128xf32, #tpu.memory_space<vmem>>, vector<1x16xf32>,
        %parallel_loop3A_1013 = vector.shape_cast %parallel_loop3A_1012 : vector<1x16xf32> to vector<16xf32>
        %parallel_loop3A_1014 = vector.shape_cast %parallel_loop3A_999 : vector<16xf32> to vector<1x16xf32>
        tpu.vector_store %run_scoped3A_2[%parallel_loop3A_1010, %parallel_loop3A_1011], %parallel_loop3A_1014 {add = true, strides = array<i32>} : memref<72x128xf32, #tpu.memory_space<vmem>>, vector<1x16xf32>,
        %parallel_loop3A_1015 = arith.index_cast %parallel_loop3A_900 : i32 to index
        %parallel_loop3A_1016 = arith.constant 96 : index
        %parallel_loop3A_1017 = tpu.vector_load %run_scoped3A[%parallel_loop3A_1015, %parallel_loop3A_1016] {strides = array<i32>} : memref<72x384xf32, #tpu.memory_space<vmem>>, vector<1x16xf32>,
        %parallel_loop3A_1018 = vector.shape_cast %parallel_loop3A_1017 : vector<1x16xf32> to vector<16xf32>
        %parallel_loop3A_1019 = arith.index_cast %parallel_loop3A_900 : i32 to index
        %parallel_loop3A_1020 = arith.constant 96 : index
        %parallel_loop3A_1021 = tpu.vector_load %run_scoped3A_0[%parallel_loop3A_1019, %parallel_loop3A_1020] {strides = array<i32>} : memref<72x128xf32, #tpu.memory_space<vmem>>, vector<1x16xf32>,
        %parallel_loop3A_1022 = vector.shape_cast %parallel_loop3A_1021 : vector<1x16xf32> to vector<16xf32>
        %parallel_loop3A_1023 = vector.shape_cast %parallel_loop3A_1018 : vector<16xf32> to vector<1x16xf32>
        tpu.vector_store %run_scoped3A_0[%parallel_loop3A_1019, %parallel_loop3A_1020], %parallel_loop3A_1023 {add = true, strides = array<i32>} : memref<72x128xf32, #tpu.memory_space<vmem>>, vector<1x16xf32>,
        %parallel_loop3A_1024 = arith.index_cast %parallel_loop3A_900 : i32 to index
        %parallel_loop3A_1025 = arith.constant 96 : index
        %parallel_loop3A_1026 = tpu.vector_load %run_scoped3A_1[%parallel_loop3A_1024, %parallel_loop3A_1025] {strides = array<i32>} : memref<72x128xf32, #tpu.memory_space<vmem>>, vector<1x16xf32>,
        %parallel_loop3A_1027 = vector.shape_cast %parallel_loop3A_1026 : vector<1x16xf32> to vector<16xf32>
        %parallel_loop3A_1028 = vector.shape_cast %parallel_loop3A_1018 : vector<16xf32> to vector<1x16xf32>
        tpu.vector_store %run_scoped3A_1[%parallel_loop3A_1024, %parallel_loop3A_1025], %parallel_loop3A_1028 {add = true, strides = array<i32>} : memref<72x128xf32, #tpu.memory_space<vmem>>, vector<1x16xf32>,
        %parallel_loop3A_1029 = arith.index_cast %parallel_loop3A_900 : i32 to index
        %parallel_loop3A_1030 = arith.constant 96 : index
        %parallel_loop3A_1031 = tpu.vector_load %run_scoped3A_2[%parallel_loop3A_1029, %parallel_loop3A_1030] {strides = array<i32>} : memref<72x128xf32, #tpu.memory_space<vmem>>, vector<1x16xf32>,
        %parallel_loop3A_1032 = vector.shape_cast %parallel_loop3A_1031 : vector<1x16xf32> to vector<16xf32>
        %parallel_loop3A_1033 = vector.shape_cast %parallel_loop3A_1018 : vector<16xf32> to vector<1x16xf32>
        tpu.vector_store %run_scoped3A_2[%parallel_loop3A_1029, %parallel_loop3A_1030], %parallel_loop3A_1033 {add = true, strides = array<i32>} : memref<72x128xf32, #tpu.memory_space<vmem>>, vector<1x16xf32>,
        %parallel_loop3A_1034 = arith.index_cast %parallel_loop3A_900 : i32 to index
        %parallel_loop3A_1035 = arith.constant 112 : index
        %parallel_loop3A_1036 = tpu.vector_load %run_scoped3A[%parallel_loop3A_1034, %parallel_loop3A_1035] {strides = array<i32>} : memref<72x384xf32, #tpu.memory_space<vmem>>, vector<1x16xf32>,
        %parallel_loop3A_1037 = vector.shape_cast %parallel_loop3A_1036 : vector<1x16xf32> to vector<16xf32>
        %parallel_loop3A_1038 = arith.index_cast %parallel_loop3A_900 : i32 to index
        %parallel_loop3A_1039 = arith.constant 112 : index
        %parallel_loop3A_1040 = tpu.vector_load %run_scoped3A_0[%parallel_loop3A_1038, %parallel_loop3A_1039] {strides = array<i32>} : memref<72x128xf32, #tpu.memory_space<vmem>>, vector<1x16xf32>,
        %parallel_loop3A_1041 = vector.shape_cast %parallel_loop3A_1040 : vector<1x16xf32> to vector<16xf32>
        %parallel_loop3A_1042 = vector.shape_cast %parallel_loop3A_1037 : vector<16xf32> to vector<1x16xf32>
        tpu.vector_store %run_scoped3A_0[%parallel_loop3A_1038, %parallel_loop3A_1039], %parallel_loop3A_1042 {add = true, strides = array<i32>} : memref<72x128xf32, #tpu.memory_space<vmem>>, vector<1x16xf32>,
        %parallel_loop3A_1043 = arith.index_cast %parallel_loop3A_900 : i32 to index
        %parallel_loop3A_1044 = arith.constant 112 : index
        %parallel_loop3A_1045 = tpu.vector_load %run_scoped3A_1[%parallel_loop3A_1043, %parallel_loop3A_1044] {strides = array<i32>} : memref<72x128xf32, #tpu.memory_space<vmem>>, vector<1x16xf32>,
        %parallel_loop3A_1046 = vector.shape_cast %parallel_loop3A_1045 : vector<1x16xf32> to vector<16xf32>
        %parallel_loop3A_1047 = vector.shape_cast %parallel_loop3A_1037 : vector<16xf32> to vector<1x16xf32>
        tpu.vector_store %run_scoped3A_1[%parallel_loop3A_1043, %parallel_loop3A_1044], %parallel_loop3A_1047 {add = true, strides = array<i32>} : memref<72x128xf32, #tpu.memory_space<vmem>>, vector<1x16xf32>,
        %parallel_loop3A_1048 = arith.index_cast %parallel_loop3A_900 : i32 to index
        %parallel_loop3A_1049 = arith.constant 112 : index
        %parallel_loop3A_1050 = tpu.vector_load %run_scoped3A_2[%parallel_loop3A_1048, %parallel_loop3A_1049] {strides = array<i32>} : memref<72x128xf32, #tpu.memory_space<vmem>>, vector<1x16xf32>,
        %parallel_loop3A_1051 = vector.shape_cast %parallel_loop3A_1050 : vector<1x16xf32> to vector<16xf32>
        %parallel_loop3A_1052 = vector.shape_cast %parallel_loop3A_1037 : vector<16xf32> to vector<1x16xf32>
        tpu.vector_store %run_scoped3A_2[%parallel_loop3A_1048, %parallel_loop3A_1049], %parallel_loop3A_1052 {add = true, strides = array<i32>} : memref<72x128xf32, #tpu.memory_space<vmem>>, vector<1x16xf32>,
      } {sc.loop_unroll_factor = 2 : i64, sc.parallel_access}
      %add3A_423 = arith.constant 12 : i32
      %add3A_424 = arith.addi %select_n3A_57, %add3A_423 : i32
      %dma_start3A_425 = arith.constant 0 : i32
      %dma_start3A_426 = tpu.memref_slice %arg4[%add3A_424, %mul3A_59, %dma_start3A_425] : memref<32x576x384xf32, #tpu.memory_space<hbm>> -> memref<1x72x128xf32, #tpu.memory_space<hbm>>
      %dma_start3A_427 = tpu.memref_squeeze %dma_start3A_426 : memref<1x72x128xf32, #tpu.memory_space<hbm>> -> memref<72x128xf32, #tpu.memory_space<hbm>>
      %dma_start3A_428 = arith.constant 0 : i32
      %dma_start3A_429 = tpu.memref_slice %arg4[%add3A_424, %mul3A_59, %dma_start3A_428] : memref<32x576x384xf32, #tpu.memory_space<hbm>> -> memref<1x72x128xf32, #tpu.memory_space<hbm>>
      %dma_start3A_430 = tpu.memref_squeeze %dma_start3A_429 : memref<1x72x128xf32, #tpu.memory_space<hbm>> -> memref<72x128xf32, #tpu.memory_space<hbm>>
      tpu.enqueue_dma source(%run_scoped3A_0 : memref<72x128xf32, #tpu.memory_space<vmem>>) target(%dma_start3A_430 : memref<72x128xf32, #tpu.memory_space<hbm>>) target_semaphore(%run_scoped3A_18 : memref<!tpu.dma_semaphore, #tpu.memory_space<semaphore_mem>>)
      %add3A_431 = arith.constant 16 : i32
      %add3A_432 = arith.addi %select_n3A_57, %add3A_431 : i32
      %dma_start3A_433 = arith.constant 0 : i32
      %dma_start3A_434 = tpu.memref_slice %arg4[%add3A_432, %mul3A_59, %dma_start3A_433] : memref<32x576x384xf32, #tpu.memory_space<hbm>> -> memref<1x72x128xf32, #tpu.memory_space<hbm>>
      %dma_start3A_435 = tpu.memref_squeeze %dma_start3A_434 : memref<1x72x128xf32, #tpu.memory_space<hbm>> -> memref<72x128xf32, #tpu.memory_space<hbm>>
      %dma_start3A_436 = arith.constant 0 : i32
      %dma_start3A_437 = tpu.memref_slice %arg4[%add3A_432, %mul3A_59, %dma_start3A_436] : memref<32x576x384xf32, #tpu.memory_space<hbm>> -> memref<1x72x128xf32, #tpu.memory_space<hbm>>
      %dma_start3A_438 = tpu.memref_squeeze %dma_start3A_437 : memref<1x72x128xf32, #tpu.memory_space<hbm>> -> memref<72x128xf32, #tpu.memory_space<hbm>>
      tpu.enqueue_dma source(%run_scoped3A_1 : memref<72x128xf32, #tpu.memory_space<vmem>>) target(%dma_start3A_438 : memref<72x128xf32, #tpu.memory_space<hbm>>) target_semaphore(%run_scoped3A_19 : memref<!tpu.dma_semaphore, #tpu.memory_space<semaphore_mem>>)
      %add3A_439 = arith.constant 20 : i32
      %add3A_440 = arith.addi %select_n3A_57, %add3A_439 : i32
      %dma_start3A_441 = arith.constant 0 : i32
      %dma_start3A_442 = tpu.memref_slice %arg4[%add3A_440, %mul3A_59, %dma_start3A_441] : memref<32x576x384xf32, #tpu.memory_space<hbm>> -> memref<1x72x128xf32, #tpu.memory_space<hbm>>
      %dma_start3A_443 = tpu.memref_squeeze %dma_start3A_442 : memref<1x72x128xf32, #tpu.memory_space<hbm>> -> memref<72x128xf32, #tpu.memory_space<hbm>>
      %dma_start3A_444 = arith.constant 0 : i32
      %dma_start3A_445 = tpu.memref_slice %arg4[%add3A_440, %mul3A_59, %dma_start3A_444] : memref<32x576x384xf32, #tpu.memory_space<hbm>> -> memref<1x72x128xf32, #tpu.memory_space<hbm>>
      %dma_start3A_446 = tpu.memref_squeeze %dma_start3A_445 : memref<1x72x128xf32, #tpu.memory_space<hbm>> -> memref<72x128xf32, #tpu.memory_space<hbm>>
      tpu.enqueue_dma source(%run_scoped3A_2 : memref<72x128xf32, #tpu.memory_space<vmem>>) target(%dma_start3A_446 : memref<72x128xf32, #tpu.memory_space<hbm>>) target_semaphore(%run_scoped3A_20 : memref<!tpu.dma_semaphore, #tpu.memory_space<semaphore_mem>>)
      %dma_wait3A_447 = arith.constant 0 : i32
      %dma_wait3A_448 = arith.constant 0 : i32
      %dma_wait3A_449 = arith.constant 0 : i32
      %dma_wait3A_450 = tpu.memref_slice %arg4[%dma_wait3A_447, %dma_wait3A_448, %dma_wait3A_449] : memref<32x576x384xf32, #tpu.memory_space<hbm>> -> memref<1x72x128xf32, #tpu.memory_space<hbm>>
      %dma_wait3A_451 = tpu.memref_squeeze %dma_wait3A_450 : memref<1x72x128xf32, #tpu.memory_space<hbm>> -> memref<72x128xf32, #tpu.memory_space<hbm>>
      %dma_wait3A_452 = arith.constant 0 : i32
      %dma_wait3A_453 = arith.constant 0 : i32
      %dma_wait3A_454 = tpu.memref_slice %arg4[%dma_wait3A_447, %dma_wait3A_452, %dma_wait3A_453] : memref<32x576x384xf32, #tpu.memory_space<hbm>> -> memref<1x72x128xf32, #tpu.memory_space<hbm>>
      %dma_wait3A_455 = tpu.memref_squeeze %dma_wait3A_454 : memref<1x72x128xf32, #tpu.memory_space<hbm>> -> memref<72x128xf32, #tpu.memory_space<hbm>>
      tpu.wait_dma2 semaphore(%run_scoped3A_24 : memref<!tpu.dma_semaphore, #tpu.memory_space<semaphore_mem>>) src(%run_scoped3A_6 : memref<72x128xf32, #tpu.memory_space<vmem>>) dst(%dma_wait3A_455 : memref<72x128xf32, #tpu.memory_space<hbm>>)
      %dma_wait3A_456 = arith.constant 0 : i32
      %dma_wait3A_457 = arith.constant 0 : i32
      %dma_wait3A_458 = arith.constant 0 : i32
      %dma_wait3A_459 = tpu.memref_slice %arg4[%dma_wait3A_456, %dma_wait3A_457, %dma_wait3A_458] : memref<32x576x384xf32, #tpu.memory_space<hbm>> -> memref<1x72x128xf32, #tpu.memory_space<hbm>>
      %dma_wait3A_460 = tpu.memref_squeeze %dma_wait3A_459 : memref<1x72x128xf32, #tpu.memory_space<hbm>> -> memref<72x128xf32, #tpu.memory_space<hbm>>
      %dma_wait3A_461 = arith.constant 0 : i32
      %dma_wait3A_462 = arith.constant 0 : i32
      %dma_wait3A_463 = tpu.memref_slice %arg4[%dma_wait3A_456, %dma_wait3A_461, %dma_wait3A_462] : memref<32x576x384xf32, #tpu.memory_space<hbm>> -> memref<1x72x128xf32, #tpu.memory_space<hbm>>
      %dma_wait3A_464 = tpu.memref_squeeze %dma_wait3A_463 : memref<1x72x128xf32, #tpu.memory_space<hbm>> -> memref<72x128xf32, #tpu.memory_space<hbm>>
      tpu.wait_dma2 semaphore(%run_scoped3A_25 : memref<!tpu.dma_semaphore, #tpu.memory_space<semaphore_mem>>) src(%run_scoped3A_7 : memref<72x128xf32, #tpu.memory_space<vmem>>) dst(%dma_wait3A_464 : memref<72x128xf32, #tpu.memory_space<hbm>>)
      %dma_wait3A_465 = arith.constant 0 : i32
      %dma_wait3A_466 = arith.constant 0 : i32
      %dma_wait3A_467 = arith.constant 0 : i32
      %dma_wait3A_468 = tpu.memref_slice %arg4[%dma_wait3A_465, %dma_wait3A_466, %dma_wait3A_467] : memref<32x576x384xf32, #tpu.memory_space<hbm>> -> memref<1x72x128xf32, #tpu.memory_space<hbm>>
      %dma_wait3A_469 = tpu.memref_squeeze %dma_wait3A_468 : memref<1x72x128xf32, #tpu.memory_space<hbm>> -> memref<72x128xf32, #tpu.memory_space<hbm>>
      %dma_wait3A_470 = arith.constant 0 : i32
      %dma_wait3A_471 = arith.constant 0 : i32
      %dma_wait3A_472 = tpu.memref_slice %arg4[%dma_wait3A_465, %dma_wait3A_470, %dma_wait3A_471] : memref<32x576x384xf32, #tpu.memory_space<hbm>> -> memref<1x72x128xf32, #tpu.memory_space<hbm>>
      %dma_wait3A_473 = tpu.memref_squeeze %dma_wait3A_472 : memref<1x72x128xf32, #tpu.memory_space<hbm>> -> memref<72x128xf32, #tpu.memory_space<hbm>>
      tpu.wait_dma2 semaphore(%run_scoped3A_26 : memref<!tpu.dma_semaphore, #tpu.memory_space<semaphore_mem>>) src(%run_scoped3A_8 : memref<72x128xf32, #tpu.memory_space<vmem>>) dst(%dma_wait3A_473 : memref<72x128xf32, #tpu.memory_space<hbm>>)
      %add3A_474 = arith.constant 12 : i32
      %add3A_475 = arith.addi %select_n3A_57, %add3A_474 : i32
      %dma_start3A_476 = arith.constant 256 : i32
      %dma_start3A_477 = tpu.memref_slice %arg2[%add3A_475, %mul3A_59, %dma_start3A_476] : memref<32x576x384xf32, #tpu.memory_space<hbm>> -> memref<1x72x128xf32, #tpu.memory_space<hbm>>
      %dma_start3A_478 = tpu.memref_squeeze %dma_start3A_477 : memref<1x72x128xf32, #tpu.memory_space<hbm>> -> memref<72x128xf32, #tpu.memory_space<hbm>>
      %dma_start3A_479 = arith.constant 256 : i32
      %dma_start3A_480 = tpu.memref_slice %arg2[%add3A_475, %mul3A_59, %dma_start3A_479] : memref<32x576x384xf32, #tpu.memory_space<hbm>> -> memref<1x72x128xf32, #tpu.memory_space<hbm>>
      %dma_start3A_481 = tpu.memref_squeeze %dma_start3A_480 : memref<1x72x128xf32, #tpu.memory_space<hbm>> -> memref<72x128xf32, #tpu.memory_space<hbm>>
      tpu.enqueue_dma source(%dma_start3A_481 : memref<72x128xf32, #tpu.memory_space<hbm>>) target(%run_scoped3A_6 : memref<72x128xf32, #tpu.memory_space<vmem>>) target_semaphore(%run_scoped3A_15 : memref<!tpu.dma_semaphore, #tpu.memory_space<semaphore_mem>>)
      %add3A_482 = arith.constant 16 : i32
      %add3A_483 = arith.addi %select_n3A_57, %add3A_482 : i32
      %dma_start3A_484 = arith.constant 256 : i32
      %dma_start3A_485 = tpu.memref_slice %arg2[%add3A_483, %mul3A_59, %dma_start3A_484] : memref<32x576x384xf32, #tpu.memory_space<hbm>> -> memref<1x72x128xf32, #tpu.memory_space<hbm>>
      %dma_start3A_486 = tpu.memref_squeeze %dma_start3A_485 : memref<1x72x128xf32, #tpu.memory_space<hbm>> -> memref<72x128xf32, #tpu.memory_space<hbm>>
      %dma_start3A_487 = arith.constant 256 : i32
      %dma_start3A_488 = tpu.memref_slice %arg2[%add3A_483, %mul3A_59, %dma_start3A_487] : memref<32x576x384xf32, #tpu.memory_space<hbm>> -> memref<1x72x128xf32, #tpu.memory_space<hbm>>
      %dma_start3A_489 = tpu.memref_squeeze %dma_start3A_488 : memref<1x72x128xf32, #tpu.memory_space<hbm>> -> memref<72x128xf32, #tpu.memory_space<hbm>>
      tpu.enqueue_dma source(%dma_start3A_489 : memref<72x128xf32, #tpu.memory_space<hbm>>) target(%run_scoped3A_7 : memref<72x128xf32, #tpu.memory_space<vmem>>) target_semaphore(%run_scoped3A_16 : memref<!tpu.dma_semaphore, #tpu.memory_space<semaphore_mem>>)
      %add3A_490 = arith.constant 20 : i32
      %add3A_491 = arith.addi %select_n3A_57, %add3A_490 : i32
      %dma_start3A_492 = arith.constant 256 : i32
      %dma_start3A_493 = tpu.memref_slice %arg2[%add3A_491, %mul3A_59, %dma_start3A_492] : memref<32x576x384xf32, #tpu.memory_space<hbm>> -> memref<1x72x128xf32, #tpu.memory_space<hbm>>
      %dma_start3A_494 = tpu.memref_squeeze %dma_start3A_493 : memref<1x72x128xf32, #tpu.memory_space<hbm>> -> memref<72x128xf32, #tpu.memory_space<hbm>>
      %dma_start3A_495 = arith.constant 256 : i32
      %dma_start3A_496 = tpu.memref_slice %arg2[%add3A_491, %mul3A_59, %dma_start3A_495] : memref<32x576x384xf32, #tpu.memory_space<hbm>> -> memref<1x72x128xf32, #tpu.memory_space<hbm>>
      %dma_start3A_497 = tpu.memref_squeeze %dma_start3A_496 : memref<1x72x128xf32, #tpu.memory_space<hbm>> -> memref<72x128xf32, #tpu.memory_space<hbm>>
      tpu.enqueue_dma source(%dma_start3A_497 : memref<72x128xf32, #tpu.memory_space<hbm>>) target(%run_scoped3A_8 : memref<72x128xf32, #tpu.memory_space<vmem>>) target_semaphore(%run_scoped3A_17 : memref<!tpu.dma_semaphore, #tpu.memory_space<semaphore_mem>>)
      %dma_wait3A_498 = arith.constant 0 : i32
      %dma_wait3A_499 = arith.constant 0 : i32
      %dma_wait3A_500 = arith.constant 0 : i32
      %dma_wait3A_501 = tpu.memref_slice %arg2[%dma_wait3A_498, %dma_wait3A_499, %dma_wait3A_500] : memref<32x576x384xf32, #tpu.memory_space<hbm>> -> memref<1x72x128xf32, #tpu.memory_space<hbm>>
      %dma_wait3A_502 = tpu.memref_squeeze %dma_wait3A_501 : memref<1x72x128xf32, #tpu.memory_space<hbm>> -> memref<72x128xf32, #tpu.memory_space<hbm>>
      %dma_wait3A_503 = arith.constant 0 : i32
      %dma_wait3A_504 = arith.constant 0 : i32
      %dma_wait3A_505 = tpu.memref_slice %arg2[%dma_wait3A_498, %dma_wait3A_503, %dma_wait3A_504] : memref<32x576x384xf32, #tpu.memory_space<hbm>> -> memref<1x72x128xf32, #tpu.memory_space<hbm>>
      %dma_wait3A_506 = tpu.memref_squeeze %dma_wait3A_505 : memref<1x72x128xf32, #tpu.memory_space<hbm>> -> memref<72x128xf32, #tpu.memory_space<hbm>>
      tpu.wait_dma2 semaphore(%run_scoped3A_12 : memref<!tpu.dma_semaphore, #tpu.memory_space<semaphore_mem>>) src(%dma_wait3A_506 : memref<72x128xf32, #tpu.memory_space<hbm>>) dst(%run_scoped3A_3 : memref<72x128xf32, #tpu.memory_space<vmem>>)
      %dma_wait3A_507 = arith.constant 0 : i32
      %dma_wait3A_508 = arith.constant 0 : i32
      %dma_wait3A_509 = arith.constant 0 : i32
      %dma_wait3A_510 = tpu.memref_slice %arg2[%dma_wait3A_507, %dma_wait3A_508, %dma_wait3A_509] : memref<32x576x384xf32, #tpu.memory_space<hbm>> -> memref<1x72x128xf32, #tpu.memory_space<hbm>>
      %dma_wait3A_511 = tpu.memref_squeeze %dma_wait3A_510 : memref<1x72x128xf32, #tpu.memory_space<hbm>> -> memref<72x128xf32, #tpu.memory_space<hbm>>
      %dma_wait3A_512 = arith.constant 0 : i32
      %dma_wait3A_513 = arith.constant 0 : i32
      %dma_wait3A_514 = tpu.memref_slice %arg2[%dma_wait3A_507, %dma_wait3A_512, %dma_wait3A_513] : memref<32x576x384xf32, #tpu.memory_space<hbm>> -> memref<1x72x128xf32, #tpu.memory_space<hbm>>
      %dma_wait3A_515 = tpu.memref_squeeze %dma_wait3A_514 : memref<1x72x128xf32, #tpu.memory_space<hbm>> -> memref<72x128xf32, #tpu.memory_space<hbm>>
      tpu.wait_dma2 semaphore(%run_scoped3A_13 : memref<!tpu.dma_semaphore, #tpu.memory_space<semaphore_mem>>) src(%dma_wait3A_515 : memref<72x128xf32, #tpu.memory_space<hbm>>) dst(%run_scoped3A_4 : memref<72x128xf32, #tpu.memory_space<vmem>>)
      %dma_wait3A_516 = arith.constant 0 : i32
      %dma_wait3A_517 = arith.constant 0 : i32
      %dma_wait3A_518 = arith.constant 0 : i32
      %dma_wait3A_519 = tpu.memref_slice %arg2[%dma_wait3A_516, %dma_wait3A_517, %dma_wait3A_518] : memref<32x576x384xf32, #tpu.memory_space<hbm>> -> memref<1x72x128xf32, #tpu.memory_space<hbm>>
      %dma_wait3A_520 = tpu.memref_squeeze %dma_wait3A_519 : memref<1x72x128xf32, #tpu.memory_space<hbm>> -> memref<72x128xf32, #tpu.memory_space<hbm>>
      %dma_wait3A_521 = arith.constant 0 : i32
      %dma_wait3A_522 = arith.constant 0 : i32
      %dma_wait3A_523 = tpu.memref_slice %arg2[%dma_wait3A_516, %dma_wait3A_521, %dma_wait3A_522] : memref<32x576x384xf32, #tpu.memory_space<hbm>> -> memref<1x72x128xf32, #tpu.memory_space<hbm>>
      %dma_wait3A_524 = tpu.memref_squeeze %dma_wait3A_523 : memref<1x72x128xf32, #tpu.memory_space<hbm>> -> memref<72x128xf32, #tpu.memory_space<hbm>>
      tpu.wait_dma2 semaphore(%run_scoped3A_14 : memref<!tpu.dma_semaphore, #tpu.memory_space<semaphore_mem>>) src(%dma_wait3A_524 : memref<72x128xf32, #tpu.memory_space<hbm>>) dst(%run_scoped3A_5 : memref<72x128xf32, #tpu.memory_space<vmem>>)
      %parallel_loop3A_525 = arith.constant 0 : i32
      %parallel_loop3A_526 = arith.constant 72 : i32
      %parallel_loop3A_527 = arith.constant 1 : i32
      scf.for %parallel_loop3A_900 = %parallel_loop3A_525 to %parallel_loop3A_526 step %parallel_loop3A_527  : i32 {
        %parallel_loop3A_901 = arith.index_cast %parallel_loop3A_900 : i32 to index
        %parallel_loop3A_902 = arith.constant 128 : index
        %parallel_loop3A_903 = tpu.vector_load %run_scoped3A[%parallel_loop3A_901, %parallel_loop3A_902] {strides = array<i32>} : memref<72x384xf32, #tpu.memory_space<vmem>>, vector<1x16xf32>,
        %parallel_loop3A_904 = vector.shape_cast %parallel_loop3A_903 : vector<1x16xf32> to vector<16xf32>
        %parallel_loop3A_905 = arith.index_cast %parallel_loop3A_900 : i32 to index
        %parallel_loop3A_906 = arith.constant 0 : index
        %parallel_loop3A_907 = tpu.vector_load %run_scoped3A_3[%parallel_loop3A_905, %parallel_loop3A_906] {strides = array<i32>} : memref<72x128xf32, #tpu.memory_space<vmem>>, vector<1x16xf32>,
        %parallel_loop3A_908 = vector.shape_cast %parallel_loop3A_907 : vector<1x16xf32> to vector<16xf32>
        %parallel_loop3A_909 = vector.shape_cast %parallel_loop3A_904 : vector<16xf32> to vector<1x16xf32>
        tpu.vector_store %run_scoped3A_3[%parallel_loop3A_905, %parallel_loop3A_906], %parallel_loop3A_909 {add = true, strides = array<i32>} : memref<72x128xf32, #tpu.memory_space<vmem>>, vector<1x16xf32>,
        %parallel_loop3A_910 = arith.index_cast %parallel_loop3A_900 : i32 to index
        %parallel_loop3A_911 = arith.constant 0 : index
        %parallel_loop3A_912 = tpu.vector_load %run_scoped3A_4[%parallel_loop3A_910, %parallel_loop3A_911] {strides = array<i32>} : memref<72x128xf32, #tpu.memory_space<vmem>>, vector<1x16xf32>,
        %parallel_loop3A_913 = vector.shape_cast %parallel_loop3A_912 : vector<1x16xf32> to vector<16xf32>
        %parallel_loop3A_914 = vector.shape_cast %parallel_loop3A_904 : vector<16xf32> to vector<1x16xf32>
        tpu.vector_store %run_scoped3A_4[%parallel_loop3A_910, %parallel_loop3A_911], %parallel_loop3A_914 {add = true, strides = array<i32>} : memref<72x128xf32, #tpu.memory_space<vmem>>, vector<1x16xf32>,
        %parallel_loop3A_915 = arith.index_cast %parallel_loop3A_900 : i32 to index
        %parallel_loop3A_916 = arith.constant 0 : index
        %parallel_loop3A_917 = tpu.vector_load %run_scoped3A_5[%parallel_loop3A_915, %parallel_loop3A_916] {strides = array<i32>} : memref<72x128xf32, #tpu.memory_space<vmem>>, vector<1x16xf32>,
        %parallel_loop3A_918 = vector.shape_cast %parallel_loop3A_917 : vector<1x16xf32> to vector<16xf32>
        %parallel_loop3A_919 = vector.shape_cast %parallel_loop3A_904 : vector<16xf32> to vector<1x16xf32>
        tpu.vector_store %run_scoped3A_5[%parallel_loop3A_915, %parallel_loop3A_916], %parallel_loop3A_919 {add = true, strides = array<i32>} : memref<72x128xf32, #tpu.memory_space<vmem>>, vector<1x16xf32>,
        %parallel_loop3A_920 = arith.index_cast %parallel_loop3A_900 : i32 to index
        %parallel_loop3A_921 = arith.constant 144 : index
        %parallel_loop3A_922 = tpu.vector_load %run_scoped3A[%parallel_loop3A_920, %parallel_loop3A_921] {strides = array<i32>} : memref<72x384xf32, #tpu.memory_space<vmem>>, vector<1x16xf32>,
        %parallel_loop3A_923 = vector.shape_cast %parallel_loop3A_922 : vector<1x16xf32> to vector<16xf32>
        %parallel_loop3A_924 = arith.index_cast %parallel_loop3A_900 : i32 to index
        %parallel_loop3A_925 = arith.constant 16 : index
        %parallel_loop3A_926 = tpu.vector_load %run_scoped3A_3[%parallel_loop3A_924, %parallel_loop3A_925] {strides = array<i32>} : memref<72x128xf32, #tpu.memory_space<vmem>>, vector<1x16xf32>,
        %parallel_loop3A_927 = vector.shape_cast %parallel_loop3A_926 : vector<1x16xf32> to vector<16xf32>
        %parallel_loop3A_928 = vector.shape_cast %parallel_loop3A_923 : vector<16xf32> to vector<1x16xf32>
        tpu.vector_store %run_scoped3A_3[%parallel_loop3A_924, %parallel_loop3A_925], %parallel_loop3A_928 {add = true, strides = array<i32>} : memref<72x128xf32, #tpu.memory_space<vmem>>, vector<1x16xf32>,
        %parallel_loop3A_929 = arith.index_cast %parallel_loop3A_900 : i32 to index
        %parallel_loop3A_930 = arith.constant 16 : index
        %parallel_loop3A_931 = tpu.vector_load %run_scoped3A_4[%parallel_loop3A_929, %parallel_loop3A_930] {strides = array<i32>} : memref<72x128xf32, #tpu.memory_space<vmem>>, vector<1x16xf32>,
        %parallel_loop3A_932 = vector.shape_cast %parallel_loop3A_931 : vector<1x16xf32> to vector<16xf32>
        %parallel_loop3A_933 = vector.shape_cast %parallel_loop3A_923 : vector<16xf32> to vector<1x16xf32>
        tpu.vector_store %run_scoped3A_4[%parallel_loop3A_929, %parallel_loop3A_930], %parallel_loop3A_933 {add = true, strides = array<i32>} : memref<72x128xf32, #tpu.memory_space<vmem>>, vector<1x16xf32>,
        %parallel_loop3A_934 = arith.index_cast %parallel_loop3A_900 : i32 to index
        %parallel_loop3A_935 = arith.constant 16 : index
        %parallel_loop3A_936 = tpu.vector_load %run_scoped3A_5[%parallel_loop3A_934, %parallel_loop3A_935] {strides = array<i32>} : memref<72x128xf32, #tpu.memory_space<vmem>>, vector<1x16xf32>,
        %parallel_loop3A_937 = vector.shape_cast %parallel_loop3A_936 : vector<1x16xf32> to vector<16xf32>
        %parallel_loop3A_938 = vector.shape_cast %parallel_loop3A_923 : vector<16xf32> to vector<1x16xf32>
        tpu.vector_store %run_scoped3A_5[%parallel_loop3A_934, %parallel_loop3A_935], %parallel_loop3A_938 {add = true, strides = array<i32>} : memref<72x128xf32, #tpu.memory_space<vmem>>, vector<1x16xf32>,
        %parallel_loop3A_939 = arith.index_cast %parallel_loop3A_900 : i32 to index
        %parallel_loop3A_940 = arith.constant 160 : index
        %parallel_loop3A_941 = tpu.vector_load %run_scoped3A[%parallel_loop3A_939, %parallel_loop3A_940] {strides = array<i32>} : memref<72x384xf32, #tpu.memory_space<vmem>>, vector<1x16xf32>,
        %parallel_loop3A_942 = vector.shape_cast %parallel_loop3A_941 : vector<1x16xf32> to vector<16xf32>
        %parallel_loop3A_943 = arith.index_cast %parallel_loop3A_900 : i32 to index
        %parallel_loop3A_944 = arith.constant 32 : index
        %parallel_loop3A_945 = tpu.vector_load %run_scoped3A_3[%parallel_loop3A_943, %parallel_loop3A_944] {strides = array<i32>} : memref<72x128xf32, #tpu.memory_space<vmem>>, vector<1x16xf32>,
        %parallel_loop3A_946 = vector.shape_cast %parallel_loop3A_945 : vector<1x16xf32> to vector<16xf32>
        %parallel_loop3A_947 = vector.shape_cast %parallel_loop3A_942 : vector<16xf32> to vector<1x16xf32>
        tpu.vector_store %run_scoped3A_3[%parallel_loop3A_943, %parallel_loop3A_944], %parallel_loop3A_947 {add = true, strides = array<i32>} : memref<72x128xf32, #tpu.memory_space<vmem>>, vector<1x16xf32>,
        %parallel_loop3A_948 = arith.index_cast %parallel_loop3A_900 : i32 to index
        %parallel_loop3A_949 = arith.constant 32 : index
        %parallel_loop3A_950 = tpu.vector_load %run_scoped3A_4[%parallel_loop3A_948, %parallel_loop3A_949] {strides = array<i32>} : memref<72x128xf32, #tpu.memory_space<vmem>>, vector<1x16xf32>,
        %parallel_loop3A_951 = vector.shape_cast %parallel_loop3A_950 : vector<1x16xf32> to vector<16xf32>
        %parallel_loop3A_952 = vector.shape_cast %parallel_loop3A_942 : vector<16xf32> to vector<1x16xf32>
        tpu.vector_store %run_scoped3A_4[%parallel_loop3A_948, %parallel_loop3A_949], %parallel_loop3A_952 {add = true, strides = array<i32>} : memref<72x128xf32, #tpu.memory_space<vmem>>, vector<1x16xf32>,
        %parallel_loop3A_953 = arith.index_cast %parallel_loop3A_900 : i32 to index
        %parallel_loop3A_954 = arith.constant 32 : index
        %parallel_loop3A_955 = tpu.vector_load %run_scoped3A_5[%parallel_loop3A_953, %parallel_loop3A_954] {strides = array<i32>} : memref<72x128xf32, #tpu.memory_space<vmem>>, vector<1x16xf32>,
        %parallel_loop3A_956 = vector.shape_cast %parallel_loop3A_955 : vector<1x16xf32> to vector<16xf32>
        %parallel_loop3A_957 = vector.shape_cast %parallel_loop3A_942 : vector<16xf32> to vector<1x16xf32>
        tpu.vector_store %run_scoped3A_5[%parallel_loop3A_953, %parallel_loop3A_954], %parallel_loop3A_957 {add = true, strides = array<i32>} : memref<72x128xf32, #tpu.memory_space<vmem>>, vector<1x16xf32>,
        %parallel_loop3A_958 = arith.index_cast %parallel_loop3A_900 : i32 to index
        %parallel_loop3A_959 = arith.constant 176 : index
        %parallel_loop3A_960 = tpu.vector_load %run_scoped3A[%parallel_loop3A_958, %parallel_loop3A_959] {strides = array<i32>} : memref<72x384xf32, #tpu.memory_space<vmem>>, vector<1x16xf32>,
        %parallel_loop3A_961 = vector.shape_cast %parallel_loop3A_960 : vector<1x16xf32> to vector<16xf32>
        %parallel_loop3A_962 = arith.index_cast %parallel_loop3A_900 : i32 to index
        %parallel_loop3A_963 = arith.constant 48 : index
        %parallel_loop3A_964 = tpu.vector_load %run_scoped3A_3[%parallel_loop3A_962, %parallel_loop3A_963] {strides = array<i32>} : memref<72x128xf32, #tpu.memory_space<vmem>>, vector<1x16xf32>,
        %parallel_loop3A_965 = vector.shape_cast %parallel_loop3A_964 : vector<1x16xf32> to vector<16xf32>
        %parallel_loop3A_966 = vector.shape_cast %parallel_loop3A_961 : vector<16xf32> to vector<1x16xf32>
        tpu.vector_store %run_scoped3A_3[%parallel_loop3A_962, %parallel_loop3A_963], %parallel_loop3A_966 {add = true, strides = array<i32>} : memref<72x128xf32, #tpu.memory_space<vmem>>, vector<1x16xf32>,
        %parallel_loop3A_967 = arith.index_cast %parallel_loop3A_900 : i32 to index
        %parallel_loop3A_968 = arith.constant 48 : index
        %parallel_loop3A_969 = tpu.vector_load %run_scoped3A_4[%parallel_loop3A_967, %parallel_loop3A_968] {strides = array<i32>} : memref<72x128xf32, #tpu.memory_space<vmem>>, vector<1x16xf32>,
        %parallel_loop3A_970 = vector.shape_cast %parallel_loop3A_969 : vector<1x16xf32> to vector<16xf32>
        %parallel_loop3A_971 = vector.shape_cast %parallel_loop3A_961 : vector<16xf32> to vector<1x16xf32>
        tpu.vector_store %run_scoped3A_4[%parallel_loop3A_967, %parallel_loop3A_968], %parallel_loop3A_971 {add = true, strides = array<i32>} : memref<72x128xf32, #tpu.memory_space<vmem>>, vector<1x16xf32>,
        %parallel_loop3A_972 = arith.index_cast %parallel_loop3A_900 : i32 to index
        %parallel_loop3A_973 = arith.constant 48 : index
        %parallel_loop3A_974 = tpu.vector_load %run_scoped3A_5[%parallel_loop3A_972, %parallel_loop3A_973] {strides = array<i32>} : memref<72x128xf32, #tpu.memory_space<vmem>>, vector<1x16xf32>,
        %parallel_loop3A_975 = vector.shape_cast %parallel_loop3A_974 : vector<1x16xf32> to vector<16xf32>
        %parallel_loop3A_976 = vector.shape_cast %parallel_loop3A_961 : vector<16xf32> to vector<1x16xf32>
        tpu.vector_store %run_scoped3A_5[%parallel_loop3A_972, %parallel_loop3A_973], %parallel_loop3A_976 {add = true, strides = array<i32>} : memref<72x128xf32, #tpu.memory_space<vmem>>, vector<1x16xf32>,
        %parallel_loop3A_977 = arith.index_cast %parallel_loop3A_900 : i32 to index
        %parallel_loop3A_978 = arith.constant 192 : index
        %parallel_loop3A_979 = tpu.vector_load %run_scoped3A[%parallel_loop3A_977, %parallel_loop3A_978] {strides = array<i32>} : memref<72x384xf32, #tpu.memory_space<vmem>>, vector<1x16xf32>,
        %parallel_loop3A_980 = vector.shape_cast %parallel_loop3A_979 : vector<1x16xf32> to vector<16xf32>
        %parallel_loop3A_981 = arith.index_cast %parallel_loop3A_900 : i32 to index
        %parallel_loop3A_982 = arith.constant 64 : index
        %parallel_loop3A_983 = tpu.vector_load %run_scoped3A_3[%parallel_loop3A_981, %parallel_loop3A_982] {strides = array<i32>} : memref<72x128xf32, #tpu.memory_space<vmem>>, vector<1x16xf32>,
        %parallel_loop3A_984 = vector.shape_cast %parallel_loop3A_983 : vector<1x16xf32> to vector<16xf32>
        %parallel_loop3A_985 = vector.shape_cast %parallel_loop3A_980 : vector<16xf32> to vector<1x16xf32>
        tpu.vector_store %run_scoped3A_3[%parallel_loop3A_981, %parallel_loop3A_982], %parallel_loop3A_985 {add = true, strides = array<i32>} : memref<72x128xf32, #tpu.memory_space<vmem>>, vector<1x16xf32>,
        %parallel_loop3A_986 = arith.index_cast %parallel_loop3A_900 : i32 to index
        %parallel_loop3A_987 = arith.constant 64 : index
        %parallel_loop3A_988 = tpu.vector_load %run_scoped3A_4[%parallel_loop3A_986, %parallel_loop3A_987] {strides = array<i32>} : memref<72x128xf32, #tpu.memory_space<vmem>>, vector<1x16xf32>,
        %parallel_loop3A_989 = vector.shape_cast %parallel_loop3A_988 : vector<1x16xf32> to vector<16xf32>
        %parallel_loop3A_990 = vector.shape_cast %parallel_loop3A_980 : vector<16xf32> to vector<1x16xf32>
        tpu.vector_store %run_scoped3A_4[%parallel_loop3A_986, %parallel_loop3A_987], %parallel_loop3A_990 {add = true, strides = array<i32>} : memref<72x128xf32, #tpu.memory_space<vmem>>, vector<1x16xf32>,
        %parallel_loop3A_991 = arith.index_cast %parallel_loop3A_900 : i32 to index
        %parallel_loop3A_992 = arith.constant 64 : index
        %parallel_loop3A_993 = tpu.vector_load %run_scoped3A_5[%parallel_loop3A_991, %parallel_loop3A_992] {strides = array<i32>} : memref<72x128xf32, #tpu.memory_space<vmem>>, vector<1x16xf32>,
        %parallel_loop3A_994 = vector.shape_cast %parallel_loop3A_993 : vector<1x16xf32> to vector<16xf32>
        %parallel_loop3A_995 = vector.shape_cast %parallel_loop3A_980 : vector<16xf32> to vector<1x16xf32>
        tpu.vector_store %run_scoped3A_5[%parallel_loop3A_991, %parallel_loop3A_992], %parallel_loop3A_995 {add = true, strides = array<i32>} : memref<72x128xf32, #tpu.memory_space<vmem>>, vector<1x16xf32>,
        %parallel_loop3A_996 = arith.index_cast %parallel_loop3A_900 : i32 to index
        %parallel_loop3A_997 = arith.constant 208 : index
        %parallel_loop3A_998 = tpu.vector_load %run_scoped3A[%parallel_loop3A_996, %parallel_loop3A_997] {strides = array<i32>} : memref<72x384xf32, #tpu.memory_space<vmem>>, vector<1x16xf32>,
        %parallel_loop3A_999 = vector.shape_cast %parallel_loop3A_998 : vector<1x16xf32> to vector<16xf32>
        %parallel_loop3A_1000 = arith.index_cast %parallel_loop3A_900 : i32 to index
        %parallel_loop3A_1001 = arith.constant 80 : index
        %parallel_loop3A_1002 = tpu.vector_load %run_scoped3A_3[%parallel_loop3A_1000, %parallel_loop3A_1001] {strides = array<i32>} : memref<72x128xf32, #tpu.memory_space<vmem>>, vector<1x16xf32>,
        %parallel_loop3A_1003 = vector.shape_cast %parallel_loop3A_1002 : vector<1x16xf32> to vector<16xf32>
        %parallel_loop3A_1004 = vector.shape_cast %parallel_loop3A_999 : vector<16xf32> to vector<1x16xf32>
        tpu.vector_store %run_scoped3A_3[%parallel_loop3A_1000, %parallel_loop3A_1001], %parallel_loop3A_1004 {add = true, strides = array<i32>} : memref<72x128xf32, #tpu.memory_space<vmem>>, vector<1x16xf32>,
        %parallel_loop3A_1005 = arith.index_cast %parallel_loop3A_900 : i32 to index
        %parallel_loop3A_1006 = arith.constant 80 : index
        %parallel_loop3A_1007 = tpu.vector_load %run_scoped3A_4[%parallel_loop3A_1005, %parallel_loop3A_1006] {strides = array<i32>} : memref<72x128xf32, #tpu.memory_space<vmem>>, vector<1x16xf32>,
        %parallel_loop3A_1008 = vector.shape_cast %parallel_loop3A_1007 : vector<1x16xf32> to vector<16xf32>
        %parallel_loop3A_1009 = vector.shape_cast %parallel_loop3A_999 : vector<16xf32> to vector<1x16xf32>
        tpu.vector_store %run_scoped3A_4[%parallel_loop3A_1005, %parallel_loop3A_1006], %parallel_loop3A_1009 {add = true, strides = array<i32>} : memref<72x128xf32, #tpu.memory_space<vmem>>, vector<1x16xf32>,
        %parallel_loop3A_1010 = arith.index_cast %parallel_loop3A_900 : i32 to index
        %parallel_loop3A_1011 = arith.constant 80 : index
        %parallel_loop3A_1012 = tpu.vector_load %run_scoped3A_5[%parallel_loop3A_1010, %parallel_loop3A_1011] {strides = array<i32>} : memref<72x128xf32, #tpu.memory_space<vmem>>, vector<1x16xf32>,
        %parallel_loop3A_1013 = vector.shape_cast %parallel_loop3A_1012 : vector<1x16xf32> to vector<16xf32>
        %parallel_loop3A_1014 = vector.shape_cast %parallel_loop3A_999 : vector<16xf32> to vector<1x16xf32>
        tpu.vector_store %run_scoped3A_5[%parallel_loop3A_1010, %parallel_loop3A_1011], %parallel_loop3A_1014 {add = true, strides = array<i32>} : memref<72x128xf32, #tpu.memory_space<vmem>>, vector<1x16xf32>,
        %parallel_loop3A_1015 = arith.index_cast %parallel_loop3A_900 : i32 to index
        %parallel_loop3A_1016 = arith.constant 224 : index
        %parallel_loop3A_1017 = tpu.vector_load %run_scoped3A[%parallel_loop3A_1015, %parallel_loop3A_1016] {strides = array<i32>} : memref<72x384xf32, #tpu.memory_space<vmem>>, vector<1x16xf32>,
        %parallel_loop3A_1018 = vector.shape_cast %parallel_loop3A_1017 : vector<1x16xf32> to vector<16xf32>
        %parallel_loop3A_1019 = arith.index_cast %parallel_loop3A_900 : i32 to index
        %parallel_loop3A_1020 = arith.constant 96 : index
        %parallel_loop3A_1021 = tpu.vector_load %run_scoped3A_3[%parallel_loop3A_1019, %parallel_loop3A_1020] {strides = array<i32>} : memref<72x128xf32, #tpu.memory_space<vmem>>, vector<1x16xf32>,
        %parallel_loop3A_1022 = vector.shape_cast %parallel_loop3A_1021 : vector<1x16xf32> to vector<16xf32>
        %parallel_loop3A_1023 = vector.shape_cast %parallel_loop3A_1018 : vector<16xf32> to vector<1x16xf32>
        tpu.vector_store %run_scoped3A_3[%parallel_loop3A_1019, %parallel_loop3A_1020], %parallel_loop3A_1023 {add = true, strides = array<i32>} : memref<72x128xf32, #tpu.memory_space<vmem>>, vector<1x16xf32>,
        %parallel_loop3A_1024 = arith.index_cast %parallel_loop3A_900 : i32 to index
        %parallel_loop3A_1025 = arith.constant 96 : index
        %parallel_loop3A_1026 = tpu.vector_load %run_scoped3A_4[%parallel_loop3A_1024, %parallel_loop3A_1025] {strides = array<i32>} : memref<72x128xf32, #tpu.memory_space<vmem>>, vector<1x16xf32>,
        %parallel_loop3A_1027 = vector.shape_cast %parallel_loop3A_1026 : vector<1x16xf32> to vector<16xf32>
        %parallel_loop3A_1028 = vector.shape_cast %parallel_loop3A_1018 : vector<16xf32> to vector<1x16xf32>
        tpu.vector_store %run_scoped3A_4[%parallel_loop3A_1024, %parallel_loop3A_1025], %parallel_loop3A_1028 {add = true, strides = array<i32>} : memref<72x128xf32, #tpu.memory_space<vmem>>, vector<1x16xf32>,
        %parallel_loop3A_1029 = arith.index_cast %parallel_loop3A_900 : i32 to index
        %parallel_loop3A_1030 = arith.constant 96 : index
        %parallel_loop3A_1031 = tpu.vector_load %run_scoped3A_5[%parallel_loop3A_1029, %parallel_loop3A_1030] {strides = array<i32>} : memref<72x128xf32, #tpu.memory_space<vmem>>, vector<1x16xf32>,
        %parallel_loop3A_1032 = vector.shape_cast %parallel_loop3A_1031 : vector<1x16xf32> to vector<16xf32>
        %parallel_loop3A_1033 = vector.shape_cast %parallel_loop3A_1018 : vector<16xf32> to vector<1x16xf32>
        tpu.vector_store %run_scoped3A_5[%parallel_loop3A_1029, %parallel_loop3A_1030], %parallel_loop3A_1033 {add = true, strides = array<i32>} : memref<72x128xf32, #tpu.memory_space<vmem>>, vector<1x16xf32>,
        %parallel_loop3A_1034 = arith.index_cast %parallel_loop3A_900 : i32 to index
        %parallel_loop3A_1035 = arith.constant 240 : index
        %parallel_loop3A_1036 = tpu.vector_load %run_scoped3A[%parallel_loop3A_1034, %parallel_loop3A_1035] {strides = array<i32>} : memref<72x384xf32, #tpu.memory_space<vmem>>, vector<1x16xf32>,
        %parallel_loop3A_1037 = vector.shape_cast %parallel_loop3A_1036 : vector<1x16xf32> to vector<16xf32>
        %parallel_loop3A_1038 = arith.index_cast %parallel_loop3A_900 : i32 to index
        %parallel_loop3A_1039 = arith.constant 112 : index
        %parallel_loop3A_1040 = tpu.vector_load %run_scoped3A_3[%parallel_loop3A_1038, %parallel_loop3A_1039] {strides = array<i32>} : memref<72x128xf32, #tpu.memory_space<vmem>>, vector<1x16xf32>,
        %parallel_loop3A_1041 = vector.shape_cast %parallel_loop3A_1040 : vector<1x16xf32> to vector<16xf32>
        %parallel_loop3A_1042 = vector.shape_cast %parallel_loop3A_1037 : vector<16xf32> to vector<1x16xf32>
        tpu.vector_store %run_scoped3A_3[%parallel_loop3A_1038, %parallel_loop3A_1039], %parallel_loop3A_1042 {add = true, strides = array<i32>} : memref<72x128xf32, #tpu.memory_space<vmem>>, vector<1x16xf32>,
        %parallel_loop3A_1043 = arith.index_cast %parallel_loop3A_900 : i32 to index
        %parallel_loop3A_1044 = arith.constant 112 : index
        %parallel_loop3A_1045 = tpu.vector_load %run_scoped3A_4[%parallel_loop3A_1043, %parallel_loop3A_1044] {strides = array<i32>} : memref<72x128xf32, #tpu.memory_space<vmem>>, vector<1x16xf32>,
        %parallel_loop3A_1046 = vector.shape_cast %parallel_loop3A_1045 : vector<1x16xf32> to vector<16xf32>
        %parallel_loop3A_1047 = vector.shape_cast %parallel_loop3A_1037 : vector<16xf32> to vector<1x16xf32>
        tpu.vector_store %run_scoped3A_4[%parallel_loop3A_1043, %parallel_loop3A_1044], %parallel_loop3A_1047 {add = true, strides = array<i32>} : memref<72x128xf32, #tpu.memory_space<vmem>>, vector<1x16xf32>,
        %parallel_loop3A_1048 = arith.index_cast %parallel_loop3A_900 : i32 to index
        %parallel_loop3A_1049 = arith.constant 112 : index
        %parallel_loop3A_1050 = tpu.vector_load %run_scoped3A_5[%parallel_loop3A_1048, %parallel_loop3A_1049] {strides = array<i32>} : memref<72x128xf32, #tpu.memory_space<vmem>>, vector<1x16xf32>,
        %parallel_loop3A_1051 = vector.shape_cast %parallel_loop3A_1050 : vector<1x16xf32> to vector<16xf32>
        %parallel_loop3A_1052 = vector.shape_cast %parallel_loop3A_1037 : vector<16xf32> to vector<1x16xf32>
        tpu.vector_store %run_scoped3A_5[%parallel_loop3A_1048, %parallel_loop3A_1049], %parallel_loop3A_1052 {add = true, strides = array<i32>} : memref<72x128xf32, #tpu.memory_space<vmem>>, vector<1x16xf32>,
      } {sc.loop_unroll_factor = 2 : i64, sc.parallel_access}
      %add3A_528 = arith.constant 12 : i32
      %add3A_529 = arith.addi %select_n3A_57, %add3A_528 : i32
      %dma_start3A_530 = arith.constant 128 : i32
      %dma_start3A_531 = tpu.memref_slice %arg4[%add3A_529, %mul3A_59, %dma_start3A_530] : memref<32x576x384xf32, #tpu.memory_space<hbm>> -> memref<1x72x128xf32, #tpu.memory_space<hbm>>
      %dma_start3A_532 = tpu.memref_squeeze %dma_start3A_531 : memref<1x72x128xf32, #tpu.memory_space<hbm>> -> memref<72x128xf32, #tpu.memory_space<hbm>>
      %dma_start3A_533 = arith.constant 128 : i32
      %dma_start3A_534 = tpu.memref_slice %arg4[%add3A_529, %mul3A_59, %dma_start3A_533] : memref<32x576x384xf32, #tpu.memory_space<hbm>> -> memref<1x72x128xf32, #tpu.memory_space<hbm>>
      %dma_start3A_535 = tpu.memref_squeeze %dma_start3A_534 : memref<1x72x128xf32, #tpu.memory_space<hbm>> -> memref<72x128xf32, #tpu.memory_space<hbm>>
      tpu.enqueue_dma source(%run_scoped3A_3 : memref<72x128xf32, #tpu.memory_space<vmem>>) target(%dma_start3A_535 : memref<72x128xf32, #tpu.memory_space<hbm>>) target_semaphore(%run_scoped3A_21 : memref<!tpu.dma_semaphore, #tpu.memory_space<semaphore_mem>>)
      %add3A_536 = arith.constant 16 : i32
      %add3A_537 = arith.addi %select_n3A_57, %add3A_536 : i32
      %dma_start3A_538 = arith.constant 128 : i32
      %dma_start3A_539 = tpu.memref_slice %arg4[%add3A_537, %mul3A_59, %dma_start3A_538] : memref<32x576x384xf32, #tpu.memory_space<hbm>> -> memref<1x72x128xf32, #tpu.memory_space<hbm>>
      %dma_start3A_540 = tpu.memref_squeeze %dma_start3A_539 : memref<1x72x128xf32, #tpu.memory_space<hbm>> -> memref<72x128xf32, #tpu.memory_space<hbm>>
      %dma_start3A_541 = arith.constant 128 : i32
      %dma_start3A_542 = tpu.memref_slice %arg4[%add3A_537, %mul3A_59, %dma_start3A_541] : memref<32x576x384xf32, #tpu.memory_space<hbm>> -> memref<1x72x128xf32, #tpu.memory_space<hbm>>
      %dma_start3A_543 = tpu.memref_squeeze %dma_start3A_542 : memref<1x72x128xf32, #tpu.memory_space<hbm>> -> memref<72x128xf32, #tpu.memory_space<hbm>>
      tpu.enqueue_dma source(%run_scoped3A_4 : memref<72x128xf32, #tpu.memory_space<vmem>>) target(%dma_start3A_543 : memref<72x128xf32, #tpu.memory_space<hbm>>) target_semaphore(%run_scoped3A_22 : memref<!tpu.dma_semaphore, #tpu.memory_space<semaphore_mem>>)
      %add3A_544 = arith.constant 20 : i32
      %add3A_545 = arith.addi %select_n3A_57, %add3A_544 : i32
      %dma_start3A_546 = arith.constant 128 : i32
      %dma_start3A_547 = tpu.memref_slice %arg4[%add3A_545, %mul3A_59, %dma_start3A_546] : memref<32x576x384xf32, #tpu.memory_space<hbm>> -> memref<1x72x128xf32, #tpu.memory_space<hbm>>
      %dma_start3A_548 = tpu.memref_squeeze %dma_start3A_547 : memref<1x72x128xf32, #tpu.memory_space<hbm>> -> memref<72x128xf32, #tpu.memory_space<hbm>>
      %dma_start3A_549 = arith.constant 128 : i32
      %dma_start3A_550 = tpu.memref_slice %arg4[%add3A_545, %mul3A_59, %dma_start3A_549] : memref<32x576x384xf32, #tpu.memory_space<hbm>> -> memref<1x72x128xf32, #tpu.memory_space<hbm>>
      %dma_start3A_551 = tpu.memref_squeeze %dma_start3A_550 : memref<1x72x128xf32, #tpu.memory_space<hbm>> -> memref<72x128xf32, #tpu.memory_space<hbm>>
      tpu.enqueue_dma source(%run_scoped3A_5 : memref<72x128xf32, #tpu.memory_space<vmem>>) target(%dma_start3A_551 : memref<72x128xf32, #tpu.memory_space<hbm>>) target_semaphore(%run_scoped3A_23 : memref<!tpu.dma_semaphore, #tpu.memory_space<semaphore_mem>>)
      %dma_wait3A_552 = arith.constant 0 : i32
      %dma_wait3A_553 = arith.constant 0 : i32
      %dma_wait3A_554 = arith.constant 0 : i32
      %dma_wait3A_555 = tpu.memref_slice %arg4[%dma_wait3A_552, %dma_wait3A_553, %dma_wait3A_554] : memref<32x576x384xf32, #tpu.memory_space<hbm>> -> memref<1x72x128xf32, #tpu.memory_space<hbm>>
      %dma_wait3A_556 = tpu.memref_squeeze %dma_wait3A_555 : memref<1x72x128xf32, #tpu.memory_space<hbm>> -> memref<72x128xf32, #tpu.memory_space<hbm>>
      %dma_wait3A_557 = arith.constant 0 : i32
      %dma_wait3A_558 = arith.constant 0 : i32
      %dma_wait3A_559 = tpu.memref_slice %arg4[%dma_wait3A_552, %dma_wait3A_557, %dma_wait3A_558] : memref<32x576x384xf32, #tpu.memory_space<hbm>> -> memref<1x72x128xf32, #tpu.memory_space<hbm>>
      %dma_wait3A_560 = tpu.memref_squeeze %dma_wait3A_559 : memref<1x72x128xf32, #tpu.memory_space<hbm>> -> memref<72x128xf32, #tpu.memory_space<hbm>>
      tpu.wait_dma2 semaphore(%run_scoped3A_18 : memref<!tpu.dma_semaphore, #tpu.memory_space<semaphore_mem>>) src(%run_scoped3A_0 : memref<72x128xf32, #tpu.memory_space<vmem>>) dst(%dma_wait3A_560 : memref<72x128xf32, #tpu.memory_space<hbm>>)
      %dma_wait3A_561 = arith.constant 0 : i32
      %dma_wait3A_562 = arith.constant 0 : i32
      %dma_wait3A_563 = arith.constant 0 : i32
      %dma_wait3A_564 = tpu.memref_slice %arg4[%dma_wait3A_561, %dma_wait3A_562, %dma_wait3A_563] : memref<32x576x384xf32, #tpu.memory_space<hbm>> -> memref<1x72x128xf32, #tpu.memory_space<hbm>>
      %dma_wait3A_565 = tpu.memref_squeeze %dma_wait3A_564 : memref<1x72x128xf32, #tpu.memory_space<hbm>> -> memref<72x128xf32, #tpu.memory_space<hbm>>
      %dma_wait3A_566 = arith.constant 0 : i32
      %dma_wait3A_567 = arith.constant 0 : i32
      %dma_wait3A_568 = tpu.memref_slice %arg4[%dma_wait3A_561, %dma_wait3A_566, %dma_wait3A_567] : memref<32x576x384xf32, #tpu.memory_space<hbm>> -> memref<1x72x128xf32, #tpu.memory_space<hbm>>
      %dma_wait3A_569 = tpu.memref_squeeze %dma_wait3A_568 : memref<1x72x128xf32, #tpu.memory_space<hbm>> -> memref<72x128xf32, #tpu.memory_space<hbm>>
      tpu.wait_dma2 semaphore(%run_scoped3A_19 : memref<!tpu.dma_semaphore, #tpu.memory_space<semaphore_mem>>) src(%run_scoped3A_1 : memref<72x128xf32, #tpu.memory_space<vmem>>) dst(%dma_wait3A_569 : memref<72x128xf32, #tpu.memory_space<hbm>>)
      %dma_wait3A_570 = arith.constant 0 : i32
      %dma_wait3A_571 = arith.constant 0 : i32
      %dma_wait3A_572 = arith.constant 0 : i32
      %dma_wait3A_573 = tpu.memref_slice %arg4[%dma_wait3A_570, %dma_wait3A_571, %dma_wait3A_572] : memref<32x576x384xf32, #tpu.memory_space<hbm>> -> memref<1x72x128xf32, #tpu.memory_space<hbm>>
      %dma_wait3A_574 = tpu.memref_squeeze %dma_wait3A_573 : memref<1x72x128xf32, #tpu.memory_space<hbm>> -> memref<72x128xf32, #tpu.memory_space<hbm>>
      %dma_wait3A_575 = arith.constant 0 : i32
      %dma_wait3A_576 = arith.constant 0 : i32
      %dma_wait3A_577 = tpu.memref_slice %arg4[%dma_wait3A_570, %dma_wait3A_575, %dma_wait3A_576] : memref<32x576x384xf32, #tpu.memory_space<hbm>> -> memref<1x72x128xf32, #tpu.memory_space<hbm>>
      %dma_wait3A_578 = tpu.memref_squeeze %dma_wait3A_577 : memref<1x72x128xf32, #tpu.memory_space<hbm>> -> memref<72x128xf32, #tpu.memory_space<hbm>>
      tpu.wait_dma2 semaphore(%run_scoped3A_20 : memref<!tpu.dma_semaphore, #tpu.memory_space<semaphore_mem>>) src(%run_scoped3A_2 : memref<72x128xf32, #tpu.memory_space<vmem>>) dst(%dma_wait3A_578 : memref<72x128xf32, #tpu.memory_space<hbm>>)
      %add3A_579 = arith.constant 24 : i32
      %add3A_580 = arith.addi %select_n3A_57, %add3A_579 : i32
      %dma_start3A_581 = arith.constant 0 : i32
      %dma_start3A_582 = tpu.memref_slice %arg2[%add3A_580, %mul3A_59, %dma_start3A_581] : memref<32x576x384xf32, #tpu.memory_space<hbm>> -> memref<1x72x128xf32, #tpu.memory_space<hbm>>
      %dma_start3A_583 = tpu.memref_squeeze %dma_start3A_582 : memref<1x72x128xf32, #tpu.memory_space<hbm>> -> memref<72x128xf32, #tpu.memory_space<hbm>>
      %dma_start3A_584 = arith.constant 0 : i32
      %dma_start3A_585 = tpu.memref_slice %arg2[%add3A_580, %mul3A_59, %dma_start3A_584] : memref<32x576x384xf32, #tpu.memory_space<hbm>> -> memref<1x72x128xf32, #tpu.memory_space<hbm>>
      %dma_start3A_586 = tpu.memref_squeeze %dma_start3A_585 : memref<1x72x128xf32, #tpu.memory_space<hbm>> -> memref<72x128xf32, #tpu.memory_space<hbm>>
      tpu.enqueue_dma source(%dma_start3A_586 : memref<72x128xf32, #tpu.memory_space<hbm>>) target(%run_scoped3A_0 : memref<72x128xf32, #tpu.memory_space<vmem>>) target_semaphore(%run_scoped3A_9 : memref<!tpu.dma_semaphore, #tpu.memory_space<semaphore_mem>>)
      %add3A_587 = arith.constant 28 : i32
      %add3A_588 = arith.addi %select_n3A_57, %add3A_587 : i32
      %dma_start3A_589 = arith.constant 0 : i32
      %dma_start3A_590 = tpu.memref_slice %arg2[%add3A_588, %mul3A_59, %dma_start3A_589] : memref<32x576x384xf32, #tpu.memory_space<hbm>> -> memref<1x72x128xf32, #tpu.memory_space<hbm>>
      %dma_start3A_591 = tpu.memref_squeeze %dma_start3A_590 : memref<1x72x128xf32, #tpu.memory_space<hbm>> -> memref<72x128xf32, #tpu.memory_space<hbm>>
      %dma_start3A_592 = arith.constant 0 : i32
      %dma_start3A_593 = tpu.memref_slice %arg2[%add3A_588, %mul3A_59, %dma_start3A_592] : memref<32x576x384xf32, #tpu.memory_space<hbm>> -> memref<1x72x128xf32, #tpu.memory_space<hbm>>
      %dma_start3A_594 = tpu.memref_squeeze %dma_start3A_593 : memref<1x72x128xf32, #tpu.memory_space<hbm>> -> memref<72x128xf32, #tpu.memory_space<hbm>>
      tpu.enqueue_dma source(%dma_start3A_594 : memref<72x128xf32, #tpu.memory_space<hbm>>) target(%run_scoped3A_1 : memref<72x128xf32, #tpu.memory_space<vmem>>) target_semaphore(%run_scoped3A_10 : memref<!tpu.dma_semaphore, #tpu.memory_space<semaphore_mem>>)
      %dma_wait3A_595 = arith.constant 0 : i32
      %dma_wait3A_596 = arith.constant 0 : i32
      %dma_wait3A_597 = arith.constant 0 : i32
      %dma_wait3A_598 = tpu.memref_slice %arg2[%dma_wait3A_595, %dma_wait3A_596, %dma_wait3A_597] : memref<32x576x384xf32, #tpu.memory_space<hbm>> -> memref<1x72x128xf32, #tpu.memory_space<hbm>>
      %dma_wait3A_599 = tpu.memref_squeeze %dma_wait3A_598 : memref<1x72x128xf32, #tpu.memory_space<hbm>> -> memref<72x128xf32, #tpu.memory_space<hbm>>
      %dma_wait3A_600 = arith.constant 0 : i32
      %dma_wait3A_601 = arith.constant 0 : i32
      %dma_wait3A_602 = tpu.memref_slice %arg2[%dma_wait3A_595, %dma_wait3A_600, %dma_wait3A_601] : memref<32x576x384xf32, #tpu.memory_space<hbm>> -> memref<1x72x128xf32, #tpu.memory_space<hbm>>
      %dma_wait3A_603 = tpu.memref_squeeze %dma_wait3A_602 : memref<1x72x128xf32, #tpu.memory_space<hbm>> -> memref<72x128xf32, #tpu.memory_space<hbm>>
      tpu.wait_dma2 semaphore(%run_scoped3A_15 : memref<!tpu.dma_semaphore, #tpu.memory_space<semaphore_mem>>) src(%dma_wait3A_603 : memref<72x128xf32, #tpu.memory_space<hbm>>) dst(%run_scoped3A_6 : memref<72x128xf32, #tpu.memory_space<vmem>>)
      %dma_wait3A_604 = arith.constant 0 : i32
      %dma_wait3A_605 = arith.constant 0 : i32
      %dma_wait3A_606 = arith.constant 0 : i32
      %dma_wait3A_607 = tpu.memref_slice %arg2[%dma_wait3A_604, %dma_wait3A_605, %dma_wait3A_606] : memref<32x576x384xf32, #tpu.memory_space<hbm>> -> memref<1x72x128xf32, #tpu.memory_space<hbm>>
      %dma_wait3A_608 = tpu.memref_squeeze %dma_wait3A_607 : memref<1x72x128xf32, #tpu.memory_space<hbm>> -> memref<72x128xf32, #tpu.memory_space<hbm>>
      %dma_wait3A_609 = arith.constant 0 : i32
      %dma_wait3A_610 = arith.constant 0 : i32
      %dma_wait3A_611 = tpu.memref_slice %arg2[%dma_wait3A_604, %dma_wait3A_609, %dma_wait3A_610] : memref<32x576x384xf32, #tpu.memory_space<hbm>> -> memref<1x72x128xf32, #tpu.memory_space<hbm>>
      %dma_wait3A_612 = tpu.memref_squeeze %dma_wait3A_611 : memref<1x72x128xf32, #tpu.memory_space<hbm>> -> memref<72x128xf32, #tpu.memory_space<hbm>>
      tpu.wait_dma2 semaphore(%run_scoped3A_16 : memref<!tpu.dma_semaphore, #tpu.memory_space<semaphore_mem>>) src(%dma_wait3A_612 : memref<72x128xf32, #tpu.memory_space<hbm>>) dst(%run_scoped3A_7 : memref<72x128xf32, #tpu.memory_space<vmem>>)
      %dma_wait3A_613 = arith.constant 0 : i32
      %dma_wait3A_614 = arith.constant 0 : i32
      %dma_wait3A_615 = arith.constant 0 : i32
      %dma_wait3A_616 = tpu.memref_slice %arg2[%dma_wait3A_613, %dma_wait3A_614, %dma_wait3A_615] : memref<32x576x384xf32, #tpu.memory_space<hbm>> -> memref<1x72x128xf32, #tpu.memory_space<hbm>>
      %dma_wait3A_617 = tpu.memref_squeeze %dma_wait3A_616 : memref<1x72x128xf32, #tpu.memory_space<hbm>> -> memref<72x128xf32, #tpu.memory_space<hbm>>
      %dma_wait3A_618 = arith.constant 0 : i32
      %dma_wait3A_619 = arith.constant 0 : i32
      %dma_wait3A_620 = tpu.memref_slice %arg2[%dma_wait3A_613, %dma_wait3A_618, %dma_wait3A_619] : memref<32x576x384xf32, #tpu.memory_space<hbm>> -> memref<1x72x128xf32, #tpu.memory_space<hbm>>
      %dma_wait3A_621 = tpu.memref_squeeze %dma_wait3A_620 : memref<1x72x128xf32, #tpu.memory_space<hbm>> -> memref<72x128xf32, #tpu.memory_space<hbm>>
      tpu.wait_dma2 semaphore(%run_scoped3A_17 : memref<!tpu.dma_semaphore, #tpu.memory_space<semaphore_mem>>) src(%dma_wait3A_621 : memref<72x128xf32, #tpu.memory_space<hbm>>) dst(%run_scoped3A_8 : memref<72x128xf32, #tpu.memory_space<vmem>>)
      %parallel_loop3A_622 = arith.constant 0 : i32
      %parallel_loop3A_623 = arith.constant 72 : i32
      %parallel_loop3A_624 = arith.constant 1 : i32
      scf.for %parallel_loop3A_900 = %parallel_loop3A_622 to %parallel_loop3A_623 step %parallel_loop3A_624  : i32 {
        %parallel_loop3A_901 = arith.index_cast %parallel_loop3A_900 : i32 to index
        %parallel_loop3A_902 = arith.constant 256 : index
        %parallel_loop3A_903 = tpu.vector_load %run_scoped3A[%parallel_loop3A_901, %parallel_loop3A_902] {strides = array<i32>} : memref<72x384xf32, #tpu.memory_space<vmem>>, vector<1x16xf32>,
        %parallel_loop3A_904 = vector.shape_cast %parallel_loop3A_903 : vector<1x16xf32> to vector<16xf32>
        %parallel_loop3A_905 = arith.index_cast %parallel_loop3A_900 : i32 to index
        %parallel_loop3A_906 = arith.constant 0 : index
        %parallel_loop3A_907 = tpu.vector_load %run_scoped3A_6[%parallel_loop3A_905, %parallel_loop3A_906] {strides = array<i32>} : memref<72x128xf32, #tpu.memory_space<vmem>>, vector<1x16xf32>,
        %parallel_loop3A_908 = vector.shape_cast %parallel_loop3A_907 : vector<1x16xf32> to vector<16xf32>
        %parallel_loop3A_909 = vector.shape_cast %parallel_loop3A_904 : vector<16xf32> to vector<1x16xf32>
        tpu.vector_store %run_scoped3A_6[%parallel_loop3A_905, %parallel_loop3A_906], %parallel_loop3A_909 {add = true, strides = array<i32>} : memref<72x128xf32, #tpu.memory_space<vmem>>, vector<1x16xf32>,
        %parallel_loop3A_910 = arith.index_cast %parallel_loop3A_900 : i32 to index
        %parallel_loop3A_911 = arith.constant 0 : index
        %parallel_loop3A_912 = tpu.vector_load %run_scoped3A_7[%parallel_loop3A_910, %parallel_loop3A_911] {strides = array<i32>} : memref<72x128xf32, #tpu.memory_space<vmem>>, vector<1x16xf32>,
        %parallel_loop3A_913 = vector.shape_cast %parallel_loop3A_912 : vector<1x16xf32> to vector<16xf32>
        %parallel_loop3A_914 = vector.shape_cast %parallel_loop3A_904 : vector<16xf32> to vector<1x16xf32>
        tpu.vector_store %run_scoped3A_7[%parallel_loop3A_910, %parallel_loop3A_911], %parallel_loop3A_914 {add = true, strides = array<i32>} : memref<72x128xf32, #tpu.memory_space<vmem>>, vector<1x16xf32>,
        %parallel_loop3A_915 = arith.index_cast %parallel_loop3A_900 : i32 to index
        %parallel_loop3A_916 = arith.constant 0 : index
        %parallel_loop3A_917 = tpu.vector_load %run_scoped3A_8[%parallel_loop3A_915, %parallel_loop3A_916] {strides = array<i32>} : memref<72x128xf32, #tpu.memory_space<vmem>>, vector<1x16xf32>,
        %parallel_loop3A_918 = vector.shape_cast %parallel_loop3A_917 : vector<1x16xf32> to vector<16xf32>
        %parallel_loop3A_919 = vector.shape_cast %parallel_loop3A_904 : vector<16xf32> to vector<1x16xf32>
        tpu.vector_store %run_scoped3A_8[%parallel_loop3A_915, %parallel_loop3A_916], %parallel_loop3A_919 {add = true, strides = array<i32>} : memref<72x128xf32, #tpu.memory_space<vmem>>, vector<1x16xf32>,
        %parallel_loop3A_920 = arith.index_cast %parallel_loop3A_900 : i32 to index
        %parallel_loop3A_921 = arith.constant 272 : index
        %parallel_loop3A_922 = tpu.vector_load %run_scoped3A[%parallel_loop3A_920, %parallel_loop3A_921] {strides = array<i32>} : memref<72x384xf32, #tpu.memory_space<vmem>>, vector<1x16xf32>,
        %parallel_loop3A_923 = vector.shape_cast %parallel_loop3A_922 : vector<1x16xf32> to vector<16xf32>
        %parallel_loop3A_924 = arith.index_cast %parallel_loop3A_900 : i32 to index
        %parallel_loop3A_925 = arith.constant 16 : index
        %parallel_loop3A_926 = tpu.vector_load %run_scoped3A_6[%parallel_loop3A_924, %parallel_loop3A_925] {strides = array<i32>} : memref<72x128xf32, #tpu.memory_space<vmem>>, vector<1x16xf32>,
        %parallel_loop3A_927 = vector.shape_cast %parallel_loop3A_926 : vector<1x16xf32> to vector<16xf32>
        %parallel_loop3A_928 = vector.shape_cast %parallel_loop3A_923 : vector<16xf32> to vector<1x16xf32>
        tpu.vector_store %run_scoped3A_6[%parallel_loop3A_924, %parallel_loop3A_925], %parallel_loop3A_928 {add = true, strides = array<i32>} : memref<72x128xf32, #tpu.memory_space<vmem>>, vector<1x16xf32>,
        %parallel_loop3A_929 = arith.index_cast %parallel_loop3A_900 : i32 to index
        %parallel_loop3A_930 = arith.constant 16 : index
        %parallel_loop3A_931 = tpu.vector_load %run_scoped3A_7[%parallel_loop3A_929, %parallel_loop3A_930] {strides = array<i32>} : memref<72x128xf32, #tpu.memory_space<vmem>>, vector<1x16xf32>,
        %parallel_loop3A_932 = vector.shape_cast %parallel_loop3A_931 : vector<1x16xf32> to vector<16xf32>
        %parallel_loop3A_933 = vector.shape_cast %parallel_loop3A_923 : vector<16xf32> to vector<1x16xf32>
        tpu.vector_store %run_scoped3A_7[%parallel_loop3A_929, %parallel_loop3A_930], %parallel_loop3A_933 {add = true, strides = array<i32>} : memref<72x128xf32, #tpu.memory_space<vmem>>, vector<1x16xf32>,
        %parallel_loop3A_934 = arith.index_cast %parallel_loop3A_900 : i32 to index
        %parallel_loop3A_935 = arith.constant 16 : index
        %parallel_loop3A_936 = tpu.vector_load %run_scoped3A_8[%parallel_loop3A_934, %parallel_loop3A_935] {strides = array<i32>} : memref<72x128xf32, #tpu.memory_space<vmem>>, vector<1x16xf32>,
        %parallel_loop3A_937 = vector.shape_cast %parallel_loop3A_936 : vector<1x16xf32> to vector<16xf32>
        %parallel_loop3A_938 = vector.shape_cast %parallel_loop3A_923 : vector<16xf32> to vector<1x16xf32>
        tpu.vector_store %run_scoped3A_8[%parallel_loop3A_934, %parallel_loop3A_935], %parallel_loop3A_938 {add = true, strides = array<i32>} : memref<72x128xf32, #tpu.memory_space<vmem>>, vector<1x16xf32>,
        %parallel_loop3A_939 = arith.index_cast %parallel_loop3A_900 : i32 to index
        %parallel_loop3A_940 = arith.constant 288 : index
        %parallel_loop3A_941 = tpu.vector_load %run_scoped3A[%parallel_loop3A_939, %parallel_loop3A_940] {strides = array<i32>} : memref<72x384xf32, #tpu.memory_space<vmem>>, vector<1x16xf32>,
        %parallel_loop3A_942 = vector.shape_cast %parallel_loop3A_941 : vector<1x16xf32> to vector<16xf32>
        %parallel_loop3A_943 = arith.index_cast %parallel_loop3A_900 : i32 to index
        %parallel_loop3A_944 = arith.constant 32 : index
        %parallel_loop3A_945 = tpu.vector_load %run_scoped3A_6[%parallel_loop3A_943, %parallel_loop3A_944] {strides = array<i32>} : memref<72x128xf32, #tpu.memory_space<vmem>>, vector<1x16xf32>,
        %parallel_loop3A_946 = vector.shape_cast %parallel_loop3A_945 : vector<1x16xf32> to vector<16xf32>
        %parallel_loop3A_947 = vector.shape_cast %parallel_loop3A_942 : vector<16xf32> to vector<1x16xf32>
        tpu.vector_store %run_scoped3A_6[%parallel_loop3A_943, %parallel_loop3A_944], %parallel_loop3A_947 {add = true, strides = array<i32>} : memref<72x128xf32, #tpu.memory_space<vmem>>, vector<1x16xf32>,
        %parallel_loop3A_948 = arith.index_cast %parallel_loop3A_900 : i32 to index
        %parallel_loop3A_949 = arith.constant 32 : index
        %parallel_loop3A_950 = tpu.vector_load %run_scoped3A_7[%parallel_loop3A_948, %parallel_loop3A_949] {strides = array<i32>} : memref<72x128xf32, #tpu.memory_space<vmem>>, vector<1x16xf32>,
        %parallel_loop3A_951 = vector.shape_cast %parallel_loop3A_950 : vector<1x16xf32> to vector<16xf32>
        %parallel_loop3A_952 = vector.shape_cast %parallel_loop3A_942 : vector<16xf32> to vector<1x16xf32>
        tpu.vector_store %run_scoped3A_7[%parallel_loop3A_948, %parallel_loop3A_949], %parallel_loop3A_952 {add = true, strides = array<i32>} : memref<72x128xf32, #tpu.memory_space<vmem>>, vector<1x16xf32>,
        %parallel_loop3A_953 = arith.index_cast %parallel_loop3A_900 : i32 to index
        %parallel_loop3A_954 = arith.constant 32 : index
        %parallel_loop3A_955 = tpu.vector_load %run_scoped3A_8[%parallel_loop3A_953, %parallel_loop3A_954] {strides = array<i32>} : memref<72x128xf32, #tpu.memory_space<vmem>>, vector<1x16xf32>,
        %parallel_loop3A_956 = vector.shape_cast %parallel_loop3A_955 : vector<1x16xf32> to vector<16xf32>
        %parallel_loop3A_957 = vector.shape_cast %parallel_loop3A_942 : vector<16xf32> to vector<1x16xf32>
        tpu.vector_store %run_scoped3A_8[%parallel_loop3A_953, %parallel_loop3A_954], %parallel_loop3A_957 {add = true, strides = array<i32>} : memref<72x128xf32, #tpu.memory_space<vmem>>, vector<1x16xf32>,
        %parallel_loop3A_958 = arith.index_cast %parallel_loop3A_900 : i32 to index
        %parallel_loop3A_959 = arith.constant 304 : index
        %parallel_loop3A_960 = tpu.vector_load %run_scoped3A[%parallel_loop3A_958, %parallel_loop3A_959] {strides = array<i32>} : memref<72x384xf32, #tpu.memory_space<vmem>>, vector<1x16xf32>,
        %parallel_loop3A_961 = vector.shape_cast %parallel_loop3A_960 : vector<1x16xf32> to vector<16xf32>
        %parallel_loop3A_962 = arith.index_cast %parallel_loop3A_900 : i32 to index
        %parallel_loop3A_963 = arith.constant 48 : index
        %parallel_loop3A_964 = tpu.vector_load %run_scoped3A_6[%parallel_loop3A_962, %parallel_loop3A_963] {strides = array<i32>} : memref<72x128xf32, #tpu.memory_space<vmem>>, vector<1x16xf32>,
        %parallel_loop3A_965 = vector.shape_cast %parallel_loop3A_964 : vector<1x16xf32> to vector<16xf32>
        %parallel_loop3A_966 = vector.shape_cast %parallel_loop3A_961 : vector<16xf32> to vector<1x16xf32>
        tpu.vector_store %run_scoped3A_6[%parallel_loop3A_962, %parallel_loop3A_963], %parallel_loop3A_966 {add = true, strides = array<i32>} : memref<72x128xf32, #tpu.memory_space<vmem>>, vector<1x16xf32>,
        %parallel_loop3A_967 = arith.index_cast %parallel_loop3A_900 : i32 to index
        %parallel_loop3A_968 = arith.constant 48 : index
        %parallel_loop3A_969 = tpu.vector_load %run_scoped3A_7[%parallel_loop3A_967, %parallel_loop3A_968] {strides = array<i32>} : memref<72x128xf32, #tpu.memory_space<vmem>>, vector<1x16xf32>,
        %parallel_loop3A_970 = vector.shape_cast %parallel_loop3A_969 : vector<1x16xf32> to vector<16xf32>
        %parallel_loop3A_971 = vector.shape_cast %parallel_loop3A_961 : vector<16xf32> to vector<1x16xf32>
        tpu.vector_store %run_scoped3A_7[%parallel_loop3A_967, %parallel_loop3A_968], %parallel_loop3A_971 {add = true, strides = array<i32>} : memref<72x128xf32, #tpu.memory_space<vmem>>, vector<1x16xf32>,
        %parallel_loop3A_972 = arith.index_cast %parallel_loop3A_900 : i32 to index
        %parallel_loop3A_973 = arith.constant 48 : index
        %parallel_loop3A_974 = tpu.vector_load %run_scoped3A_8[%parallel_loop3A_972, %parallel_loop3A_973] {strides = array<i32>} : memref<72x128xf32, #tpu.memory_space<vmem>>, vector<1x16xf32>,
        %parallel_loop3A_975 = vector.shape_cast %parallel_loop3A_974 : vector<1x16xf32> to vector<16xf32>
        %parallel_loop3A_976 = vector.shape_cast %parallel_loop3A_961 : vector<16xf32> to vector<1x16xf32>
        tpu.vector_store %run_scoped3A_8[%parallel_loop3A_972, %parallel_loop3A_973], %parallel_loop3A_976 {add = true, strides = array<i32>} : memref<72x128xf32, #tpu.memory_space<vmem>>, vector<1x16xf32>,
        %parallel_loop3A_977 = arith.index_cast %parallel_loop3A_900 : i32 to index
        %parallel_loop3A_978 = arith.constant 320 : index
        %parallel_loop3A_979 = tpu.vector_load %run_scoped3A[%parallel_loop3A_977, %parallel_loop3A_978] {strides = array<i32>} : memref<72x384xf32, #tpu.memory_space<vmem>>, vector<1x16xf32>,
        %parallel_loop3A_980 = vector.shape_cast %parallel_loop3A_979 : vector<1x16xf32> to vector<16xf32>
        %parallel_loop3A_981 = arith.index_cast %parallel_loop3A_900 : i32 to index
        %parallel_loop3A_982 = arith.constant 64 : index
        %parallel_loop3A_983 = tpu.vector_load %run_scoped3A_6[%parallel_loop3A_981, %parallel_loop3A_982] {strides = array<i32>} : memref<72x128xf32, #tpu.memory_space<vmem>>, vector<1x16xf32>,
        %parallel_loop3A_984 = vector.shape_cast %parallel_loop3A_983 : vector<1x16xf32> to vector<16xf32>
        %parallel_loop3A_985 = vector.shape_cast %parallel_loop3A_980 : vector<16xf32> to vector<1x16xf32>
        tpu.vector_store %run_scoped3A_6[%parallel_loop3A_981, %parallel_loop3A_982], %parallel_loop3A_985 {add = true, strides = array<i32>} : memref<72x128xf32, #tpu.memory_space<vmem>>, vector<1x16xf32>,
        %parallel_loop3A_986 = arith.index_cast %parallel_loop3A_900 : i32 to index
        %parallel_loop3A_987 = arith.constant 64 : index
        %parallel_loop3A_988 = tpu.vector_load %run_scoped3A_7[%parallel_loop3A_986, %parallel_loop3A_987] {strides = array<i32>} : memref<72x128xf32, #tpu.memory_space<vmem>>, vector<1x16xf32>,
        %parallel_loop3A_989 = vector.shape_cast %parallel_loop3A_988 : vector<1x16xf32> to vector<16xf32>
        %parallel_loop3A_990 = vector.shape_cast %parallel_loop3A_980 : vector<16xf32> to vector<1x16xf32>
        tpu.vector_store %run_scoped3A_7[%parallel_loop3A_986, %parallel_loop3A_987], %parallel_loop3A_990 {add = true, strides = array<i32>} : memref<72x128xf32, #tpu.memory_space<vmem>>, vector<1x16xf32>,
        %parallel_loop3A_991 = arith.index_cast %parallel_loop3A_900 : i32 to index
        %parallel_loop3A_992 = arith.constant 64 : index
        %parallel_loop3A_993 = tpu.vector_load %run_scoped3A_8[%parallel_loop3A_991, %parallel_loop3A_992] {strides = array<i32>} : memref<72x128xf32, #tpu.memory_space<vmem>>, vector<1x16xf32>,
        %parallel_loop3A_994 = vector.shape_cast %parallel_loop3A_993 : vector<1x16xf32> to vector<16xf32>
        %parallel_loop3A_995 = vector.shape_cast %parallel_loop3A_980 : vector<16xf32> to vector<1x16xf32>
        tpu.vector_store %run_scoped3A_8[%parallel_loop3A_991, %parallel_loop3A_992], %parallel_loop3A_995 {add = true, strides = array<i32>} : memref<72x128xf32, #tpu.memory_space<vmem>>, vector<1x16xf32>,
        %parallel_loop3A_996 = arith.index_cast %parallel_loop3A_900 : i32 to index
        %parallel_loop3A_997 = arith.constant 336 : index
        %parallel_loop3A_998 = tpu.vector_load %run_scoped3A[%parallel_loop3A_996, %parallel_loop3A_997] {strides = array<i32>} : memref<72x384xf32, #tpu.memory_space<vmem>>, vector<1x16xf32>,
        %parallel_loop3A_999 = vector.shape_cast %parallel_loop3A_998 : vector<1x16xf32> to vector<16xf32>
        %parallel_loop3A_1000 = arith.index_cast %parallel_loop3A_900 : i32 to index
        %parallel_loop3A_1001 = arith.constant 80 : index
        %parallel_loop3A_1002 = tpu.vector_load %run_scoped3A_6[%parallel_loop3A_1000, %parallel_loop3A_1001] {strides = array<i32>} : memref<72x128xf32, #tpu.memory_space<vmem>>, vector<1x16xf32>,
        %parallel_loop3A_1003 = vector.shape_cast %parallel_loop3A_1002 : vector<1x16xf32> to vector<16xf32>
        %parallel_loop3A_1004 = vector.shape_cast %parallel_loop3A_999 : vector<16xf32> to vector<1x16xf32>
        tpu.vector_store %run_scoped3A_6[%parallel_loop3A_1000, %parallel_loop3A_1001], %parallel_loop3A_1004 {add = true, strides = array<i32>} : memref<72x128xf32, #tpu.memory_space<vmem>>, vector<1x16xf32>,
        %parallel_loop3A_1005 = arith.index_cast %parallel_loop3A_900 : i32 to index
        %parallel_loop3A_1006 = arith.constant 80 : index
        %parallel_loop3A_1007 = tpu.vector_load %run_scoped3A_7[%parallel_loop3A_1005, %parallel_loop3A_1006] {strides = array<i32>} : memref<72x128xf32, #tpu.memory_space<vmem>>, vector<1x16xf32>,
        %parallel_loop3A_1008 = vector.shape_cast %parallel_loop3A_1007 : vector<1x16xf32> to vector<16xf32>
        %parallel_loop3A_1009 = vector.shape_cast %parallel_loop3A_999 : vector<16xf32> to vector<1x16xf32>
        tpu.vector_store %run_scoped3A_7[%parallel_loop3A_1005, %parallel_loop3A_1006], %parallel_loop3A_1009 {add = true, strides = array<i32>} : memref<72x128xf32, #tpu.memory_space<vmem>>, vector<1x16xf32>,
        %parallel_loop3A_1010 = arith.index_cast %parallel_loop3A_900 : i32 to index
        %parallel_loop3A_1011 = arith.constant 80 : index
        %parallel_loop3A_1012 = tpu.vector_load %run_scoped3A_8[%parallel_loop3A_1010, %parallel_loop3A_1011] {strides = array<i32>} : memref<72x128xf32, #tpu.memory_space<vmem>>, vector<1x16xf32>,
        %parallel_loop3A_1013 = vector.shape_cast %parallel_loop3A_1012 : vector<1x16xf32> to vector<16xf32>
        %parallel_loop3A_1014 = vector.shape_cast %parallel_loop3A_999 : vector<16xf32> to vector<1x16xf32>
        tpu.vector_store %run_scoped3A_8[%parallel_loop3A_1010, %parallel_loop3A_1011], %parallel_loop3A_1014 {add = true, strides = array<i32>} : memref<72x128xf32, #tpu.memory_space<vmem>>, vector<1x16xf32>,
        %parallel_loop3A_1015 = arith.index_cast %parallel_loop3A_900 : i32 to index
        %parallel_loop3A_1016 = arith.constant 352 : index
        %parallel_loop3A_1017 = tpu.vector_load %run_scoped3A[%parallel_loop3A_1015, %parallel_loop3A_1016] {strides = array<i32>} : memref<72x384xf32, #tpu.memory_space<vmem>>, vector<1x16xf32>,
        %parallel_loop3A_1018 = vector.shape_cast %parallel_loop3A_1017 : vector<1x16xf32> to vector<16xf32>
        %parallel_loop3A_1019 = arith.index_cast %parallel_loop3A_900 : i32 to index
        %parallel_loop3A_1020 = arith.constant 96 : index
        %parallel_loop3A_1021 = tpu.vector_load %run_scoped3A_6[%parallel_loop3A_1019, %parallel_loop3A_1020] {strides = array<i32>} : memref<72x128xf32, #tpu.memory_space<vmem>>, vector<1x16xf32>,
        %parallel_loop3A_1022 = vector.shape_cast %parallel_loop3A_1021 : vector<1x16xf32> to vector<16xf32>
        %parallel_loop3A_1023 = vector.shape_cast %parallel_loop3A_1018 : vector<16xf32> to vector<1x16xf32>
        tpu.vector_store %run_scoped3A_6[%parallel_loop3A_1019, %parallel_loop3A_1020], %parallel_loop3A_1023 {add = true, strides = array<i32>} : memref<72x128xf32, #tpu.memory_space<vmem>>, vector<1x16xf32>,
        %parallel_loop3A_1024 = arith.index_cast %parallel_loop3A_900 : i32 to index
        %parallel_loop3A_1025 = arith.constant 96 : index
        %parallel_loop3A_1026 = tpu.vector_load %run_scoped3A_7[%parallel_loop3A_1024, %parallel_loop3A_1025] {strides = array<i32>} : memref<72x128xf32, #tpu.memory_space<vmem>>, vector<1x16xf32>,
        %parallel_loop3A_1027 = vector.shape_cast %parallel_loop3A_1026 : vector<1x16xf32> to vector<16xf32>
        %parallel_loop3A_1028 = vector.shape_cast %parallel_loop3A_1018 : vector<16xf32> to vector<1x16xf32>
        tpu.vector_store %run_scoped3A_7[%parallel_loop3A_1024, %parallel_loop3A_1025], %parallel_loop3A_1028 {add = true, strides = array<i32>} : memref<72x128xf32, #tpu.memory_space<vmem>>, vector<1x16xf32>,
        %parallel_loop3A_1029 = arith.index_cast %parallel_loop3A_900 : i32 to index
        %parallel_loop3A_1030 = arith.constant 96 : index
        %parallel_loop3A_1031 = tpu.vector_load %run_scoped3A_8[%parallel_loop3A_1029, %parallel_loop3A_1030] {strides = array<i32>} : memref<72x128xf32, #tpu.memory_space<vmem>>, vector<1x16xf32>,
        %parallel_loop3A_1032 = vector.shape_cast %parallel_loop3A_1031 : vector<1x16xf32> to vector<16xf32>
        %parallel_loop3A_1033 = vector.shape_cast %parallel_loop3A_1018 : vector<16xf32> to vector<1x16xf32>
        tpu.vector_store %run_scoped3A_8[%parallel_loop3A_1029, %parallel_loop3A_1030], %parallel_loop3A_1033 {add = true, strides = array<i32>} : memref<72x128xf32, #tpu.memory_space<vmem>>, vector<1x16xf32>,
        %parallel_loop3A_1034 = arith.index_cast %parallel_loop3A_900 : i32 to index
        %parallel_loop3A_1035 = arith.constant 368 : index
        %parallel_loop3A_1036 = tpu.vector_load %run_scoped3A[%parallel_loop3A_1034, %parallel_loop3A_1035] {strides = array<i32>} : memref<72x384xf32, #tpu.memory_space<vmem>>, vector<1x16xf32>,
        %parallel_loop3A_1037 = vector.shape_cast %parallel_loop3A_1036 : vector<1x16xf32> to vector<16xf32>
        %parallel_loop3A_1038 = arith.index_cast %parallel_loop3A_900 : i32 to index
        %parallel_loop3A_1039 = arith.constant 112 : index
        %parallel_loop3A_1040 = tpu.vector_load %run_scoped3A_6[%parallel_loop3A_1038, %parallel_loop3A_1039] {strides = array<i32>} : memref<72x128xf32, #tpu.memory_space<vmem>>, vector<1x16xf32>,
        %parallel_loop3A_1041 = vector.shape_cast %parallel_loop3A_1040 : vector<1x16xf32> to vector<16xf32>
        %parallel_loop3A_1042 = vector.shape_cast %parallel_loop3A_1037 : vector<16xf32> to vector<1x16xf32>
        tpu.vector_store %run_scoped3A_6[%parallel_loop3A_1038, %parallel_loop3A_1039], %parallel_loop3A_1042 {add = true, strides = array<i32>} : memref<72x128xf32, #tpu.memory_space<vmem>>, vector<1x16xf32>,
        %parallel_loop3A_1043 = arith.index_cast %parallel_loop3A_900 : i32 to index
        %parallel_loop3A_1044 = arith.constant 112 : index
        %parallel_loop3A_1045 = tpu.vector_load %run_scoped3A_7[%parallel_loop3A_1043, %parallel_loop3A_1044] {strides = array<i32>} : memref<72x128xf32, #tpu.memory_space<vmem>>, vector<1x16xf32>,
        %parallel_loop3A_1046 = vector.shape_cast %parallel_loop3A_1045 : vector<1x16xf32> to vector<16xf32>
        %parallel_loop3A_1047 = vector.shape_cast %parallel_loop3A_1037 : vector<16xf32> to vector<1x16xf32>
        tpu.vector_store %run_scoped3A_7[%parallel_loop3A_1043, %parallel_loop3A_1044], %parallel_loop3A_1047 {add = true, strides = array<i32>} : memref<72x128xf32, #tpu.memory_space<vmem>>, vector<1x16xf32>,
        %parallel_loop3A_1048 = arith.index_cast %parallel_loop3A_900 : i32 to index
        %parallel_loop3A_1049 = arith.constant 112 : index
        %parallel_loop3A_1050 = tpu.vector_load %run_scoped3A_8[%parallel_loop3A_1048, %parallel_loop3A_1049] {strides = array<i32>} : memref<72x128xf32, #tpu.memory_space<vmem>>, vector<1x16xf32>,
        %parallel_loop3A_1051 = vector.shape_cast %parallel_loop3A_1050 : vector<1x16xf32> to vector<16xf32>
        %parallel_loop3A_1052 = vector.shape_cast %parallel_loop3A_1037 : vector<16xf32> to vector<1x16xf32>
        tpu.vector_store %run_scoped3A_8[%parallel_loop3A_1048, %parallel_loop3A_1049], %parallel_loop3A_1052 {add = true, strides = array<i32>} : memref<72x128xf32, #tpu.memory_space<vmem>>, vector<1x16xf32>,
      } {sc.loop_unroll_factor = 2 : i64, sc.parallel_access}
      %add3A_625 = arith.constant 12 : i32
      %add3A_626 = arith.addi %select_n3A_57, %add3A_625 : i32
      %dma_start3A_627 = arith.constant 256 : i32
      %dma_start3A_628 = tpu.memref_slice %arg4[%add3A_626, %mul3A_59, %dma_start3A_627] : memref<32x576x384xf32, #tpu.memory_space<hbm>> -> memref<1x72x128xf32, #tpu.memory_space<hbm>>
      %dma_start3A_629 = tpu.memref_squeeze %dma_start3A_628 : memref<1x72x128xf32, #tpu.memory_space<hbm>> -> memref<72x128xf32, #tpu.memory_space<hbm>>
      %dma_start3A_630 = arith.constant 256 : i32
      %dma_start3A_631 = tpu.memref_slice %arg4[%add3A_626, %mul3A_59, %dma_start3A_630] : memref<32x576x384xf32, #tpu.memory_space<hbm>> -> memref<1x72x128xf32, #tpu.memory_space<hbm>>
      %dma_start3A_632 = tpu.memref_squeeze %dma_start3A_631 : memref<1x72x128xf32, #tpu.memory_space<hbm>> -> memref<72x128xf32, #tpu.memory_space<hbm>>
      tpu.enqueue_dma source(%run_scoped3A_6 : memref<72x128xf32, #tpu.memory_space<vmem>>) target(%dma_start3A_632 : memref<72x128xf32, #tpu.memory_space<hbm>>) target_semaphore(%run_scoped3A_24 : memref<!tpu.dma_semaphore, #tpu.memory_space<semaphore_mem>>)
      %add3A_633 = arith.constant 16 : i32
      %add3A_634 = arith.addi %select_n3A_57, %add3A_633 : i32
      %dma_start3A_635 = arith.constant 256 : i32
      %dma_start3A_636 = tpu.memref_slice %arg4[%add3A_634, %mul3A_59, %dma_start3A_635] : memref<32x576x384xf32, #tpu.memory_space<hbm>> -> memref<1x72x128xf32, #tpu.memory_space<hbm>>
      %dma_start3A_637 = tpu.memref_squeeze %dma_start3A_636 : memref<1x72x128xf32, #tpu.memory_space<hbm>> -> memref<72x128xf32, #tpu.memory_space<hbm>>
      %dma_start3A_638 = arith.constant 256 : i32
      %dma_start3A_639 = tpu.memref_slice %arg4[%add3A_634, %mul3A_59, %dma_start3A_638] : memref<32x576x384xf32, #tpu.memory_space<hbm>> -> memref<1x72x128xf32, #tpu.memory_space<hbm>>
      %dma_start3A_640 = tpu.memref_squeeze %dma_start3A_639 : memref<1x72x128xf32, #tpu.memory_space<hbm>> -> memref<72x128xf32, #tpu.memory_space<hbm>>
      tpu.enqueue_dma source(%run_scoped3A_7 : memref<72x128xf32, #tpu.memory_space<vmem>>) target(%dma_start3A_640 : memref<72x128xf32, #tpu.memory_space<hbm>>) target_semaphore(%run_scoped3A_25 : memref<!tpu.dma_semaphore, #tpu.memory_space<semaphore_mem>>)
      %add3A_641 = arith.constant 20 : i32
      %add3A_642 = arith.addi %select_n3A_57, %add3A_641 : i32
      %dma_start3A_643 = arith.constant 256 : i32
      %dma_start3A_644 = tpu.memref_slice %arg4[%add3A_642, %mul3A_59, %dma_start3A_643] : memref<32x576x384xf32, #tpu.memory_space<hbm>> -> memref<1x72x128xf32, #tpu.memory_space<hbm>>
      %dma_start3A_645 = tpu.memref_squeeze %dma_start3A_644 : memref<1x72x128xf32, #tpu.memory_space<hbm>> -> memref<72x128xf32, #tpu.memory_space<hbm>>
      %dma_start3A_646 = arith.constant 256 : i32
      %dma_start3A_647 = tpu.memref_slice %arg4[%add3A_642, %mul3A_59, %dma_start3A_646] : memref<32x576x384xf32, #tpu.memory_space<hbm>> -> memref<1x72x128xf32, #tpu.memory_space<hbm>>
      %dma_start3A_648 = tpu.memref_squeeze %dma_start3A_647 : memref<1x72x128xf32, #tpu.memory_space<hbm>> -> memref<72x128xf32, #tpu.memory_space<hbm>>
      tpu.enqueue_dma source(%run_scoped3A_8 : memref<72x128xf32, #tpu.memory_space<vmem>>) target(%dma_start3A_648 : memref<72x128xf32, #tpu.memory_space<hbm>>) target_semaphore(%run_scoped3A_26 : memref<!tpu.dma_semaphore, #tpu.memory_space<semaphore_mem>>)
      %dma_wait3A_649 = arith.constant 0 : i32
      %dma_wait3A_650 = arith.constant 0 : i32
      %dma_wait3A_651 = arith.constant 0 : i32
      %dma_wait3A_652 = tpu.memref_slice %arg4[%dma_wait3A_649, %dma_wait3A_650, %dma_wait3A_651] : memref<32x576x384xf32, #tpu.memory_space<hbm>> -> memref<1x72x128xf32, #tpu.memory_space<hbm>>
      %dma_wait3A_653 = tpu.memref_squeeze %dma_wait3A_652 : memref<1x72x128xf32, #tpu.memory_space<hbm>> -> memref<72x128xf32, #tpu.memory_space<hbm>>
      %dma_wait3A_654 = arith.constant 0 : i32
      %dma_wait3A_655 = arith.constant 0 : i32
      %dma_wait3A_656 = tpu.memref_slice %arg4[%dma_wait3A_649, %dma_wait3A_654, %dma_wait3A_655] : memref<32x576x384xf32, #tpu.memory_space<hbm>> -> memref<1x72x128xf32, #tpu.memory_space<hbm>>
      %dma_wait3A_657 = tpu.memref_squeeze %dma_wait3A_656 : memref<1x72x128xf32, #tpu.memory_space<hbm>> -> memref<72x128xf32, #tpu.memory_space<hbm>>
      tpu.wait_dma2 semaphore(%run_scoped3A_21 : memref<!tpu.dma_semaphore, #tpu.memory_space<semaphore_mem>>) src(%run_scoped3A_3 : memref<72x128xf32, #tpu.memory_space<vmem>>) dst(%dma_wait3A_657 : memref<72x128xf32, #tpu.memory_space<hbm>>)
      %dma_wait3A_658 = arith.constant 0 : i32
      %dma_wait3A_659 = arith.constant 0 : i32
      %dma_wait3A_660 = arith.constant 0 : i32
      %dma_wait3A_661 = tpu.memref_slice %arg4[%dma_wait3A_658, %dma_wait3A_659, %dma_wait3A_660] : memref<32x576x384xf32, #tpu.memory_space<hbm>> -> memref<1x72x128xf32, #tpu.memory_space<hbm>>
      %dma_wait3A_662 = tpu.memref_squeeze %dma_wait3A_661 : memref<1x72x128xf32, #tpu.memory_space<hbm>> -> memref<72x128xf32, #tpu.memory_space<hbm>>
      %dma_wait3A_663 = arith.constant 0 : i32
      %dma_wait3A_664 = arith.constant 0 : i32
      %dma_wait3A_665 = tpu.memref_slice %arg4[%dma_wait3A_658, %dma_wait3A_663, %dma_wait3A_664] : memref<32x576x384xf32, #tpu.memory_space<hbm>> -> memref<1x72x128xf32, #tpu.memory_space<hbm>>
      %dma_wait3A_666 = tpu.memref_squeeze %dma_wait3A_665 : memref<1x72x128xf32, #tpu.memory_space<hbm>> -> memref<72x128xf32, #tpu.memory_space<hbm>>
      tpu.wait_dma2 semaphore(%run_scoped3A_22 : memref<!tpu.dma_semaphore, #tpu.memory_space<semaphore_mem>>) src(%run_scoped3A_4 : memref<72x128xf32, #tpu.memory_space<vmem>>) dst(%dma_wait3A_666 : memref<72x128xf32, #tpu.memory_space<hbm>>)
      %dma_wait3A_667 = arith.constant 0 : i32
      %dma_wait3A_668 = arith.constant 0 : i32
      %dma_wait3A_669 = arith.constant 0 : i32
      %dma_wait3A_670 = tpu.memref_slice %arg4[%dma_wait3A_667, %dma_wait3A_668, %dma_wait3A_669] : memref<32x576x384xf32, #tpu.memory_space<hbm>> -> memref<1x72x128xf32, #tpu.memory_space<hbm>>
      %dma_wait3A_671 = tpu.memref_squeeze %dma_wait3A_670 : memref<1x72x128xf32, #tpu.memory_space<hbm>> -> memref<72x128xf32, #tpu.memory_space<hbm>>
      %dma_wait3A_672 = arith.constant 0 : i32
      %dma_wait3A_673 = arith.constant 0 : i32
      %dma_wait3A_674 = tpu.memref_slice %arg4[%dma_wait3A_667, %dma_wait3A_672, %dma_wait3A_673] : memref<32x576x384xf32, #tpu.memory_space<hbm>> -> memref<1x72x128xf32, #tpu.memory_space<hbm>>
      %dma_wait3A_675 = tpu.memref_squeeze %dma_wait3A_674 : memref<1x72x128xf32, #tpu.memory_space<hbm>> -> memref<72x128xf32, #tpu.memory_space<hbm>>
      tpu.wait_dma2 semaphore(%run_scoped3A_23 : memref<!tpu.dma_semaphore, #tpu.memory_space<semaphore_mem>>) src(%run_scoped3A_5 : memref<72x128xf32, #tpu.memory_space<vmem>>) dst(%dma_wait3A_675 : memref<72x128xf32, #tpu.memory_space<hbm>>)
      %add3A_676 = arith.constant 24 : i32
      %add3A_677 = arith.addi %select_n3A_57, %add3A_676 : i32
      %dma_start3A_678 = arith.constant 128 : i32
      %dma_start3A_679 = tpu.memref_slice %arg2[%add3A_677, %mul3A_59, %dma_start3A_678] : memref<32x576x384xf32, #tpu.memory_space<hbm>> -> memref<1x72x128xf32, #tpu.memory_space<hbm>>
      %dma_start3A_680 = tpu.memref_squeeze %dma_start3A_679 : memref<1x72x128xf32, #tpu.memory_space<hbm>> -> memref<72x128xf32, #tpu.memory_space<hbm>>
      %dma_start3A_681 = arith.constant 128 : i32
      %dma_start3A_682 = tpu.memref_slice %arg2[%add3A_677, %mul3A_59, %dma_start3A_681] : memref<32x576x384xf32, #tpu.memory_space<hbm>> -> memref<1x72x128xf32, #tpu.memory_space<hbm>>
      %dma_start3A_683 = tpu.memref_squeeze %dma_start3A_682 : memref<1x72x128xf32, #tpu.memory_space<hbm>> -> memref<72x128xf32, #tpu.memory_space<hbm>>
      tpu.enqueue_dma source(%dma_start3A_683 : memref<72x128xf32, #tpu.memory_space<hbm>>) target(%run_scoped3A_3 : memref<72x128xf32, #tpu.memory_space<vmem>>) target_semaphore(%run_scoped3A_12 : memref<!tpu.dma_semaphore, #tpu.memory_space<semaphore_mem>>)
      %add3A_684 = arith.constant 28 : i32
      %add3A_685 = arith.addi %select_n3A_57, %add3A_684 : i32
      %dma_start3A_686 = arith.constant 128 : i32
      %dma_start3A_687 = tpu.memref_slice %arg2[%add3A_685, %mul3A_59, %dma_start3A_686] : memref<32x576x384xf32, #tpu.memory_space<hbm>> -> memref<1x72x128xf32, #tpu.memory_space<hbm>>
      %dma_start3A_688 = tpu.memref_squeeze %dma_start3A_687 : memref<1x72x128xf32, #tpu.memory_space<hbm>> -> memref<72x128xf32, #tpu.memory_space<hbm>>
      %dma_start3A_689 = arith.constant 128 : i32
      %dma_start3A_690 = tpu.memref_slice %arg2[%add3A_685, %mul3A_59, %dma_start3A_689] : memref<32x576x384xf32, #tpu.memory_space<hbm>> -> memref<1x72x128xf32, #tpu.memory_space<hbm>>
      %dma_start3A_691 = tpu.memref_squeeze %dma_start3A_690 : memref<1x72x128xf32, #tpu.memory_space<hbm>> -> memref<72x128xf32, #tpu.memory_space<hbm>>
      tpu.enqueue_dma source(%dma_start3A_691 : memref<72x128xf32, #tpu.memory_space<hbm>>) target(%run_scoped3A_4 : memref<72x128xf32, #tpu.memory_space<vmem>>) target_semaphore(%run_scoped3A_13 : memref<!tpu.dma_semaphore, #tpu.memory_space<semaphore_mem>>)
      %dma_wait3A_692 = arith.constant 0 : i32
      %dma_wait3A_693 = arith.constant 0 : i32
      %dma_wait3A_694 = arith.constant 0 : i32
      %dma_wait3A_695 = tpu.memref_slice %arg2[%dma_wait3A_692, %dma_wait3A_693, %dma_wait3A_694] : memref<32x576x384xf32, #tpu.memory_space<hbm>> -> memref<1x72x128xf32, #tpu.memory_space<hbm>>
      %dma_wait3A_696 = tpu.memref_squeeze %dma_wait3A_695 : memref<1x72x128xf32, #tpu.memory_space<hbm>> -> memref<72x128xf32, #tpu.memory_space<hbm>>
      %dma_wait3A_697 = arith.constant 0 : i32
      %dma_wait3A_698 = arith.constant 0 : i32
      %dma_wait3A_699 = tpu.memref_slice %arg2[%dma_wait3A_692, %dma_wait3A_697, %dma_wait3A_698] : memref<32x576x384xf32, #tpu.memory_space<hbm>> -> memref<1x72x128xf32, #tpu.memory_space<hbm>>
      %dma_wait3A_700 = tpu.memref_squeeze %dma_wait3A_699 : memref<1x72x128xf32, #tpu.memory_space<hbm>> -> memref<72x128xf32, #tpu.memory_space<hbm>>
      tpu.wait_dma2 semaphore(%run_scoped3A_9 : memref<!tpu.dma_semaphore, #tpu.memory_space<semaphore_mem>>) src(%dma_wait3A_700 : memref<72x128xf32, #tpu.memory_space<hbm>>) dst(%run_scoped3A_0 : memref<72x128xf32, #tpu.memory_space<vmem>>)
      %dma_wait3A_701 = arith.constant 0 : i32
      %dma_wait3A_702 = arith.constant 0 : i32
      %dma_wait3A_703 = arith.constant 0 : i32
      %dma_wait3A_704 = tpu.memref_slice %arg2[%dma_wait3A_701, %dma_wait3A_702, %dma_wait3A_703] : memref<32x576x384xf32, #tpu.memory_space<hbm>> -> memref<1x72x128xf32, #tpu.memory_space<hbm>>
      %dma_wait3A_705 = tpu.memref_squeeze %dma_wait3A_704 : memref<1x72x128xf32, #tpu.memory_space<hbm>> -> memref<72x128xf32, #tpu.memory_space<hbm>>
      %dma_wait3A_706 = arith.constant 0 : i32
      %dma_wait3A_707 = arith.constant 0 : i32
      %dma_wait3A_708 = tpu.memref_slice %arg2[%dma_wait3A_701, %dma_wait3A_706, %dma_wait3A_707] : memref<32x576x384xf32, #tpu.memory_space<hbm>> -> memref<1x72x128xf32, #tpu.memory_space<hbm>>
      %dma_wait3A_709 = tpu.memref_squeeze %dma_wait3A_708 : memref<1x72x128xf32, #tpu.memory_space<hbm>> -> memref<72x128xf32, #tpu.memory_space<hbm>>
      tpu.wait_dma2 semaphore(%run_scoped3A_10 : memref<!tpu.dma_semaphore, #tpu.memory_space<semaphore_mem>>) src(%dma_wait3A_709 : memref<72x128xf32, #tpu.memory_space<hbm>>) dst(%run_scoped3A_1 : memref<72x128xf32, #tpu.memory_space<vmem>>)
      %parallel_loop3A_710 = arith.constant 0 : i32
      %parallel_loop3A_711 = arith.constant 72 : i32
      %parallel_loop3A_712 = arith.constant 1 : i32
      scf.for %parallel_loop3A_900 = %parallel_loop3A_710 to %parallel_loop3A_711 step %parallel_loop3A_712  : i32 {
        %parallel_loop3A_901 = arith.index_cast %parallel_loop3A_900 : i32 to index
        %parallel_loop3A_902 = arith.constant 0 : index
        %parallel_loop3A_903 = tpu.vector_load %run_scoped3A[%parallel_loop3A_901, %parallel_loop3A_902] {strides = array<i32>} : memref<72x384xf32, #tpu.memory_space<vmem>>, vector<1x16xf32>,
        %parallel_loop3A_904 = vector.shape_cast %parallel_loop3A_903 : vector<1x16xf32> to vector<16xf32>
        %parallel_loop3A_905 = arith.index_cast %parallel_loop3A_900 : i32 to index
        %parallel_loop3A_906 = arith.constant 0 : index
        %parallel_loop3A_907 = tpu.vector_load %run_scoped3A_0[%parallel_loop3A_905, %parallel_loop3A_906] {strides = array<i32>} : memref<72x128xf32, #tpu.memory_space<vmem>>, vector<1x16xf32>,
        %parallel_loop3A_908 = vector.shape_cast %parallel_loop3A_907 : vector<1x16xf32> to vector<16xf32>
        %parallel_loop3A_909 = vector.shape_cast %parallel_loop3A_904 : vector<16xf32> to vector<1x16xf32>
        tpu.vector_store %run_scoped3A_0[%parallel_loop3A_905, %parallel_loop3A_906], %parallel_loop3A_909 {add = true, strides = array<i32>} : memref<72x128xf32, #tpu.memory_space<vmem>>, vector<1x16xf32>,
        %parallel_loop3A_910 = arith.index_cast %parallel_loop3A_900 : i32 to index
        %parallel_loop3A_911 = arith.constant 0 : index
        %parallel_loop3A_912 = tpu.vector_load %run_scoped3A_1[%parallel_loop3A_910, %parallel_loop3A_911] {strides = array<i32>} : memref<72x128xf32, #tpu.memory_space<vmem>>, vector<1x16xf32>,
        %parallel_loop3A_913 = vector.shape_cast %parallel_loop3A_912 : vector<1x16xf32> to vector<16xf32>
        %parallel_loop3A_914 = vector.shape_cast %parallel_loop3A_904 : vector<16xf32> to vector<1x16xf32>
        tpu.vector_store %run_scoped3A_1[%parallel_loop3A_910, %parallel_loop3A_911], %parallel_loop3A_914 {add = true, strides = array<i32>} : memref<72x128xf32, #tpu.memory_space<vmem>>, vector<1x16xf32>,
        %parallel_loop3A_915 = arith.index_cast %parallel_loop3A_900 : i32 to index
        %parallel_loop3A_916 = arith.constant 16 : index
        %parallel_loop3A_917 = tpu.vector_load %run_scoped3A[%parallel_loop3A_915, %parallel_loop3A_916] {strides = array<i32>} : memref<72x384xf32, #tpu.memory_space<vmem>>, vector<1x16xf32>,
        %parallel_loop3A_918 = vector.shape_cast %parallel_loop3A_917 : vector<1x16xf32> to vector<16xf32>
        %parallel_loop3A_919 = arith.index_cast %parallel_loop3A_900 : i32 to index
        %parallel_loop3A_920 = arith.constant 16 : index
        %parallel_loop3A_921 = tpu.vector_load %run_scoped3A_0[%parallel_loop3A_919, %parallel_loop3A_920] {strides = array<i32>} : memref<72x128xf32, #tpu.memory_space<vmem>>, vector<1x16xf32>,
        %parallel_loop3A_922 = vector.shape_cast %parallel_loop3A_921 : vector<1x16xf32> to vector<16xf32>
        %parallel_loop3A_923 = vector.shape_cast %parallel_loop3A_918 : vector<16xf32> to vector<1x16xf32>
        tpu.vector_store %run_scoped3A_0[%parallel_loop3A_919, %parallel_loop3A_920], %parallel_loop3A_923 {add = true, strides = array<i32>} : memref<72x128xf32, #tpu.memory_space<vmem>>, vector<1x16xf32>,
        %parallel_loop3A_924 = arith.index_cast %parallel_loop3A_900 : i32 to index
        %parallel_loop3A_925 = arith.constant 16 : index
        %parallel_loop3A_926 = tpu.vector_load %run_scoped3A_1[%parallel_loop3A_924, %parallel_loop3A_925] {strides = array<i32>} : memref<72x128xf32, #tpu.memory_space<vmem>>, vector<1x16xf32>,
        %parallel_loop3A_927 = vector.shape_cast %parallel_loop3A_926 : vector<1x16xf32> to vector<16xf32>
        %parallel_loop3A_928 = vector.shape_cast %parallel_loop3A_918 : vector<16xf32> to vector<1x16xf32>
        tpu.vector_store %run_scoped3A_1[%parallel_loop3A_924, %parallel_loop3A_925], %parallel_loop3A_928 {add = true, strides = array<i32>} : memref<72x128xf32, #tpu.memory_space<vmem>>, vector<1x16xf32>,
        %parallel_loop3A_929 = arith.index_cast %parallel_loop3A_900 : i32 to index
        %parallel_loop3A_930 = arith.constant 32 : index
        %parallel_loop3A_931 = tpu.vector_load %run_scoped3A[%parallel_loop3A_929, %parallel_loop3A_930] {strides = array<i32>} : memref<72x384xf32, #tpu.memory_space<vmem>>, vector<1x16xf32>,
        %parallel_loop3A_932 = vector.shape_cast %parallel_loop3A_931 : vector<1x16xf32> to vector<16xf32>
        %parallel_loop3A_933 = arith.index_cast %parallel_loop3A_900 : i32 to index
        %parallel_loop3A_934 = arith.constant 32 : index
        %parallel_loop3A_935 = tpu.vector_load %run_scoped3A_0[%parallel_loop3A_933, %parallel_loop3A_934] {strides = array<i32>} : memref<72x128xf32, #tpu.memory_space<vmem>>, vector<1x16xf32>,
        %parallel_loop3A_936 = vector.shape_cast %parallel_loop3A_935 : vector<1x16xf32> to vector<16xf32>
        %parallel_loop3A_937 = vector.shape_cast %parallel_loop3A_932 : vector<16xf32> to vector<1x16xf32>
        tpu.vector_store %run_scoped3A_0[%parallel_loop3A_933, %parallel_loop3A_934], %parallel_loop3A_937 {add = true, strides = array<i32>} : memref<72x128xf32, #tpu.memory_space<vmem>>, vector<1x16xf32>,
        %parallel_loop3A_938 = arith.index_cast %parallel_loop3A_900 : i32 to index
        %parallel_loop3A_939 = arith.constant 32 : index
        %parallel_loop3A_940 = tpu.vector_load %run_scoped3A_1[%parallel_loop3A_938, %parallel_loop3A_939] {strides = array<i32>} : memref<72x128xf32, #tpu.memory_space<vmem>>, vector<1x16xf32>,
        %parallel_loop3A_941 = vector.shape_cast %parallel_loop3A_940 : vector<1x16xf32> to vector<16xf32>
        %parallel_loop3A_942 = vector.shape_cast %parallel_loop3A_932 : vector<16xf32> to vector<1x16xf32>
        tpu.vector_store %run_scoped3A_1[%parallel_loop3A_938, %parallel_loop3A_939], %parallel_loop3A_942 {add = true, strides = array<i32>} : memref<72x128xf32, #tpu.memory_space<vmem>>, vector<1x16xf32>,
        %parallel_loop3A_943 = arith.index_cast %parallel_loop3A_900 : i32 to index
        %parallel_loop3A_944 = arith.constant 48 : index
        %parallel_loop3A_945 = tpu.vector_load %run_scoped3A[%parallel_loop3A_943, %parallel_loop3A_944] {strides = array<i32>} : memref<72x384xf32, #tpu.memory_space<vmem>>, vector<1x16xf32>,
        %parallel_loop3A_946 = vector.shape_cast %parallel_loop3A_945 : vector<1x16xf32> to vector<16xf32>
        %parallel_loop3A_947 = arith.index_cast %parallel_loop3A_900 : i32 to index
        %parallel_loop3A_948 = arith.constant 48 : index
        %parallel_loop3A_949 = tpu.vector_load %run_scoped3A_0[%parallel_loop3A_947, %parallel_loop3A_948] {strides = array<i32>} : memref<72x128xf32, #tpu.memory_space<vmem>>, vector<1x16xf32>,
        %parallel_loop3A_950 = vector.shape_cast %parallel_loop3A_949 : vector<1x16xf32> to vector<16xf32>
        %parallel_loop3A_951 = vector.shape_cast %parallel_loop3A_946 : vector<16xf32> to vector<1x16xf32>
        tpu.vector_store %run_scoped3A_0[%parallel_loop3A_947, %parallel_loop3A_948], %parallel_loop3A_951 {add = true, strides = array<i32>} : memref<72x128xf32, #tpu.memory_space<vmem>>, vector<1x16xf32>,
        %parallel_loop3A_952 = arith.index_cast %parallel_loop3A_900 : i32 to index
        %parallel_loop3A_953 = arith.constant 48 : index
        %parallel_loop3A_954 = tpu.vector_load %run_scoped3A_1[%parallel_loop3A_952, %parallel_loop3A_953] {strides = array<i32>} : memref<72x128xf32, #tpu.memory_space<vmem>>, vector<1x16xf32>,
        %parallel_loop3A_955 = vector.shape_cast %parallel_loop3A_954 : vector<1x16xf32> to vector<16xf32>
        %parallel_loop3A_956 = vector.shape_cast %parallel_loop3A_946 : vector<16xf32> to vector<1x16xf32>
        tpu.vector_store %run_scoped3A_1[%parallel_loop3A_952, %parallel_loop3A_953], %parallel_loop3A_956 {add = true, strides = array<i32>} : memref<72x128xf32, #tpu.memory_space<vmem>>, vector<1x16xf32>,
        %parallel_loop3A_957 = arith.index_cast %parallel_loop3A_900 : i32 to index
        %parallel_loop3A_958 = arith.constant 64 : index
        %parallel_loop3A_959 = tpu.vector_load %run_scoped3A[%parallel_loop3A_957, %parallel_loop3A_958] {strides = array<i32>} : memref<72x384xf32, #tpu.memory_space<vmem>>, vector<1x16xf32>,
        %parallel_loop3A_960 = vector.shape_cast %parallel_loop3A_959 : vector<1x16xf32> to vector<16xf32>
        %parallel_loop3A_961 = arith.index_cast %parallel_loop3A_900 : i32 to index
        %parallel_loop3A_962 = arith.constant 64 : index
        %parallel_loop3A_963 = tpu.vector_load %run_scoped3A_0[%parallel_loop3A_961, %parallel_loop3A_962] {strides = array<i32>} : memref<72x128xf32, #tpu.memory_space<vmem>>, vector<1x16xf32>,
        %parallel_loop3A_964 = vector.shape_cast %parallel_loop3A_963 : vector<1x16xf32> to vector<16xf32>
        %parallel_loop3A_965 = vector.shape_cast %parallel_loop3A_960 : vector<16xf32> to vector<1x16xf32>
        tpu.vector_store %run_scoped3A_0[%parallel_loop3A_961, %parallel_loop3A_962], %parallel_loop3A_965 {add = true, strides = array<i32>} : memref<72x128xf32, #tpu.memory_space<vmem>>, vector<1x16xf32>,
        %parallel_loop3A_966 = arith.index_cast %parallel_loop3A_900 : i32 to index
        %parallel_loop3A_967 = arith.constant 64 : index
        %parallel_loop3A_968 = tpu.vector_load %run_scoped3A_1[%parallel_loop3A_966, %parallel_loop3A_967] {strides = array<i32>} : memref<72x128xf32, #tpu.memory_space<vmem>>, vector<1x16xf32>,
        %parallel_loop3A_969 = vector.shape_cast %parallel_loop3A_968 : vector<1x16xf32> to vector<16xf32>
        %parallel_loop3A_970 = vector.shape_cast %parallel_loop3A_960 : vector<16xf32> to vector<1x16xf32>
        tpu.vector_store %run_scoped3A_1[%parallel_loop3A_966, %parallel_loop3A_967], %parallel_loop3A_970 {add = true, strides = array<i32>} : memref<72x128xf32, #tpu.memory_space<vmem>>, vector<1x16xf32>,
        %parallel_loop3A_971 = arith.index_cast %parallel_loop3A_900 : i32 to index
        %parallel_loop3A_972 = arith.constant 80 : index
        %parallel_loop3A_973 = tpu.vector_load %run_scoped3A[%parallel_loop3A_971, %parallel_loop3A_972] {strides = array<i32>} : memref<72x384xf32, #tpu.memory_space<vmem>>, vector<1x16xf32>,
        %parallel_loop3A_974 = vector.shape_cast %parallel_loop3A_973 : vector<1x16xf32> to vector<16xf32>
        %parallel_loop3A_975 = arith.index_cast %parallel_loop3A_900 : i32 to index
        %parallel_loop3A_976 = arith.constant 80 : index
        %parallel_loop3A_977 = tpu.vector_load %run_scoped3A_0[%parallel_loop3A_975, %parallel_loop3A_976] {strides = array<i32>} : memref<72x128xf32, #tpu.memory_space<vmem>>, vector<1x16xf32>,
        %parallel_loop3A_978 = vector.shape_cast %parallel_loop3A_977 : vector<1x16xf32> to vector<16xf32>
        %parallel_loop3A_979 = vector.shape_cast %parallel_loop3A_974 : vector<16xf32> to vector<1x16xf32>
        tpu.vector_store %run_scoped3A_0[%parallel_loop3A_975, %parallel_loop3A_976], %parallel_loop3A_979 {add = true, strides = array<i32>} : memref<72x128xf32, #tpu.memory_space<vmem>>, vector<1x16xf32>,
        %parallel_loop3A_980 = arith.index_cast %parallel_loop3A_900 : i32 to index
        %parallel_loop3A_981 = arith.constant 80 : index
        %parallel_loop3A_982 = tpu.vector_load %run_scoped3A_1[%parallel_loop3A_980, %parallel_loop3A_981] {strides = array<i32>} : memref<72x128xf32, #tpu.memory_space<vmem>>, vector<1x16xf32>,
        %parallel_loop3A_983 = vector.shape_cast %parallel_loop3A_982 : vector<1x16xf32> to vector<16xf32>
        %parallel_loop3A_984 = vector.shape_cast %parallel_loop3A_974 : vector<16xf32> to vector<1x16xf32>
        tpu.vector_store %run_scoped3A_1[%parallel_loop3A_980, %parallel_loop3A_981], %parallel_loop3A_984 {add = true, strides = array<i32>} : memref<72x128xf32, #tpu.memory_space<vmem>>, vector<1x16xf32>,
        %parallel_loop3A_985 = arith.index_cast %parallel_loop3A_900 : i32 to index
        %parallel_loop3A_986 = arith.constant 96 : index
        %parallel_loop3A_987 = tpu.vector_load %run_scoped3A[%parallel_loop3A_985, %parallel_loop3A_986] {strides = array<i32>} : memref<72x384xf32, #tpu.memory_space<vmem>>, vector<1x16xf32>,
        %parallel_loop3A_988 = vector.shape_cast %parallel_loop3A_987 : vector<1x16xf32> to vector<16xf32>
        %parallel_loop3A_989 = arith.index_cast %parallel_loop3A_900 : i32 to index
        %parallel_loop3A_990 = arith.constant 96 : index
        %parallel_loop3A_991 = tpu.vector_load %run_scoped3A_0[%parallel_loop3A_989, %parallel_loop3A_990] {strides = array<i32>} : memref<72x128xf32, #tpu.memory_space<vmem>>, vector<1x16xf32>,
        %parallel_loop3A_992 = vector.shape_cast %parallel_loop3A_991 : vector<1x16xf32> to vector<16xf32>
        %parallel_loop3A_993 = vector.shape_cast %parallel_loop3A_988 : vector<16xf32> to vector<1x16xf32>
        tpu.vector_store %run_scoped3A_0[%parallel_loop3A_989, %parallel_loop3A_990], %parallel_loop3A_993 {add = true, strides = array<i32>} : memref<72x128xf32, #tpu.memory_space<vmem>>, vector<1x16xf32>,
        %parallel_loop3A_994 = arith.index_cast %parallel_loop3A_900 : i32 to index
        %parallel_loop3A_995 = arith.constant 96 : index
        %parallel_loop3A_996 = tpu.vector_load %run_scoped3A_1[%parallel_loop3A_994, %parallel_loop3A_995] {strides = array<i32>} : memref<72x128xf32, #tpu.memory_space<vmem>>, vector<1x16xf32>,
        %parallel_loop3A_997 = vector.shape_cast %parallel_loop3A_996 : vector<1x16xf32> to vector<16xf32>
        %parallel_loop3A_998 = vector.shape_cast %parallel_loop3A_988 : vector<16xf32> to vector<1x16xf32>
        tpu.vector_store %run_scoped3A_1[%parallel_loop3A_994, %parallel_loop3A_995], %parallel_loop3A_998 {add = true, strides = array<i32>} : memref<72x128xf32, #tpu.memory_space<vmem>>, vector<1x16xf32>,
        %parallel_loop3A_999 = arith.index_cast %parallel_loop3A_900 : i32 to index
        %parallel_loop3A_1000 = arith.constant 112 : index
        %parallel_loop3A_1001 = tpu.vector_load %run_scoped3A[%parallel_loop3A_999, %parallel_loop3A_1000] {strides = array<i32>} : memref<72x384xf32, #tpu.memory_space<vmem>>, vector<1x16xf32>,
        %parallel_loop3A_1002 = vector.shape_cast %parallel_loop3A_1001 : vector<1x16xf32> to vector<16xf32>
        %parallel_loop3A_1003 = arith.index_cast %parallel_loop3A_900 : i32 to index
        %parallel_loop3A_1004 = arith.constant 112 : index
        %parallel_loop3A_1005 = tpu.vector_load %run_scoped3A_0[%parallel_loop3A_1003, %parallel_loop3A_1004] {strides = array<i32>} : memref<72x128xf32, #tpu.memory_space<vmem>>, vector<1x16xf32>,
        %parallel_loop3A_1006 = vector.shape_cast %parallel_loop3A_1005 : vector<1x16xf32> to vector<16xf32>
        %parallel_loop3A_1007 = vector.shape_cast %parallel_loop3A_1002 : vector<16xf32> to vector<1x16xf32>
        tpu.vector_store %run_scoped3A_0[%parallel_loop3A_1003, %parallel_loop3A_1004], %parallel_loop3A_1007 {add = true, strides = array<i32>} : memref<72x128xf32, #tpu.memory_space<vmem>>, vector<1x16xf32>,
        %parallel_loop3A_1008 = arith.index_cast %parallel_loop3A_900 : i32 to index
        %parallel_loop3A_1009 = arith.constant 112 : index
        %parallel_loop3A_1010 = tpu.vector_load %run_scoped3A_1[%parallel_loop3A_1008, %parallel_loop3A_1009] {strides = array<i32>} : memref<72x128xf32, #tpu.memory_space<vmem>>, vector<1x16xf32>,
        %parallel_loop3A_1011 = vector.shape_cast %parallel_loop3A_1010 : vector<1x16xf32> to vector<16xf32>
        %parallel_loop3A_1012 = vector.shape_cast %parallel_loop3A_1002 : vector<16xf32> to vector<1x16xf32>
        tpu.vector_store %run_scoped3A_1[%parallel_loop3A_1008, %parallel_loop3A_1009], %parallel_loop3A_1012 {add = true, strides = array<i32>} : memref<72x128xf32, #tpu.memory_space<vmem>>, vector<1x16xf32>,
      } {sc.loop_unroll_factor = 2 : i64, sc.parallel_access}
      %add3A_713 = arith.constant 24 : i32
      %add3A_714 = arith.addi %select_n3A_57, %add3A_713 : i32
      %dma_start3A_715 = arith.constant 0 : i32
      %dma_start3A_716 = tpu.memref_slice %arg4[%add3A_714, %mul3A_59, %dma_start3A_715] : memref<32x576x384xf32, #tpu.memory_space<hbm>> -> memref<1x72x128xf32, #tpu.memory_space<hbm>>
      %dma_start3A_717 = tpu.memref_squeeze %dma_start3A_716 : memref<1x72x128xf32, #tpu.memory_space<hbm>> -> memref<72x128xf32, #tpu.memory_space<hbm>>
      %dma_start3A_718 = arith.constant 0 : i32
      %dma_start3A_719 = tpu.memref_slice %arg4[%add3A_714, %mul3A_59, %dma_start3A_718] : memref<32x576x384xf32, #tpu.memory_space<hbm>> -> memref<1x72x128xf32, #tpu.memory_space<hbm>>
      %dma_start3A_720 = tpu.memref_squeeze %dma_start3A_719 : memref<1x72x128xf32, #tpu.memory_space<hbm>> -> memref<72x128xf32, #tpu.memory_space<hbm>>
      tpu.enqueue_dma source(%run_scoped3A_0 : memref<72x128xf32, #tpu.memory_space<vmem>>) target(%dma_start3A_720 : memref<72x128xf32, #tpu.memory_space<hbm>>) target_semaphore(%run_scoped3A_18 : memref<!tpu.dma_semaphore, #tpu.memory_space<semaphore_mem>>)
      %add3A_721 = arith.constant 28 : i32
      %add3A_722 = arith.addi %select_n3A_57, %add3A_721 : i32
      %dma_start3A_723 = arith.constant 0 : i32
      %dma_start3A_724 = tpu.memref_slice %arg4[%add3A_722, %mul3A_59, %dma_start3A_723] : memref<32x576x384xf32, #tpu.memory_space<hbm>> -> memref<1x72x128xf32, #tpu.memory_space<hbm>>
      %dma_start3A_725 = tpu.memref_squeeze %dma_start3A_724 : memref<1x72x128xf32, #tpu.memory_space<hbm>> -> memref<72x128xf32, #tpu.memory_space<hbm>>
      %dma_start3A_726 = arith.constant 0 : i32
      %dma_start3A_727 = tpu.memref_slice %arg4[%add3A_722, %mul3A_59, %dma_start3A_726] : memref<32x576x384xf32, #tpu.memory_space<hbm>> -> memref<1x72x128xf32, #tpu.memory_space<hbm>>
      %dma_start3A_728 = tpu.memref_squeeze %dma_start3A_727 : memref<1x72x128xf32, #tpu.memory_space<hbm>> -> memref<72x128xf32, #tpu.memory_space<hbm>>
      tpu.enqueue_dma source(%run_scoped3A_1 : memref<72x128xf32, #tpu.memory_space<vmem>>) target(%dma_start3A_728 : memref<72x128xf32, #tpu.memory_space<hbm>>) target_semaphore(%run_scoped3A_19 : memref<!tpu.dma_semaphore, #tpu.memory_space<semaphore_mem>>)
      %dma_wait3A_729 = arith.constant 0 : i32
      %dma_wait3A_730 = arith.constant 0 : i32
      %dma_wait3A_731 = arith.constant 0 : i32
      %dma_wait3A_732 = tpu.memref_slice %arg4[%dma_wait3A_729, %dma_wait3A_730, %dma_wait3A_731] : memref<32x576x384xf32, #tpu.memory_space<hbm>> -> memref<1x72x128xf32, #tpu.memory_space<hbm>>
      %dma_wait3A_733 = tpu.memref_squeeze %dma_wait3A_732 : memref<1x72x128xf32, #tpu.memory_space<hbm>> -> memref<72x128xf32, #tpu.memory_space<hbm>>
      %dma_wait3A_734 = arith.constant 0 : i32
      %dma_wait3A_735 = arith.constant 0 : i32
      %dma_wait3A_736 = tpu.memref_slice %arg4[%dma_wait3A_729, %dma_wait3A_734, %dma_wait3A_735] : memref<32x576x384xf32, #tpu.memory_space<hbm>> -> memref<1x72x128xf32, #tpu.memory_space<hbm>>
      %dma_wait3A_737 = tpu.memref_squeeze %dma_wait3A_736 : memref<1x72x128xf32, #tpu.memory_space<hbm>> -> memref<72x128xf32, #tpu.memory_space<hbm>>
      tpu.wait_dma2 semaphore(%run_scoped3A_24 : memref<!tpu.dma_semaphore, #tpu.memory_space<semaphore_mem>>) src(%run_scoped3A_6 : memref<72x128xf32, #tpu.memory_space<vmem>>) dst(%dma_wait3A_737 : memref<72x128xf32, #tpu.memory_space<hbm>>)
      %dma_wait3A_738 = arith.constant 0 : i32
      %dma_wait3A_739 = arith.constant 0 : i32
      %dma_wait3A_740 = arith.constant 0 : i32
      %dma_wait3A_741 = tpu.memref_slice %arg4[%dma_wait3A_738, %dma_wait3A_739, %dma_wait3A_740] : memref<32x576x384xf32, #tpu.memory_space<hbm>> -> memref<1x72x128xf32, #tpu.memory_space<hbm>>
      %dma_wait3A_742 = tpu.memref_squeeze %dma_wait3A_741 : memref<1x72x128xf32, #tpu.memory_space<hbm>> -> memref<72x128xf32, #tpu.memory_space<hbm>>
      %dma_wait3A_743 = arith.constant 0 : i32
      %dma_wait3A_744 = arith.constant 0 : i32
      %dma_wait3A_745 = tpu.memref_slice %arg4[%dma_wait3A_738, %dma_wait3A_743, %dma_wait3A_744] : memref<32x576x384xf32, #tpu.memory_space<hbm>> -> memref<1x72x128xf32, #tpu.memory_space<hbm>>
      %dma_wait3A_746 = tpu.memref_squeeze %dma_wait3A_745 : memref<1x72x128xf32, #tpu.memory_space<hbm>> -> memref<72x128xf32, #tpu.memory_space<hbm>>
      tpu.wait_dma2 semaphore(%run_scoped3A_25 : memref<!tpu.dma_semaphore, #tpu.memory_space<semaphore_mem>>) src(%run_scoped3A_7 : memref<72x128xf32, #tpu.memory_space<vmem>>) dst(%dma_wait3A_746 : memref<72x128xf32, #tpu.memory_space<hbm>>)
      %dma_wait3A_747 = arith.constant 0 : i32
      %dma_wait3A_748 = arith.constant 0 : i32
      %dma_wait3A_749 = arith.constant 0 : i32
      %dma_wait3A_750 = tpu.memref_slice %arg4[%dma_wait3A_747, %dma_wait3A_748, %dma_wait3A_749] : memref<32x576x384xf32, #tpu.memory_space<hbm>> -> memref<1x72x128xf32, #tpu.memory_space<hbm>>
      %dma_wait3A_751 = tpu.memref_squeeze %dma_wait3A_750 : memref<1x72x128xf32, #tpu.memory_space<hbm>> -> memref<72x128xf32, #tpu.memory_space<hbm>>
      %dma_wait3A_752 = arith.constant 0 : i32
      %dma_wait3A_753 = arith.constant 0 : i32
      %dma_wait3A_754 = tpu.memref_slice %arg4[%dma_wait3A_747, %dma_wait3A_752, %dma_wait3A_753] : memref<32x576x384xf32, #tpu.memory_space<hbm>> -> memref<1x72x128xf32, #tpu.memory_space<hbm>>
      %dma_wait3A_755 = tpu.memref_squeeze %dma_wait3A_754 : memref<1x72x128xf32, #tpu.memory_space<hbm>> -> memref<72x128xf32, #tpu.memory_space<hbm>>
      tpu.wait_dma2 semaphore(%run_scoped3A_26 : memref<!tpu.dma_semaphore, #tpu.memory_space<semaphore_mem>>) src(%run_scoped3A_8 : memref<72x128xf32, #tpu.memory_space<vmem>>) dst(%dma_wait3A_755 : memref<72x128xf32, #tpu.memory_space<hbm>>)
      %add3A_756 = arith.constant 24 : i32
      %add3A_757 = arith.addi %select_n3A_57, %add3A_756 : i32
      %dma_start3A_758 = arith.constant 256 : i32
      %dma_start3A_759 = tpu.memref_slice %arg2[%add3A_757, %mul3A_59, %dma_start3A_758] : memref<32x576x384xf32, #tpu.memory_space<hbm>> -> memref<1x72x128xf32, #tpu.memory_space<hbm>>
      %dma_start3A_760 = tpu.memref_squeeze %dma_start3A_759 : memref<1x72x128xf32, #tpu.memory_space<hbm>> -> memref<72x128xf32, #tpu.memory_space<hbm>>
      %dma_start3A_761 = arith.constant 256 : i32
      %dma_start3A_762 = tpu.memref_slice %arg2[%add3A_757, %mul3A_59, %dma_start3A_761] : memref<32x576x384xf32, #tpu.memory_space<hbm>> -> memref<1x72x128xf32, #tpu.memory_space<hbm>>
      %dma_start3A_763 = tpu.memref_squeeze %dma_start3A_762 : memref<1x72x128xf32, #tpu.memory_space<hbm>> -> memref<72x128xf32, #tpu.memory_space<hbm>>
      tpu.enqueue_dma source(%dma_start3A_763 : memref<72x128xf32, #tpu.memory_space<hbm>>) target(%run_scoped3A_6 : memref<72x128xf32, #tpu.memory_space<vmem>>) target_semaphore(%run_scoped3A_15 : memref<!tpu.dma_semaphore, #tpu.memory_space<semaphore_mem>>)
      %add3A_764 = arith.constant 28 : i32
      %add3A_765 = arith.addi %select_n3A_57, %add3A_764 : i32
      %dma_start3A_766 = arith.constant 256 : i32
      %dma_start3A_767 = tpu.memref_slice %arg2[%add3A_765, %mul3A_59, %dma_start3A_766] : memref<32x576x384xf32, #tpu.memory_space<hbm>> -> memref<1x72x128xf32, #tpu.memory_space<hbm>>
      %dma_start3A_768 = tpu.memref_squeeze %dma_start3A_767 : memref<1x72x128xf32, #tpu.memory_space<hbm>> -> memref<72x128xf32, #tpu.memory_space<hbm>>
      %dma_start3A_769 = arith.constant 256 : i32
      %dma_start3A_770 = tpu.memref_slice %arg2[%add3A_765, %mul3A_59, %dma_start3A_769] : memref<32x576x384xf32, #tpu.memory_space<hbm>> -> memref<1x72x128xf32, #tpu.memory_space<hbm>>
      %dma_start3A_771 = tpu.memref_squeeze %dma_start3A_770 : memref<1x72x128xf32, #tpu.memory_space<hbm>> -> memref<72x128xf32, #tpu.memory_space<hbm>>
      tpu.enqueue_dma source(%dma_start3A_771 : memref<72x128xf32, #tpu.memory_space<hbm>>) target(%run_scoped3A_7 : memref<72x128xf32, #tpu.memory_space<vmem>>) target_semaphore(%run_scoped3A_16 : memref<!tpu.dma_semaphore, #tpu.memory_space<semaphore_mem>>)
      %dma_wait3A_772 = arith.constant 0 : i32
      %dma_wait3A_773 = arith.constant 0 : i32
      %dma_wait3A_774 = arith.constant 0 : i32
      %dma_wait3A_775 = tpu.memref_slice %arg2[%dma_wait3A_772, %dma_wait3A_773, %dma_wait3A_774] : memref<32x576x384xf32, #tpu.memory_space<hbm>> -> memref<1x72x128xf32, #tpu.memory_space<hbm>>
      %dma_wait3A_776 = tpu.memref_squeeze %dma_wait3A_775 : memref<1x72x128xf32, #tpu.memory_space<hbm>> -> memref<72x128xf32, #tpu.memory_space<hbm>>
      %dma_wait3A_777 = arith.constant 0 : i32
      %dma_wait3A_778 = arith.constant 0 : i32
      %dma_wait3A_779 = tpu.memref_slice %arg2[%dma_wait3A_772, %dma_wait3A_777, %dma_wait3A_778] : memref<32x576x384xf32, #tpu.memory_space<hbm>> -> memref<1x72x128xf32, #tpu.memory_space<hbm>>
      %dma_wait3A_780 = tpu.memref_squeeze %dma_wait3A_779 : memref<1x72x128xf32, #tpu.memory_space<hbm>> -> memref<72x128xf32, #tpu.memory_space<hbm>>
      tpu.wait_dma2 semaphore(%run_scoped3A_12 : memref<!tpu.dma_semaphore, #tpu.memory_space<semaphore_mem>>) src(%dma_wait3A_780 : memref<72x128xf32, #tpu.memory_space<hbm>>) dst(%run_scoped3A_3 : memref<72x128xf32, #tpu.memory_space<vmem>>)
      %dma_wait3A_781 = arith.constant 0 : i32
      %dma_wait3A_782 = arith.constant 0 : i32
      %dma_wait3A_783 = arith.constant 0 : i32
      %dma_wait3A_784 = tpu.memref_slice %arg2[%dma_wait3A_781, %dma_wait3A_782, %dma_wait3A_783] : memref<32x576x384xf32, #tpu.memory_space<hbm>> -> memref<1x72x128xf32, #tpu.memory_space<hbm>>
      %dma_wait3A_785 = tpu.memref_squeeze %dma_wait3A_784 : memref<1x72x128xf32, #tpu.memory_space<hbm>> -> memref<72x128xf32, #tpu.memory_space<hbm>>
      %dma_wait3A_786 = arith.constant 0 : i32
      %dma_wait3A_787 = arith.constant 0 : i32
      %dma_wait3A_788 = tpu.memref_slice %arg2[%dma_wait3A_781, %dma_wait3A_786, %dma_wait3A_787] : memref<32x576x384xf32, #tpu.memory_space<hbm>> -> memref<1x72x128xf32, #tpu.memory_space<hbm>>
      %dma_wait3A_789 = tpu.memref_squeeze %dma_wait3A_788 : memref<1x72x128xf32, #tpu.memory_space<hbm>> -> memref<72x128xf32, #tpu.memory_space<hbm>>
      tpu.wait_dma2 semaphore(%run_scoped3A_13 : memref<!tpu.dma_semaphore, #tpu.memory_space<semaphore_mem>>) src(%dma_wait3A_789 : memref<72x128xf32, #tpu.memory_space<hbm>>) dst(%run_scoped3A_4 : memref<72x128xf32, #tpu.memory_space<vmem>>)
      %parallel_loop3A_790 = arith.constant 0 : i32
      %parallel_loop3A_791 = arith.constant 72 : i32
      %parallel_loop3A_792 = arith.constant 1 : i32
      scf.for %parallel_loop3A_900 = %parallel_loop3A_790 to %parallel_loop3A_791 step %parallel_loop3A_792  : i32 {
        %parallel_loop3A_901 = arith.index_cast %parallel_loop3A_900 : i32 to index
        %parallel_loop3A_902 = arith.constant 128 : index
        %parallel_loop3A_903 = tpu.vector_load %run_scoped3A[%parallel_loop3A_901, %parallel_loop3A_902] {strides = array<i32>} : memref<72x384xf32, #tpu.memory_space<vmem>>, vector<1x16xf32>,
        %parallel_loop3A_904 = vector.shape_cast %parallel_loop3A_903 : vector<1x16xf32> to vector<16xf32>
        %parallel_loop3A_905 = arith.index_cast %parallel_loop3A_900 : i32 to index
        %parallel_loop3A_906 = arith.constant 0 : index
        %parallel_loop3A_907 = tpu.vector_load %run_scoped3A_3[%parallel_loop3A_905, %parallel_loop3A_906] {strides = array<i32>} : memref<72x128xf32, #tpu.memory_space<vmem>>, vector<1x16xf32>,
        %parallel_loop3A_908 = vector.shape_cast %parallel_loop3A_907 : vector<1x16xf32> to vector<16xf32>
        %parallel_loop3A_909 = vector.shape_cast %parallel_loop3A_904 : vector<16xf32> to vector<1x16xf32>
        tpu.vector_store %run_scoped3A_3[%parallel_loop3A_905, %parallel_loop3A_906], %parallel_loop3A_909 {add = true, strides = array<i32>} : memref<72x128xf32, #tpu.memory_space<vmem>>, vector<1x16xf32>,
        %parallel_loop3A_910 = arith.index_cast %parallel_loop3A_900 : i32 to index
        %parallel_loop3A_911 = arith.constant 0 : index
        %parallel_loop3A_912 = tpu.vector_load %run_scoped3A_4[%parallel_loop3A_910, %parallel_loop3A_911] {strides = array<i32>} : memref<72x128xf32, #tpu.memory_space<vmem>>, vector<1x16xf32>,
        %parallel_loop3A_913 = vector.shape_cast %parallel_loop3A_912 : vector<1x16xf32> to vector<16xf32>
        %parallel_loop3A_914 = vector.shape_cast %parallel_loop3A_904 : vector<16xf32> to vector<1x16xf32>
        tpu.vector_store %run_scoped3A_4[%parallel_loop3A_910, %parallel_loop3A_911], %parallel_loop3A_914 {add = true, strides = array<i32>} : memref<72x128xf32, #tpu.memory_space<vmem>>, vector<1x16xf32>,
        %parallel_loop3A_915 = arith.index_cast %parallel_loop3A_900 : i32 to index
        %parallel_loop3A_916 = arith.constant 144 : index
        %parallel_loop3A_917 = tpu.vector_load %run_scoped3A[%parallel_loop3A_915, %parallel_loop3A_916] {strides = array<i32>} : memref<72x384xf32, #tpu.memory_space<vmem>>, vector<1x16xf32>,
        %parallel_loop3A_918 = vector.shape_cast %parallel_loop3A_917 : vector<1x16xf32> to vector<16xf32>
        %parallel_loop3A_919 = arith.index_cast %parallel_loop3A_900 : i32 to index
        %parallel_loop3A_920 = arith.constant 16 : index
        %parallel_loop3A_921 = tpu.vector_load %run_scoped3A_3[%parallel_loop3A_919, %parallel_loop3A_920] {strides = array<i32>} : memref<72x128xf32, #tpu.memory_space<vmem>>, vector<1x16xf32>,
        %parallel_loop3A_922 = vector.shape_cast %parallel_loop3A_921 : vector<1x16xf32> to vector<16xf32>
        %parallel_loop3A_923 = vector.shape_cast %parallel_loop3A_918 : vector<16xf32> to vector<1x16xf32>
        tpu.vector_store %run_scoped3A_3[%parallel_loop3A_919, %parallel_loop3A_920], %parallel_loop3A_923 {add = true, strides = array<i32>} : memref<72x128xf32, #tpu.memory_space<vmem>>, vector<1x16xf32>,
        %parallel_loop3A_924 = arith.index_cast %parallel_loop3A_900 : i32 to index
        %parallel_loop3A_925 = arith.constant 16 : index
        %parallel_loop3A_926 = tpu.vector_load %run_scoped3A_4[%parallel_loop3A_924, %parallel_loop3A_925] {strides = array<i32>} : memref<72x128xf32, #tpu.memory_space<vmem>>, vector<1x16xf32>,
        %parallel_loop3A_927 = vector.shape_cast %parallel_loop3A_926 : vector<1x16xf32> to vector<16xf32>
        %parallel_loop3A_928 = vector.shape_cast %parallel_loop3A_918 : vector<16xf32> to vector<1x16xf32>
        tpu.vector_store %run_scoped3A_4[%parallel_loop3A_924, %parallel_loop3A_925], %parallel_loop3A_928 {add = true, strides = array<i32>} : memref<72x128xf32, #tpu.memory_space<vmem>>, vector<1x16xf32>,
        %parallel_loop3A_929 = arith.index_cast %parallel_loop3A_900 : i32 to index
        %parallel_loop3A_930 = arith.constant 160 : index
        %parallel_loop3A_931 = tpu.vector_load %run_scoped3A[%parallel_loop3A_929, %parallel_loop3A_930] {strides = array<i32>} : memref<72x384xf32, #tpu.memory_space<vmem>>, vector<1x16xf32>,
        %parallel_loop3A_932 = vector.shape_cast %parallel_loop3A_931 : vector<1x16xf32> to vector<16xf32>
        %parallel_loop3A_933 = arith.index_cast %parallel_loop3A_900 : i32 to index
        %parallel_loop3A_934 = arith.constant 32 : index
        %parallel_loop3A_935 = tpu.vector_load %run_scoped3A_3[%parallel_loop3A_933, %parallel_loop3A_934] {strides = array<i32>} : memref<72x128xf32, #tpu.memory_space<vmem>>, vector<1x16xf32>,
        %parallel_loop3A_936 = vector.shape_cast %parallel_loop3A_935 : vector<1x16xf32> to vector<16xf32>
        %parallel_loop3A_937 = vector.shape_cast %parallel_loop3A_932 : vector<16xf32> to vector<1x16xf32>
        tpu.vector_store %run_scoped3A_3[%parallel_loop3A_933, %parallel_loop3A_934], %parallel_loop3A_937 {add = true, strides = array<i32>} : memref<72x128xf32, #tpu.memory_space<vmem>>, vector<1x16xf32>,
        %parallel_loop3A_938 = arith.index_cast %parallel_loop3A_900 : i32 to index
        %parallel_loop3A_939 = arith.constant 32 : index
        %parallel_loop3A_940 = tpu.vector_load %run_scoped3A_4[%parallel_loop3A_938, %parallel_loop3A_939] {strides = array<i32>} : memref<72x128xf32, #tpu.memory_space<vmem>>, vector<1x16xf32>,
        %parallel_loop3A_941 = vector.shape_cast %parallel_loop3A_940 : vector<1x16xf32> to vector<16xf32>
        %parallel_loop3A_942 = vector.shape_cast %parallel_loop3A_932 : vector<16xf32> to vector<1x16xf32>
        tpu.vector_store %run_scoped3A_4[%parallel_loop3A_938, %parallel_loop3A_939], %parallel_loop3A_942 {add = true, strides = array<i32>} : memref<72x128xf32, #tpu.memory_space<vmem>>, vector<1x16xf32>,
        %parallel_loop3A_943 = arith.index_cast %parallel_loop3A_900 : i32 to index
        %parallel_loop3A_944 = arith.constant 176 : index
        %parallel_loop3A_945 = tpu.vector_load %run_scoped3A[%parallel_loop3A_943, %parallel_loop3A_944] {strides = array<i32>} : memref<72x384xf32, #tpu.memory_space<vmem>>, vector<1x16xf32>,
        %parallel_loop3A_946 = vector.shape_cast %parallel_loop3A_945 : vector<1x16xf32> to vector<16xf32>
        %parallel_loop3A_947 = arith.index_cast %parallel_loop3A_900 : i32 to index
        %parallel_loop3A_948 = arith.constant 48 : index
        %parallel_loop3A_949 = tpu.vector_load %run_scoped3A_3[%parallel_loop3A_947, %parallel_loop3A_948] {strides = array<i32>} : memref<72x128xf32, #tpu.memory_space<vmem>>, vector<1x16xf32>,
        %parallel_loop3A_950 = vector.shape_cast %parallel_loop3A_949 : vector<1x16xf32> to vector<16xf32>
        %parallel_loop3A_951 = vector.shape_cast %parallel_loop3A_946 : vector<16xf32> to vector<1x16xf32>
        tpu.vector_store %run_scoped3A_3[%parallel_loop3A_947, %parallel_loop3A_948], %parallel_loop3A_951 {add = true, strides = array<i32>} : memref<72x128xf32, #tpu.memory_space<vmem>>, vector<1x16xf32>,
        %parallel_loop3A_952 = arith.index_cast %parallel_loop3A_900 : i32 to index
        %parallel_loop3A_953 = arith.constant 48 : index
        %parallel_loop3A_954 = tpu.vector_load %run_scoped3A_4[%parallel_loop3A_952, %parallel_loop3A_953] {strides = array<i32>} : memref<72x128xf32, #tpu.memory_space<vmem>>, vector<1x16xf32>,
        %parallel_loop3A_955 = vector.shape_cast %parallel_loop3A_954 : vector<1x16xf32> to vector<16xf32>
        %parallel_loop3A_956 = vector.shape_cast %parallel_loop3A_946 : vector<16xf32> to vector<1x16xf32>
        tpu.vector_store %run_scoped3A_4[%parallel_loop3A_952, %parallel_loop3A_953], %parallel_loop3A_956 {add = true, strides = array<i32>} : memref<72x128xf32, #tpu.memory_space<vmem>>, vector<1x16xf32>,
        %parallel_loop3A_957 = arith.index_cast %parallel_loop3A_900 : i32 to index
        %parallel_loop3A_958 = arith.constant 192 : index
        %parallel_loop3A_959 = tpu.vector_load %run_scoped3A[%parallel_loop3A_957, %parallel_loop3A_958] {strides = array<i32>} : memref<72x384xf32, #tpu.memory_space<vmem>>, vector<1x16xf32>,
        %parallel_loop3A_960 = vector.shape_cast %parallel_loop3A_959 : vector<1x16xf32> to vector<16xf32>
        %parallel_loop3A_961 = arith.index_cast %parallel_loop3A_900 : i32 to index
        %parallel_loop3A_962 = arith.constant 64 : index
        %parallel_loop3A_963 = tpu.vector_load %run_scoped3A_3[%parallel_loop3A_961, %parallel_loop3A_962] {strides = array<i32>} : memref<72x128xf32, #tpu.memory_space<vmem>>, vector<1x16xf32>,
        %parallel_loop3A_964 = vector.shape_cast %parallel_loop3A_963 : vector<1x16xf32> to vector<16xf32>
        %parallel_loop3A_965 = vector.shape_cast %parallel_loop3A_960 : vector<16xf32> to vector<1x16xf32>
        tpu.vector_store %run_scoped3A_3[%parallel_loop3A_961, %parallel_loop3A_962], %parallel_loop3A_965 {add = true, strides = array<i32>} : memref<72x128xf32, #tpu.memory_space<vmem>>, vector<1x16xf32>,
        %parallel_loop3A_966 = arith.index_cast %parallel_loop3A_900 : i32 to index
        %parallel_loop3A_967 = arith.constant 64 : index
        %parallel_loop3A_968 = tpu.vector_load %run_scoped3A_4[%parallel_loop3A_966, %parallel_loop3A_967] {strides = array<i32>} : memref<72x128xf32, #tpu.memory_space<vmem>>, vector<1x16xf32>,
        %parallel_loop3A_969 = vector.shape_cast %parallel_loop3A_968 : vector<1x16xf32> to vector<16xf32>
        %parallel_loop3A_970 = vector.shape_cast %parallel_loop3A_960 : vector<16xf32> to vector<1x16xf32>
        tpu.vector_store %run_scoped3A_4[%parallel_loop3A_966, %parallel_loop3A_967], %parallel_loop3A_970 {add = true, strides = array<i32>} : memref<72x128xf32, #tpu.memory_space<vmem>>, vector<1x16xf32>,
        %parallel_loop3A_971 = arith.index_cast %parallel_loop3A_900 : i32 to index
        %parallel_loop3A_972 = arith.constant 208 : index
        %parallel_loop3A_973 = tpu.vector_load %run_scoped3A[%parallel_loop3A_971, %parallel_loop3A_972] {strides = array<i32>} : memref<72x384xf32, #tpu.memory_space<vmem>>, vector<1x16xf32>,
        %parallel_loop3A_974 = vector.shape_cast %parallel_loop3A_973 : vector<1x16xf32> to vector<16xf32>
        %parallel_loop3A_975 = arith.index_cast %parallel_loop3A_900 : i32 to index
        %parallel_loop3A_976 = arith.constant 80 : index
        %parallel_loop3A_977 = tpu.vector_load %run_scoped3A_3[%parallel_loop3A_975, %parallel_loop3A_976] {strides = array<i32>} : memref<72x128xf32, #tpu.memory_space<vmem>>, vector<1x16xf32>,
        %parallel_loop3A_978 = vector.shape_cast %parallel_loop3A_977 : vector<1x16xf32> to vector<16xf32>
        %parallel_loop3A_979 = vector.shape_cast %parallel_loop3A_974 : vector<16xf32> to vector<1x16xf32>
        tpu.vector_store %run_scoped3A_3[%parallel_loop3A_975, %parallel_loop3A_976], %parallel_loop3A_979 {add = true, strides = array<i32>} : memref<72x128xf32, #tpu.memory_space<vmem>>, vector<1x16xf32>,
        %parallel_loop3A_980 = arith.index_cast %parallel_loop3A_900 : i32 to index
        %parallel_loop3A_981 = arith.constant 80 : index
        %parallel_loop3A_982 = tpu.vector_load %run_scoped3A_4[%parallel_loop3A_980, %parallel_loop3A_981] {strides = array<i32>} : memref<72x128xf32, #tpu.memory_space<vmem>>, vector<1x16xf32>,
        %parallel_loop3A_983 = vector.shape_cast %parallel_loop3A_982 : vector<1x16xf32> to vector<16xf32>
        %parallel_loop3A_984 = vector.shape_cast %parallel_loop3A_974 : vector<16xf32> to vector<1x16xf32>
        tpu.vector_store %run_scoped3A_4[%parallel_loop3A_980, %parallel_loop3A_981], %parallel_loop3A_984 {add = true, strides = array<i32>} : memref<72x128xf32, #tpu.memory_space<vmem>>, vector<1x16xf32>,
        %parallel_loop3A_985 = arith.index_cast %parallel_loop3A_900 : i32 to index
        %parallel_loop3A_986 = arith.constant 224 : index
        %parallel_loop3A_987 = tpu.vector_load %run_scoped3A[%parallel_loop3A_985, %parallel_loop3A_986] {strides = array<i32>} : memref<72x384xf32, #tpu.memory_space<vmem>>, vector<1x16xf32>,
        %parallel_loop3A_988 = vector.shape_cast %parallel_loop3A_987 : vector<1x16xf32> to vector<16xf32>
        %parallel_loop3A_989 = arith.index_cast %parallel_loop3A_900 : i32 to index
        %parallel_loop3A_990 = arith.constant 96 : index
        %parallel_loop3A_991 = tpu.vector_load %run_scoped3A_3[%parallel_loop3A_989, %parallel_loop3A_990] {strides = array<i32>} : memref<72x128xf32, #tpu.memory_space<vmem>>, vector<1x16xf32>,
        %parallel_loop3A_992 = vector.shape_cast %parallel_loop3A_991 : vector<1x16xf32> to vector<16xf32>
        %parallel_loop3A_993 = vector.shape_cast %parallel_loop3A_988 : vector<16xf32> to vector<1x16xf32>
        tpu.vector_store %run_scoped3A_3[%parallel_loop3A_989, %parallel_loop3A_990], %parallel_loop3A_993 {add = true, strides = array<i32>} : memref<72x128xf32, #tpu.memory_space<vmem>>, vector<1x16xf32>,
        %parallel_loop3A_994 = arith.index_cast %parallel_loop3A_900 : i32 to index
        %parallel_loop3A_995 = arith.constant 96 : index
        %parallel_loop3A_996 = tpu.vector_load %run_scoped3A_4[%parallel_loop3A_994, %parallel_loop3A_995] {strides = array<i32>} : memref<72x128xf32, #tpu.memory_space<vmem>>, vector<1x16xf32>,
        %parallel_loop3A_997 = vector.shape_cast %parallel_loop3A_996 : vector<1x16xf32> to vector<16xf32>
        %parallel_loop3A_998 = vector.shape_cast %parallel_loop3A_988 : vector<16xf32> to vector<1x16xf32>
        tpu.vector_store %run_scoped3A_4[%parallel_loop3A_994, %parallel_loop3A_995], %parallel_loop3A_998 {add = true, strides = array<i32>} : memref<72x128xf32, #tpu.memory_space<vmem>>, vector<1x16xf32>,
        %parallel_loop3A_999 = arith.index_cast %parallel_loop3A_900 : i32 to index
        %parallel_loop3A_1000 = arith.constant 240 : index
        %parallel_loop3A_1001 = tpu.vector_load %run_scoped3A[%parallel_loop3A_999, %parallel_loop3A_1000] {strides = array<i32>} : memref<72x384xf32, #tpu.memory_space<vmem>>, vector<1x16xf32>,
        %parallel_loop3A_1002 = vector.shape_cast %parallel_loop3A_1001 : vector<1x16xf32> to vector<16xf32>
        %parallel_loop3A_1003 = arith.index_cast %parallel_loop3A_900 : i32 to index
        %parallel_loop3A_1004 = arith.constant 112 : index
        %parallel_loop3A_1005 = tpu.vector_load %run_scoped3A_3[%parallel_loop3A_1003, %parallel_loop3A_1004] {strides = array<i32>} : memref<72x128xf32, #tpu.memory_space<vmem>>, vector<1x16xf32>,
        %parallel_loop3A_1006 = vector.shape_cast %parallel_loop3A_1005 : vector<1x16xf32> to vector<16xf32>
        %parallel_loop3A_1007 = vector.shape_cast %parallel_loop3A_1002 : vector<16xf32> to vector<1x16xf32>
        tpu.vector_store %run_scoped3A_3[%parallel_loop3A_1003, %parallel_loop3A_1004], %parallel_loop3A_1007 {add = true, strides = array<i32>} : memref<72x128xf32, #tpu.memory_space<vmem>>, vector<1x16xf32>,
        %parallel_loop3A_1008 = arith.index_cast %parallel_loop3A_900 : i32 to index
        %parallel_loop3A_1009 = arith.constant 112 : index
        %parallel_loop3A_1010 = tpu.vector_load %run_scoped3A_4[%parallel_loop3A_1008, %parallel_loop3A_1009] {strides = array<i32>} : memref<72x128xf32, #tpu.memory_space<vmem>>, vector<1x16xf32>,
        %parallel_loop3A_1011 = vector.shape_cast %parallel_loop3A_1010 : vector<1x16xf32> to vector<16xf32>
        %parallel_loop3A_1012 = vector.shape_cast %parallel_loop3A_1002 : vector<16xf32> to vector<1x16xf32>
        tpu.vector_store %run_scoped3A_4[%parallel_loop3A_1008, %parallel_loop3A_1009], %parallel_loop3A_1012 {add = true, strides = array<i32>} : memref<72x128xf32, #tpu.memory_space<vmem>>, vector<1x16xf32>,
      } {sc.loop_unroll_factor = 2 : i64, sc.parallel_access}
      %add3A_793 = arith.constant 24 : i32
      %add3A_794 = arith.addi %select_n3A_57, %add3A_793 : i32
      %dma_start3A_795 = arith.constant 128 : i32
      %dma_start3A_796 = tpu.memref_slice %arg4[%add3A_794, %mul3A_59, %dma_start3A_795] : memref<32x576x384xf32, #tpu.memory_space<hbm>> -> memref<1x72x128xf32, #tpu.memory_space<hbm>>
      %dma_start3A_797 = tpu.memref_squeeze %dma_start3A_796 : memref<1x72x128xf32, #tpu.memory_space<hbm>> -> memref<72x128xf32, #tpu.memory_space<hbm>>
      %dma_start3A_798 = arith.constant 128 : i32
      %dma_start3A_799 = tpu.memref_slice %arg4[%add3A_794, %mul3A_59, %dma_start3A_798] : memref<32x576x384xf32, #tpu.memory_space<hbm>> -> memref<1x72x128xf32, #tpu.memory_space<hbm>>
      %dma_start3A_800 = tpu.memref_squeeze %dma_start3A_799 : memref<1x72x128xf32, #tpu.memory_space<hbm>> -> memref<72x128xf32, #tpu.memory_space<hbm>>
      tpu.enqueue_dma source(%run_scoped3A_3 : memref<72x128xf32, #tpu.memory_space<vmem>>) target(%dma_start3A_800 : memref<72x128xf32, #tpu.memory_space<hbm>>) target_semaphore(%run_scoped3A_21 : memref<!tpu.dma_semaphore, #tpu.memory_space<semaphore_mem>>)
      %add3A_801 = arith.constant 28 : i32
      %add3A_802 = arith.addi %select_n3A_57, %add3A_801 : i32
      %dma_start3A_803 = arith.constant 128 : i32
      %dma_start3A_804 = tpu.memref_slice %arg4[%add3A_802, %mul3A_59, %dma_start3A_803] : memref<32x576x384xf32, #tpu.memory_space<hbm>> -> memref<1x72x128xf32, #tpu.memory_space<hbm>>
      %dma_start3A_805 = tpu.memref_squeeze %dma_start3A_804 : memref<1x72x128xf32, #tpu.memory_space<hbm>> -> memref<72x128xf32, #tpu.memory_space<hbm>>
      %dma_start3A_806 = arith.constant 128 : i32
      %dma_start3A_807 = tpu.memref_slice %arg4[%add3A_802, %mul3A_59, %dma_start3A_806] : memref<32x576x384xf32, #tpu.memory_space<hbm>> -> memref<1x72x128xf32, #tpu.memory_space<hbm>>
      %dma_start3A_808 = tpu.memref_squeeze %dma_start3A_807 : memref<1x72x128xf32, #tpu.memory_space<hbm>> -> memref<72x128xf32, #tpu.memory_space<hbm>>
      tpu.enqueue_dma source(%run_scoped3A_4 : memref<72x128xf32, #tpu.memory_space<vmem>>) target(%dma_start3A_808 : memref<72x128xf32, #tpu.memory_space<hbm>>) target_semaphore(%run_scoped3A_22 : memref<!tpu.dma_semaphore, #tpu.memory_space<semaphore_mem>>)
      %dma_wait3A_809 = arith.constant 0 : i32
      %dma_wait3A_810 = arith.constant 0 : i32
      %dma_wait3A_811 = arith.constant 0 : i32
      %dma_wait3A_812 = tpu.memref_slice %arg2[%dma_wait3A_809, %dma_wait3A_810, %dma_wait3A_811] : memref<32x576x384xf32, #tpu.memory_space<hbm>> -> memref<1x72x128xf32, #tpu.memory_space<hbm>>
      %dma_wait3A_813 = tpu.memref_squeeze %dma_wait3A_812 : memref<1x72x128xf32, #tpu.memory_space<hbm>> -> memref<72x128xf32, #tpu.memory_space<hbm>>
      %dma_wait3A_814 = arith.constant 0 : i32
      %dma_wait3A_815 = arith.constant 0 : i32
      %dma_wait3A_816 = tpu.memref_slice %arg2[%dma_wait3A_809, %dma_wait3A_814, %dma_wait3A_815] : memref<32x576x384xf32, #tpu.memory_space<hbm>> -> memref<1x72x128xf32, #tpu.memory_space<hbm>>
      %dma_wait3A_817 = tpu.memref_squeeze %dma_wait3A_816 : memref<1x72x128xf32, #tpu.memory_space<hbm>> -> memref<72x128xf32, #tpu.memory_space<hbm>>
      tpu.wait_dma2 semaphore(%run_scoped3A_15 : memref<!tpu.dma_semaphore, #tpu.memory_space<semaphore_mem>>) src(%dma_wait3A_817 : memref<72x128xf32, #tpu.memory_space<hbm>>) dst(%run_scoped3A_6 : memref<72x128xf32, #tpu.memory_space<vmem>>)
      %dma_wait3A_818 = arith.constant 0 : i32
      %dma_wait3A_819 = arith.constant 0 : i32
      %dma_wait3A_820 = arith.constant 0 : i32
      %dma_wait3A_821 = tpu.memref_slice %arg2[%dma_wait3A_818, %dma_wait3A_819, %dma_wait3A_820] : memref<32x576x384xf32, #tpu.memory_space<hbm>> -> memref<1x72x128xf32, #tpu.memory_space<hbm>>
      %dma_wait3A_822 = tpu.memref_squeeze %dma_wait3A_821 : memref<1x72x128xf32, #tpu.memory_space<hbm>> -> memref<72x128xf32, #tpu.memory_space<hbm>>
      %dma_wait3A_823 = arith.constant 0 : i32
      %dma_wait3A_824 = arith.constant 0 : i32
      %dma_wait3A_825 = tpu.memref_slice %arg2[%dma_wait3A_818, %dma_wait3A_823, %dma_wait3A_824] : memref<32x576x384xf32, #tpu.memory_space<hbm>> -> memref<1x72x128xf32, #tpu.memory_space<hbm>>
      %dma_wait3A_826 = tpu.memref_squeeze %dma_wait3A_825 : memref<1x72x128xf32, #tpu.memory_space<hbm>> -> memref<72x128xf32, #tpu.memory_space<hbm>>
      tpu.wait_dma2 semaphore(%run_scoped3A_16 : memref<!tpu.dma_semaphore, #tpu.memory_space<semaphore_mem>>) src(%dma_wait3A_826 : memref<72x128xf32, #tpu.memory_space<hbm>>) dst(%run_scoped3A_7 : memref<72x128xf32, #tpu.memory_space<vmem>>)
      %parallel_loop3A_827 = arith.constant 0 : i32
      %parallel_loop3A_828 = arith.constant 72 : i32
      %parallel_loop3A_829 = arith.constant 1 : i32
      scf.for %parallel_loop3A_900 = %parallel_loop3A_827 to %parallel_loop3A_828 step %parallel_loop3A_829  : i32 {
        %parallel_loop3A_901 = arith.index_cast %parallel_loop3A_900 : i32 to index
        %parallel_loop3A_902 = arith.constant 256 : index
        %parallel_loop3A_903 = tpu.vector_load %run_scoped3A[%parallel_loop3A_901, %parallel_loop3A_902] {strides = array<i32>} : memref<72x384xf32, #tpu.memory_space<vmem>>, vector<1x16xf32>,
        %parallel_loop3A_904 = vector.shape_cast %parallel_loop3A_903 : vector<1x16xf32> to vector<16xf32>
        %parallel_loop3A_905 = arith.index_cast %parallel_loop3A_900 : i32 to index
        %parallel_loop3A_906 = arith.constant 0 : index
        %parallel_loop3A_907 = tpu.vector_load %run_scoped3A_6[%parallel_loop3A_905, %parallel_loop3A_906] {strides = array<i32>} : memref<72x128xf32, #tpu.memory_space<vmem>>, vector<1x16xf32>,
        %parallel_loop3A_908 = vector.shape_cast %parallel_loop3A_907 : vector<1x16xf32> to vector<16xf32>
        %parallel_loop3A_909 = vector.shape_cast %parallel_loop3A_904 : vector<16xf32> to vector<1x16xf32>
        tpu.vector_store %run_scoped3A_6[%parallel_loop3A_905, %parallel_loop3A_906], %parallel_loop3A_909 {add = true, strides = array<i32>} : memref<72x128xf32, #tpu.memory_space<vmem>>, vector<1x16xf32>,
        %parallel_loop3A_910 = arith.index_cast %parallel_loop3A_900 : i32 to index
        %parallel_loop3A_911 = arith.constant 0 : index
        %parallel_loop3A_912 = tpu.vector_load %run_scoped3A_7[%parallel_loop3A_910, %parallel_loop3A_911] {strides = array<i32>} : memref<72x128xf32, #tpu.memory_space<vmem>>, vector<1x16xf32>,
        %parallel_loop3A_913 = vector.shape_cast %parallel_loop3A_912 : vector<1x16xf32> to vector<16xf32>
        %parallel_loop3A_914 = vector.shape_cast %parallel_loop3A_904 : vector<16xf32> to vector<1x16xf32>
        tpu.vector_store %run_scoped3A_7[%parallel_loop3A_910, %parallel_loop3A_911], %parallel_loop3A_914 {add = true, strides = array<i32>} : memref<72x128xf32, #tpu.memory_space<vmem>>, vector<1x16xf32>,
        %parallel_loop3A_915 = arith.index_cast %parallel_loop3A_900 : i32 to index
        %parallel_loop3A_916 = arith.constant 272 : index
        %parallel_loop3A_917 = tpu.vector_load %run_scoped3A[%parallel_loop3A_915, %parallel_loop3A_916] {strides = array<i32>} : memref<72x384xf32, #tpu.memory_space<vmem>>, vector<1x16xf32>,
        %parallel_loop3A_918 = vector.shape_cast %parallel_loop3A_917 : vector<1x16xf32> to vector<16xf32>
        %parallel_loop3A_919 = arith.index_cast %parallel_loop3A_900 : i32 to index
        %parallel_loop3A_920 = arith.constant 16 : index
        %parallel_loop3A_921 = tpu.vector_load %run_scoped3A_6[%parallel_loop3A_919, %parallel_loop3A_920] {strides = array<i32>} : memref<72x128xf32, #tpu.memory_space<vmem>>, vector<1x16xf32>,
        %parallel_loop3A_922 = vector.shape_cast %parallel_loop3A_921 : vector<1x16xf32> to vector<16xf32>
        %parallel_loop3A_923 = vector.shape_cast %parallel_loop3A_918 : vector<16xf32> to vector<1x16xf32>
        tpu.vector_store %run_scoped3A_6[%parallel_loop3A_919, %parallel_loop3A_920], %parallel_loop3A_923 {add = true, strides = array<i32>} : memref<72x128xf32, #tpu.memory_space<vmem>>, vector<1x16xf32>,
        %parallel_loop3A_924 = arith.index_cast %parallel_loop3A_900 : i32 to index
        %parallel_loop3A_925 = arith.constant 16 : index
        %parallel_loop3A_926 = tpu.vector_load %run_scoped3A_7[%parallel_loop3A_924, %parallel_loop3A_925] {strides = array<i32>} : memref<72x128xf32, #tpu.memory_space<vmem>>, vector<1x16xf32>,
        %parallel_loop3A_927 = vector.shape_cast %parallel_loop3A_926 : vector<1x16xf32> to vector<16xf32>
        %parallel_loop3A_928 = vector.shape_cast %parallel_loop3A_918 : vector<16xf32> to vector<1x16xf32>
        tpu.vector_store %run_scoped3A_7[%parallel_loop3A_924, %parallel_loop3A_925], %parallel_loop3A_928 {add = true, strides = array<i32>} : memref<72x128xf32, #tpu.memory_space<vmem>>, vector<1x16xf32>,
        %parallel_loop3A_929 = arith.index_cast %parallel_loop3A_900 : i32 to index
        %parallel_loop3A_930 = arith.constant 288 : index
        %parallel_loop3A_931 = tpu.vector_load %run_scoped3A[%parallel_loop3A_929, %parallel_loop3A_930] {strides = array<i32>} : memref<72x384xf32, #tpu.memory_space<vmem>>, vector<1x16xf32>,
        %parallel_loop3A_932 = vector.shape_cast %parallel_loop3A_931 : vector<1x16xf32> to vector<16xf32>
        %parallel_loop3A_933 = arith.index_cast %parallel_loop3A_900 : i32 to index
        %parallel_loop3A_934 = arith.constant 32 : index
        %parallel_loop3A_935 = tpu.vector_load %run_scoped3A_6[%parallel_loop3A_933, %parallel_loop3A_934] {strides = array<i32>} : memref<72x128xf32, #tpu.memory_space<vmem>>, vector<1x16xf32>,
        %parallel_loop3A_936 = vector.shape_cast %parallel_loop3A_935 : vector<1x16xf32> to vector<16xf32>
        %parallel_loop3A_937 = vector.shape_cast %parallel_loop3A_932 : vector<16xf32> to vector<1x16xf32>
        tpu.vector_store %run_scoped3A_6[%parallel_loop3A_933, %parallel_loop3A_934], %parallel_loop3A_937 {add = true, strides = array<i32>} : memref<72x128xf32, #tpu.memory_space<vmem>>, vector<1x16xf32>,
        %parallel_loop3A_938 = arith.index_cast %parallel_loop3A_900 : i32 to index
        %parallel_loop3A_939 = arith.constant 32 : index
        %parallel_loop3A_940 = tpu.vector_load %run_scoped3A_7[%parallel_loop3A_938, %parallel_loop3A_939] {strides = array<i32>} : memref<72x128xf32, #tpu.memory_space<vmem>>, vector<1x16xf32>,
        %parallel_loop3A_941 = vector.shape_cast %parallel_loop3A_940 : vector<1x16xf32> to vector<16xf32>
        %parallel_loop3A_942 = vector.shape_cast %parallel_loop3A_932 : vector<16xf32> to vector<1x16xf32>
        tpu.vector_store %run_scoped3A_7[%parallel_loop3A_938, %parallel_loop3A_939], %parallel_loop3A_942 {add = true, strides = array<i32>} : memref<72x128xf32, #tpu.memory_space<vmem>>, vector<1x16xf32>,
        %parallel_loop3A_943 = arith.index_cast %parallel_loop3A_900 : i32 to index
        %parallel_loop3A_944 = arith.constant 304 : index
        %parallel_loop3A_945 = tpu.vector_load %run_scoped3A[%parallel_loop3A_943, %parallel_loop3A_944] {strides = array<i32>} : memref<72x384xf32, #tpu.memory_space<vmem>>, vector<1x16xf32>,
        %parallel_loop3A_946 = vector.shape_cast %parallel_loop3A_945 : vector<1x16xf32> to vector<16xf32>
        %parallel_loop3A_947 = arith.index_cast %parallel_loop3A_900 : i32 to index
        %parallel_loop3A_948 = arith.constant 48 : index
        %parallel_loop3A_949 = tpu.vector_load %run_scoped3A_6[%parallel_loop3A_947, %parallel_loop3A_948] {strides = array<i32>} : memref<72x128xf32, #tpu.memory_space<vmem>>, vector<1x16xf32>,
        %parallel_loop3A_950 = vector.shape_cast %parallel_loop3A_949 : vector<1x16xf32> to vector<16xf32>
        %parallel_loop3A_951 = vector.shape_cast %parallel_loop3A_946 : vector<16xf32> to vector<1x16xf32>
        tpu.vector_store %run_scoped3A_6[%parallel_loop3A_947, %parallel_loop3A_948], %parallel_loop3A_951 {add = true, strides = array<i32>} : memref<72x128xf32, #tpu.memory_space<vmem>>, vector<1x16xf32>,
        %parallel_loop3A_952 = arith.index_cast %parallel_loop3A_900 : i32 to index
        %parallel_loop3A_953 = arith.constant 48 : index
        %parallel_loop3A_954 = tpu.vector_load %run_scoped3A_7[%parallel_loop3A_952, %parallel_loop3A_953] {strides = array<i32>} : memref<72x128xf32, #tpu.memory_space<vmem>>, vector<1x16xf32>,
        %parallel_loop3A_955 = vector.shape_cast %parallel_loop3A_954 : vector<1x16xf32> to vector<16xf32>
        %parallel_loop3A_956 = vector.shape_cast %parallel_loop3A_946 : vector<16xf32> to vector<1x16xf32>
        tpu.vector_store %run_scoped3A_7[%parallel_loop3A_952, %parallel_loop3A_953], %parallel_loop3A_956 {add = true, strides = array<i32>} : memref<72x128xf32, #tpu.memory_space<vmem>>, vector<1x16xf32>,
        %parallel_loop3A_957 = arith.index_cast %parallel_loop3A_900 : i32 to index
        %parallel_loop3A_958 = arith.constant 320 : index
        %parallel_loop3A_959 = tpu.vector_load %run_scoped3A[%parallel_loop3A_957, %parallel_loop3A_958] {strides = array<i32>} : memref<72x384xf32, #tpu.memory_space<vmem>>, vector<1x16xf32>,
        %parallel_loop3A_960 = vector.shape_cast %parallel_loop3A_959 : vector<1x16xf32> to vector<16xf32>
        %parallel_loop3A_961 = arith.index_cast %parallel_loop3A_900 : i32 to index
        %parallel_loop3A_962 = arith.constant 64 : index
        %parallel_loop3A_963 = tpu.vector_load %run_scoped3A_6[%parallel_loop3A_961, %parallel_loop3A_962] {strides = array<i32>} : memref<72x128xf32, #tpu.memory_space<vmem>>, vector<1x16xf32>,
        %parallel_loop3A_964 = vector.shape_cast %parallel_loop3A_963 : vector<1x16xf32> to vector<16xf32>
        %parallel_loop3A_965 = vector.shape_cast %parallel_loop3A_960 : vector<16xf32> to vector<1x16xf32>
        tpu.vector_store %run_scoped3A_6[%parallel_loop3A_961, %parallel_loop3A_962], %parallel_loop3A_965 {add = true, strides = array<i32>} : memref<72x128xf32, #tpu.memory_space<vmem>>, vector<1x16xf32>,
        %parallel_loop3A_966 = arith.index_cast %parallel_loop3A_900 : i32 to index
        %parallel_loop3A_967 = arith.constant 64 : index
        %parallel_loop3A_968 = tpu.vector_load %run_scoped3A_7[%parallel_loop3A_966, %parallel_loop3A_967] {strides = array<i32>} : memref<72x128xf32, #tpu.memory_space<vmem>>, vector<1x16xf32>,
        %parallel_loop3A_969 = vector.shape_cast %parallel_loop3A_968 : vector<1x16xf32> to vector<16xf32>
        %parallel_loop3A_970 = vector.shape_cast %parallel_loop3A_960 : vector<16xf32> to vector<1x16xf32>
        tpu.vector_store %run_scoped3A_7[%parallel_loop3A_966, %parallel_loop3A_967], %parallel_loop3A_970 {add = true, strides = array<i32>} : memref<72x128xf32, #tpu.memory_space<vmem>>, vector<1x16xf32>,
        %parallel_loop3A_971 = arith.index_cast %parallel_loop3A_900 : i32 to index
        %parallel_loop3A_972 = arith.constant 336 : index
        %parallel_loop3A_973 = tpu.vector_load %run_scoped3A[%parallel_loop3A_971, %parallel_loop3A_972] {strides = array<i32>} : memref<72x384xf32, #tpu.memory_space<vmem>>, vector<1x16xf32>,
        %parallel_loop3A_974 = vector.shape_cast %parallel_loop3A_973 : vector<1x16xf32> to vector<16xf32>
        %parallel_loop3A_975 = arith.index_cast %parallel_loop3A_900 : i32 to index
        %parallel_loop3A_976 = arith.constant 80 : index
        %parallel_loop3A_977 = tpu.vector_load %run_scoped3A_6[%parallel_loop3A_975, %parallel_loop3A_976] {strides = array<i32>} : memref<72x128xf32, #tpu.memory_space<vmem>>, vector<1x16xf32>,
        %parallel_loop3A_978 = vector.shape_cast %parallel_loop3A_977 : vector<1x16xf32> to vector<16xf32>
        %parallel_loop3A_979 = vector.shape_cast %parallel_loop3A_974 : vector<16xf32> to vector<1x16xf32>
        tpu.vector_store %run_scoped3A_6[%parallel_loop3A_975, %parallel_loop3A_976], %parallel_loop3A_979 {add = true, strides = array<i32>} : memref<72x128xf32, #tpu.memory_space<vmem>>, vector<1x16xf32>,
        %parallel_loop3A_980 = arith.index_cast %parallel_loop3A_900 : i32 to index
        %parallel_loop3A_981 = arith.constant 80 : index
        %parallel_loop3A_982 = tpu.vector_load %run_scoped3A_7[%parallel_loop3A_980, %parallel_loop3A_981] {strides = array<i32>} : memref<72x128xf32, #tpu.memory_space<vmem>>, vector<1x16xf32>,
        %parallel_loop3A_983 = vector.shape_cast %parallel_loop3A_982 : vector<1x16xf32> to vector<16xf32>
        %parallel_loop3A_984 = vector.shape_cast %parallel_loop3A_974 : vector<16xf32> to vector<1x16xf32>
        tpu.vector_store %run_scoped3A_7[%parallel_loop3A_980, %parallel_loop3A_981], %parallel_loop3A_984 {add = true, strides = array<i32>} : memref<72x128xf32, #tpu.memory_space<vmem>>, vector<1x16xf32>,
        %parallel_loop3A_985 = arith.index_cast %parallel_loop3A_900 : i32 to index
        %parallel_loop3A_986 = arith.constant 352 : index
        %parallel_loop3A_987 = tpu.vector_load %run_scoped3A[%parallel_loop3A_985, %parallel_loop3A_986] {strides = array<i32>} : memref<72x384xf32, #tpu.memory_space<vmem>>, vector<1x16xf32>,
        %parallel_loop3A_988 = vector.shape_cast %parallel_loop3A_987 : vector<1x16xf32> to vector<16xf32>
        %parallel_loop3A_989 = arith.index_cast %parallel_loop3A_900 : i32 to index
        %parallel_loop3A_990 = arith.constant 96 : index
        %parallel_loop3A_991 = tpu.vector_load %run_scoped3A_6[%parallel_loop3A_989, %parallel_loop3A_990] {strides = array<i32>} : memref<72x128xf32, #tpu.memory_space<vmem>>, vector<1x16xf32>,
        %parallel_loop3A_992 = vector.shape_cast %parallel_loop3A_991 : vector<1x16xf32> to vector<16xf32>
        %parallel_loop3A_993 = vector.shape_cast %parallel_loop3A_988 : vector<16xf32> to vector<1x16xf32>
        tpu.vector_store %run_scoped3A_6[%parallel_loop3A_989, %parallel_loop3A_990], %parallel_loop3A_993 {add = true, strides = array<i32>} : memref<72x128xf32, #tpu.memory_space<vmem>>, vector<1x16xf32>,
        %parallel_loop3A_994 = arith.index_cast %parallel_loop3A_900 : i32 to index
        %parallel_loop3A_995 = arith.constant 96 : index
        %parallel_loop3A_996 = tpu.vector_load %run_scoped3A_7[%parallel_loop3A_994, %parallel_loop3A_995] {strides = array<i32>} : memref<72x128xf32, #tpu.memory_space<vmem>>, vector<1x16xf32>,
        %parallel_loop3A_997 = vector.shape_cast %parallel_loop3A_996 : vector<1x16xf32> to vector<16xf32>
        %parallel_loop3A_998 = vector.shape_cast %parallel_loop3A_988 : vector<16xf32> to vector<1x16xf32>
        tpu.vector_store %run_scoped3A_7[%parallel_loop3A_994, %parallel_loop3A_995], %parallel_loop3A_998 {add = true, strides = array<i32>} : memref<72x128xf32, #tpu.memory_space<vmem>>, vector<1x16xf32>,
        %parallel_loop3A_999 = arith.index_cast %parallel_loop3A_900 : i32 to index
        %parallel_loop3A_1000 = arith.constant 368 : index
        %parallel_loop3A_1001 = tpu.vector_load %run_scoped3A[%parallel_loop3A_999, %parallel_loop3A_1000] {strides = array<i32>} : memref<72x384xf32, #tpu.memory_space<vmem>>, vector<1x16xf32>,
        %parallel_loop3A_1002 = vector.shape_cast %parallel_loop3A_1001 : vector<1x16xf32> to vector<16xf32>
        %parallel_loop3A_1003 = arith.index_cast %parallel_loop3A_900 : i32 to index
        %parallel_loop3A_1004 = arith.constant 112 : index
        %parallel_loop3A_1005 = tpu.vector_load %run_scoped3A_6[%parallel_loop3A_1003, %parallel_loop3A_1004] {strides = array<i32>} : memref<72x128xf32, #tpu.memory_space<vmem>>, vector<1x16xf32>,
        %parallel_loop3A_1006 = vector.shape_cast %parallel_loop3A_1005 : vector<1x16xf32> to vector<16xf32>
        %parallel_loop3A_1007 = vector.shape_cast %parallel_loop3A_1002 : vector<16xf32> to vector<1x16xf32>
        tpu.vector_store %run_scoped3A_6[%parallel_loop3A_1003, %parallel_loop3A_1004], %parallel_loop3A_1007 {add = true, strides = array<i32>} : memref<72x128xf32, #tpu.memory_space<vmem>>, vector<1x16xf32>,
        %parallel_loop3A_1008 = arith.index_cast %parallel_loop3A_900 : i32 to index
        %parallel_loop3A_1009 = arith.constant 112 : index
        %parallel_loop3A_1010 = tpu.vector_load %run_scoped3A_7[%parallel_loop3A_1008, %parallel_loop3A_1009] {strides = array<i32>} : memref<72x128xf32, #tpu.memory_space<vmem>>, vector<1x16xf32>,
        %parallel_loop3A_1011 = vector.shape_cast %parallel_loop3A_1010 : vector<1x16xf32> to vector<16xf32>
        %parallel_loop3A_1012 = vector.shape_cast %parallel_loop3A_1002 : vector<16xf32> to vector<1x16xf32>
        tpu.vector_store %run_scoped3A_7[%parallel_loop3A_1008, %parallel_loop3A_1009], %parallel_loop3A_1012 {add = true, strides = array<i32>} : memref<72x128xf32, #tpu.memory_space<vmem>>, vector<1x16xf32>,
      } {sc.loop_unroll_factor = 2 : i64, sc.parallel_access}
      %add3A_830 = arith.constant 24 : i32
      %add3A_831 = arith.addi %select_n3A_57, %add3A_830 : i32
      %dma_start3A_832 = arith.constant 256 : i32
      %dma_start3A_833 = tpu.memref_slice %arg4[%add3A_831, %mul3A_59, %dma_start3A_832] : memref<32x576x384xf32, #tpu.memory_space<hbm>> -> memref<1x72x128xf32, #tpu.memory_space<hbm>>
      %dma_start3A_834 = tpu.memref_squeeze %dma_start3A_833 : memref<1x72x128xf32, #tpu.memory_space<hbm>> -> memref<72x128xf32, #tpu.memory_space<hbm>>
      %dma_start3A_835 = arith.constant 256 : i32
      %dma_start3A_836 = tpu.memref_slice %arg4[%add3A_831, %mul3A_59, %dma_start3A_835] : memref<32x576x384xf32, #tpu.memory_space<hbm>> -> memref<1x72x128xf32, #tpu.memory_space<hbm>>
      %dma_start3A_837 = tpu.memref_squeeze %dma_start3A_836 : memref<1x72x128xf32, #tpu.memory_space<hbm>> -> memref<72x128xf32, #tpu.memory_space<hbm>>
      tpu.enqueue_dma source(%run_scoped3A_6 : memref<72x128xf32, #tpu.memory_space<vmem>>) target(%dma_start3A_837 : memref<72x128xf32, #tpu.memory_space<hbm>>) target_semaphore(%run_scoped3A_24 : memref<!tpu.dma_semaphore, #tpu.memory_space<semaphore_mem>>)
      %add3A_838 = arith.constant 28 : i32
      %add3A_839 = arith.addi %select_n3A_57, %add3A_838 : i32
      %dma_start3A_840 = arith.constant 256 : i32
      %dma_start3A_841 = tpu.memref_slice %arg4[%add3A_839, %mul3A_59, %dma_start3A_840] : memref<32x576x384xf32, #tpu.memory_space<hbm>> -> memref<1x72x128xf32, #tpu.memory_space<hbm>>
      %dma_start3A_842 = tpu.memref_squeeze %dma_start3A_841 : memref<1x72x128xf32, #tpu.memory_space<hbm>> -> memref<72x128xf32, #tpu.memory_space<hbm>>
      %dma_start3A_843 = arith.constant 256 : i32
      %dma_start3A_844 = tpu.memref_slice %arg4[%add3A_839, %mul3A_59, %dma_start3A_843] : memref<32x576x384xf32, #tpu.memory_space<hbm>> -> memref<1x72x128xf32, #tpu.memory_space<hbm>>
      %dma_start3A_845 = tpu.memref_squeeze %dma_start3A_844 : memref<1x72x128xf32, #tpu.memory_space<hbm>> -> memref<72x128xf32, #tpu.memory_space<hbm>>
      tpu.enqueue_dma source(%run_scoped3A_7 : memref<72x128xf32, #tpu.memory_space<vmem>>) target(%dma_start3A_845 : memref<72x128xf32, #tpu.memory_space<hbm>>) target_semaphore(%run_scoped3A_25 : memref<!tpu.dma_semaphore, #tpu.memory_space<semaphore_mem>>)
      %dma_wait3A_846 = arith.constant 0 : i32
      %dma_wait3A_847 = arith.constant 0 : i32
      %dma_wait3A_848 = arith.constant 0 : i32
      %dma_wait3A_849 = tpu.memref_slice %arg4[%dma_wait3A_846, %dma_wait3A_847, %dma_wait3A_848] : memref<32x576x384xf32, #tpu.memory_space<hbm>> -> memref<1x72x128xf32, #tpu.memory_space<hbm>>
      %dma_wait3A_850 = tpu.memref_squeeze %dma_wait3A_849 : memref<1x72x128xf32, #tpu.memory_space<hbm>> -> memref<72x128xf32, #tpu.memory_space<hbm>>
      %dma_wait3A_851 = arith.constant 0 : i32
      %dma_wait3A_852 = arith.constant 0 : i32
      %dma_wait3A_853 = tpu.memref_slice %arg4[%dma_wait3A_846, %dma_wait3A_851, %dma_wait3A_852] : memref<32x576x384xf32, #tpu.memory_space<hbm>> -> memref<1x72x128xf32, #tpu.memory_space<hbm>>
      %dma_wait3A_854 = tpu.memref_squeeze %dma_wait3A_853 : memref<1x72x128xf32, #tpu.memory_space<hbm>> -> memref<72x128xf32, #tpu.memory_space<hbm>>
      tpu.wait_dma2 semaphore(%run_scoped3A_18 : memref<!tpu.dma_semaphore, #tpu.memory_space<semaphore_mem>>) src(%run_scoped3A_0 : memref<72x128xf32, #tpu.memory_space<vmem>>) dst(%dma_wait3A_854 : memref<72x128xf32, #tpu.memory_space<hbm>>)
      %dma_wait3A_855 = arith.constant 0 : i32
      %dma_wait3A_856 = arith.constant 0 : i32
      %dma_wait3A_857 = arith.constant 0 : i32
      %dma_wait3A_858 = tpu.memref_slice %arg4[%dma_wait3A_855, %dma_wait3A_856, %dma_wait3A_857] : memref<32x576x384xf32, #tpu.memory_space<hbm>> -> memref<1x72x128xf32, #tpu.memory_space<hbm>>
      %dma_wait3A_859 = tpu.memref_squeeze %dma_wait3A_858 : memref<1x72x128xf32, #tpu.memory_space<hbm>> -> memref<72x128xf32, #tpu.memory_space<hbm>>
      %dma_wait3A_860 = arith.constant 0 : i32
      %dma_wait3A_861 = arith.constant 0 : i32
      %dma_wait3A_862 = tpu.memref_slice %arg4[%dma_wait3A_855, %dma_wait3A_860, %dma_wait3A_861] : memref<32x576x384xf32, #tpu.memory_space<hbm>> -> memref<1x72x128xf32, #tpu.memory_space<hbm>>
      %dma_wait3A_863 = tpu.memref_squeeze %dma_wait3A_862 : memref<1x72x128xf32, #tpu.memory_space<hbm>> -> memref<72x128xf32, #tpu.memory_space<hbm>>
      tpu.wait_dma2 semaphore(%run_scoped3A_19 : memref<!tpu.dma_semaphore, #tpu.memory_space<semaphore_mem>>) src(%run_scoped3A_1 : memref<72x128xf32, #tpu.memory_space<vmem>>) dst(%dma_wait3A_863 : memref<72x128xf32, #tpu.memory_space<hbm>>)
      %dma_wait3A_864 = arith.constant 0 : i32
      %dma_wait3A_865 = arith.constant 0 : i32
      %dma_wait3A_866 = arith.constant 0 : i32
      %dma_wait3A_867 = tpu.memref_slice %arg4[%dma_wait3A_864, %dma_wait3A_865, %dma_wait3A_866] : memref<32x576x384xf32, #tpu.memory_space<hbm>> -> memref<1x72x128xf32, #tpu.memory_space<hbm>>
      %dma_wait3A_868 = tpu.memref_squeeze %dma_wait3A_867 : memref<1x72x128xf32, #tpu.memory_space<hbm>> -> memref<72x128xf32, #tpu.memory_space<hbm>>
      %dma_wait3A_869 = arith.constant 0 : i32
      %dma_wait3A_870 = arith.constant 0 : i32
      %dma_wait3A_871 = tpu.memref_slice %arg4[%dma_wait3A_864, %dma_wait3A_869, %dma_wait3A_870] : memref<32x576x384xf32, #tpu.memory_space<hbm>> -> memref<1x72x128xf32, #tpu.memory_space<hbm>>
      %dma_wait3A_872 = tpu.memref_squeeze %dma_wait3A_871 : memref<1x72x128xf32, #tpu.memory_space<hbm>> -> memref<72x128xf32, #tpu.memory_space<hbm>>
      tpu.wait_dma2 semaphore(%run_scoped3A_21 : memref<!tpu.dma_semaphore, #tpu.memory_space<semaphore_mem>>) src(%run_scoped3A_3 : memref<72x128xf32, #tpu.memory_space<vmem>>) dst(%dma_wait3A_872 : memref<72x128xf32, #tpu.memory_space<hbm>>)
      %dma_wait3A_873 = arith.constant 0 : i32
      %dma_wait3A_874 = arith.constant 0 : i32
      %dma_wait3A_875 = arith.constant 0 : i32
      %dma_wait3A_876 = tpu.memref_slice %arg4[%dma_wait3A_873, %dma_wait3A_874, %dma_wait3A_875] : memref<32x576x384xf32, #tpu.memory_space<hbm>> -> memref<1x72x128xf32, #tpu.memory_space<hbm>>
      %dma_wait3A_877 = tpu.memref_squeeze %dma_wait3A_876 : memref<1x72x128xf32, #tpu.memory_space<hbm>> -> memref<72x128xf32, #tpu.memory_space<hbm>>
      %dma_wait3A_878 = arith.constant 0 : i32
      %dma_wait3A_879 = arith.constant 0 : i32
      %dma_wait3A_880 = tpu.memref_slice %arg4[%dma_wait3A_873, %dma_wait3A_878, %dma_wait3A_879] : memref<32x576x384xf32, #tpu.memory_space<hbm>> -> memref<1x72x128xf32, #tpu.memory_space<hbm>>
      %dma_wait3A_881 = tpu.memref_squeeze %dma_wait3A_880 : memref<1x72x128xf32, #tpu.memory_space<hbm>> -> memref<72x128xf32, #tpu.memory_space<hbm>>
      tpu.wait_dma2 semaphore(%run_scoped3A_22 : memref<!tpu.dma_semaphore, #tpu.memory_space<semaphore_mem>>) src(%run_scoped3A_4 : memref<72x128xf32, #tpu.memory_space<vmem>>) dst(%dma_wait3A_881 : memref<72x128xf32, #tpu.memory_space<hbm>>)
      %dma_wait3A_882 = arith.constant 0 : i32
      %dma_wait3A_883 = arith.constant 0 : i32
      %dma_wait3A_884 = arith.constant 0 : i32
      %dma_wait3A_885 = tpu.memref_slice %arg4[%dma_wait3A_882, %dma_wait3A_883, %dma_wait3A_884] : memref<32x576x384xf32, #tpu.memory_space<hbm>> -> memref<1x72x128xf32, #tpu.memory_space<hbm>>
      %dma_wait3A_886 = tpu.memref_squeeze %dma_wait3A_885 : memref<1x72x128xf32, #tpu.memory_space<hbm>> -> memref<72x128xf32, #tpu.memory_space<hbm>>
      %dma_wait3A_887 = arith.constant 0 : i32
      %dma_wait3A_888 = arith.constant 0 : i32
      %dma_wait3A_889 = tpu.memref_slice %arg4[%dma_wait3A_882, %dma_wait3A_887, %dma_wait3A_888] : memref<32x576x384xf32, #tpu.memory_space<hbm>> -> memref<1x72x128xf32, #tpu.memory_space<hbm>>
      %dma_wait3A_890 = tpu.memref_squeeze %dma_wait3A_889 : memref<1x72x128xf32, #tpu.memory_space<hbm>> -> memref<72x128xf32, #tpu.memory_space<hbm>>
      tpu.wait_dma2 semaphore(%run_scoped3A_24 : memref<!tpu.dma_semaphore, #tpu.memory_space<semaphore_mem>>) src(%run_scoped3A_6 : memref<72x128xf32, #tpu.memory_space<vmem>>) dst(%dma_wait3A_890 : memref<72x128xf32, #tpu.memory_space<hbm>>)
      %dma_wait3A_891 = arith.constant 0 : i32
      %dma_wait3A_892 = arith.constant 0 : i32
      %dma_wait3A_893 = arith.constant 0 : i32
      %dma_wait3A_894 = tpu.memref_slice %arg4[%dma_wait3A_891, %dma_wait3A_892, %dma_wait3A_893] : memref<32x576x384xf32, #tpu.memory_space<hbm>> -> memref<1x72x128xf32, #tpu.memory_space<hbm>>
      %dma_wait3A_895 = tpu.memref_squeeze %dma_wait3A_894 : memref<1x72x128xf32, #tpu.memory_space<hbm>> -> memref<72x128xf32, #tpu.memory_space<hbm>>
      %dma_wait3A_896 = arith.constant 0 : i32
      %dma_wait3A_897 = arith.constant 0 : i32
      %dma_wait3A_898 = tpu.memref_slice %arg4[%dma_wait3A_891, %dma_wait3A_896, %dma_wait3A_897] : memref<32x576x384xf32, #tpu.memory_space<hbm>> -> memref<1x72x128xf32, #tpu.memory_space<hbm>>
      %dma_wait3A_899 = tpu.memref_squeeze %dma_wait3A_898 : memref<1x72x128xf32, #tpu.memory_space<hbm>> -> memref<72x128xf32, #tpu.memory_space<hbm>>
      tpu.wait_dma2 semaphore(%run_scoped3A_25 : memref<!tpu.dma_semaphore, #tpu.memory_space<semaphore_mem>>) src(%run_scoped3A_7 : memref<72x128xf32, #tpu.memory_space<vmem>>) dst(%dma_wait3A_899 : memref<72x128xf32, #tpu.memory_space<hbm>>)
      tpu.yield
    }) : () -> ()
    return
  }
}

</mosaic_0001>

<sc_bundles>
// kernel: kernel.3.cloned.1.call-start
scs
__scs_entry_jumppad:
0x0: {  	(pc) =	sbr.rel $0x88, $3  }
0x1: {  	(tag) =	ssettag $0x0;
	lr =	simm.s32 $0x1  }
0x2: {  	[smem:$0x3F9F] =	sst lr;
	_ =	strace $0xD0000000  }
0x3: {  	_ = 	snop  }
0x4: {  	_ = 	snop  }
0x5: {  	_ = 	snop  }
0x6: {  	_ = 	snop  }
0x7: {  	_ = 	snop  }
__scs_overlays_trampoline_lowered:
0x8: {  	[smem:$0x3FAE] =	sst s0  }
0x9: {  	[smem:$0x3FAF] =	sst s1  }
0xa: {  	[smem:$0x3FB0] =	sst s2  }
0xb: {  	[smem:$0x3FB1] =	sst s3  }
0xc: {  	[smem:$0x3FB2] =	sst s4  }
0xd: {  	[smem:$0x3FB3] =	sst s5  }
0xe: {  	[smem:$0x3FB4] =	sst s6  }
0xf: {  	[smem:$0x3FB5] =	sst s7  }
0x10: {  	[smem:$0x3FB6] =	sst s8  }
0x11: {  	[smem:$0x3FB7] =	sst s9;
	s0 =	simm.s32 @!p0 $0x0  }
0x12: {  	s1 =	sld [smem:$0x3F9D];
	s0 =	simm.s32 @p0 $0x1  }
0x13: {  	[smem:$0x3FB8] =	sst s0;
	s0 =	simm.s32 @!p1 $0x0  }
0x14: {  	s2 =	sld [smem:$0x3F9C];
	s0 =	simm.s32 @p1 $0x1  }
0x15: {  	[smem:$0x3FB9] =	sst s0;
	s0 =	simm.s32 @!p2 $0x0  }
0x16: {  	s3 =	sld [smem:$0x3FDB];
	s0 =	simm.s32 @p2 $0x1  }
0x17: {  	s4 =	simm.s32 $0x1BF5;
	[smem:$0x3FBB] =	sst s0  }
0x18: {  	s0 =	sld [smem:$0x3F9E];
	_ =	swait.ge [sflag:s4], $0x0  }
0x19: {  	s7 =	sld [smem:$0x3F9F]  }
0x1a: {  	s8 =	sadd.s32 $0xFFFFE003, lr  }
0x1b: {  	s9 =	sadd.s32 $0xFFFFFEF7, lr;
	s5 =	simm.s32 $0xFFFFFFFF;
	p2 =	slt.u32 s8, $0xFFFFF086  }
0x1c: {  	p1 =	slt.u32 s9, $0xF7A;
	s5 =	simm.s32 @!p2 $0x0  }
0x1d: {  	s5 =	simm.s32 @p1 $0x1;
	p0 =	seq.s32 s7, s2  }
0x1e: {  	s7 =	smul.u32 @!p0 $0xF7A, s2;
	p2 =	seq.s32 @!p0 s5, $0x0  }
0x1f: {  	s9 =	smul.u32 $0xF7A, s1;
	s8 =	simm.s32 @!p0 $0x1BF5;
	p2 =	por !p2, p0  }
0x20: {  	[sflag:s8] =	ssyncset.s32 @!p0 $0xFFFFF086;
	s6 =	sadd.s32 @!p0 s3, s7;
	s7 =	simm.s32 @!p0 $0x108  }
0x21: {  	s3 =	sadd.s32 s3, s9;
	s6 =	sadd.s32 @!p0 $0x88, s6;
	s7 =	simm.s32 @p2 $0x1082  }
0x22: {  	[simem:s7], [sflag:s8] =	dma.local @!p0 [hbm:s6], $0xF7A  }
0x23: {  	s9 =	sor.u32 $0xD0000000, s2;
	s6 =	simm.s32 $0x108;
	_ =	swait.ge @!p0 [sflag:s8], $0x0  }
0x24: {  	s3 =	sadd.s32 $0x88, s3;
	s6 =	simm.s32 @!p1 $0x1082;
	[sflag:s4] =	ssyncset.s32 $0xFFFFF086  }
0x25: {  	[simem:s6], [sflag:s4] =	dma.local [hbm:s3], $0xF7A  }
0x26: {  	[smem:$0x3F9F] =	sst s1;
	(tag) =	ssettag s2;
	_ =	strace s9  }
0x27: {  	s1 =	sld [smem:$0x3FAF]  }
0x28: {  	s2 =	sld [smem:$0x3FB0]  }
0x29: {  	s4 =	sld [smem:$0x3FB2]  }
0x2a: {  	p0 =	seq.s32 s5, $0x0;
	s5 =	sld [smem:$0x3FB3]  }
0x2b: {  	s6 =	sld [smem:$0x3FB4]  }
0x2c: {  	s7 =	sld [smem:$0x3FB5]  }
0x2d: {  	s3 =	simm.s32 $0x108;
	s8 =	sld [smem:$0x3FB6]  }
0x2e: {  	s3 =	simm.s32 @!p0 $0x1082;
	s9 =	sld [smem:$0x3FB7]  }
0x2f: {  	lr =	sadd.s32 s0, s3;
	s0 =	sld [smem:$0x3FAE]  }
0x30: {  	s3 =	sld [smem:$0x3FB1]  }
0x31: {  	[smem:$0x3FBA] =	sst s10  }
0x32: {  	s10 =	sld [smem:$0x3FB8];
	_ =	sdelay $0x3  }
0x33: {  	p0 =	seq.s32 s10, $0x1;
	s10 =	sld [smem:$0x3FBA];
	_ =	sdelay $0x3  }
0x34: {  	[smem:$0x3FBA] =	sst s10  }
0x35: {  	s10 =	sld [smem:$0x3FB9];
	_ =	sdelay $0x3  }
0x36: {  	p1 =	seq.s32 s10, $0x1;
	s10 =	sld [smem:$0x3FBA];
	_ =	sdelay $0x3  }
0x37: {  	[smem:$0x3FBA] =	sst s10  }
0x38: {  	s10 =	sld [smem:$0x3FBB]  }
0x39: {  	_ = 	snop;
	(pc) =	sbr.ind lr, $3  }
0x3a: {  	_ = 	snop  }
0x3b: {  	_ = 	snop  }
0x3c: {  	p2 =	seq.s32 s10, $0x1;
	s10 =	sld [smem:$0x3FBA]  }
0x3d: {  	_ =	shalt  }
0x3e: {  	_ =	shalt  }
0x3f: {  	_ =	shalt  }
0x40: {  	_ =	shalt  }
0x41: {  	_ =	shalt  }
0x42: {  	_ =	shalt  }
0x43: {  	_ =	shalt  }
0x44: {  	_ =	shalt  }
0x45: {  	_ =	shalt  }
0x46: {  	_ =	shalt  }
0x47: {  	_ =	shalt  }
0x48: {  	_ =	shalt  }
0x49: {  	_ =	shalt  }
0x4a: {  	_ =	shalt  }
0x4b: {  	_ =	shalt  }
0x4c: {  	_ =	shalt  }
0x4d: {  	_ =	shalt  }
0x4e: {  	_ =	shalt  }
0x4f: {  	_ =	shalt  }
0x50: {  	_ =	shalt  }
0x51: {  	_ =	shalt  }
0x52: {  	_ =	shalt  }
0x53: {  	_ =	shalt  }
0x54: {  	_ =	shalt  }
0x55: {  	_ =	shalt  }
0x56: {  	_ =	shalt  }
0x57: {  	_ =	shalt  }
0x58: {  	_ =	shalt  }
0x59: {  	_ =	shalt  }
0x5a: {  	_ =	shalt  }
0x5b: {  	_ =	shalt  }
0x5c: {  	_ =	shalt  }
0x5d: {  	_ =	shalt  }
0x5e: {  	_ =	shalt  }
0x5f: {  	_ =	shalt  }
0x60: {  	_ =	shalt  }
0x61: {  	_ =	shalt  }
0x62: {  	_ =	shalt  }
0x63: {  	_ =	shalt  }
0x64: {  	_ =	shalt  }
0x65: {  	_ =	shalt  }
0x66: {  	_ =	shalt  }
0x67: {  	_ =	shalt  }
0x68: {  	_ =	shalt  }
0x69: {  	_ =	shalt  }
0x6a: {  	_ =	shalt  }
0x6b: {  	_ =	shalt  }
0x6c: {  	_ =	shalt  }
0x6d: {  	_ =	shalt  }
0x6e: {  	_ =	shalt  }
0x6f: {  	_ =	shalt  }
0x70: {  	_ =	shalt  }
0x71: {  	_ =	shalt  }
0x72: {  	_ =	shalt  }
0x73: {  	_ =	shalt  }
0x74: {  	_ =	shalt  }
0x75: {  	_ =	shalt  }
0x76: {  	_ =	shalt  }
0x77: {  	_ =	shalt  }
0x78: {  	_ =	shalt  }
0x79: {  	_ =	shalt  }
0x7a: {  	_ =	shalt  }
0x7b: {  	_ =	shalt  }
0x7c: {  	_ =	shalt  }
0x7d: {  	_ =	shalt  }
0x7e: {  	_ =	shalt  }
0x7f: {  	_ =	shalt  }
0x80: {  	_ =	shalt  }
0x81: {  	_ =	shalt  }
0x82: {  	_ =	shalt  }
0x83: {  	_ =	shalt  }
0x84: {  	_ =	shalt  }
0x85: {  	_ =	shalt  }
0x86: {  	_ =	shalt  }
0x87: {  	_ =	shalt  }
.Lfunc_end0:
.L_simem_size_0:
called_computation_lowered:
.L_overlay_start_0:
0x88: {  	s2 =	sld [smem:$0x3FD9]  }
0x89: {  	s3 =	sld [smem:$0x3FFE];
	_ =	sdelay $0x1  }
0x8a: {  	s1 =	srdreg.scid  }
0x8b: {  	s0 =	sand.u32 $0x1, s1  }
0x8c: {  	s18 =	sshll.u32 s0, $0xA;
	s2 =	sadd.s32 s3, s2  }
0x8d: {  	s2 =	sadd.s32 s2, s18  }
0x8e: {  	[smem:$0x3FC6] =	sst s2  }
0x8f: {  	_ = 	snop  }
0x90: {  	s2 =	sld [smem:$0x3FC9]  }
0x91: {  	s19 =	sld [smem:$0x3FC8]  }
0x92: {  	s4 =	sld [smem:$0x3FD0];
	(tm) =	ssettm $0x1  }
0x93: {  	s5 =	sld [smem:$0x3FFB];
	_ =	sdelay $0x3  }
0x94: {  	_ =	strace s5  }
0x95: {  	s5 =	sld [smem:$0x3FFC];
	_ =	sdelay $0x3  }
0x96: {  	_ =	strace s5  }
0x97: {  	s5 =	sld [smem:$0x3FFD];
	_ =	sdelay $0x3  }
0x98: {  	_ =	strace s5  }
0x99: {  	_ =	strace $0x8FFFFFFF  }
0x9a: {  	s20 =	sld [smem:$0x3FDB];
	_ =	sdelay $0x1  }
0x9b: {  	s6 =	simm.s32 $_scs_section_size  }
0x9c: {  	s7 =	simm.s32 $_size__tile_overlayer_lowered;
	s8 =	simm.s32 $_tile_overlayer_lowered  }
0x9d: {  	s23 =	simm.s32 $0x1BFF;
	s22 =	sshll.u32 s8, $0x1;
	s5 =	sadd.s32 s6, s20  }
0x9e: {  	s9 =	simm.s32 $0x0;
	s21 =	sshll.u32 s7, $0x1;
	s7 =	sadd.s32 s22, s5  }
0x9f: {  	[timem:s9], [sflag:s23] =	dma.local [hbm:s7], s21  }
0xa0: {  	_ =	swait.ge [sflag:s23], s21  }
0xa1: {  	s6 =	ssub.s32 $0x0, s21;
	[sflag:s23] =	ssyncset.done $0x0  }
0xa2: {  	[sflag:s23] =	ssyncadd.s32 s6;
	_ =	sdelay $0x1  }
0xa3: {  	s24 =	simm.s32 $0x1B8B  }
0xa4: {  	_ =	swait.ge [sflag:s24], $0x1  }
0xa5: {  	[sflag:s24] =	ssyncset.done $0x0  }
0xa6: {  	s25 =	simm.s32 $0x1B8E;
	[sflag:s24] =	ssyncadd.s32 $0xFFFFFFFF  }
0xa7: {  	s26 =	simm.s32 $execute0_lowered;
	[smem:$0x3FD2] =	sst s25  }
0xa8: {  	s6 =	sshll.u32 s26, $0x1;
	_ =	strace $0x80000046;
	[dreg:$0x1] =	wrdreg $0xFFFFFFFF  }
0xa9: {  	s28 =	simm.s32 $_size_execute0_lowered;
	s5 =	sadd.s32 s5, s6;
	[dreg:$0x0] =	wrdreg $0x0  }
0xaa: {  	s6 =	sshll.u32 s28, $0x1;
	[dreg:$0x2] =	wrdreg s5  }
0xab: {  	[dreg:$0x3] =	wrdreg s6  }
0xac: {  	[dreg:$0x4] =	wrdreg $0xC0  }
0xad: {  	_ =	task [dreg:s9], $0x5FFFF  }
0xae: {  	[dreg:$0x1] =	wrdreg $0xFFFFFFFF  }
0xaf: {  	[dreg:$0x0] =	wrdreg $0x60  }
0xb0: {  	[dreg:$0x2] =	wrdreg s2  }
0xb1: {  	[dreg:$0x3] =	wrdreg s19  }
0xb2: {  	[dreg:$0x4] =	wrdreg s4  }
0xb3: {  	[dreg:$0x5] =	wrdreg $0x9  }
0xb4: {  	_ =	task.clear_ibuf [dreg:s9], $0x6FFFF;
	_ =	strace $0x90000046  }
0xb5: {  	s29 =	simm.s32 $0x9;
	_ =	strace $0x80000048  }
0xb6: {  	_ =	swait.ge [sflag:s29], $0x1  }
0xb7: {  	[sflag:s29] =	ssyncadd.s32 $0xFFFFFFFF  }
0xb8: {  	_ =	strace $0x90000048  }
0xb9: {  	_ =	sfence  }
0xba: {  	s30 =	sld [smem:$0x0];
	_ =	sdelay $0x2  }
0xbb: {  	s31 =	sshll.u32 s1, $0xD;
	s1 =	sshrl.u32 s1, $0x2  }
0xbc: {  	s3 =	sand.u32 $0x4000, s31;
	s1 =	sadd.s32 s1, s30  }
0xbd: {  	s0 =	sor.u32 s3, s0;
	s1 =	sshll.u32 s1, $0x11  }
0xbe: {  	s0 =	sor.u32 s1, s0  }
0xbf: {  	s0 =	sadd.s32 $0x8F2B, s0  }
0xc0: {  	[sflag:s0] =	ssyncadd.remote.s32 $0x1  }
0xc1: {  	_ =	sfence.sel $0xFFFF  }
0xc2: {  	[dreg:$0x0] =	wrdreg $0xFFFFFFFF;
	(pc) =	sbr.abs _section_cstart, $3  }
0xc3: {  	[dreg:$0x1] =	wrdreg $0xFFFFFFFF  }
0xc4: {  	_ =	task.clear_ibuf [dreg:s9], $0x2FFFF;
	_ =	strace $0x9FFFFFFF  }
0xc5: {  	(tm) =	ssettm $0x7FFFFFFF  }
tec
execute0_lowered:
.L_overlay_start_1:
0x0: {  	(tag) =	ssettag $0x1  }
0x1: {  	s3 =	stileid.u32  }
0x2: {  	s0 =	srdreg.scid;
	s1 =	sshll.u32 s3, $0x1  }
0x3: {  	s2 =	sand.u32 $0x1, s0;
	s3 =	sshrl.u32 s3, $0x1;
	s1 =	sand.u32 $0x2, s1  }
0x4: {  	s4 =	smul.u32 $0x6C00, s3;
	s1 =	sor.u32 s2, s1  }
0x5: {  	s15 =	smul.u32 $0x36000, s1  }
0x6: {  	s5 =	rddreg [dreg:$0x1]  }
0x7: {  	s6 =	simm.s32 $0x0;
	s0 =	rddreg [dreg:$0x0];
	s3 =	sadd.s32 s4, s15  }
0x8: {  	[smem:$0x7FF] =	sst s6;
	s4 =	sshrl.u32 s4, $0x3;
	s3 =	sshrl.u32 s3, $0x3  }
0x9: {  	s1 =	rddreg [dreg:$0x2];
	s4 =	sadd.s32 s5, s4;
	s17 =	sadd.s32 $0x1B000, s3  }
0xa: {  	[dreg:$0x4] =	wrdreg s4;
	s19 =	sadd.s32 $0x36000, s3;
	s18 =	sadd.s32 s0, s17  }
0xb: {  	s21 =	sadd.s32 $0x80, s3;
	s20 =	sadd.s32 s0, s19;
	[dreg:$0x5] =	wrdreg s18  }
0xc: {  	s7 =	sadd.s32 $0x1B080, s3;
	s8 =	sadd.s32 s0, s21;
	[dreg:$0x6] =	wrdreg s20  }
0xd: {  	s23 =	sadd.s32 $0x36080, s3;
	s22 =	sadd.s32 s0, s7;
	[dreg:$0x7] =	wrdreg s8  }
0xe: {  	s9 =	sadd.s32 s0, s23;
	[dreg:$0x8] =	wrdreg s22  }
0xf: {  	s6 =	sadd.s32 s1, s17;
	[dreg:$0x9] =	wrdreg s9  }
0x10: {  	s24 =	sadd.s32 $0x100, s3;
	s4 =	sadd.s32 s1, s19;
	[dreg:$0xa] =	wrdreg s6  }
0x11: {  	s25 =	sadd.s32 $0x1B100, s3;
	s10 =	sadd.s32 s0, s24;
	[dreg:$0xb] =	wrdreg s4  }
0x12: {  	s26 =	sadd.s32 $0x36100, s3;
	s28 =	sadd.s32 s0, s25;
	[dreg:$0xc] =	wrdreg s10  }
0x13: {  	s30 =	sadd.s32 s0, s26;
	[dreg:$0xd] =	wrdreg s28  }
0x14: {  	s5 =	sadd.s32 s1, s21;
	[dreg:$0xe] =	wrdreg s30  }
0x15: {  	s2 =	ssub.s32 $0x2, s2;
	s11 =	sadd.s32 s1, s7;
	[dreg:$0xf] =	wrdreg s5  }
0x16: {  	s12 =	sadd.s32 $0x51000, s3;
	s13 =	sadd.s32 s1, s23;
	[dreg:$0x10] =	wrdreg s11  }
0x17: {  	s16 =	sshrl.u32 s2, $0x1;
	s14 =	sadd.s32 s0, s12;
	[dreg:$0x11] =	wrdreg s13  }
0x18: {  	s2 =	ssub.s32 s2, s16;
	s16 =	sadd.s32 s1, s25;
	[dreg:$0x12] =	wrdreg s14  }
0x19: {  	s15 =	sadd.s32 $0x6C000, s3;
	s17 =	sadd.s32 s1, s26;
	[dreg:$0x14] =	wrdreg s16  }
0x1a: {  	s29 =	simm.s32 $0xFC00;
	s19 =	sadd.s32 s0, s15;
	[dreg:$0x15] =	wrdreg s17  }
0x1b: {  	s31 =	simm.s32 $0x1;
	s21 =	sadd.s32 s1, s15;
	[dreg:$0x17] =	wrdreg s19  }
0x1c: {  	s23 =	sadd.s32 $0x51080, s3;
	s4 =	sadd.s32 s1, s24;
	[dreg:$0x18] =	wrdreg s21  }
0x1d: {  	s25 =	sadd.s32 $0x6C080, s3;
	s18 =	sadd.s32 s1, s12;
	[dreg:$0x13] =	wrdreg s4  }
0x1e: {  	s20 =	sadd.s32 $0x87000, s3;
	s24 =	sadd.s32 s0, s23;
	[dreg:$0x16] =	wrdreg s18  }
0x1f: {  	s5 =	sadd.s32 s1, s23;
	s26 =	sadd.s32 s0, s25;
	[dreg:$0x1b] =	wrdreg s24  }
0x20: {  	s28 =	sadd.s32 $0x87080, s3;
	s6 =	sadd.s32 $0x51100, s3;
	[dreg:$0x1c] =	wrdreg s5  }
0x21: {  	s8 =	sadd.s32 $0x6C100, s3;
	s16 =	sadd.s32 s0, s3;
	[dreg:$0x1d] =	wrdreg s26  }
0x22: {  	s10 =	sadd.s32 $0x87100, s3;
	s17 =	sadd.s32 s1, s3;
	[smem:$0x7F3] =	sst s16  }
0x23: {  	s12 =	sadd.s32 $0xA2000, s3;
	s22 =	sadd.s32 s0, s20;
	[smem:$0x7F4] =	sst s17  }
0x24: {  	s14 =	sadd.s32 $0xBD000, s3;
	s4 =	sadd.s32 s1, s20;
	[dreg:$0x19] =	wrdreg s22  }
0x25: {  	s19 =	sadd.s32 $0xBD080, s3;
	s30 =	sadd.s32 s0, s28;
	[dreg:$0x1a] =	wrdreg s4  }
0x26: {  	s5 =	sadd.s32 s1, s28;
	s7 =	sadd.s32 s0, s6;
	[dreg:$0x1f] =	wrdreg s30  }
0x27: {  	s9 =	sadd.s32 s0, s8;
	s11 =	sadd.s32 s0, s10;
	[smem:$0x7E8] =	sst s5  }
0x28: {  	s13 =	sadd.s32 s0, s12;
	s15 =	sadd.s32 s0, s14;
	[smem:$0x7E9] =	sst s7  }
0x29: {  	s18 =	sadd.s32 $0xA2080, s3;
	s20 =	sadd.s32 $0xA2100, s3;
	[smem:$0x7EB] =	sst s9  }
0x2a: {  	s3 =	sadd.s32 $0xBD100, s3;
	s16 =	simm.s32 $0xF;
	[smem:$0x7ED] =	sst s11  }
0x2b: {  	s17 =	simm.s32 $0x10;
	s4 =	sadd.s32 s1, s25;
	[smem:$0x7EF] =	sst s13  }
0x2c: {  	s5 =	sadd.s32 s1, s8;
	[smem:$0x7F1] =	sst s15;
	s21 =	sadd.s32 s0, s18  }
0x2d: {  	s22 =	sadd.s32 s0, s19;
	s23 =	sadd.s32 s0, s20;
	s0 =	sadd.s32 s0, s3  }
0x2e: {  	s24 =	sadd.s32 s1, s18;
	s25 =	sadd.s32 s1, s19;
	[dreg:$0x1e] =	wrdreg s4  }
0x2f: {  	s26 =	sadd.s32 s1, s20;
	s28 =	sadd.s32 s1, s3;
	[smem:$0x7EC] =	sst s5  }
0x30: {  	s30 =	smax.u32 s2, $0x1;
	s2 =	simm.s32 $0x14400;
	[smem:$0x7F5] =	sst s21  }
0x31: {  	s3 =	simm.s32 $0x16800;
	s7 =	simm.s32 $0x6;
	[smem:$0x7F6] =	sst s22  }
0x32: {  	s8 =	simm.s32 $0xA;
	s9 =	simm.s32 $0xB;
	[smem:$0x7F7] =	sst s23  }
0x33: {  	s11 =	simm.s32 $0x7;
	s13 =	simm.s32 $0x9;
	[smem:$0x7F8] =	sst s0  }
0x34: {  	s15 =	simm.s32 $0xE;
	s18 =	simm.s32 $0x11;
	[smem:$0x7F9] =	sst s24  }
0x35: {  	s19 =	simm.s32 $0x12;
	s20 =	simm.s32 $0x0;
	[smem:$0x7FA] =	sst s25  }
0x36: {  	s4 =	sadd.s32 s1, s6;
	s5 =	sadd.s32 s1, s12;
	[smem:$0x7FB] =	sst s26  }
0x37: {  	[smem:$0x7FC] =	sst s28;
	s22 =	simm.s32 $0x400;
	s23 =	simm.s32 $0xC00  }
0x38: {  	s0 =	simm.s32 $0x2;
	s6 =	simm.s32 $0x5;
	[smem:$0x7EA] =	sst s4  }
0x39: {  	s12 =	simm.s32 $0x8;
	s4 =	sadd.s32 s1, s10;
	[smem:$0x7F0] =	sst s5  }
0x3a: {  	s5 =	simm.s32 $0x4;
	[smem:$0x7EE] =	sst s4;
	s4 =	sadd.s32 s1, s14  }
0x3b: {  	s10 =	simm.s32 $0xC;
	s1 =	simm.s32 $0x3;
	[smem:$0x7F2] =	sst s4  }
0x3c: {  	s14 =	simm.s32 $0xD;
	_ =	strace $0x80000047;
	[smem:$0x7FD] =	sst s30  }
.LBB2_1:
0x3d: {  	s4 =	simm.s32 $0x0;
	s21 =	rddreg [dreg:$0x4]  }
0x3e: {  	[tilespmem:s4], [sflag:$0x13] =	stream.linear.gather [hbm4b:s21+s4], $0x6C00, $0x38;
	[tilespmem:$0x1B000] =	vst v63  }
0x3f: {  	s21 =	simm.s32 $0x13  }
0x40: {  	_ =	swait.ge [sflag:s21], $0x6C00  }
0x41: {  	s24 =	sld [smem:$0x7F3]  }
0x42: {  	[sflag:s21] =	ssyncset.done $0x0  }
0x43: {  	s25 =	simm.s32 $0x6C00;
	[sflag:s21] =	ssyncadd.s32 $0xFFFF9400  }
0x44: {  	[tilespmem:s25], [sflag:$0x1] =	stream.strided.gather [hbm4b:s24+s22], $0x2400, s23, s22, $0x38;
	[tilespmem:$0x1B000] =	vst v63  }
0x45: {  	s28 =	simm.s32 $0x9000;
	s26 =	rddreg [dreg:$0x5]  }
0x46: {  	[tilespmem:s28], [sflag:$0x2] =	stream.strided.gather [hbm4b:s26+s22], $0x2400, s23, s22, $0x38;
	[tilespmem:$0x1B000] =	vst v63  }
0x47: {  	s24 =	rddreg [dreg:$0x6];
	s25 =	simm.s32 $0xB400  }
0x48: {  	[tilespmem:s25], [sflag:$0x3] =	stream.strided.gather [hbm4b:s24+s22], $0x2400, s23, s22, $0x38;
	[tilespmem:$0x1B000] =	vst v63  }
0x49: {  	s26 =	rddreg [dreg:$0x7];
	s28 =	simm.s32 $0xD800  }
0x4a: {  	[tilespmem:s28], [sflag:$0x4] =	stream.strided.gather [hbm4b:s26+s22], $0x2400, s23, s22, $0x38;
	[tilespmem:$0x1B000] =	vst v63  }
0x4b: {  	s24 =	rddreg [dreg:$0x8]  }
0x4c: {  	[tilespmem:s29], [sflag:$0x5] =	stream.strided.gather [hbm4b:s24+s22], $0x2400, s23, s22, $0x38;
	[tilespmem:$0x1B000] =	vst v63  }
0x4d: {  	s25 =	rddreg [dreg:$0x9];
	s26 =	simm.s32 $0x12000  }
0x4e: {  	[tilespmem:s26], [sflag:$0x6] =	stream.strided.gather [hbm4b:s25+s22], $0x2400, s23, s22, $0x38;
	[tilespmem:$0x1B000] =	vst v63  }
0x4f: {  	_ =	swait.ge [sflag:s31], $0x2400  }
0x50: {  	[sflag:s31] =	ssyncset.done $0x0  }
0x51: {  	[sflag:s31] =	ssyncadd.s32 $0xFFFFDC00  }
0x52: {  	_ =	swait.ge [sflag:s0], $0x2400  }
0x53: {  	s28 =	simm.s32 $0x0;
	[sflag:s0] =	ssyncset.done $0x0  }
0x54: {  	s21 =	simm.s32 $0x80;
	s4 =	smul.u32 $0x3000, s28;
	[sflag:s0] =	ssyncadd.s32 $0xFFFFDC00  }
0x55: {  	s30 =	sand.u32 $0x380, s21;
	_ =	swait.ge [sflag:s1], $0x2400  }
0x56: {  	s4 =	sshra.s32 s4, $0x2;
	s26 =	simm.s32 $0x0;
	[sflag:s1] =	ssyncset.done $0x0  }
0x57: {  	s30 =	sor.u32 s30, s4;
	s26 =	sand.u32 $0x300, s26;
	[sflag:s1] =	ssyncadd.s32 $0xFFFFDC00  }
0x58: {  	s4 =	sor.u32 s26, s4;
	v0 =	vld [tilespmem:s30+$0x70]  }
0x59: {  	v3 =	vld [tilespmem:s4+$0x0]  }
0x5a: {  	v4 =	vld [tilespmem:s4+$0x10]  }
0x5b: {  	v5 =	vld [tilespmem:s4+$0x20]  }
0x5c: {  	v6 =	vld [tilespmem:s4+$0x30]  }
0x5d: {  	v7 =	vld [tilespmem:s4+$0x40]  }
0x5e: {  	v8 =	vld [tilespmem:s4+$0x50]  }
0x5f: {  	v9 =	vld [tilespmem:s4+$0x60]  }
0x60: {  	v10 =	vld [tilespmem:s4+$0x70]  }
0x61: {  	v11 =	vld [tilespmem:s30+$0x0]  }
0x62: {  	v12 =	vld [tilespmem:s30+$0x10]  }
0x63: {  	v13 =	vld [tilespmem:s30+$0x20]  }
0x64: {  	v14 =	vld [tilespmem:s30+$0x30]  }
0x65: {  	v15 =	vld [tilespmem:s30+$0x40]  }
0x66: {  	v2 =	vld [tilespmem:s30+$0x50]  }
0x67: {  	s26 =	simm.s32 $0x0;
	v1 =	vld [tilespmem:s30+$0x60]  }
0x68: {  	[tilespmem:s26+$0xB4F0] =	vst.add.f32.msk $0xffff, v0  }
0x69: {  	[tilespmem:s26+$0x6C00] =	vst.add.f32.msk $0xffff, v3  }
0x6a: {  	[tilespmem:s26+$0x9000] =	vst.add.f32.msk $0xffff, v3  }
0x6b: {  	[tilespmem:s26+$0xB400] =	vst.add.f32.msk $0xffff, v3  }
0x6c: {  	[tilespmem:s26+$0x6C10] =	vst.add.f32.msk $0xffff, v4  }
0x6d: {  	[tilespmem:s26+$0x9010] =	vst.add.f32.msk $0xffff, v4  }
0x6e: {  	[tilespmem:s26+$0xB410] =	vst.add.f32.msk $0xffff, v4  }
0x6f: {  	[tilespmem:s26+$0x6C20] =	vst.add.f32.msk $0xffff, v5  }
0x70: {  	[tilespmem:s26+$0x9020] =	vst.add.f32.msk $0xffff, v5  }
0x71: {  	[tilespmem:s26+$0xB420] =	vst.add.f32.msk $0xffff, v5  }
0x72: {  	[tilespmem:s26+$0x6C30] =	vst.add.f32.msk $0xffff, v6  }
0x73: {  	[tilespmem:s26+$0x9030] =	vst.add.f32.msk $0xffff, v6  }
0x74: {  	[tilespmem:s26+$0xB430] =	vst.add.f32.msk $0xffff, v6  }
0x75: {  	[tilespmem:s26+$0x6C40] =	vst.add.f32.msk $0xffff, v7  }
0x76: {  	[tilespmem:s26+$0x9040] =	vst.add.f32.msk $0xffff, v7  }
0x77: {  	[tilespmem:s26+$0xB440] =	vst.add.f32.msk $0xffff, v7  }
0x78: {  	[tilespmem:s26+$0x6C50] =	vst.add.f32.msk $0xffff, v8  }
0x79: {  	[tilespmem:s26+$0x9050] =	vst.add.f32.msk $0xffff, v8  }
0x7a: {  	[tilespmem:s26+$0xB450] =	vst.add.f32.msk $0xffff, v8  }
0x7b: {  	[tilespmem:s26+$0x6C60] =	vst.add.f32.msk $0xffff, v9  }
0x7c: {  	[tilespmem:s26+$0x9060] =	vst.add.f32.msk $0xffff, v9  }
0x7d: {  	[tilespmem:s26+$0xB460] =	vst.add.f32.msk $0xffff, v9  }
0x7e: {  	[tilespmem:s26+$0x6C70] =	vst.add.f32.msk $0xffff, v10  }
0x7f: {  	[tilespmem:s26+$0x9070] =	vst.add.f32.msk $0xffff, v10  }
0x80: {  	[tilespmem:s26+$0xB470] =	vst.add.f32.msk $0xffff, v10  }
0x81: {  	[tilespmem:s26+$0x6C80] =	vst.add.f32.msk $0xffff, v11  }
0x82: {  	[tilespmem:s26+$0x9080] =	vst.add.f32.msk $0xffff, v11  }
0x83: {  	[tilespmem:s26+$0xB480] =	vst.add.f32.msk $0xffff, v11  }
0x84: {  	[tilespmem:s26+$0x6C90] =	vst.add.f32.msk $0xffff, v12  }
0x85: {  	[tilespmem:s26+$0x9090] =	vst.add.f32.msk $0xffff, v12  }
0x86: {  	[tilespmem:s26+$0xB490] =	vst.add.f32.msk $0xffff, v12  }
0x87: {  	[tilespmem:s26+$0x6CA0] =	vst.add.f32.msk $0xffff, v13  }
0x88: {  	[tilespmem:s26+$0x90A0] =	vst.add.f32.msk $0xffff, v13  }
0x89: {  	[tilespmem:s26+$0xB4A0] =	vst.add.f32.msk $0xffff, v13  }
0x8a: {  	[tilespmem:s26+$0x6CB0] =	vst.add.f32.msk $0xffff, v14  }
0x8b: {  	[tilespmem:s26+$0x90B0] =	vst.add.f32.msk $0xffff, v14  }
0x8c: {  	[tilespmem:s26+$0xB4B0] =	vst.add.f32.msk $0xffff, v14  }
0x8d: {  	[tilespmem:s26+$0x6CC0] =	vst.add.f32.msk $0xffff, v15  }
0x8e: {  	[tilespmem:s26+$0x90C0] =	vst.add.f32.msk $0xffff, v15  }
0x8f: {  	[tilespmem:s26+$0xB4C0] =	vst.add.f32.msk $0xffff, v15  }
0x90: {  	[tilespmem:s26+$0x6CD0] =	vst.add.f32.msk $0xffff, v2  }
0x91: {  	s30 =	simm.s32 $0x0;
	s4 =	simm.s32 $0x0;
	[tilespmem:s26+$0x90D0] =	vst.add.f32.msk $0xffff, v2  }
.LBB2_2:
0x92: {  	s30 =	sadd.s32 $0x2, s30;
	[tilespmem:s26+$0xB4D0] =	vst.add.f32.msk $0xffff, v2  }
0x93: {  	s24 =	sshrl.u32 s30, $0x3;
	p0 =	slt.u32 s30, $0x46;
	[tilespmem:s26+$0x6CE0] =	vst.add.f32.msk $0xffff, v1  }
0x94: {  	s24 =	smul.u32 $0x3000, s24;
	[tilespmem:s26+$0x90E0] =	vst.add.f32.msk $0xffff, v1  }
0x95: {  	s21 =	sadd.s32 $0x100, s21;
	[tilespmem:s26+$0xB4E0] =	vst.add.f32.msk $0xffff, v1  }
0x96: {  	s25 =	sadd.s32 $0xFFFFFF80, s21;
	s28 =	sand.u32 $0x380, s21;
	s24 =	sshra.s32 s24, $0x2;
	[tilespmem:s26+$0x6CF0] =	vst.add.f32.msk $0xffff, v0  }
0x97: {  	s25 =	sand.u32 $0x300, s25;
	s28 =	sor.u32 s28, s24;
	[tilespmem:s26+$0x90F0] =	vst.add.f32.msk $0xffff, v0  }
0x98: {  	s24 =	sor.u32 s25, s24;
	v0 =	vld [tilespmem:s28+$0x70]  }
0x99: {  	v3 =	vld [tilespmem:s24+$0x0]  }
0x9a: {  	v4 =	vld [tilespmem:s24+$0x10]  }
0x9b: {  	s4 =	sadd.s32 $0x400, s4;
	v5 =	vld [tilespmem:s24+$0x20]  }
0x9c: {  	s26 =	sshra.s32 s4, $0x2;
	v6 =	vld [tilespmem:s24+$0x30]  }
0x9d: {  	[tilespmem:s26+$0xB4F0] =	vst.add.f32.msk $0xffff, v0  }
0x9e: {  	v7 =	vld [tilespmem:s24+$0x40]  }
0x9f: {  	v8 =	vld [tilespmem:s24+$0x50]  }
0xa0: {  	v9 =	vld [tilespmem:s24+$0x60]  }
0xa1: {  	v10 =	vld [tilespmem:s24+$0x70]  }
0xa2: {  	v11 =	vld [tilespmem:s28+$0x0]  }
0xa3: {  	v12 =	vld [tilespmem:s28+$0x10]  }
0xa4: {  	v13 =	vld [tilespmem:s28+$0x20]  }
0xa5: {  	v14 =	vld [tilespmem:s28+$0x30]  }
0xa6: {  	v15 =	vld [tilespmem:s28+$0x40]  }
0xa7: {  	v2 =	vld [tilespmem:s28+$0x50]  }
0xa8: {  	v1 =	vld [tilespmem:s28+$0x60]  }
0xa9: {  	[tilespmem:s26+$0x6C00] =	vst.add.f32.msk $0xffff, v3  }
0xaa: {  	[tilespmem:s26+$0x9000] =	vst.add.f32.msk $0xffff, v3  }
0xab: {  	[tilespmem:s26+$0xB400] =	vst.add.f32.msk $0xffff, v3  }
0xac: {  	[tilespmem:s26+$0x6C10] =	vst.add.f32.msk $0xffff, v4  }
0xad: {  	[tilespmem:s26+$0x9010] =	vst.add.f32.msk $0xffff, v4  }
0xae: {  	[tilespmem:s26+$0xB410] =	vst.add.f32.msk $0xffff, v4  }
0xaf: {  	[tilespmem:s26+$0x6C20] =	vst.add.f32.msk $0xffff, v5  }
0xb0: {  	[tilespmem:s26+$0x9020] =	vst.add.f32.msk $0xffff, v5  }
0xb1: {  	[tilespmem:s26+$0xB420] =	vst.add.f32.msk $0xffff, v5  }
0xb2: {  	[tilespmem:s26+$0x6C30] =	vst.add.f32.msk $0xffff, v6  }
0xb3: {  	[tilespmem:s26+$0x9030] =	vst.add.f32.msk $0xffff, v6  }
0xb4: {  	[tilespmem:s26+$0xB430] =	vst.add.f32.msk $0xffff, v6  }
0xb5: {  	[tilespmem:s26+$0x6C40] =	vst.add.f32.msk $0xffff, v7  }
0xb6: {  	[tilespmem:s26+$0x9040] =	vst.add.f32.msk $0xffff, v7  }
0xb7: {  	[tilespmem:s26+$0xB440] =	vst.add.f32.msk $0xffff, v7  }
0xb8: {  	[tilespmem:s26+$0x6C50] =	vst.add.f32.msk $0xffff, v8  }
0xb9: {  	[tilespmem:s26+$0x9050] =	vst.add.f32.msk $0xffff, v8  }
0xba: {  	[tilespmem:s26+$0xB450] =	vst.add.f32.msk $0xffff, v8  }
0xbb: {  	[tilespmem:s26+$0x6C60] =	vst.add.f32.msk $0xffff, v9  }
0xbc: {  	[tilespmem:s26+$0x9060] =	vst.add.f32.msk $0xffff, v9  }
0xbd: {  	[tilespmem:s26+$0xB460] =	vst.add.f32.msk $0xffff, v9  }
0xbe: {  	[tilespmem:s26+$0x6C70] =	vst.add.f32.msk $0xffff, v10  }
0xbf: {  	[tilespmem:s26+$0x9070] =	vst.add.f32.msk $0xffff, v10  }
0xc0: {  	[tilespmem:s26+$0xB470] =	vst.add.f32.msk $0xffff, v10  }
0xc1: {  	[tilespmem:s26+$0x6C80] =	vst.add.f32.msk $0xffff, v11  }
0xc2: {  	[tilespmem:s26+$0x9080] =	vst.add.f32.msk $0xffff, v11  }
0xc3: {  	[tilespmem:s26+$0xB480] =	vst.add.f32.msk $0xffff, v11  }
0xc4: {  	[tilespmem:s26+$0x6C90] =	vst.add.f32.msk $0xffff, v12  }
0xc5: {  	[tilespmem:s26+$0x9090] =	vst.add.f32.msk $0xffff, v12  }
0xc6: {  	[tilespmem:s26+$0xB490] =	vst.add.f32.msk $0xffff, v12  }
0xc7: {  	[tilespmem:s26+$0x6CA0] =	vst.add.f32.msk $0xffff, v13  }
0xc8: {  	[tilespmem:s26+$0x90A0] =	vst.add.f32.msk $0xffff, v13  }
0xc9: {  	[tilespmem:s26+$0xB4A0] =	vst.add.f32.msk $0xffff, v13  }
0xca: {  	[tilespmem:s26+$0x6CB0] =	vst.add.f32.msk $0xffff, v14  }
0xcb: {  	[tilespmem:s26+$0x90B0] =	vst.add.f32.msk $0xffff, v14  }
0xcc: {  	[tilespmem:s26+$0xB4B0] =	vst.add.f32.msk $0xffff, v14  }
.Ltmp0:
0xcd: {  	[tilespmem:s26+$0x6CC0] =	vst.add.f32.msk $0xffff, v15;
	(pc) =	sbr.rel @p0 .LBB2_2-.Ltmp0, $4  }
0xce: {  	[tilespmem:s26+$0x90C0] =	vst.add.f32.msk $0xffff, v15  }
0xcf: {  	[tilespmem:s26+$0xB4C0] =	vst.add.f32.msk $0xffff, v15  }
0xd0: {  	[tilespmem:s26+$0x6CD0] =	vst.add.f32.msk $0xffff, v2  }
0xd1: {  	[tilespmem:s26+$0x90D0] =	vst.add.f32.msk $0xffff, v2  }
0xd2: {  	[tilespmem:s26+$0xB4D0] =	vst.add.f32.msk $0xffff, v2  }
0xd3: {  	[tilespmem:s26+$0x6CE0] =	vst.add.f32.msk $0xffff, v1  }
0xd4: {  	[tilespmem:s26+$0x90E0] =	vst.add.f32.msk $0xffff, v1  }
0xd5: {  	[tilespmem:s26+$0xB4E0] =	vst.add.f32.msk $0xffff, v1  }
0xd6: {  	[tilespmem:s26+$0x6CF0] =	vst.add.f32.msk $0xffff, v0  }
0xd7: {  	[tilespmem:s26+$0x90F0] =	vst.add.f32.msk $0xffff, v0  }
0xd8: {  	s4 =	sld [smem:$0x7F4];
	_ =	sdelay $0x1  }
0xd9: {  	s21 =	simm.s32 $0x6C00  }
0xda: {  	[hbm4b:s4+s22] =	stream.strided.scatter [tilespmem:s21], [sflag:$0xA], $0x2400, s23, s22, $0x38;
	[tilespmem:$0x1B000] =	vst v63  }
0xdb: {  	s25 =	simm.s32 $0x9000;
	s24 =	rddreg [dreg:$0xa]  }
0xdc: {  	[hbm4b:s24+s22] =	stream.strided.scatter [tilespmem:s25], [sflag:$0xB], $0x2400, s23, s22, $0x38;
	[tilespmem:$0x1B000] =	vst v63  }
0xdd: {  	s28 =	simm.s32 $0xB400;
	s26 =	rddreg [dreg:$0xb]  }
0xde: {  	[hbm4b:s26+s22] =	stream.strided.scatter [tilespmem:s28], [sflag:$0xC], $0x2400, s23, s22, $0x38;
	[tilespmem:$0x1B000] =	vst v63  }
0xdf: {  	s21 =	rddreg [dreg:$0xc]  }
0xe0: {  	[tilespmem:s2], [sflag:$0x7] =	stream.strided.gather [hbm4b:s21+s22], $0x2400, s23, s22, $0x38;
	[tilespmem:$0x1B000] =	vst v63  }
0xe1: {  	s24 =	rddreg [dreg:$0xd]  }
0xe2: {  	[tilespmem:s3], [sflag:$0x8] =	stream.strided.gather [hbm4b:s24+s22], $0x2400, s23, s22, $0x38;
	[tilespmem:$0x1B000] =	vst v63  }
0xe3: {  	s25 =	rddreg [dreg:$0xe];
	s26 =	simm.s32 $0x18C00  }
0xe4: {  	[tilespmem:s26], [sflag:$0x9] =	stream.strided.gather [hbm4b:s25+s22], $0x2400, s23, s22, $0x38;
	[tilespmem:$0x1B000] =	vst v63  }
0xe5: {  	_ =	swait.ge [sflag:s5], $0x2400  }
0xe6: {  	[sflag:s5] =	ssyncset.done $0x0  }
0xe7: {  	[sflag:s5] =	ssyncadd.s32 $0xFFFFDC00  }
0xe8: {  	s28 =	simm.s32 $0x0;
	_ =	swait.ge [sflag:s6], $0x2400  }
0xe9: {  	s4 =	smul.u32 $0x3000, s28;
	[sflag:s6] =	ssyncset.done $0x0  }
0xea: {  	s21 =	simm.s32 $0x80;
	[sflag:s6] =	ssyncadd.s32 $0xFFFFDC00  }
0xeb: {  	s4 =	sshra.s32 s4, $0x2;
	s24 =	simm.s32 $0x0;
	_ =	swait.ge [sflag:s7], $0x2400  }
0xec: {  	s4 =	sadd.s32 $0x400, s4;
	s25 =	sand.u32 $0x380, s21;
	[sflag:s7] =	ssyncset.done $0x0  }
0xed: {  	s24 =	sand.u32 $0x300, s24;
	s25 =	sor.u32 s25, s4;
	[sflag:s7] =	ssyncadd.s32 $0xFFFFDC00  }
0xee: {  	s4 =	sor.u32 s24, s4;
	v0 =	vld [tilespmem:s25+$0x70]  }
0xef: {  	v3 =	vld [tilespmem:s4+$0x0]  }
0xf0: {  	v4 =	vld [tilespmem:s4+$0x10]  }
0xf1: {  	v5 =	vld [tilespmem:s4+$0x20]  }
0xf2: {  	v6 =	vld [tilespmem:s4+$0x30]  }
0xf3: {  	v7 =	vld [tilespmem:s4+$0x40]  }
0xf4: {  	v8 =	vld [tilespmem:s4+$0x50]  }
0xf5: {  	v9 =	vld [tilespmem:s4+$0x60]  }
0xf6: {  	v10 =	vld [tilespmem:s4+$0x70]  }
0xf7: {  	v11 =	vld [tilespmem:s25+$0x0]  }
0xf8: {  	v12 =	vld [tilespmem:s25+$0x10]  }
0xf9: {  	v13 =	vld [tilespmem:s25+$0x20]  }
0xfa: {  	v14 =	vld [tilespmem:s25+$0x30]  }
0xfb: {  	v15 =	vld [tilespmem:s25+$0x40]  }
0xfc: {  	v2 =	vld [tilespmem:s25+$0x50]  }
0xfd: {  	s26 =	simm.s32 $0x0;
	v1 =	vld [tilespmem:s25+$0x60]  }
0xfe: {  	[tilespmem:s26+$0x120F0] =	vst.add.f32.msk $0xffff, v0  }
0xff: {  	[tilespmem:s26+$0xD800] =	vst.add.f32.msk $0xffff, v3  }
0x100: {  	[tilespmem:s26+$0xFC00] =	vst.add.f32.msk $0xffff, v3  }
0x101: {  	[tilespmem:s26+$0x12000] =	vst.add.f32.msk $0xffff, v3  }
0x102: {  	[tilespmem:s26+$0xD810] =	vst.add.f32.msk $0xffff, v4  }
0x103: {  	[tilespmem:s26+$0xFC10] =	vst.add.f32.msk $0xffff, v4  }
0x104: {  	[tilespmem:s26+$0x12010] =	vst.add.f32.msk $0xffff, v4  }
0x105: {  	[tilespmem:s26+$0xD820] =	vst.add.f32.msk $0xffff, v5  }
0x106: {  	[tilespmem:s26+$0xFC20] =	vst.add.f32.msk $0xffff, v5  }
0x107: {  	[tilespmem:s26+$0x12020] =	vst.add.f32.msk $0xffff, v5  }
0x108: {  	[tilespmem:s26+$0xD830] =	vst.add.f32.msk $0xffff, v6  }
0x109: {  	[tilespmem:s26+$0xFC30] =	vst.add.f32.msk $0xffff, v6  }
0x10a: {  	[tilespmem:s26+$0x12030] =	vst.add.f32.msk $0xffff, v6  }
0x10b: {  	[tilespmem:s26+$0xD840] =	vst.add.f32.msk $0xffff, v7  }
0x10c: {  	[tilespmem:s26+$0xFC40] =	vst.add.f32.msk $0xffff, v7  }
0x10d: {  	[tilespmem:s26+$0x12040] =	vst.add.f32.msk $0xffff, v7  }
0x10e: {  	[tilespmem:s26+$0xD850] =	vst.add.f32.msk $0xffff, v8  }
0x10f: {  	[tilespmem:s26+$0xFC50] =	vst.add.f32.msk $0xffff, v8  }
0x110: {  	[tilespmem:s26+$0x12050] =	vst.add.f32.msk $0xffff, v8  }
0x111: {  	[tilespmem:s26+$0xD860] =	vst.add.f32.msk $0xffff, v9  }
0x112: {  	[tilespmem:s26+$0xFC60] =	vst.add.f32.msk $0xffff, v9  }
0x113: {  	[tilespmem:s26+$0x12060] =	vst.add.f32.msk $0xffff, v9  }
0x114: {  	[tilespmem:s26+$0xD870] =	vst.add.f32.msk $0xffff, v10  }
0x115: {  	[tilespmem:s26+$0xFC70] =	vst.add.f32.msk $0xffff, v10  }
0x116: {  	[tilespmem:s26+$0x12070] =	vst.add.f32.msk $0xffff, v10  }
0x117: {  	[tilespmem:s26+$0xD880] =	vst.add.f32.msk $0xffff, v11  }
0x118: {  	[tilespmem:s26+$0xFC80] =	vst.add.f32.msk $0xffff, v11  }
0x119: {  	[tilespmem:s26+$0x12080] =	vst.add.f32.msk $0xffff, v11  }
0x11a: {  	[tilespmem:s26+$0xD890] =	vst.add.f32.msk $0xffff, v12  }
0x11b: {  	[tilespmem:s26+$0xFC90] =	vst.add.f32.msk $0xffff, v12  }
0x11c: {  	[tilespmem:s26+$0x12090] =	vst.add.f32.msk $0xffff, v12  }
0x11d: {  	[tilespmem:s26+$0xD8A0] =	vst.add.f32.msk $0xffff, v13  }
0x11e: {  	[tilespmem:s26+$0xFCA0] =	vst.add.f32.msk $0xffff, v13  }
0x11f: {  	[tilespmem:s26+$0x120A0] =	vst.add.f32.msk $0xffff, v13  }
0x120: {  	[tilespmem:s26+$0xD8B0] =	vst.add.f32.msk $0xffff, v14  }
0x121: {  	[tilespmem:s26+$0xFCB0] =	vst.add.f32.msk $0xffff, v14  }
0x122: {  	[tilespmem:s26+$0x120B0] =	vst.add.f32.msk $0xffff, v14  }
0x123: {  	[tilespmem:s26+$0xD8C0] =	vst.add.f32.msk $0xffff, v15  }
0x124: {  	[tilespmem:s26+$0xFCC0] =	vst.add.f32.msk $0xffff, v15  }
0x125: {  	[tilespmem:s26+$0x120C0] =	vst.add.f32.msk $0xffff, v15  }
0x126: {  	s30 =	simm.s32 $0x0;
	s4 =	simm.s32 $0x0;
	[tilespmem:s26+$0xD8D0] =	vst.add.f32.msk $0xffff, v2  }
.LBB2_4:
0x127: {  	s4 =	sadd.s32 $0x2, s4;
	[tilespmem:s26+$0xFCD0] =	vst.add.f32.msk $0xffff, v2  }
0x128: {  	s24 =	sshrl.u32 s4, $0x3;
	p0 =	slt.u32 s4, $0x46;
	[tilespmem:s26+$0x120D0] =	vst.add.f32.msk $0xffff, v2  }
0x129: {  	s24 =	smul.u32 $0x3000, s24;
	[tilespmem:s26+$0xD8E0] =	vst.add.f32.msk $0xffff, v1  }
0x12a: {  	[tilespmem:s26+$0xFCE0] =	vst.add.f32.msk $0xffff, v1  }
0x12b: {  	s21 =	sadd.s32 $0x100, s21;
	s24 =	sshra.s32 s24, $0x2;
	[tilespmem:s26+$0x120E0] =	vst.add.f32.msk $0xffff, v1  }
0x12c: {  	s25 =	sadd.s32 $0xFFFFFF80, s21;
	s28 =	sand.u32 $0x380, s21;
	s24 =	sadd.s32 $0x400, s24;
	[tilespmem:s26+$0xD8F0] =	vst.add.f32.msk $0xffff, v0  }
0x12d: {  	s25 =	sand.u32 $0x300, s25;
	s28 =	sor.u32 s28, s24;
	[tilespmem:s26+$0xFCF0] =	vst.add.f32.msk $0xffff, v0  }
0x12e: {  	s24 =	sor.u32 s25, s24;
	v0 =	vld [tilespmem:s28+$0x70]  }
0x12f: {  	v3 =	vld [tilespmem:s24+$0x0]  }
0x130: {  	v4 =	vld [tilespmem:s24+$0x10]  }
0x131: {  	s30 =	sadd.s32 $0x400, s30;
	v5 =	vld [tilespmem:s24+$0x20]  }
0x132: {  	s26 =	sshra.s32 s30, $0x2;
	v6 =	vld [tilespmem:s24+$0x30]  }
0x133: {  	[tilespmem:s26+$0x120F0] =	vst.add.f32.msk $0xffff, v0  }
0x134: {  	v7 =	vld [tilespmem:s24+$0x40]  }
0x135: {  	v8 =	vld [tilespmem:s24+$0x50]  }
0x136: {  	v9 =	vld [tilespmem:s24+$0x60]  }
0x137: {  	v10 =	vld [tilespmem:s24+$0x70]  }
0x138: {  	v11 =	vld [tilespmem:s28+$0x0]  }
0x139: {  	v12 =	vld [tilespmem:s28+$0x10]  }
0x13a: {  	v13 =	vld [tilespmem:s28+$0x20]  }
0x13b: {  	v14 =	vld [tilespmem:s28+$0x30]  }
0x13c: {  	v15 =	vld [tilespmem:s28+$0x40]  }
0x13d: {  	v2 =	vld [tilespmem:s28+$0x50]  }
0x13e: {  	v1 =	vld [tilespmem:s28+$0x60]  }
0x13f: {  	[tilespmem:s26+$0xD800] =	vst.add.f32.msk $0xffff, v3  }
0x140: {  	[tilespmem:s26+$0xFC00] =	vst.add.f32.msk $0xffff, v3  }
0x141: {  	[tilespmem:s26+$0x12000] =	vst.add.f32.msk $0xffff, v3  }
0x142: {  	[tilespmem:s26+$0xD810] =	vst.add.f32.msk $0xffff, v4  }
0x143: {  	[tilespmem:s26+$0xFC10] =	vst.add.f32.msk $0xffff, v4  }
0x144: {  	[tilespmem:s26+$0x12010] =	vst.add.f32.msk $0xffff, v4  }
0x145: {  	[tilespmem:s26+$0xD820] =	vst.add.f32.msk $0xffff, v5  }
0x146: {  	[tilespmem:s26+$0xFC20] =	vst.add.f32.msk $0xffff, v5  }
0x147: {  	[tilespmem:s26+$0x12020] =	vst.add.f32.msk $0xffff, v5  }
0x148: {  	[tilespmem:s26+$0xD830] =	vst.add.f32.msk $0xffff, v6  }
0x149: {  	[tilespmem:s26+$0xFC30] =	vst.add.f32.msk $0xffff, v6  }
0x14a: {  	[tilespmem:s26+$0x12030] =	vst.add.f32.msk $0xffff, v6  }
0x14b: {  	[tilespmem:s26+$0xD840] =	vst.add.f32.msk $0xffff, v7  }
0x14c: {  	[tilespmem:s26+$0xFC40] =	vst.add.f32.msk $0xffff, v7  }
0x14d: {  	[tilespmem:s26+$0x12040] =	vst.add.f32.msk $0xffff, v7  }
0x14e: {  	[tilespmem:s26+$0xD850] =	vst.add.f32.msk $0xffff, v8  }
0x14f: {  	[tilespmem:s26+$0xFC50] =	vst.add.f32.msk $0xffff, v8  }
0x150: {  	[tilespmem:s26+$0x12050] =	vst.add.f32.msk $0xffff, v8  }
0x151: {  	[tilespmem:s26+$0xD860] =	vst.add.f32.msk $0xffff, v9  }
0x152: {  	[tilespmem:s26+$0xFC60] =	vst.add.f32.msk $0xffff, v9  }
0x153: {  	[tilespmem:s26+$0x12060] =	vst.add.f32.msk $0xffff, v9  }
0x154: {  	[tilespmem:s26+$0xD870] =	vst.add.f32.msk $0xffff, v10  }
0x155: {  	[tilespmem:s26+$0xFC70] =	vst.add.f32.msk $0xffff, v10  }
0x156: {  	[tilespmem:s26+$0x12070] =	vst.add.f32.msk $0xffff, v10  }
0x157: {  	[tilespmem:s26+$0xD880] =	vst.add.f32.msk $0xffff, v11  }
0x158: {  	[tilespmem:s26+$0xFC80] =	vst.add.f32.msk $0xffff, v11  }
0x159: {  	[tilespmem:s26+$0x12080] =	vst.add.f32.msk $0xffff, v11  }
0x15a: {  	[tilespmem:s26+$0xD890] =	vst.add.f32.msk $0xffff, v12  }
0x15b: {  	[tilespmem:s26+$0xFC90] =	vst.add.f32.msk $0xffff, v12  }
0x15c: {  	[tilespmem:s26+$0x12090] =	vst.add.f32.msk $0xffff, v12  }
0x15d: {  	[tilespmem:s26+$0xD8A0] =	vst.add.f32.msk $0xffff, v13  }
0x15e: {  	[tilespmem:s26+$0xFCA0] =	vst.add.f32.msk $0xffff, v13  }
0x15f: {  	[tilespmem:s26+$0x120A0] =	vst.add.f32.msk $0xffff, v13  }
0x160: {  	[tilespmem:s26+$0xD8B0] =	vst.add.f32.msk $0xffff, v14  }
0x161: {  	[tilespmem:s26+$0xFCB0] =	vst.add.f32.msk $0xffff, v14  }
.Ltmp1:
0x162: {  	[tilespmem:s26+$0x120B0] =	vst.add.f32.msk $0xffff, v14;
	(pc) =	sbr.rel @p0 .LBB2_4-.Ltmp1, $4  }
0x163: {  	[tilespmem:s26+$0xD8C0] =	vst.add.f32.msk $0xffff, v15  }
0x164: {  	[tilespmem:s26+$0xFCC0] =	vst.add.f32.msk $0xffff, v15  }
0x165: {  	[tilespmem:s26+$0x120C0] =	vst.add.f32.msk $0xffff, v15  }
0x166: {  	[tilespmem:s26+$0xD8D0] =	vst.add.f32.msk $0xffff, v2  }
0x167: {  	[tilespmem:s26+$0xFCD0] =	vst.add.f32.msk $0xffff, v2  }
0x168: {  	[tilespmem:s26+$0x120D0] =	vst.add.f32.msk $0xffff, v2  }
0x169: {  	[tilespmem:s26+$0xD8E0] =	vst.add.f32.msk $0xffff, v1  }
0x16a: {  	[tilespmem:s26+$0xFCE0] =	vst.add.f32.msk $0xffff, v1  }
0x16b: {  	[tilespmem:s26+$0x120E0] =	vst.add.f32.msk $0xffff, v1  }
0x16c: {  	[tilespmem:s26+$0xD8F0] =	vst.add.f32.msk $0xffff, v0  }
0x16d: {  	[tilespmem:s26+$0xFCF0] =	vst.add.f32.msk $0xffff, v0  }
0x16e: {  	s21 =	simm.s32 $0xD800;
	s4 =	rddreg [dreg:$0xf]  }
0x16f: {  	[hbm4b:s4+s22] =	stream.strided.scatter [tilespmem:s21], [sflag:$0xD], $0x2400, s23, s22, $0x38;
	[tilespmem:$0x1B000] =	vst v63  }
0x170: {  	s21 =	rddreg [dreg:$0x10]  }
0x171: {  	[hbm4b:s21+s22] =	stream.strided.scatter [tilespmem:s29], [sflag:$0xE], $0x2400, s23, s22, $0x38;
	[tilespmem:$0x1B000] =	vst v63  }
0x172: {  	s25 =	simm.s32 $0x12000;
	s24 =	rddreg [dreg:$0x11]  }
0x173: {  	[hbm4b:s24+s22] =	stream.strided.scatter [tilespmem:s25], [sflag:$0xF], $0x2400, s23, s22, $0x38;
	[tilespmem:$0x1B000] =	vst v63  }
0x174: {  	_ =	swait.ge [sflag:s8], $0x2400  }
0x175: {  	[sflag:s8] =	ssyncset.done $0x0  }
0x176: {  	[sflag:s8] =	ssyncadd.s32 $0xFFFFDC00  }
0x177: {  	_ =	swait.ge [sflag:s9], $0x2400  }
0x178: {  	[sflag:s9] =	ssyncset.done $0x0  }
0x179: {  	[sflag:s9] =	ssyncadd.s32 $0xFFFFDC00  }
0x17a: {  	_ =	swait.ge [sflag:s10], $0x2400  }
0x17b: {  	[sflag:s10] =	ssyncset.done $0x0  }
0x17c: {  	s28 =	simm.s32 $0x6C00;
	s26 =	rddreg [dreg:$0x12];
	[sflag:s10] =	ssyncadd.s32 $0xFFFFDC00  }
0x17d: {  	[tilespmem:s28], [sflag:$0x1] =	stream.strided.gather [hbm4b:s26+s22], $0x2400, s23, s22, $0x38;
	[tilespmem:$0x1B000] =	vst v63  }
0x17e: {  	s24 =	simm.s32 $0x9000;
	s21 =	rddreg [dreg:$0x17]  }
0x17f: {  	[tilespmem:s24], [sflag:$0x2] =	stream.strided.gather [hbm4b:s21+s22], $0x2400, s23, s22, $0x38;
	[tilespmem:$0x1B000] =	vst v63  }
0x180: {  	s25 =	rddreg [dreg:$0x19];
	s26 =	simm.s32 $0xB400  }
0x181: {  	[tilespmem:s26], [sflag:$0x3] =	stream.strided.gather [hbm4b:s25+s22], $0x2400, s23, s22, $0x38;
	[tilespmem:$0x1B000] =	vst v63  }
0x182: {  	_ =	swait.ge [sflag:s11], $0x2400  }
0x183: {  	[sflag:s11] =	ssyncset.done $0x0  }
0x184: {  	[sflag:s11] =	ssyncadd.s32 $0xFFFFDC00  }
0x185: {  	s28 =	simm.s32 $0x0;
	_ =	swait.ge [sflag:s12], $0x2400  }
0x186: {  	s4 =	smul.u32 $0x3000, s28;
	[sflag:s12] =	ssyncset.done $0x0  }
0x187: {  	s21 =	simm.s32 $0x80;
	[sflag:s12] =	ssyncadd.s32 $0xFFFFDC00  }
0x188: {  	s24 =	simm.s32 $0x0;
	s4 =	sshra.s32 s4, $0x2;
	_ =	swait.ge [sflag:s13], $0x2400  }
0x189: {  	s4 =	sadd.s32 $0x800, s4;
	s25 =	sand.u32 $0x380, s21;
	[sflag:s13] =	ssyncset.done $0x0  }
0x18a: {  	s24 =	sand.u32 $0x300, s24;
	s25 =	sor.u32 s25, s4;
	[sflag:s13] =	ssyncadd.s32 $0xFFFFDC00  }
0x18b: {  	s4 =	sor.u32 s24, s4;
	v0 =	vld [tilespmem:s25+$0x70]  }
0x18c: {  	v3 =	vld [tilespmem:s4+$0x0]  }
0x18d: {  	v4 =	vld [tilespmem:s4+$0x10]  }
0x18e: {  	v5 =	vld [tilespmem:s4+$0x20]  }
0x18f: {  	v6 =	vld [tilespmem:s4+$0x30]  }
0x190: {  	v7 =	vld [tilespmem:s4+$0x40]  }
0x191: {  	v8 =	vld [tilespmem:s4+$0x50]  }
0x192: {  	v9 =	vld [tilespmem:s4+$0x60]  }
0x193: {  	v10 =	vld [tilespmem:s4+$0x70]  }
0x194: {  	v11 =	vld [tilespmem:s25+$0x0]  }
0x195: {  	v12 =	vld [tilespmem:s25+$0x10]  }
0x196: {  	v13 =	vld [tilespmem:s25+$0x20]  }
0x197: {  	v14 =	vld [tilespmem:s25+$0x30]  }
0x198: {  	v15 =	vld [tilespmem:s25+$0x40]  }
0x199: {  	v2 =	vld [tilespmem:s25+$0x50]  }
0x19a: {  	s26 =	simm.s32 $0x0;
	v1 =	vld [tilespmem:s25+$0x60]  }
0x19b: {  	[tilespmem:s26+$0x18CF0] =	vst.add.f32.msk $0xffff, v0  }
0x19c: {  	[tilespmem:s26+$0x14400] =	vst.add.f32.msk $0xffff, v3  }
0x19d: {  	[tilespmem:s26+$0x16800] =	vst.add.f32.msk $0xffff, v3  }
0x19e: {  	[tilespmem:s26+$0x18C00] =	vst.add.f32.msk $0xffff, v3  }
0x19f: {  	[tilespmem:s26+$0x14410] =	vst.add.f32.msk $0xffff, v4  }
0x1a0: {  	[tilespmem:s26+$0x16810] =	vst.add.f32.msk $0xffff, v4  }
0x1a1: {  	[tilespmem:s26+$0x18C10] =	vst.add.f32.msk $0xffff, v4  }
0x1a2: {  	[tilespmem:s26+$0x14420] =	vst.add.f32.msk $0xffff, v5  }
0x1a3: {  	[tilespmem:s26+$0x16820] =	vst.add.f32.msk $0xffff, v5  }
0x1a4: {  	[tilespmem:s26+$0x18C20] =	vst.add.f32.msk $0xffff, v5  }
0x1a5: {  	[tilespmem:s26+$0x14430] =	vst.add.f32.msk $0xffff, v6  }
0x1a6: {  	[tilespmem:s26+$0x16830] =	vst.add.f32.msk $0xffff, v6  }
0x1a7: {  	[tilespmem:s26+$0x18C30] =	vst.add.f32.msk $0xffff, v6  }
0x1a8: {  	[tilespmem:s26+$0x14440] =	vst.add.f32.msk $0xffff, v7  }
0x1a9: {  	[tilespmem:s26+$0x16840] =	vst.add.f32.msk $0xffff, v7  }
0x1aa: {  	[tilespmem:s26+$0x18C40] =	vst.add.f32.msk $0xffff, v7  }
0x1ab: {  	[tilespmem:s26+$0x14450] =	vst.add.f32.msk $0xffff, v8  }
0x1ac: {  	[tilespmem:s26+$0x16850] =	vst.add.f32.msk $0xffff, v8  }
0x1ad: {  	[tilespmem:s26+$0x18C50] =	vst.add.f32.msk $0xffff, v8  }
0x1ae: {  	[tilespmem:s26+$0x14460] =	vst.add.f32.msk $0xffff, v9  }
0x1af: {  	[tilespmem:s26+$0x16860] =	vst.add.f32.msk $0xffff, v9  }
0x1b0: {  	[tilespmem:s26+$0x18C60] =	vst.add.f32.msk $0xffff, v9  }
0x1b1: {  	[tilespmem:s26+$0x14470] =	vst.add.f32.msk $0xffff, v10  }
0x1b2: {  	[tilespmem:s26+$0x16870] =	vst.add.f32.msk $0xffff, v10  }
0x1b3: {  	[tilespmem:s26+$0x18C70] =	vst.add.f32.msk $0xffff, v10  }
0x1b4: {  	[tilespmem:s26+$0x14480] =	vst.add.f32.msk $0xffff, v11  }
0x1b5: {  	[tilespmem:s26+$0x16880] =	vst.add.f32.msk $0xffff, v11  }
0x1b6: {  	[tilespmem:s26+$0x18C80] =	vst.add.f32.msk $0xffff, v11  }
0x1b7: {  	[tilespmem:s26+$0x14490] =	vst.add.f32.msk $0xffff, v12  }
0x1b8: {  	[tilespmem:s26+$0x16890] =	vst.add.f32.msk $0xffff, v12  }
0x1b9: {  	[tilespmem:s26+$0x18C90] =	vst.add.f32.msk $0xffff, v12  }
0x1ba: {  	[tilespmem:s26+$0x144A0] =	vst.add.f32.msk $0xffff, v13  }
0x1bb: {  	[tilespmem:s26+$0x168A0] =	vst.add.f32.msk $0xffff, v13  }
0x1bc: {  	[tilespmem:s26+$0x18CA0] =	vst.add.f32.msk $0xffff, v13  }
0x1bd: {  	[tilespmem:s26+$0x144B0] =	vst.add.f32.msk $0xffff, v14  }
0x1be: {  	[tilespmem:s26+$0x168B0] =	vst.add.f32.msk $0xffff, v14  }
0x1bf: {  	[tilespmem:s26+$0x18CB0] =	vst.add.f32.msk $0xffff, v14  }
0x1c0: {  	[tilespmem:s26+$0x144C0] =	vst.add.f32.msk $0xffff, v15  }
0x1c1: {  	[tilespmem:s26+$0x168C0] =	vst.add.f32.msk $0xffff, v15  }
0x1c2: {  	[tilespmem:s26+$0x18CC0] =	vst.add.f32.msk $0xffff, v15  }
0x1c3: {  	s30 =	simm.s32 $0x0;
	s4 =	simm.s32 $0x0;
	[tilespmem:s26+$0x144D0] =	vst.add.f32.msk $0xffff, v2  }
.LBB2_6:
0x1c4: {  	s4 =	sadd.s32 $0x2, s4;
	[tilespmem:s26+$0x168D0] =	vst.add.f32.msk $0xffff, v2  }
0x1c5: {  	s24 =	sshrl.u32 s4, $0x3;
	p0 =	slt.u32 s4, $0x46;
	[tilespmem:s26+$0x18CD0] =	vst.add.f32.msk $0xffff, v2  }
0x1c6: {  	s24 =	smul.u32 $0x3000, s24;
	[tilespmem:s26+$0x144E0] =	vst.add.f32.msk $0xffff, v1  }
0x1c7: {  	[tilespmem:s26+$0x168E0] =	vst.add.f32.msk $0xffff, v1  }
0x1c8: {  	s21 =	sadd.s32 $0x100, s21;
	s24 =	sshra.s32 s24, $0x2;
	[tilespmem:s26+$0x18CE0] =	vst.add.f32.msk $0xffff, v1  }
0x1c9: {  	s25 =	sadd.s32 $0xFFFFFF80, s21;
	s28 =	sand.u32 $0x380, s21;
	s24 =	sadd.s32 $0x800, s24;
	[tilespmem:s26+$0x144F0] =	vst.add.f32.msk $0xffff, v0  }
0x1ca: {  	s25 =	sand.u32 $0x300, s25;
	s28 =	sor.u32 s28, s24;
	[tilespmem:s26+$0x168F0] =	vst.add.f32.msk $0xffff, v0  }
0x1cb: {  	s24 =	sor.u32 s25, s24;
	v0 =	vld [tilespmem:s28+$0x70]  }
0x1cc: {  	v3 =	vld [tilespmem:s24+$0x0]  }
0x1cd: {  	v4 =	vld [tilespmem:s24+$0x10]  }
0x1ce: {  	s30 =	sadd.s32 $0x400, s30;
	v5 =	vld [tilespmem:s24+$0x20]  }
0x1cf: {  	s26 =	sshra.s32 s30, $0x2;
	v6 =	vld [tilespmem:s24+$0x30]  }
0x1d0: {  	[tilespmem:s26+$0x18CF0] =	vst.add.f32.msk $0xffff, v0  }
0x1d1: {  	v7 =	vld [tilespmem:s24+$0x40]  }
0x1d2: {  	v8 =	vld [tilespmem:s24+$0x50]  }
0x1d3: {  	v9 =	vld [tilespmem:s24+$0x60]  }
0x1d4: {  	v10 =	vld [tilespmem:s24+$0x70]  }
0x1d5: {  	v11 =	vld [tilespmem:s28+$0x0]  }
0x1d6: {  	v12 =	vld [tilespmem:s28+$0x10]  }
0x1d7: {  	v13 =	vld [tilespmem:s28+$0x20]  }
0x1d8: {  	v14 =	vld [tilespmem:s28+$0x30]  }
0x1d9: {  	v15 =	vld [tilespmem:s28+$0x40]  }
0x1da: {  	v2 =	vld [tilespmem:s28+$0x50]  }
0x1db: {  	v1 =	vld [tilespmem:s28+$0x60]  }
0x1dc: {  	[tilespmem:s26+$0x14400] =	vst.add.f32.msk $0xffff, v3  }
0x1dd: {  	[tilespmem:s26+$0x16800] =	vst.add.f32.msk $0xffff, v3  }
0x1de: {  	[tilespmem:s26+$0x18C00] =	vst.add.f32.msk $0xffff, v3  }
0x1df: {  	[tilespmem:s26+$0x14410] =	vst.add.f32.msk $0xffff, v4  }
0x1e0: {  	[tilespmem:s26+$0x16810] =	vst.add.f32.msk $0xffff, v4  }
0x1e1: {  	[tilespmem:s26+$0x18C10] =	vst.add.f32.msk $0xffff, v4  }
0x1e2: {  	[tilespmem:s26+$0x14420] =	vst.add.f32.msk $0xffff, v5  }
0x1e3: {  	[tilespmem:s26+$0x16820] =	vst.add.f32.msk $0xffff, v5  }
0x1e4: {  	[tilespmem:s26+$0x18C20] =	vst.add.f32.msk $0xffff, v5  }
0x1e5: {  	[tilespmem:s26+$0x14430] =	vst.add.f32.msk $0xffff, v6  }
0x1e6: {  	[tilespmem:s26+$0x16830] =	vst.add.f32.msk $0xffff, v6  }
0x1e7: {  	[tilespmem:s26+$0x18C30] =	vst.add.f32.msk $0xffff, v6  }
0x1e8: {  	[tilespmem:s26+$0x14440] =	vst.add.f32.msk $0xffff, v7  }
0x1e9: {  	[tilespmem:s26+$0x16840] =	vst.add.f32.msk $0xffff, v7  }
0x1ea: {  	[tilespmem:s26+$0x18C40] =	vst.add.f32.msk $0xffff, v7  }
0x1eb: {  	[tilespmem:s26+$0x14450] =	vst.add.f32.msk $0xffff, v8  }
0x1ec: {  	[tilespmem:s26+$0x16850] =	vst.add.f32.msk $0xffff, v8  }
0x1ed: {  	[tilespmem:s26+$0x18C50] =	vst.add.f32.msk $0xffff, v8  }
0x1ee: {  	[tilespmem:s26+$0x14460] =	vst.add.f32.msk $0xffff, v9  }
0x1ef: {  	[tilespmem:s26+$0x16860] =	vst.add.f32.msk $0xffff, v9  }
0x1f0: {  	[tilespmem:s26+$0x18C60] =	vst.add.f32.msk $0xffff, v9  }
0x1f1: {  	[tilespmem:s26+$0x14470] =	vst.add.f32.msk $0xffff, v10  }
0x1f2: {  	[tilespmem:s26+$0x16870] =	vst.add.f32.msk $0xffff, v10  }
0x1f3: {  	[tilespmem:s26+$0x18C70] =	vst.add.f32.msk $0xffff, v10  }
0x1f4: {  	[tilespmem:s26+$0x14480] =	vst.add.f32.msk $0xffff, v11  }
0x1f5: {  	[tilespmem:s26+$0x16880] =	vst.add.f32.msk $0xffff, v11  }
0x1f6: {  	[tilespmem:s26+$0x18C80] =	vst.add.f32.msk $0xffff, v11  }
0x1f7: {  	[tilespmem:s26+$0x14490] =	vst.add.f32.msk $0xffff, v12  }
0x1f8: {  	[tilespmem:s26+$0x16890] =	vst.add.f32.msk $0xffff, v12  }
0x1f9: {  	[tilespmem:s26+$0x18C90] =	vst.add.f32.msk $0xffff, v12  }
0x1fa: {  	[tilespmem:s26+$0x144A0] =	vst.add.f32.msk $0xffff, v13  }
0x1fb: {  	[tilespmem:s26+$0x168A0] =	vst.add.f32.msk $0xffff, v13  }
0x1fc: {  	[tilespmem:s26+$0x18CA0] =	vst.add.f32.msk $0xffff, v13  }
0x1fd: {  	[tilespmem:s26+$0x144B0] =	vst.add.f32.msk $0xffff, v14  }
0x1fe: {  	[tilespmem:s26+$0x168B0] =	vst.add.f32.msk $0xffff, v14  }
.Ltmp2:
0x1ff: {  	[tilespmem:s26+$0x18CB0] =	vst.add.f32.msk $0xffff, v14;
	(pc) =	sbr.rel @p0 .LBB2_6-.Ltmp2, $4  }
0x200: {  	[tilespmem:s26+$0x144C0] =	vst.add.f32.msk $0xffff, v15  }
0x201: {  	[tilespmem:s26+$0x168C0] =	vst.add.f32.msk $0xffff, v15  }
0x202: {  	[tilespmem:s26+$0x18CC0] =	vst.add.f32.msk $0xffff, v15  }
0x203: {  	[tilespmem:s26+$0x144D0] =	vst.add.f32.msk $0xffff, v2  }
0x204: {  	[tilespmem:s26+$0x168D0] =	vst.add.f32.msk $0xffff, v2  }
0x205: {  	[tilespmem:s26+$0x18CD0] =	vst.add.f32.msk $0xffff, v2  }
0x206: {  	[tilespmem:s26+$0x144E0] =	vst.add.f32.msk $0xffff, v1  }
0x207: {  	[tilespmem:s26+$0x168E0] =	vst.add.f32.msk $0xffff, v1  }
0x208: {  	[tilespmem:s26+$0x18CE0] =	vst.add.f32.msk $0xffff, v1  }
0x209: {  	[tilespmem:s26+$0x144F0] =	vst.add.f32.msk $0xffff, v0  }
0x20a: {  	[tilespmem:s26+$0x168F0] =	vst.add.f32.msk $0xffff, v0  }
0x20b: {  	s4 =	rddreg [dreg:$0x13]  }
0x20c: {  	[hbm4b:s4+s22] =	stream.strided.scatter [tilespmem:s2], [sflag:$0x10], $0x2400, s23, s22, $0x38;
	[tilespmem:$0x1B000] =	vst v63  }
0x20d: {  	s24 =	rddreg [dreg:$0x14]  }
0x20e: {  	[hbm4b:s24+s22] =	stream.strided.scatter [tilespmem:s3], [sflag:$0x11], $0x2400, s23, s22, $0x38;
	[tilespmem:$0x1B000] =	vst v63  }
0x20f: {  	s21 =	simm.s32 $0x18C00;
	s25 =	rddreg [dreg:$0x15]  }
0x210: {  	[hbm4b:s25+s22] =	stream.strided.scatter [tilespmem:s21], [sflag:$0x12], $0x2400, s23, s22, $0x38;
	[tilespmem:$0x1B000] =	vst v63  }
0x211: {  	_ =	swait.ge [sflag:s14], $0x2400  }
0x212: {  	[sflag:s14] =	ssyncset.done $0x0  }
0x213: {  	[sflag:s14] =	ssyncadd.s32 $0xFFFFDC00  }
0x214: {  	_ =	swait.ge [sflag:s15], $0x2400  }
0x215: {  	[sflag:s15] =	ssyncset.done $0x0  }
0x216: {  	[sflag:s15] =	ssyncadd.s32 $0xFFFFDC00  }
0x217: {  	_ =	swait.ge [sflag:s16], $0x2400  }
0x218: {  	[sflag:s16] =	ssyncset.done $0x0  }
0x219: {  	s28 =	simm.s32 $0xD800;
	s26 =	rddreg [dreg:$0x1b];
	[sflag:s16] =	ssyncadd.s32 $0xFFFFDC00  }
0x21a: {  	[tilespmem:s28], [sflag:$0x4] =	stream.strided.gather [hbm4b:s26+s22], $0x2400, s23, s22, $0x38;
	[tilespmem:$0x1B000] =	vst v63  }
0x21b: {  	s24 =	rddreg [dreg:$0x1d]  }
0x21c: {  	[tilespmem:s29], [sflag:$0x5] =	stream.strided.gather [hbm4b:s24+s22], $0x2400, s23, s22, $0x38;
	[tilespmem:$0x1B000] =	vst v63  }
0x21d: {  	s25 =	rddreg [dreg:$0x1f];
	s26 =	simm.s32 $0x12000  }
0x21e: {  	[tilespmem:s26], [sflag:$0x6] =	stream.strided.gather [hbm4b:s25+s22], $0x2400, s23, s22, $0x38;
	[tilespmem:$0x1B000] =	vst v63  }
0x21f: {  	_ =	swait.ge [sflag:s31], $0x2400  }
0x220: {  	[sflag:s31] =	ssyncset.done $0x0  }
0x221: {  	[sflag:s31] =	ssyncadd.s32 $0xFFFFDC00  }
0x222: {  	_ =	swait.ge [sflag:s0], $0x2400  }
0x223: {  	s28 =	simm.s32 $0x0;
	[sflag:s0] =	ssyncset.done $0x0  }
0x224: {  	s4 =	smul.u32 $0x3000, s28;
	[sflag:s0] =	ssyncadd.s32 $0xFFFFDC00  }
0x225: {  	s21 =	simm.s32 $0x80;
	s24 =	simm.s32 $0x0;
	_ =	swait.ge [sflag:s1], $0x2400  }
0x226: {  	s4 =	sshra.s32 s4, $0x2;
	s25 =	sand.u32 $0x380, s21;
	[sflag:s1] =	ssyncset.done $0x0  }
0x227: {  	s24 =	sand.u32 $0x300, s24;
	s25 =	sor.u32 s25, s4;
	[sflag:s1] =	ssyncadd.s32 $0xFFFFDC00  }
0x228: {  	s4 =	sor.u32 s24, s4;
	v0 =	vld [tilespmem:s25+$0x70]  }
0x229: {  	v3 =	vld [tilespmem:s4+$0x0]  }
0x22a: {  	v4 =	vld [tilespmem:s4+$0x10]  }
0x22b: {  	v5 =	vld [tilespmem:s4+$0x20]  }
0x22c: {  	v6 =	vld [tilespmem:s4+$0x30]  }
0x22d: {  	v7 =	vld [tilespmem:s4+$0x40]  }
0x22e: {  	v8 =	vld [tilespmem:s4+$0x50]  }
0x22f: {  	v9 =	vld [tilespmem:s4+$0x60]  }
0x230: {  	v10 =	vld [tilespmem:s4+$0x70]  }
0x231: {  	v11 =	vld [tilespmem:s25+$0x0]  }
0x232: {  	v12 =	vld [tilespmem:s25+$0x10]  }
0x233: {  	v13 =	vld [tilespmem:s25+$0x20]  }
0x234: {  	v14 =	vld [tilespmem:s25+$0x30]  }
0x235: {  	v15 =	vld [tilespmem:s25+$0x40]  }
0x236: {  	v2 =	vld [tilespmem:s25+$0x50]  }
0x237: {  	s26 =	simm.s32 $0x0;
	v1 =	vld [tilespmem:s25+$0x60]  }
0x238: {  	[tilespmem:s26+$0xB4F0] =	vst.add.f32.msk $0xffff, v0  }
0x239: {  	[tilespmem:s26+$0x6C00] =	vst.add.f32.msk $0xffff, v3  }
0x23a: {  	[tilespmem:s26+$0x9000] =	vst.add.f32.msk $0xffff, v3  }
0x23b: {  	[tilespmem:s26+$0xB400] =	vst.add.f32.msk $0xffff, v3  }
0x23c: {  	[tilespmem:s26+$0x6C10] =	vst.add.f32.msk $0xffff, v4  }
0x23d: {  	[tilespmem:s26+$0x9010] =	vst.add.f32.msk $0xffff, v4  }
0x23e: {  	[tilespmem:s26+$0xB410] =	vst.add.f32.msk $0xffff, v4  }
0x23f: {  	[tilespmem:s26+$0x6C20] =	vst.add.f32.msk $0xffff, v5  }
0x240: {  	[tilespmem:s26+$0x9020] =	vst.add.f32.msk $0xffff, v5  }
0x241: {  	[tilespmem:s26+$0xB420] =	vst.add.f32.msk $0xffff, v5  }
0x242: {  	[tilespmem:s26+$0x6C30] =	vst.add.f32.msk $0xffff, v6  }
0x243: {  	[tilespmem:s26+$0x9030] =	vst.add.f32.msk $0xffff, v6  }
0x244: {  	[tilespmem:s26+$0xB430] =	vst.add.f32.msk $0xffff, v6  }
0x245: {  	[tilespmem:s26+$0x6C40] =	vst.add.f32.msk $0xffff, v7  }
0x246: {  	[tilespmem:s26+$0x9040] =	vst.add.f32.msk $0xffff, v7  }
0x247: {  	[tilespmem:s26+$0xB440] =	vst.add.f32.msk $0xffff, v7  }
0x248: {  	[tilespmem:s26+$0x6C50] =	vst.add.f32.msk $0xffff, v8  }
0x249: {  	[tilespmem:s26+$0x9050] =	vst.add.f32.msk $0xffff, v8  }
0x24a: {  	[tilespmem:s26+$0xB450] =	vst.add.f32.msk $0xffff, v8  }
0x24b: {  	[tilespmem:s26+$0x6C60] =	vst.add.f32.msk $0xffff, v9  }
0x24c: {  	[tilespmem:s26+$0x9060] =	vst.add.f32.msk $0xffff, v9  }
0x24d: {  	[tilespmem:s26+$0xB460] =	vst.add.f32.msk $0xffff, v9  }
0x24e: {  	[tilespmem:s26+$0x6C70] =	vst.add.f32.msk $0xffff, v10  }
0x24f: {  	[tilespmem:s26+$0x9070] =	vst.add.f32.msk $0xffff, v10  }
0x250: {  	[tilespmem:s26+$0xB470] =	vst.add.f32.msk $0xffff, v10  }
0x251: {  	[tilespmem:s26+$0x6C80] =	vst.add.f32.msk $0xffff, v11  }
0x252: {  	[tilespmem:s26+$0x9080] =	vst.add.f32.msk $0xffff, v11  }
0x253: {  	[tilespmem:s26+$0xB480] =	vst.add.f32.msk $0xffff, v11  }
0x254: {  	[tilespmem:s26+$0x6C90] =	vst.add.f32.msk $0xffff, v12  }
0x255: {  	[tilespmem:s26+$0x9090] =	vst.add.f32.msk $0xffff, v12  }
0x256: {  	[tilespmem:s26+$0xB490] =	vst.add.f32.msk $0xffff, v12  }
0x257: {  	[tilespmem:s26+$0x6CA0] =	vst.add.f32.msk $0xffff, v13  }
0x258: {  	[tilespmem:s26+$0x90A0] =	vst.add.f32.msk $0xffff, v13  }
0x259: {  	[tilespmem:s26+$0xB4A0] =	vst.add.f32.msk $0xffff, v13  }
0x25a: {  	[tilespmem:s26+$0x6CB0] =	vst.add.f32.msk $0xffff, v14  }
0x25b: {  	[tilespmem:s26+$0x90B0] =	vst.add.f32.msk $0xffff, v14  }
0x25c: {  	[tilespmem:s26+$0xB4B0] =	vst.add.f32.msk $0xffff, v14  }
0x25d: {  	[tilespmem:s26+$0x6CC0] =	vst.add.f32.msk $0xffff, v15  }
0x25e: {  	[tilespmem:s26+$0x90C0] =	vst.add.f32.msk $0xffff, v15  }
0x25f: {  	[tilespmem:s26+$0xB4C0] =	vst.add.f32.msk $0xffff, v15  }
0x260: {  	[tilespmem:s26+$0x6CD0] =	vst.add.f32.msk $0xffff, v2  }
0x261: {  	s30 =	simm.s32 $0x0;
	s4 =	simm.s32 $0x0;
	[tilespmem:s26+$0x90D0] =	vst.add.f32.msk $0xffff, v2  }
.LBB2_8:
0x262: {  	s30 =	sadd.s32 $0x2, s30;
	[tilespmem:s26+$0xB4D0] =	vst.add.f32.msk $0xffff, v2  }
0x263: {  	s24 =	sshrl.u32 s30, $0x3;
	p0 =	slt.u32 s30, $0x46;
	[tilespmem:s26+$0x6CE0] =	vst.add.f32.msk $0xffff, v1  }
0x264: {  	s24 =	smul.u32 $0x3000, s24;
	[tilespmem:s26+$0x90E0] =	vst.add.f32.msk $0xffff, v1  }
0x265: {  	s21 =	sadd.s32 $0x100, s21;
	[tilespmem:s26+$0xB4E0] =	vst.add.f32.msk $0xffff, v1  }
0x266: {  	s25 =	sadd.s32 $0xFFFFFF80, s21;
	s28 =	sand.u32 $0x380, s21;
	s24 =	sshra.s32 s24, $0x2;
	[tilespmem:s26+$0x6CF0] =	vst.add.f32.msk $0xffff, v0  }
0x267: {  	s25 =	sand.u32 $0x300, s25;
	s28 =	sor.u32 s28, s24;
	[tilespmem:s26+$0x90F0] =	vst.add.f32.msk $0xffff, v0  }
0x268: {  	s24 =	sor.u32 s25, s24;
	v0 =	vld [tilespmem:s28+$0x70]  }
0x269: {  	v3 =	vld [tilespmem:s24+$0x0]  }
0x26a: {  	v4 =	vld [tilespmem:s24+$0x10]  }
0x26b: {  	s4 =	sadd.s32 $0x400, s4;
	v5 =	vld [tilespmem:s24+$0x20]  }
0x26c: {  	s26 =	sshra.s32 s4, $0x2;
	v6 =	vld [tilespmem:s24+$0x30]  }
0x26d: {  	[tilespmem:s26+$0xB4F0] =	vst.add.f32.msk $0xffff, v0  }
0x26e: {  	v7 =	vld [tilespmem:s24+$0x40]  }
0x26f: {  	v8 =	vld [tilespmem:s24+$0x50]  }
0x270: {  	v9 =	vld [tilespmem:s24+$0x60]  }
0x271: {  	v10 =	vld [tilespmem:s24+$0x70]  }
0x272: {  	v11 =	vld [tilespmem:s28+$0x0]  }
0x273: {  	v12 =	vld [tilespmem:s28+$0x10]  }
0x274: {  	v13 =	vld [tilespmem:s28+$0x20]  }
0x275: {  	v14 =	vld [tilespmem:s28+$0x30]  }
0x276: {  	v15 =	vld [tilespmem:s28+$0x40]  }
0x277: {  	v2 =	vld [tilespmem:s28+$0x50]  }
0x278: {  	v1 =	vld [tilespmem:s28+$0x60]  }
0x279: {  	[tilespmem:s26+$0x6C00] =	vst.add.f32.msk $0xffff, v3  }
0x27a: {  	[tilespmem:s26+$0x9000] =	vst.add.f32.msk $0xffff, v3  }
0x27b: {  	[tilespmem:s26+$0xB400] =	vst.add.f32.msk $0xffff, v3  }
0x27c: {  	[tilespmem:s26+$0x6C10] =	vst.add.f32.msk $0xffff, v4  }
0x27d: {  	[tilespmem:s26+$0x9010] =	vst.add.f32.msk $0xffff, v4  }
0x27e: {  	[tilespmem:s26+$0xB410] =	vst.add.f32.msk $0xffff, v4  }
0x27f: {  	[tilespmem:s26+$0x6C20] =	vst.add.f32.msk $0xffff, v5  }
0x280: {  	[tilespmem:s26+$0x9020] =	vst.add.f32.msk $0xffff, v5  }
0x281: {  	[tilespmem:s26+$0xB420] =	vst.add.f32.msk $0xffff, v5  }
0x282: {  	[tilespmem:s26+$0x6C30] =	vst.add.f32.msk $0xffff, v6  }
0x283: {  	[tilespmem:s26+$0x9030] =	vst.add.f32.msk $0xffff, v6  }
0x284: {  	[tilespmem:s26+$0xB430] =	vst.add.f32.msk $0xffff, v6  }
0x285: {  	[tilespmem:s26+$0x6C40] =	vst.add.f32.msk $0xffff, v7  }
0x286: {  	[tilespmem:s26+$0x9040] =	vst.add.f32.msk $0xffff, v7  }
0x287: {  	[tilespmem:s26+$0xB440] =	vst.add.f32.msk $0xffff, v7  }
0x288: {  	[tilespmem:s26+$0x6C50] =	vst.add.f32.msk $0xffff, v8  }
0x289: {  	[tilespmem:s26+$0x9050] =	vst.add.f32.msk $0xffff, v8  }
0x28a: {  	[tilespmem:s26+$0xB450] =	vst.add.f32.msk $0xffff, v8  }
0x28b: {  	[tilespmem:s26+$0x6C60] =	vst.add.f32.msk $0xffff, v9  }
0x28c: {  	[tilespmem:s26+$0x9060] =	vst.add.f32.msk $0xffff, v9  }
0x28d: {  	[tilespmem:s26+$0xB460] =	vst.add.f32.msk $0xffff, v9  }
0x28e: {  	[tilespmem:s26+$0x6C70] =	vst.add.f32.msk $0xffff, v10  }
0x28f: {  	[tilespmem:s26+$0x9070] =	vst.add.f32.msk $0xffff, v10  }
0x290: {  	[tilespmem:s26+$0xB470] =	vst.add.f32.msk $0xffff, v10  }
0x291: {  	[tilespmem:s26+$0x6C80] =	vst.add.f32.msk $0xffff, v11  }
0x292: {  	[tilespmem:s26+$0x9080] =	vst.add.f32.msk $0xffff, v11  }
0x293: {  	[tilespmem:s26+$0xB480] =	vst.add.f32.msk $0xffff, v11  }
0x294: {  	[tilespmem:s26+$0x6C90] =	vst.add.f32.msk $0xffff, v12  }
0x295: {  	[tilespmem:s26+$0x9090] =	vst.add.f32.msk $0xffff, v12  }
0x296: {  	[tilespmem:s26+$0xB490] =	vst.add.f32.msk $0xffff, v12  }
0x297: {  	[tilespmem:s26+$0x6CA0] =	vst.add.f32.msk $0xffff, v13  }
0x298: {  	[tilespmem:s26+$0x90A0] =	vst.add.f32.msk $0xffff, v13  }
0x299: {  	[tilespmem:s26+$0xB4A0] =	vst.add.f32.msk $0xffff, v13  }
0x29a: {  	[tilespmem:s26+$0x6CB0] =	vst.add.f32.msk $0xffff, v14  }
0x29b: {  	[tilespmem:s26+$0x90B0] =	vst.add.f32.msk $0xffff, v14  }
0x29c: {  	[tilespmem:s26+$0xB4B0] =	vst.add.f32.msk $0xffff, v14  }
.Ltmp3:
0x29d: {  	[tilespmem:s26+$0x6CC0] =	vst.add.f32.msk $0xffff, v15;
	(pc) =	sbr.rel @p0 .LBB2_8-.Ltmp3, $4  }
0x29e: {  	[tilespmem:s26+$0x90C0] =	vst.add.f32.msk $0xffff, v15  }
0x29f: {  	[tilespmem:s26+$0xB4C0] =	vst.add.f32.msk $0xffff, v15  }
0x2a0: {  	[tilespmem:s26+$0x6CD0] =	vst.add.f32.msk $0xffff, v2  }
0x2a1: {  	[tilespmem:s26+$0x90D0] =	vst.add.f32.msk $0xffff, v2  }
0x2a2: {  	[tilespmem:s26+$0xB4D0] =	vst.add.f32.msk $0xffff, v2  }
0x2a3: {  	[tilespmem:s26+$0x6CE0] =	vst.add.f32.msk $0xffff, v1  }
0x2a4: {  	[tilespmem:s26+$0x90E0] =	vst.add.f32.msk $0xffff, v1  }
0x2a5: {  	[tilespmem:s26+$0xB4E0] =	vst.add.f32.msk $0xffff, v1  }
0x2a6: {  	[tilespmem:s26+$0x6CF0] =	vst.add.f32.msk $0xffff, v0  }
0x2a7: {  	[tilespmem:s26+$0x90F0] =	vst.add.f32.msk $0xffff, v0  }
0x2a8: {  	s21 =	simm.s32 $0x6C00;
	s4 =	rddreg [dreg:$0x16]  }
0x2a9: {  	[hbm4b:s4+s22] =	stream.strided.scatter [tilespmem:s21], [sflag:$0xA], $0x2400, s23, s22, $0x38;
	[tilespmem:$0x1B000] =	vst v63  }
0x2aa: {  	s25 =	simm.s32 $0x9000;
	s24 =	rddreg [dreg:$0x18]  }
0x2ab: {  	[hbm4b:s24+s22] =	stream.strided.scatter [tilespmem:s25], [sflag:$0xB], $0x2400, s23, s22, $0x38;
	[tilespmem:$0x1B000] =	vst v63  }
0x2ac: {  	s28 =	simm.s32 $0xB400;
	s26 =	rddreg [dreg:$0x1a]  }
0x2ad: {  	[hbm4b:s26+s22] =	stream.strided.scatter [tilespmem:s28], [sflag:$0xC], $0x2400, s23, s22, $0x38;
	[tilespmem:$0x1B000] =	vst v63  }
0x2ae: {  	_ =	swait.ge [sflag:s17], $0x2400  }
0x2af: {  	[sflag:s17] =	ssyncset.done $0x0  }
0x2b0: {  	[sflag:s17] =	ssyncadd.s32 $0xFFFFDC00  }
0x2b1: {  	_ =	swait.ge [sflag:s18], $0x2400  }
0x2b2: {  	[sflag:s18] =	ssyncset.done $0x0  }
0x2b3: {  	[sflag:s18] =	ssyncadd.s32 $0xFFFFDC00  }
0x2b4: {  	_ =	swait.ge [sflag:s19], $0x2400  }
0x2b5: {  	s21 =	sld [smem:$0x7E9]  }
0x2b6: {  	[sflag:s19] =	ssyncset.done $0x0  }
0x2b7: {  	s24 =	sld [smem:$0x7EB];
	[sflag:s19] =	ssyncadd.s32 $0xFFFFDC00  }
0x2b8: {  	[tilespmem:s2], [sflag:$0x7] =	stream.strided.gather [hbm4b:s21+s22], $0x2400, s23, s22, $0x38;
	[tilespmem:$0x1B000] =	vst v63  }
0x2b9: {  	s25 =	sld [smem:$0x7ED]  }
0x2ba: {  	[tilespmem:s3], [sflag:$0x8] =	stream.strided.gather [hbm4b:s24+s22], $0x2400, s23, s22, $0x38;
	[tilespmem:$0x1B000] =	vst v63  }
0x2bb: {  	s26 =	simm.s32 $0x18C00  }
0x2bc: {  	[tilespmem:s26], [sflag:$0x9] =	stream.strided.gather [hbm4b:s25+s22], $0x2400, s23, s22, $0x38;
	[tilespmem:$0x1B000] =	vst v63  }
0x2bd: {  	_ =	swait.ge [sflag:s5], $0x2400  }
0x2be: {  	[sflag:s5] =	ssyncset.done $0x0  }
0x2bf: {  	s28 =	simm.s32 $0x0;
	[sflag:s5] =	ssyncadd.s32 $0xFFFFDC00  }
0x2c0: {  	s4 =	smul.u32 $0x3000, s28;
	_ =	swait.ge [sflag:s6], $0x2400  }
0x2c1: {  	[sflag:s6] =	ssyncset.done $0x0  }
0x2c2: {  	s4 =	sshra.s32 s4, $0x2;
	[sflag:s6] =	ssyncadd.s32 $0xFFFFDC00  }
0x2c3: {  	s4 =	sadd.s32 $0x400, s4;
	s21 =	simm.s32 $0x80;
	_ =	swait.ge [sflag:s7], $0x2400  }
0x2c4: {  	s24 =	simm.s32 $0x0;
	s25 =	sand.u32 $0x380, s21;
	[sflag:s7] =	ssyncset.done $0x0  }
0x2c5: {  	s24 =	sand.u32 $0x300, s24;
	s25 =	sor.u32 s25, s4;
	[sflag:s7] =	ssyncadd.s32 $0xFFFFDC00  }
0x2c6: {  	s4 =	sor.u32 s24, s4;
	v0 =	vld [tilespmem:s25+$0x70]  }
0x2c7: {  	v3 =	vld [tilespmem:s4+$0x0]  }
0x2c8: {  	v4 =	vld [tilespmem:s4+$0x10]  }
0x2c9: {  	v5 =	vld [tilespmem:s4+$0x20]  }
0x2ca: {  	v6 =	vld [tilespmem:s4+$0x30]  }
0x2cb: {  	v7 =	vld [tilespmem:s4+$0x40]  }
0x2cc: {  	v8 =	vld [tilespmem:s4+$0x50]  }
0x2cd: {  	v9 =	vld [tilespmem:s4+$0x60]  }
0x2ce: {  	v10 =	vld [tilespmem:s4+$0x70]  }
0x2cf: {  	v11 =	vld [tilespmem:s25+$0x0]  }
0x2d0: {  	v12 =	vld [tilespmem:s25+$0x10]  }
0x2d1: {  	v13 =	vld [tilespmem:s25+$0x20]  }
0x2d2: {  	v14 =	vld [tilespmem:s25+$0x30]  }
0x2d3: {  	v15 =	vld [tilespmem:s25+$0x40]  }
0x2d4: {  	v2 =	vld [tilespmem:s25+$0x50]  }
0x2d5: {  	s26 =	simm.s32 $0x0;
	v1 =	vld [tilespmem:s25+$0x60]  }
0x2d6: {  	[tilespmem:s26+$0x120F0] =	vst.add.f32.msk $0xffff, v0  }
0x2d7: {  	[tilespmem:s26+$0xD800] =	vst.add.f32.msk $0xffff, v3  }
0x2d8: {  	[tilespmem:s26+$0xFC00] =	vst.add.f32.msk $0xffff, v3  }
0x2d9: {  	[tilespmem:s26+$0x12000] =	vst.add.f32.msk $0xffff, v3  }
0x2da: {  	[tilespmem:s26+$0xD810] =	vst.add.f32.msk $0xffff, v4  }
0x2db: {  	[tilespmem:s26+$0xFC10] =	vst.add.f32.msk $0xffff, v4  }
0x2dc: {  	[tilespmem:s26+$0x12010] =	vst.add.f32.msk $0xffff, v4  }
0x2dd: {  	[tilespmem:s26+$0xD820] =	vst.add.f32.msk $0xffff, v5  }
0x2de: {  	[tilespmem:s26+$0xFC20] =	vst.add.f32.msk $0xffff, v5  }
0x2df: {  	[tilespmem:s26+$0x12020] =	vst.add.f32.msk $0xffff, v5  }
0x2e0: {  	[tilespmem:s26+$0xD830] =	vst.add.f32.msk $0xffff, v6  }
0x2e1: {  	[tilespmem:s26+$0xFC30] =	vst.add.f32.msk $0xffff, v6  }
0x2e2: {  	[tilespmem:s26+$0x12030] =	vst.add.f32.msk $0xffff, v6  }
0x2e3: {  	[tilespmem:s26+$0xD840] =	vst.add.f32.msk $0xffff, v7  }
0x2e4: {  	[tilespmem:s26+$0xFC40] =	vst.add.f32.msk $0xffff, v7  }
0x2e5: {  	[tilespmem:s26+$0x12040] =	vst.add.f32.msk $0xffff, v7  }
0x2e6: {  	[tilespmem:s26+$0xD850] =	vst.add.f32.msk $0xffff, v8  }
0x2e7: {  	[tilespmem:s26+$0xFC50] =	vst.add.f32.msk $0xffff, v8  }
0x2e8: {  	[tilespmem:s26+$0x12050] =	vst.add.f32.msk $0xffff, v8  }
0x2e9: {  	[tilespmem:s26+$0xD860] =	vst.add.f32.msk $0xffff, v9  }
0x2ea: {  	[tilespmem:s26+$0xFC60] =	vst.add.f32.msk $0xffff, v9  }
0x2eb: {  	[tilespmem:s26+$0x12060] =	vst.add.f32.msk $0xffff, v9  }
0x2ec: {  	[tilespmem:s26+$0xD870] =	vst.add.f32.msk $0xffff, v10  }
0x2ed: {  	[tilespmem:s26+$0xFC70] =	vst.add.f32.msk $0xffff, v10  }
0x2ee: {  	[tilespmem:s26+$0x12070] =	vst.add.f32.msk $0xffff, v10  }
0x2ef: {  	[tilespmem:s26+$0xD880] =	vst.add.f32.msk $0xffff, v11  }
0x2f0: {  	[tilespmem:s26+$0xFC80] =	vst.add.f32.msk $0xffff, v11  }
0x2f1: {  	[tilespmem:s26+$0x12080] =	vst.add.f32.msk $0xffff, v11  }
0x2f2: {  	[tilespmem:s26+$0xD890] =	vst.add.f32.msk $0xffff, v12  }
0x2f3: {  	[tilespmem:s26+$0xFC90] =	vst.add.f32.msk $0xffff, v12  }
0x2f4: {  	[tilespmem:s26+$0x12090] =	vst.add.f32.msk $0xffff, v12  }
0x2f5: {  	[tilespmem:s26+$0xD8A0] =	vst.add.f32.msk $0xffff, v13  }
0x2f6: {  	[tilespmem:s26+$0xFCA0] =	vst.add.f32.msk $0xffff, v13  }
0x2f7: {  	[tilespmem:s26+$0x120A0] =	vst.add.f32.msk $0xffff, v13  }
0x2f8: {  	[tilespmem:s26+$0xD8B0] =	vst.add.f32.msk $0xffff, v14  }
0x2f9: {  	[tilespmem:s26+$0xFCB0] =	vst.add.f32.msk $0xffff, v14  }
0x2fa: {  	[tilespmem:s26+$0x120B0] =	vst.add.f32.msk $0xffff, v14  }
0x2fb: {  	[tilespmem:s26+$0xD8C0] =	vst.add.f32.msk $0xffff, v15  }
0x2fc: {  	[tilespmem:s26+$0xFCC0] =	vst.add.f32.msk $0xffff, v15  }
0x2fd: {  	[tilespmem:s26+$0x120C0] =	vst.add.f32.msk $0xffff, v15  }
0x2fe: {  	s30 =	simm.s32 $0x0;
	s4 =	simm.s32 $0x0;
	[tilespmem:s26+$0xD8D0] =	vst.add.f32.msk $0xffff, v2  }
.LBB2_10:
0x2ff: {  	s4 =	sadd.s32 $0x2, s4;
	[tilespmem:s26+$0xFCD0] =	vst.add.f32.msk $0xffff, v2  }
0x300: {  	s24 =	sshrl.u32 s4, $0x3;
	p0 =	slt.u32 s4, $0x46;
	[tilespmem:s26+$0x120D0] =	vst.add.f32.msk $0xffff, v2  }
0x301: {  	s24 =	smul.u32 $0x3000, s24;
	[tilespmem:s26+$0xD8E0] =	vst.add.f32.msk $0xffff, v1  }
0x302: {  	[tilespmem:s26+$0xFCE0] =	vst.add.f32.msk $0xffff, v1  }
0x303: {  	s21 =	sadd.s32 $0x100, s21;
	s24 =	sshra.s32 s24, $0x2;
	[tilespmem:s26+$0x120E0] =	vst.add.f32.msk $0xffff, v1  }
0x304: {  	s25 =	sadd.s32 $0xFFFFFF80, s21;
	s28 =	sand.u32 $0x380, s21;
	s24 =	sadd.s32 $0x400, s24;
	[tilespmem:s26+$0xD8F0] =	vst.add.f32.msk $0xffff, v0  }
0x305: {  	s25 =	sand.u32 $0x300, s25;
	s28 =	sor.u32 s28, s24;
	[tilespmem:s26+$0xFCF0] =	vst.add.f32.msk $0xffff, v0  }
0x306: {  	s24 =	sor.u32 s25, s24;
	v0 =	vld [tilespmem:s28+$0x70]  }
0x307: {  	v3 =	vld [tilespmem:s24+$0x0]  }
0x308: {  	v4 =	vld [tilespmem:s24+$0x10]  }
0x309: {  	s30 =	sadd.s32 $0x400, s30;
	v5 =	vld [tilespmem:s24+$0x20]  }
0x30a: {  	s26 =	sshra.s32 s30, $0x2;
	v6 =	vld [tilespmem:s24+$0x30]  }
0x30b: {  	[tilespmem:s26+$0x120F0] =	vst.add.f32.msk $0xffff, v0  }
0x30c: {  	v7 =	vld [tilespmem:s24+$0x40]  }
0x30d: {  	v8 =	vld [tilespmem:s24+$0x50]  }
0x30e: {  	v9 =	vld [tilespmem:s24+$0x60]  }
0x30f: {  	v10 =	vld [tilespmem:s24+$0x70]  }
0x310: {  	v11 =	vld [tilespmem:s28+$0x0]  }
0x311: {  	v12 =	vld [tilespmem:s28+$0x10]  }
0x312: {  	v13 =	vld [tilespmem:s28+$0x20]  }
0x313: {  	v14 =	vld [tilespmem:s28+$0x30]  }
0x314: {  	v15 =	vld [tilespmem:s28+$0x40]  }
0x315: {  	v2 =	vld [tilespmem:s28+$0x50]  }
0x316: {  	v1 =	vld [tilespmem:s28+$0x60]  }
0x317: {  	[tilespmem:s26+$0xD800] =	vst.add.f32.msk $0xffff, v3  }
0x318: {  	[tilespmem:s26+$0xFC00] =	vst.add.f32.msk $0xffff, v3  }
0x319: {  	[tilespmem:s26+$0x12000] =	vst.add.f32.msk $0xffff, v3  }
0x31a: {  	[tilespmem:s26+$0xD810] =	vst.add.f32.msk $0xffff, v4  }
0x31b: {  	[tilespmem:s26+$0xFC10] =	vst.add.f32.msk $0xffff, v4  }
0x31c: {  	[tilespmem:s26+$0x12010] =	vst.add.f32.msk $0xffff, v4  }
0x31d: {  	[tilespmem:s26+$0xD820] =	vst.add.f32.msk $0xffff, v5  }
0x31e: {  	[tilespmem:s26+$0xFC20] =	vst.add.f32.msk $0xffff, v5  }
0x31f: {  	[tilespmem:s26+$0x12020] =	vst.add.f32.msk $0xffff, v5  }
0x320: {  	[tilespmem:s26+$0xD830] =	vst.add.f32.msk $0xffff, v6  }
0x321: {  	[tilespmem:s26+$0xFC30] =	vst.add.f32.msk $0xffff, v6  }
0x322: {  	[tilespmem:s26+$0x12030] =	vst.add.f32.msk $0xffff, v6  }
0x323: {  	[tilespmem:s26+$0xD840] =	vst.add.f32.msk $0xffff, v7  }
0x324: {  	[tilespmem:s26+$0xFC40] =	vst.add.f32.msk $0xffff, v7  }
0x325: {  	[tilespmem:s26+$0x12040] =	vst.add.f32.msk $0xffff, v7  }
0x326: {  	[tilespmem:s26+$0xD850] =	vst.add.f32.msk $0xffff, v8  }
0x327: {  	[tilespmem:s26+$0xFC50] =	vst.add.f32.msk $0xffff, v8  }
0x328: {  	[tilespmem:s26+$0x12050] =	vst.add.f32.msk $0xffff, v8  }
0x329: {  	[tilespmem:s26+$0xD860] =	vst.add.f32.msk $0xffff, v9  }
0x32a: {  	[tilespmem:s26+$0xFC60] =	vst.add.f32.msk $0xffff, v9  }
0x32b: {  	[tilespmem:s26+$0x12060] =	vst.add.f32.msk $0xffff, v9  }
0x32c: {  	[tilespmem:s26+$0xD870] =	vst.add.f32.msk $0xffff, v10  }
0x32d: {  	[tilespmem:s26+$0xFC70] =	vst.add.f32.msk $0xffff, v10  }
0x32e: {  	[tilespmem:s26+$0x12070] =	vst.add.f32.msk $0xffff, v10  }
0x32f: {  	[tilespmem:s26+$0xD880] =	vst.add.f32.msk $0xffff, v11  }
0x330: {  	[tilespmem:s26+$0xFC80] =	vst.add.f32.msk $0xffff, v11  }
0x331: {  	[tilespmem:s26+$0x12080] =	vst.add.f32.msk $0xffff, v11  }
0x332: {  	[tilespmem:s26+$0xD890] =	vst.add.f32.msk $0xffff, v12  }
0x333: {  	[tilespmem:s26+$0xFC90] =	vst.add.f32.msk $0xffff, v12  }
0x334: {  	[tilespmem:s26+$0x12090] =	vst.add.f32.msk $0xffff, v12  }
0x335: {  	[tilespmem:s26+$0xD8A0] =	vst.add.f32.msk $0xffff, v13  }
0x336: {  	[tilespmem:s26+$0xFCA0] =	vst.add.f32.msk $0xffff, v13  }
0x337: {  	[tilespmem:s26+$0x120A0] =	vst.add.f32.msk $0xffff, v13  }
0x338: {  	[tilespmem:s26+$0xD8B0] =	vst.add.f32.msk $0xffff, v14  }
0x339: {  	[tilespmem:s26+$0xFCB0] =	vst.add.f32.msk $0xffff, v14  }
.Ltmp4:
0x33a: {  	[tilespmem:s26+$0x120B0] =	vst.add.f32.msk $0xffff, v14;
	(pc) =	sbr.rel @p0 .LBB2_10-.Ltmp4, $4  }
0x33b: {  	[tilespmem:s26+$0xD8C0] =	vst.add.f32.msk $0xffff, v15  }
0x33c: {  	[tilespmem:s26+$0xFCC0] =	vst.add.f32.msk $0xffff, v15  }
0x33d: {  	[tilespmem:s26+$0x120C0] =	vst.add.f32.msk $0xffff, v15  }
0x33e: {  	[tilespmem:s26+$0xD8D0] =	vst.add.f32.msk $0xffff, v2  }
0x33f: {  	[tilespmem:s26+$0xFCD0] =	vst.add.f32.msk $0xffff, v2  }
0x340: {  	[tilespmem:s26+$0x120D0] =	vst.add.f32.msk $0xffff, v2  }
0x341: {  	[tilespmem:s26+$0xD8E0] =	vst.add.f32.msk $0xffff, v1  }
0x342: {  	[tilespmem:s26+$0xFCE0] =	vst.add.f32.msk $0xffff, v1  }
0x343: {  	[tilespmem:s26+$0x120E0] =	vst.add.f32.msk $0xffff, v1  }
0x344: {  	[tilespmem:s26+$0xD8F0] =	vst.add.f32.msk $0xffff, v0  }
0x345: {  	[tilespmem:s26+$0xFCF0] =	vst.add.f32.msk $0xffff, v0  }
0x346: {  	s4 =	rddreg [dreg:$0x1c]  }
0x347: {  	s21 =	simm.s32 $0xD800;
	s25 =	rddreg [dreg:$0x1e]  }
0x348: {  	[hbm4b:s4+s22] =	stream.strided.scatter [tilespmem:s21], [sflag:$0xD], $0x2400, s23, s22, $0x38;
	[tilespmem:$0x1B000] =	vst v63  }
0x349: {  	s26 =	sld [smem:$0x7E8]  }
0x34a: {  	[hbm4b:s25+s22] =	stream.strided.scatter [tilespmem:s29], [sflag:$0xE], $0x2400, s23, s22, $0x38;
	[tilespmem:$0x1B000] =	vst v63  }
0x34b: {  	s28 =	simm.s32 $0x12000  }
0x34c: {  	[hbm4b:s26+s22] =	stream.strided.scatter [tilespmem:s28], [sflag:$0xF], $0x2400, s23, s22, $0x38;
	[tilespmem:$0x1B000] =	vst v63  }
0x34d: {  	_ =	swait.ge [sflag:s8], $0x2400  }
0x34e: {  	[sflag:s8] =	ssyncset.done $0x0  }
0x34f: {  	[sflag:s8] =	ssyncadd.s32 $0xFFFFDC00  }
0x350: {  	_ =	swait.ge [sflag:s9], $0x2400  }
0x351: {  	[sflag:s9] =	ssyncset.done $0x0  }
0x352: {  	[sflag:s9] =	ssyncadd.s32 $0xFFFFDC00  }
0x353: {  	_ =	swait.ge [sflag:s10], $0x2400  }
0x354: {  	s21 =	sld [smem:$0x7EF]  }
0x355: {  	[sflag:s10] =	ssyncset.done $0x0  }
0x356: {  	s24 =	simm.s32 $0x6C00;
	s25 =	sld [smem:$0x7F1];
	[sflag:s10] =	ssyncadd.s32 $0xFFFFDC00  }
0x357: {  	[tilespmem:s24], [sflag:$0x1] =	stream.strided.gather [hbm4b:s21+s22], $0x2400, s23, s22, $0x38;
	[tilespmem:$0x1B000] =	vst v63  }
0x358: {  	s26 =	simm.s32 $0x9000  }
0x359: {  	[tilespmem:s26], [sflag:$0x2] =	stream.strided.gather [hbm4b:s25+s22], $0x2400, s23, s22, $0x38;
	[tilespmem:$0x1B000] =	vst v63  }
0x35a: {  	_ =	swait.ge [sflag:s11], $0x2400  }
0x35b: {  	[sflag:s11] =	ssyncset.done $0x0  }
0x35c: {  	s28 =	simm.s32 $0x0;
	[sflag:s11] =	ssyncadd.s32 $0xFFFFDC00  }
0x35d: {  	s4 =	smul.u32 $0x3000, s28;
	_ =	swait.ge [sflag:s12], $0x2400  }
0x35e: {  	[sflag:s12] =	ssyncset.done $0x0  }
0x35f: {  	s4 =	sshra.s32 s4, $0x2;
	[sflag:s12] =	ssyncadd.s32 $0xFFFFDC00  }
0x360: {  	s4 =	sadd.s32 $0x800, s4;
	s21 =	simm.s32 $0x80;
	_ =	swait.ge [sflag:s13], $0x2400  }
0x361: {  	s24 =	simm.s32 $0x0;
	s25 =	sand.u32 $0x380, s21;
	[sflag:s13] =	ssyncset.done $0x0  }
0x362: {  	s24 =	sand.u32 $0x300, s24;
	s25 =	sor.u32 s25, s4;
	[sflag:s13] =	ssyncadd.s32 $0xFFFFDC00  }
0x363: {  	s4 =	sor.u32 s24, s4;
	v0 =	vld [tilespmem:s25+$0x70]  }
0x364: {  	v3 =	vld [tilespmem:s4+$0x0]  }
0x365: {  	v4 =	vld [tilespmem:s4+$0x10]  }
0x366: {  	v5 =	vld [tilespmem:s4+$0x20]  }
0x367: {  	v6 =	vld [tilespmem:s4+$0x30]  }
0x368: {  	v7 =	vld [tilespmem:s4+$0x40]  }
0x369: {  	v8 =	vld [tilespmem:s4+$0x50]  }
0x36a: {  	v9 =	vld [tilespmem:s4+$0x60]  }
0x36b: {  	v10 =	vld [tilespmem:s4+$0x70]  }
0x36c: {  	v11 =	vld [tilespmem:s25+$0x0]  }
0x36d: {  	v12 =	vld [tilespmem:s25+$0x10]  }
0x36e: {  	v13 =	vld [tilespmem:s25+$0x20]  }
0x36f: {  	v14 =	vld [tilespmem:s25+$0x30]  }
0x370: {  	v15 =	vld [tilespmem:s25+$0x40]  }
0x371: {  	v2 =	vld [tilespmem:s25+$0x50]  }
0x372: {  	s26 =	simm.s32 $0x0;
	v1 =	vld [tilespmem:s25+$0x60]  }
0x373: {  	[tilespmem:s26+$0x18CF0] =	vst.add.f32.msk $0xffff, v0  }
0x374: {  	[tilespmem:s26+$0x14400] =	vst.add.f32.msk $0xffff, v3  }
0x375: {  	[tilespmem:s26+$0x16800] =	vst.add.f32.msk $0xffff, v3  }
0x376: {  	[tilespmem:s26+$0x18C00] =	vst.add.f32.msk $0xffff, v3  }
0x377: {  	[tilespmem:s26+$0x14410] =	vst.add.f32.msk $0xffff, v4  }
0x378: {  	[tilespmem:s26+$0x16810] =	vst.add.f32.msk $0xffff, v4  }
0x379: {  	[tilespmem:s26+$0x18C10] =	vst.add.f32.msk $0xffff, v4  }
0x37a: {  	[tilespmem:s26+$0x14420] =	vst.add.f32.msk $0xffff, v5  }
0x37b: {  	[tilespmem:s26+$0x16820] =	vst.add.f32.msk $0xffff, v5  }
0x37c: {  	[tilespmem:s26+$0x18C20] =	vst.add.f32.msk $0xffff, v5  }
0x37d: {  	[tilespmem:s26+$0x14430] =	vst.add.f32.msk $0xffff, v6  }
0x37e: {  	[tilespmem:s26+$0x16830] =	vst.add.f32.msk $0xffff, v6  }
0x37f: {  	[tilespmem:s26+$0x18C30] =	vst.add.f32.msk $0xffff, v6  }
0x380: {  	[tilespmem:s26+$0x14440] =	vst.add.f32.msk $0xffff, v7  }
0x381: {  	[tilespmem:s26+$0x16840] =	vst.add.f32.msk $0xffff, v7  }
0x382: {  	[tilespmem:s26+$0x18C40] =	vst.add.f32.msk $0xffff, v7  }
0x383: {  	[tilespmem:s26+$0x14450] =	vst.add.f32.msk $0xffff, v8  }
0x384: {  	[tilespmem:s26+$0x16850] =	vst.add.f32.msk $0xffff, v8  }
0x385: {  	[tilespmem:s26+$0x18C50] =	vst.add.f32.msk $0xffff, v8  }
0x386: {  	[tilespmem:s26+$0x14460] =	vst.add.f32.msk $0xffff, v9  }
0x387: {  	[tilespmem:s26+$0x16860] =	vst.add.f32.msk $0xffff, v9  }
0x388: {  	[tilespmem:s26+$0x18C60] =	vst.add.f32.msk $0xffff, v9  }
0x389: {  	[tilespmem:s26+$0x14470] =	vst.add.f32.msk $0xffff, v10  }
0x38a: {  	[tilespmem:s26+$0x16870] =	vst.add.f32.msk $0xffff, v10  }
0x38b: {  	[tilespmem:s26+$0x18C70] =	vst.add.f32.msk $0xffff, v10  }
0x38c: {  	[tilespmem:s26+$0x14480] =	vst.add.f32.msk $0xffff, v11  }
0x38d: {  	[tilespmem:s26+$0x16880] =	vst.add.f32.msk $0xffff, v11  }
0x38e: {  	[tilespmem:s26+$0x18C80] =	vst.add.f32.msk $0xffff, v11  }
0x38f: {  	[tilespmem:s26+$0x14490] =	vst.add.f32.msk $0xffff, v12  }
0x390: {  	[tilespmem:s26+$0x16890] =	vst.add.f32.msk $0xffff, v12  }
0x391: {  	[tilespmem:s26+$0x18C90] =	vst.add.f32.msk $0xffff, v12  }
0x392: {  	[tilespmem:s26+$0x144A0] =	vst.add.f32.msk $0xffff, v13  }
0x393: {  	[tilespmem:s26+$0x168A0] =	vst.add.f32.msk $0xffff, v13  }
0x394: {  	[tilespmem:s26+$0x18CA0] =	vst.add.f32.msk $0xffff, v13  }
0x395: {  	[tilespmem:s26+$0x144B0] =	vst.add.f32.msk $0xffff, v14  }
0x396: {  	[tilespmem:s26+$0x168B0] =	vst.add.f32.msk $0xffff, v14  }
0x397: {  	[tilespmem:s26+$0x18CB0] =	vst.add.f32.msk $0xffff, v14  }
0x398: {  	[tilespmem:s26+$0x144C0] =	vst.add.f32.msk $0xffff, v15  }
0x399: {  	[tilespmem:s26+$0x168C0] =	vst.add.f32.msk $0xffff, v15  }
0x39a: {  	[tilespmem:s26+$0x18CC0] =	vst.add.f32.msk $0xffff, v15  }
0x39b: {  	s30 =	simm.s32 $0x0;
	s4 =	simm.s32 $0x0;
	[tilespmem:s26+$0x144D0] =	vst.add.f32.msk $0xffff, v2  }
.LBB2_12:
0x39c: {  	s4 =	sadd.s32 $0x2, s4;
	[tilespmem:s26+$0x168D0] =	vst.add.f32.msk $0xffff, v2  }
0x39d: {  	s24 =	sshrl.u32 s4, $0x3;
	p0 =	slt.u32 s4, $0x46;
	[tilespmem:s26+$0x18CD0] =	vst.add.f32.msk $0xffff, v2  }
0x39e: {  	s24 =	smul.u32 $0x3000, s24;
	[tilespmem:s26+$0x144E0] =	vst.add.f32.msk $0xffff, v1  }
0x39f: {  	[tilespmem:s26+$0x168E0] =	vst.add.f32.msk $0xffff, v1  }
0x3a0: {  	s21 =	sadd.s32 $0x100, s21;
	s24 =	sshra.s32 s24, $0x2;
	[tilespmem:s26+$0x18CE0] =	vst.add.f32.msk $0xffff, v1  }
0x3a1: {  	s25 =	sadd.s32 $0xFFFFFF80, s21;
	s28 =	sand.u32 $0x380, s21;
	s24 =	sadd.s32 $0x800, s24;
	[tilespmem:s26+$0x144F0] =	vst.add.f32.msk $0xffff, v0  }
0x3a2: {  	s25 =	sand.u32 $0x300, s25;
	s28 =	sor.u32 s28, s24;
	[tilespmem:s26+$0x168F0] =	vst.add.f32.msk $0xffff, v0  }
0x3a3: {  	s24 =	sor.u32 s25, s24;
	v0 =	vld [tilespmem:s28+$0x70]  }
0x3a4: {  	v3 =	vld [tilespmem:s24+$0x0]  }
0x3a5: {  	v4 =	vld [tilespmem:s24+$0x10]  }
0x3a6: {  	s30 =	sadd.s32 $0x400, s30;
	v5 =	vld [tilespmem:s24+$0x20]  }
0x3a7: {  	s26 =	sshra.s32 s30, $0x2;
	v6 =	vld [tilespmem:s24+$0x30]  }
0x3a8: {  	[tilespmem:s26+$0x18CF0] =	vst.add.f32.msk $0xffff, v0  }
0x3a9: {  	v7 =	vld [tilespmem:s24+$0x40]  }
0x3aa: {  	v8 =	vld [tilespmem:s24+$0x50]  }
0x3ab: {  	v9 =	vld [tilespmem:s24+$0x60]  }
0x3ac: {  	v10 =	vld [tilespmem:s24+$0x70]  }
0x3ad: {  	v11 =	vld [tilespmem:s28+$0x0]  }
0x3ae: {  	v12 =	vld [tilespmem:s28+$0x10]  }
0x3af: {  	v13 =	vld [tilespmem:s28+$0x20]  }
0x3b0: {  	v14 =	vld [tilespmem:s28+$0x30]  }
0x3b1: {  	v15 =	vld [tilespmem:s28+$0x40]  }
0x3b2: {  	v2 =	vld [tilespmem:s28+$0x50]  }
0x3b3: {  	v1 =	vld [tilespmem:s28+$0x60]  }
0x3b4: {  	[tilespmem:s26+$0x14400] =	vst.add.f32.msk $0xffff, v3  }
0x3b5: {  	[tilespmem:s26+$0x16800] =	vst.add.f32.msk $0xffff, v3  }
0x3b6: {  	[tilespmem:s26+$0x18C00] =	vst.add.f32.msk $0xffff, v3  }
0x3b7: {  	[tilespmem:s26+$0x14410] =	vst.add.f32.msk $0xffff, v4  }
0x3b8: {  	[tilespmem:s26+$0x16810] =	vst.add.f32.msk $0xffff, v4  }
0x3b9: {  	[tilespmem:s26+$0x18C10] =	vst.add.f32.msk $0xffff, v4  }
0x3ba: {  	[tilespmem:s26+$0x14420] =	vst.add.f32.msk $0xffff, v5  }
0x3bb: {  	[tilespmem:s26+$0x16820] =	vst.add.f32.msk $0xffff, v5  }
0x3bc: {  	[tilespmem:s26+$0x18C20] =	vst.add.f32.msk $0xffff, v5  }
0x3bd: {  	[tilespmem:s26+$0x14430] =	vst.add.f32.msk $0xffff, v6  }
0x3be: {  	[tilespmem:s26+$0x16830] =	vst.add.f32.msk $0xffff, v6  }
0x3bf: {  	[tilespmem:s26+$0x18C30] =	vst.add.f32.msk $0xffff, v6  }
0x3c0: {  	[tilespmem:s26+$0x14440] =	vst.add.f32.msk $0xffff, v7  }
0x3c1: {  	[tilespmem:s26+$0x16840] =	vst.add.f32.msk $0xffff, v7  }
0x3c2: {  	[tilespmem:s26+$0x18C40] =	vst.add.f32.msk $0xffff, v7  }
0x3c3: {  	[tilespmem:s26+$0x14450] =	vst.add.f32.msk $0xffff, v8  }
0x3c4: {  	[tilespmem:s26+$0x16850] =	vst.add.f32.msk $0xffff, v8  }
0x3c5: {  	[tilespmem:s26+$0x18C50] =	vst.add.f32.msk $0xffff, v8  }
0x3c6: {  	[tilespmem:s26+$0x14460] =	vst.add.f32.msk $0xffff, v9  }
0x3c7: {  	[tilespmem:s26+$0x16860] =	vst.add.f32.msk $0xffff, v9  }
0x3c8: {  	[tilespmem:s26+$0x18C60] =	vst.add.f32.msk $0xffff, v9  }
0x3c9: {  	[tilespmem:s26+$0x14470] =	vst.add.f32.msk $0xffff, v10  }
0x3ca: {  	[tilespmem:s26+$0x16870] =	vst.add.f32.msk $0xffff, v10  }
0x3cb: {  	[tilespmem:s26+$0x18C70] =	vst.add.f32.msk $0xffff, v10  }
0x3cc: {  	[tilespmem:s26+$0x14480] =	vst.add.f32.msk $0xffff, v11  }
0x3cd: {  	[tilespmem:s26+$0x16880] =	vst.add.f32.msk $0xffff, v11  }
0x3ce: {  	[tilespmem:s26+$0x18C80] =	vst.add.f32.msk $0xffff, v11  }
0x3cf: {  	[tilespmem:s26+$0x14490] =	vst.add.f32.msk $0xffff, v12  }
0x3d0: {  	[tilespmem:s26+$0x16890] =	vst.add.f32.msk $0xffff, v12  }
0x3d1: {  	[tilespmem:s26+$0x18C90] =	vst.add.f32.msk $0xffff, v12  }
0x3d2: {  	[tilespmem:s26+$0x144A0] =	vst.add.f32.msk $0xffff, v13  }
0x3d3: {  	[tilespmem:s26+$0x168A0] =	vst.add.f32.msk $0xffff, v13  }
0x3d4: {  	[tilespmem:s26+$0x18CA0] =	vst.add.f32.msk $0xffff, v13  }
0x3d5: {  	[tilespmem:s26+$0x144B0] =	vst.add.f32.msk $0xffff, v14  }
0x3d6: {  	[tilespmem:s26+$0x168B0] =	vst.add.f32.msk $0xffff, v14  }
.Ltmp5:
0x3d7: {  	[tilespmem:s26+$0x18CB0] =	vst.add.f32.msk $0xffff, v14;
	(pc) =	sbr.rel @p0 .LBB2_12-.Ltmp5, $4  }
0x3d8: {  	[tilespmem:s26+$0x144C0] =	vst.add.f32.msk $0xffff, v15  }
0x3d9: {  	[tilespmem:s26+$0x168C0] =	vst.add.f32.msk $0xffff, v15  }
0x3da: {  	[tilespmem:s26+$0x18CC0] =	vst.add.f32.msk $0xffff, v15  }
0x3db: {  	[tilespmem:s26+$0x144D0] =	vst.add.f32.msk $0xffff, v2  }
0x3dc: {  	[tilespmem:s26+$0x168D0] =	vst.add.f32.msk $0xffff, v2  }
0x3dd: {  	[tilespmem:s26+$0x18CD0] =	vst.add.f32.msk $0xffff, v2  }
0x3de: {  	[tilespmem:s26+$0x144E0] =	vst.add.f32.msk $0xffff, v1  }
0x3df: {  	[tilespmem:s26+$0x168E0] =	vst.add.f32.msk $0xffff, v1  }
0x3e0: {  	[tilespmem:s26+$0x18CE0] =	vst.add.f32.msk $0xffff, v1  }
0x3e1: {  	[tilespmem:s26+$0x144F0] =	vst.add.f32.msk $0xffff, v0  }
0x3e2: {  	[tilespmem:s26+$0x168F0] =	vst.add.f32.msk $0xffff, v0  }
0x3e3: {  	s4 =	sld [smem:$0x7EA];
	_ =	sdelay $0x1  }
0x3e4: {  	s26 =	sld [smem:$0x7EC]  }
0x3e5: {  	[hbm4b:s4+s22] =	stream.strided.scatter [tilespmem:s2], [sflag:$0x10], $0x2400, s23, s22, $0x38;
	[tilespmem:$0x1B000] =	vst v63  }
0x3e6: {  	s28 =	sld [smem:$0x7EE]  }
0x3e7: {  	[hbm4b:s26+s22] =	stream.strided.scatter [tilespmem:s3], [sflag:$0x11], $0x2400, s23, s22, $0x38;
	[tilespmem:$0x1B000] =	vst v63  }
0x3e8: {  	s21 =	simm.s32 $0x18C00  }
0x3e9: {  	[hbm4b:s28+s22] =	stream.strided.scatter [tilespmem:s21], [sflag:$0x12], $0x2400, s23, s22, $0x38;
	[tilespmem:$0x1B000] =	vst v63  }
0x3ea: {  	_ =	swait.ge [sflag:s14], $0x2400  }
0x3eb: {  	[sflag:s14] =	ssyncset.done $0x0  }
0x3ec: {  	[sflag:s14] =	ssyncadd.s32 $0xFFFFDC00  }
0x3ed: {  	_ =	swait.ge [sflag:s15], $0x2400  }
0x3ee: {  	[sflag:s15] =	ssyncset.done $0x0  }
0x3ef: {  	[sflag:s15] =	ssyncadd.s32 $0xFFFFDC00  }
0x3f0: {  	_ =	swait.ge [sflag:s16], $0x2400  }
0x3f1: {  	s24 =	sld [smem:$0x7F5]  }
0x3f2: {  	[sflag:s16] =	ssyncset.done $0x0  }
0x3f3: {  	s25 =	simm.s32 $0xD800;
	s26 =	sld [smem:$0x7F6];
	[sflag:s16] =	ssyncadd.s32 $0xFFFFDC00  }
0x3f4: {  	[tilespmem:s25], [sflag:$0x4] =	stream.strided.gather [hbm4b:s24+s22], $0x2400, s23, s22, $0x38;
	[tilespmem:$0x1B000] =	vst v63  }
0x3f5: {  	_ = 	snop  }
0x3f6: {  	[tilespmem:s29], [sflag:$0x5] =	stream.strided.gather [hbm4b:s26+s22], $0x2400, s23, s22, $0x38;
	[tilespmem:$0x1B000] =	vst v63  }
0x3f7: {  	s28 =	simm.s32 $0x0;
	_ =	swait.ge [sflag:s31], $0x2400  }
0x3f8: {  	s4 =	smul.u32 $0x3000, s28;
	[sflag:s31] =	ssyncset.done $0x0  }
0x3f9: {  	[sflag:s31] =	ssyncadd.s32 $0xFFFFDC00  }
0x3fa: {  	s21 =	simm.s32 $0x80;
	s4 =	sshra.s32 s4, $0x2;
	_ =	swait.ge [sflag:s0], $0x2400  }
0x3fb: {  	s24 =	simm.s32 $0x0;
	s25 =	sand.u32 $0x380, s21;
	[sflag:s0] =	ssyncset.done $0x0  }
0x3fc: {  	s24 =	sand.u32 $0x300, s24;
	s25 =	sor.u32 s25, s4;
	[sflag:s0] =	ssyncadd.s32 $0xFFFFDC00  }
0x3fd: {  	s4 =	sor.u32 s24, s4;
	v0 =	vld [tilespmem:s25+$0x70]  }
0x3fe: {  	v4 =	vld [tilespmem:s4+$0x0]  }
0x3ff: {  	v5 =	vld [tilespmem:s4+$0x10]  }
0x400: {  	v6 =	vld [tilespmem:s4+$0x20]  }
0x401: {  	v7 =	vld [tilespmem:s4+$0x30]  }
0x402: {  	v8 =	vld [tilespmem:s4+$0x40]  }
0x403: {  	v9 =	vld [tilespmem:s4+$0x50]  }
0x404: {  	v10 =	vld [tilespmem:s4+$0x60]  }
0x405: {  	v11 =	vld [tilespmem:s4+$0x70]  }
0x406: {  	v12 =	vld [tilespmem:s25+$0x0]  }
0x407: {  	v13 =	vld [tilespmem:s25+$0x10]  }
0x408: {  	v14 =	vld [tilespmem:s25+$0x20]  }
0x409: {  	v15 =	vld [tilespmem:s25+$0x30]  }
0x40a: {  	v3 =	vld [tilespmem:s25+$0x40]  }
0x40b: {  	v2 =	vld [tilespmem:s25+$0x50]  }
0x40c: {  	s26 =	simm.s32 $0x0;
	v1 =	vld [tilespmem:s25+$0x60]  }
0x40d: {  	[tilespmem:s26+$0x90F0] =	vst.add.f32.msk $0xffff, v0  }
0x40e: {  	[tilespmem:s26+$0x6C00] =	vst.add.f32.msk $0xffff, v4  }
0x40f: {  	[tilespmem:s26+$0x9000] =	vst.add.f32.msk $0xffff, v4  }
0x410: {  	[tilespmem:s26+$0x6C10] =	vst.add.f32.msk $0xffff, v5  }
0x411: {  	[tilespmem:s26+$0x9010] =	vst.add.f32.msk $0xffff, v5  }
0x412: {  	[tilespmem:s26+$0x6C20] =	vst.add.f32.msk $0xffff, v6  }
0x413: {  	[tilespmem:s26+$0x9020] =	vst.add.f32.msk $0xffff, v6  }
0x414: {  	[tilespmem:s26+$0x6C30] =	vst.add.f32.msk $0xffff, v7  }
0x415: {  	[tilespmem:s26+$0x9030] =	vst.add.f32.msk $0xffff, v7  }
0x416: {  	[tilespmem:s26+$0x6C40] =	vst.add.f32.msk $0xffff, v8  }
0x417: {  	[tilespmem:s26+$0x9040] =	vst.add.f32.msk $0xffff, v8  }
0x418: {  	[tilespmem:s26+$0x6C50] =	vst.add.f32.msk $0xffff, v9  }
0x419: {  	[tilespmem:s26+$0x9050] =	vst.add.f32.msk $0xffff, v9  }
0x41a: {  	[tilespmem:s26+$0x6C60] =	vst.add.f32.msk $0xffff, v10  }
0x41b: {  	[tilespmem:s26+$0x9060] =	vst.add.f32.msk $0xffff, v10  }
0x41c: {  	[tilespmem:s26+$0x6C70] =	vst.add.f32.msk $0xffff, v11  }
0x41d: {  	[tilespmem:s26+$0x9070] =	vst.add.f32.msk $0xffff, v11  }
0x41e: {  	[tilespmem:s26+$0x6C80] =	vst.add.f32.msk $0xffff, v12  }
0x41f: {  	[tilespmem:s26+$0x9080] =	vst.add.f32.msk $0xffff, v12  }
0x420: {  	[tilespmem:s26+$0x6C90] =	vst.add.f32.msk $0xffff, v13  }
0x421: {  	[tilespmem:s26+$0x9090] =	vst.add.f32.msk $0xffff, v13  }
0x422: {  	[tilespmem:s26+$0x6CA0] =	vst.add.f32.msk $0xffff, v14  }
0x423: {  	[tilespmem:s26+$0x90A0] =	vst.add.f32.msk $0xffff, v14  }
0x424: {  	[tilespmem:s26+$0x6CB0] =	vst.add.f32.msk $0xffff, v15  }
0x425: {  	[tilespmem:s26+$0x90B0] =	vst.add.f32.msk $0xffff, v15  }
0x426: {  	s30 =	simm.s32 $0x0;
	s4 =	simm.s32 $0x0;
	[tilespmem:s26+$0x6CC0] =	vst.add.f32.msk $0xffff, v3  }
.LBB2_14:
0x427: {  	s30 =	sadd.s32 $0x2, s30;
	[tilespmem:s26+$0x90C0] =	vst.add.f32.msk $0xffff, v3  }
0x428: {  	s24 =	sshrl.u32 s30, $0x3;
	p0 =	slt.u32 s30, $0x46;
	[tilespmem:s26+$0x6CD0] =	vst.add.f32.msk $0xffff, v2  }
0x429: {  	s24 =	smul.u32 $0x3000, s24;
	[tilespmem:s26+$0x90D0] =	vst.add.f32.msk $0xffff, v2  }
0x42a: {  	s21 =	sadd.s32 $0x100, s21;
	[tilespmem:s26+$0x6CE0] =	vst.add.f32.msk $0xffff, v1  }
0x42b: {  	s25 =	sadd.s32 $0xFFFFFF80, s21;
	s28 =	sand.u32 $0x380, s21;
	s24 =	sshra.s32 s24, $0x2;
	[tilespmem:s26+$0x90E0] =	vst.add.f32.msk $0xffff, v1  }
0x42c: {  	s25 =	sand.u32 $0x300, s25;
	s28 =	sor.u32 s28, s24;
	[tilespmem:s26+$0x6CF0] =	vst.add.f32.msk $0xffff, v0  }
0x42d: {  	s24 =	sor.u32 s25, s24;
	v0 =	vld [tilespmem:s28+$0x70]  }
0x42e: {  	v4 =	vld [tilespmem:s24+$0x0]  }
0x42f: {  	v5 =	vld [tilespmem:s24+$0x10]  }
0x430: {  	s4 =	sadd.s32 $0x400, s4;
	v6 =	vld [tilespmem:s24+$0x20]  }
0x431: {  	s26 =	sshra.s32 s4, $0x2;
	v7 =	vld [tilespmem:s24+$0x30]  }
0x432: {  	[tilespmem:s26+$0x90F0] =	vst.add.f32.msk $0xffff, v0  }
0x433: {  	v8 =	vld [tilespmem:s24+$0x40]  }
0x434: {  	v9 =	vld [tilespmem:s24+$0x50]  }
0x435: {  	v10 =	vld [tilespmem:s24+$0x60]  }
0x436: {  	v11 =	vld [tilespmem:s24+$0x70]  }
0x437: {  	v12 =	vld [tilespmem:s28+$0x0]  }
0x438: {  	v13 =	vld [tilespmem:s28+$0x10]  }
0x439: {  	v14 =	vld [tilespmem:s28+$0x20]  }
0x43a: {  	v15 =	vld [tilespmem:s28+$0x30]  }
0x43b: {  	v3 =	vld [tilespmem:s28+$0x40]  }
0x43c: {  	v2 =	vld [tilespmem:s28+$0x50]  }
0x43d: {  	v1 =	vld [tilespmem:s28+$0x60]  }
0x43e: {  	[tilespmem:s26+$0x6C00] =	vst.add.f32.msk $0xffff, v4  }
0x43f: {  	[tilespmem:s26+$0x9000] =	vst.add.f32.msk $0xffff, v4  }
0x440: {  	[tilespmem:s26+$0x6C10] =	vst.add.f32.msk $0xffff, v5  }
0x441: {  	[tilespmem:s26+$0x9010] =	vst.add.f32.msk $0xffff, v5  }
0x442: {  	[tilespmem:s26+$0x6C20] =	vst.add.f32.msk $0xffff, v6  }
0x443: {  	[tilespmem:s26+$0x9020] =	vst.add.f32.msk $0xffff, v6  }
0x444: {  	[tilespmem:s26+$0x6C30] =	vst.add.f32.msk $0xffff, v7  }
0x445: {  	[tilespmem:s26+$0x9030] =	vst.add.f32.msk $0xffff, v7  }
0x446: {  	[tilespmem:s26+$0x6C40] =	vst.add.f32.msk $0xffff, v8  }
0x447: {  	[tilespmem:s26+$0x9040] =	vst.add.f32.msk $0xffff, v8  }
0x448: {  	[tilespmem:s26+$0x6C50] =	vst.add.f32.msk $0xffff, v9  }
0x449: {  	[tilespmem:s26+$0x9050] =	vst.add.f32.msk $0xffff, v9  }
0x44a: {  	[tilespmem:s26+$0x6C60] =	vst.add.f32.msk $0xffff, v10  }
0x44b: {  	[tilespmem:s26+$0x9060] =	vst.add.f32.msk $0xffff, v10  }
0x44c: {  	[tilespmem:s26+$0x6C70] =	vst.add.f32.msk $0xffff, v11  }
0x44d: {  	[tilespmem:s26+$0x9070] =	vst.add.f32.msk $0xffff, v11  }
0x44e: {  	[tilespmem:s26+$0x6C80] =	vst.add.f32.msk $0xffff, v12  }
0x44f: {  	[tilespmem:s26+$0x9080] =	vst.add.f32.msk $0xffff, v12  }
0x450: {  	[tilespmem:s26+$0x6C90] =	vst.add.f32.msk $0xffff, v13  }
0x451: {  	[tilespmem:s26+$0x9090] =	vst.add.f32.msk $0xffff, v13  }
.Ltmp6:
0x452: {  	[tilespmem:s26+$0x6CA0] =	vst.add.f32.msk $0xffff, v14;
	(pc) =	sbr.rel @p0 .LBB2_14-.Ltmp6, $4  }
0x453: {  	[tilespmem:s26+$0x90A0] =	vst.add.f32.msk $0xffff, v14  }
0x454: {  	[tilespmem:s26+$0x6CB0] =	vst.add.f32.msk $0xffff, v15  }
0x455: {  	[tilespmem:s26+$0x90B0] =	vst.add.f32.msk $0xffff, v15  }
0x456: {  	[tilespmem:s26+$0x6CC0] =	vst.add.f32.msk $0xffff, v3  }
0x457: {  	[tilespmem:s26+$0x90C0] =	vst.add.f32.msk $0xffff, v3  }
0x458: {  	[tilespmem:s26+$0x6CD0] =	vst.add.f32.msk $0xffff, v2  }
0x459: {  	[tilespmem:s26+$0x90D0] =	vst.add.f32.msk $0xffff, v2  }
0x45a: {  	[tilespmem:s26+$0x6CE0] =	vst.add.f32.msk $0xffff, v1  }
0x45b: {  	[tilespmem:s26+$0x90E0] =	vst.add.f32.msk $0xffff, v1  }
0x45c: {  	[tilespmem:s26+$0x6CF0] =	vst.add.f32.msk $0xffff, v0  }
0x45d: {  	s4 =	sld [smem:$0x7F0];
	_ =	sdelay $0x1  }
0x45e: {  	s21 =	simm.s32 $0x6C00  }
0x45f: {  	[hbm4b:s4+s22] =	stream.strided.scatter [tilespmem:s21], [sflag:$0xA], $0x2400, s23, s22, $0x38;
	[tilespmem:$0x1B000] =	vst v63  }
0x460: {  	s21 =	sld [smem:$0x7F2];
	_ =	sdelay $0x1  }
0x461: {  	s24 =	simm.s32 $0x9000  }
0x462: {  	[hbm4b:s21+s22] =	stream.strided.scatter [tilespmem:s24], [sflag:$0xB], $0x2400, s23, s22, $0x38;
	[tilespmem:$0x1B000] =	vst v63  }
0x463: {  	_ =	swait.ge [sflag:s17], $0x2400  }
0x464: {  	[sflag:s17] =	ssyncset.done $0x0  }
0x465: {  	[sflag:s17] =	ssyncadd.s32 $0xFFFFDC00  }
0x466: {  	_ =	swait.ge [sflag:s18], $0x2400  }
0x467: {  	[sflag:s18] =	ssyncset.done $0x0  }
0x468: {  	[sflag:s18] =	ssyncadd.s32 $0xFFFFDC00  }
0x469: {  	_ =	swait.ge [sflag:s19], $0x2400  }
0x46a: {  	s25 =	sld [smem:$0x7F7]  }
0x46b: {  	[sflag:s19] =	ssyncset.done $0x0  }
0x46c: {  	s26 =	sld [smem:$0x7F8];
	[sflag:s19] =	ssyncadd.s32 $0xFFFFDC00  }
0x46d: {  	[tilespmem:s2], [sflag:$0x7] =	stream.strided.gather [hbm4b:s25+s22], $0x2400, s23, s22, $0x38;
	[tilespmem:$0x1B000] =	vst v63  }
0x46e: {  	s28 =	simm.s32 $0x0  }
0x46f: {  	[tilespmem:s3], [sflag:$0x8] =	stream.strided.gather [hbm4b:s26+s22], $0x2400, s23, s22, $0x38;
	[tilespmem:$0x1B000] =	vst v63  }
0x470: {  	s4 =	smul.u32 $0x3000, s28;
	_ =	swait.ge [sflag:s5], $0x2400  }
0x471: {  	[sflag:s5] =	ssyncset.done $0x0  }
0x472: {  	s4 =	sshra.s32 s4, $0x2;
	[sflag:s5] =	ssyncadd.s32 $0xFFFFDC00  }
0x473: {  	s21 =	simm.s32 $0x80;
	s24 =	simm.s32 $0x0;
	_ =	swait.ge [sflag:s6], $0x2400  }
0x474: {  	s4 =	sadd.s32 $0x400, s4;
	s25 =	sand.u32 $0x380, s21;
	[sflag:s6] =	ssyncset.done $0x0  }
0x475: {  	s24 =	sand.u32 $0x300, s24;
	s25 =	sor.u32 s25, s4;
	[sflag:s6] =	ssyncadd.s32 $0xFFFFDC00  }
0x476: {  	s4 =	sor.u32 s24, s4;
	v0 =	vld [tilespmem:s25+$0x70]  }
0x477: {  	v4 =	vld [tilespmem:s4+$0x0]  }
0x478: {  	v5 =	vld [tilespmem:s4+$0x10]  }
0x479: {  	v6 =	vld [tilespmem:s4+$0x20]  }
0x47a: {  	v7 =	vld [tilespmem:s4+$0x30]  }
0x47b: {  	v8 =	vld [tilespmem:s4+$0x40]  }
0x47c: {  	v9 =	vld [tilespmem:s4+$0x50]  }
0x47d: {  	v10 =	vld [tilespmem:s4+$0x60]  }
0x47e: {  	v11 =	vld [tilespmem:s4+$0x70]  }
0x47f: {  	v12 =	vld [tilespmem:s25+$0x0]  }
0x480: {  	v13 =	vld [tilespmem:s25+$0x10]  }
0x481: {  	v14 =	vld [tilespmem:s25+$0x20]  }
0x482: {  	v15 =	vld [tilespmem:s25+$0x30]  }
0x483: {  	v3 =	vld [tilespmem:s25+$0x40]  }
0x484: {  	v2 =	vld [tilespmem:s25+$0x50]  }
0x485: {  	s26 =	simm.s32 $0x0;
	v1 =	vld [tilespmem:s25+$0x60]  }
0x486: {  	[tilespmem:s26+$0xFCF0] =	vst.add.f32.msk $0xffff, v0  }
0x487: {  	[tilespmem:s26+$0xD800] =	vst.add.f32.msk $0xffff, v4  }
0x488: {  	[tilespmem:s26+$0xFC00] =	vst.add.f32.msk $0xffff, v4  }
0x489: {  	[tilespmem:s26+$0xD810] =	vst.add.f32.msk $0xffff, v5  }
0x48a: {  	[tilespmem:s26+$0xFC10] =	vst.add.f32.msk $0xffff, v5  }
0x48b: {  	[tilespmem:s26+$0xD820] =	vst.add.f32.msk $0xffff, v6  }
0x48c: {  	[tilespmem:s26+$0xFC20] =	vst.add.f32.msk $0xffff, v6  }
0x48d: {  	[tilespmem:s26+$0xD830] =	vst.add.f32.msk $0xffff, v7  }
0x48e: {  	[tilespmem:s26+$0xFC30] =	vst.add.f32.msk $0xffff, v7  }
0x48f: {  	[tilespmem:s26+$0xD840] =	vst.add.f32.msk $0xffff, v8  }
0x490: {  	[tilespmem:s26+$0xFC40] =	vst.add.f32.msk $0xffff, v8  }
0x491: {  	[tilespmem:s26+$0xD850] =	vst.add.f32.msk $0xffff, v9  }
0x492: {  	[tilespmem:s26+$0xFC50] =	vst.add.f32.msk $0xffff, v9  }
0x493: {  	[tilespmem:s26+$0xD860] =	vst.add.f32.msk $0xffff, v10  }
0x494: {  	[tilespmem:s26+$0xFC60] =	vst.add.f32.msk $0xffff, v10  }
0x495: {  	[tilespmem:s26+$0xD870] =	vst.add.f32.msk $0xffff, v11  }
0x496: {  	[tilespmem:s26+$0xFC70] =	vst.add.f32.msk $0xffff, v11  }
0x497: {  	[tilespmem:s26+$0xD880] =	vst.add.f32.msk $0xffff, v12  }
0x498: {  	[tilespmem:s26+$0xFC80] =	vst.add.f32.msk $0xffff, v12  }
0x499: {  	[tilespmem:s26+$0xD890] =	vst.add.f32.msk $0xffff, v13  }
0x49a: {  	[tilespmem:s26+$0xFC90] =	vst.add.f32.msk $0xffff, v13  }
0x49b: {  	[tilespmem:s26+$0xD8A0] =	vst.add.f32.msk $0xffff, v14  }
0x49c: {  	[tilespmem:s26+$0xFCA0] =	vst.add.f32.msk $0xffff, v14  }
0x49d: {  	[tilespmem:s26+$0xD8B0] =	vst.add.f32.msk $0xffff, v15  }
0x49e: {  	s30 =	simm.s32 $0x0;
	s4 =	simm.s32 $0x0;
	[tilespmem:s26+$0xFCB0] =	vst.add.f32.msk $0xffff, v15  }
.LBB2_16:
0x49f: {  	s30 =	sadd.s32 $0x2, s30;
	[tilespmem:s26+$0xD8C0] =	vst.add.f32.msk $0xffff, v3  }
0x4a0: {  	s24 =	sshrl.u32 s30, $0x3;
	p0 =	slt.u32 s30, $0x46;
	[tilespmem:s26+$0xFCC0] =	vst.add.f32.msk $0xffff, v3  }
0x4a1: {  	s24 =	smul.u32 $0x3000, s24;
	[tilespmem:s26+$0xD8D0] =	vst.add.f32.msk $0xffff, v2  }
0x4a2: {  	[tilespmem:s26+$0xFCD0] =	vst.add.f32.msk $0xffff, v2  }
0x4a3: {  	s21 =	sadd.s32 $0x100, s21;
	s24 =	sshra.s32 s24, $0x2;
	[tilespmem:s26+$0xD8E0] =	vst.add.f32.msk $0xffff, v1  }
0x4a4: {  	s25 =	sadd.s32 $0xFFFFFF80, s21;
	s28 =	sand.u32 $0x380, s21;
	s24 =	sadd.s32 $0x400, s24;
	[tilespmem:s26+$0xFCE0] =	vst.add.f32.msk $0xffff, v1  }
0x4a5: {  	s25 =	sand.u32 $0x300, s25;
	s28 =	sor.u32 s28, s24;
	[tilespmem:s26+$0xD8F0] =	vst.add.f32.msk $0xffff, v0  }
0x4a6: {  	s24 =	sor.u32 s25, s24;
	v0 =	vld [tilespmem:s28+$0x70]  }
0x4a7: {  	v4 =	vld [tilespmem:s24+$0x0]  }
0x4a8: {  	v5 =	vld [tilespmem:s24+$0x10]  }
0x4a9: {  	s4 =	sadd.s32 $0x400, s4;
	v6 =	vld [tilespmem:s24+$0x20]  }
0x4aa: {  	s26 =	sshra.s32 s4, $0x2;
	v7 =	vld [tilespmem:s24+$0x30]  }
0x4ab: {  	[tilespmem:s26+$0xFCF0] =	vst.add.f32.msk $0xffff, v0  }
0x4ac: {  	v8 =	vld [tilespmem:s24+$0x40]  }
0x4ad: {  	v9 =	vld [tilespmem:s24+$0x50]  }
0x4ae: {  	v10 =	vld [tilespmem:s24+$0x60]  }
0x4af: {  	v11 =	vld [tilespmem:s24+$0x70]  }
0x4b0: {  	v12 =	vld [tilespmem:s28+$0x0]  }
0x4b1: {  	v13 =	vld [tilespmem:s28+$0x10]  }
0x4b2: {  	v14 =	vld [tilespmem:s28+$0x20]  }
0x4b3: {  	v15 =	vld [tilespmem:s28+$0x30]  }
0x4b4: {  	v3 =	vld [tilespmem:s28+$0x40]  }
0x4b5: {  	v2 =	vld [tilespmem:s28+$0x50]  }
0x4b6: {  	v1 =	vld [tilespmem:s28+$0x60]  }
0x4b7: {  	[tilespmem:s26+$0xD800] =	vst.add.f32.msk $0xffff, v4  }
0x4b8: {  	[tilespmem:s26+$0xFC00] =	vst.add.f32.msk $0xffff, v4  }
0x4b9: {  	[tilespmem:s26+$0xD810] =	vst.add.f32.msk $0xffff, v5  }
0x4ba: {  	[tilespmem:s26+$0xFC10] =	vst.add.f32.msk $0xffff, v5  }
0x4bb: {  	[tilespmem:s26+$0xD820] =	vst.add.f32.msk $0xffff, v6  }
0x4bc: {  	[tilespmem:s26+$0xFC20] =	vst.add.f32.msk $0xffff, v6  }
0x4bd: {  	[tilespmem:s26+$0xD830] =	vst.add.f32.msk $0xffff, v7  }
0x4be: {  	[tilespmem:s26+$0xFC30] =	vst.add.f32.msk $0xffff, v7  }
0x4bf: {  	[tilespmem:s26+$0xD840] =	vst.add.f32.msk $0xffff, v8  }
0x4c0: {  	[tilespmem:s26+$0xFC40] =	vst.add.f32.msk $0xffff, v8  }
0x4c1: {  	[tilespmem:s26+$0xD850] =	vst.add.f32.msk $0xffff, v9  }
0x4c2: {  	[tilespmem:s26+$0xFC50] =	vst.add.f32.msk $0xffff, v9  }
0x4c3: {  	[tilespmem:s26+$0xD860] =	vst.add.f32.msk $0xffff, v10  }
0x4c4: {  	[tilespmem:s26+$0xFC60] =	vst.add.f32.msk $0xffff, v10  }
0x4c5: {  	[tilespmem:s26+$0xD870] =	vst.add.f32.msk $0xffff, v11  }
0x4c6: {  	[tilespmem:s26+$0xFC70] =	vst.add.f32.msk $0xffff, v11  }
0x4c7: {  	[tilespmem:s26+$0xD880] =	vst.add.f32.msk $0xffff, v12  }
0x4c8: {  	[tilespmem:s26+$0xFC80] =	vst.add.f32.msk $0xffff, v12  }
0x4c9: {  	[tilespmem:s26+$0xD890] =	vst.add.f32.msk $0xffff, v13  }
.Ltmp7:
0x4ca: {  	[tilespmem:s26+$0xFC90] =	vst.add.f32.msk $0xffff, v13;
	(pc) =	sbr.rel @p0 .LBB2_16-.Ltmp7, $4  }
0x4cb: {  	[tilespmem:s26+$0xD8A0] =	vst.add.f32.msk $0xffff, v14  }
0x4cc: {  	[tilespmem:s26+$0xFCA0] =	vst.add.f32.msk $0xffff, v14  }
0x4cd: {  	[tilespmem:s26+$0xD8B0] =	vst.add.f32.msk $0xffff, v15  }
0x4ce: {  	[tilespmem:s26+$0xFCB0] =	vst.add.f32.msk $0xffff, v15  }
0x4cf: {  	[tilespmem:s26+$0xD8C0] =	vst.add.f32.msk $0xffff, v3  }
0x4d0: {  	[tilespmem:s26+$0xFCC0] =	vst.add.f32.msk $0xffff, v3  }
0x4d1: {  	[tilespmem:s26+$0xD8D0] =	vst.add.f32.msk $0xffff, v2  }
0x4d2: {  	[tilespmem:s26+$0xFCD0] =	vst.add.f32.msk $0xffff, v2  }
0x4d3: {  	[tilespmem:s26+$0xD8E0] =	vst.add.f32.msk $0xffff, v1  }
0x4d4: {  	[tilespmem:s26+$0xFCE0] =	vst.add.f32.msk $0xffff, v1  }
0x4d5: {  	[tilespmem:s26+$0xD8F0] =	vst.add.f32.msk $0xffff, v0  }
0x4d6: {  	s4 =	sld [smem:$0x7F9];
	_ =	sdelay $0x1  }
0x4d7: {  	s21 =	simm.s32 $0xD800;
	s26 =	sld [smem:$0x7FA]  }
0x4d8: {  	[hbm4b:s4+s22] =	stream.strided.scatter [tilespmem:s21], [sflag:$0xD], $0x2400, s23, s22, $0x38;
	[tilespmem:$0x1B000] =	vst v63  }
0x4d9: {  	_ = 	snop  }
0x4da: {  	[hbm4b:s26+s22] =	stream.strided.scatter [tilespmem:s29], [sflag:$0xE], $0x2400, s23, s22, $0x38;
	[tilespmem:$0x1B000] =	vst v63  }
0x4db: {  	s28 =	simm.s32 $0x0;
	_ =	swait.ge [sflag:s11], $0x2400  }
0x4dc: {  	s4 =	smul.u32 $0x3000, s28;
	[sflag:s11] =	ssyncset.done $0x0  }
0x4dd: {  	s24 =	simm.s32 $0x0;
	[sflag:s11] =	ssyncadd.s32 $0xFFFFDC00  }
0x4de: {  	s21 =	simm.s32 $0x80;
	s4 =	sshra.s32 s4, $0x2;
	_ =	swait.ge [sflag:s12], $0x2400  }
0x4df: {  	s25 =	sand.u32 $0x380, s21;
	s4 =	sadd.s32 $0x800, s4;
	[sflag:s12] =	ssyncset.done $0x0  }
0x4e0: {  	s24 =	sand.u32 $0x300, s24;
	s25 =	sor.u32 s25, s4;
	[sflag:s12] =	ssyncadd.s32 $0xFFFFDC00  }
0x4e1: {  	s4 =	sor.u32 s24, s4;
	v0 =	vld [tilespmem:s25+$0x70]  }
0x4e2: {  	v4 =	vld [tilespmem:s4+$0x0]  }
0x4e3: {  	v5 =	vld [tilespmem:s4+$0x10]  }
0x4e4: {  	v6 =	vld [tilespmem:s4+$0x20]  }
0x4e5: {  	v7 =	vld [tilespmem:s4+$0x30]  }
0x4e6: {  	v8 =	vld [tilespmem:s4+$0x40]  }
0x4e7: {  	v9 =	vld [tilespmem:s4+$0x50]  }
0x4e8: {  	v10 =	vld [tilespmem:s4+$0x60]  }
0x4e9: {  	v11 =	vld [tilespmem:s4+$0x70]  }
0x4ea: {  	v12 =	vld [tilespmem:s25+$0x0]  }
0x4eb: {  	v13 =	vld [tilespmem:s25+$0x10]  }
0x4ec: {  	v14 =	vld [tilespmem:s25+$0x20]  }
0x4ed: {  	v15 =	vld [tilespmem:s25+$0x30]  }
0x4ee: {  	v3 =	vld [tilespmem:s25+$0x40]  }
0x4ef: {  	v2 =	vld [tilespmem:s25+$0x50]  }
0x4f0: {  	s26 =	simm.s32 $0x0;
	v1 =	vld [tilespmem:s25+$0x60]  }
0x4f1: {  	[tilespmem:s26+$0x168F0] =	vst.add.f32.msk $0xffff, v0  }
0x4f2: {  	[tilespmem:s26+$0x14400] =	vst.add.f32.msk $0xffff, v4  }
0x4f3: {  	[tilespmem:s26+$0x16800] =	vst.add.f32.msk $0xffff, v4  }
0x4f4: {  	[tilespmem:s26+$0x14410] =	vst.add.f32.msk $0xffff, v5  }
0x4f5: {  	[tilespmem:s26+$0x16810] =	vst.add.f32.msk $0xffff, v5  }
0x4f6: {  	[tilespmem:s26+$0x14420] =	vst.add.f32.msk $0xffff, v6  }
0x4f7: {  	[tilespmem:s26+$0x16820] =	vst.add.f32.msk $0xffff, v6  }
0x4f8: {  	[tilespmem:s26+$0x14430] =	vst.add.f32.msk $0xffff, v7  }
0x4f9: {  	[tilespmem:s26+$0x16830] =	vst.add.f32.msk $0xffff, v7  }
0x4fa: {  	[tilespmem:s26+$0x14440] =	vst.add.f32.msk $0xffff, v8  }
0x4fb: {  	[tilespmem:s26+$0x16840] =	vst.add.f32.msk $0xffff, v8  }
0x4fc: {  	[tilespmem:s26+$0x14450] =	vst.add.f32.msk $0xffff, v9  }
0x4fd: {  	[tilespmem:s26+$0x16850] =	vst.add.f32.msk $0xffff, v9  }
0x4fe: {  	[tilespmem:s26+$0x14460] =	vst.add.f32.msk $0xffff, v10  }
0x4ff: {  	[tilespmem:s26+$0x16860] =	vst.add.f32.msk $0xffff, v10  }
0x500: {  	[tilespmem:s26+$0x14470] =	vst.add.f32.msk $0xffff, v11  }
0x501: {  	[tilespmem:s26+$0x16870] =	vst.add.f32.msk $0xffff, v11  }
0x502: {  	[tilespmem:s26+$0x14480] =	vst.add.f32.msk $0xffff, v12  }
0x503: {  	[tilespmem:s26+$0x16880] =	vst.add.f32.msk $0xffff, v12  }
0x504: {  	[tilespmem:s26+$0x14490] =	vst.add.f32.msk $0xffff, v13  }
0x505: {  	[tilespmem:s26+$0x16890] =	vst.add.f32.msk $0xffff, v13  }
0x506: {  	[tilespmem:s26+$0x144A0] =	vst.add.f32.msk $0xffff, v14  }
0x507: {  	[tilespmem:s26+$0x168A0] =	vst.add.f32.msk $0xffff, v14  }
0x508: {  	[tilespmem:s26+$0x144B0] =	vst.add.f32.msk $0xffff, v15  }
0x509: {  	s30 =	simm.s32 $0x0;
	s4 =	simm.s32 $0x0;
	[tilespmem:s26+$0x168B0] =	vst.add.f32.msk $0xffff, v15  }
.LBB2_18:
0x50a: {  	s30 =	sadd.s32 $0x2, s30;
	[tilespmem:s26+$0x144C0] =	vst.add.f32.msk $0xffff, v3  }
0x50b: {  	s24 =	sshrl.u32 s30, $0x3;
	p0 =	slt.u32 s30, $0x46;
	[tilespmem:s26+$0x168C0] =	vst.add.f32.msk $0xffff, v3  }
0x50c: {  	s24 =	smul.u32 $0x3000, s24;
	[tilespmem:s26+$0x144D0] =	vst.add.f32.msk $0xffff, v2  }
0x50d: {  	[tilespmem:s26+$0x168D0] =	vst.add.f32.msk $0xffff, v2  }
0x50e: {  	s21 =	sadd.s32 $0x100, s21;
	s24 =	sshra.s32 s24, $0x2;
	[tilespmem:s26+$0x144E0] =	vst.add.f32.msk $0xffff, v1  }
0x50f: {  	s25 =	sadd.s32 $0xFFFFFF80, s21;
	s28 =	sand.u32 $0x380, s21;
	s24 =	sadd.s32 $0x800, s24;
	[tilespmem:s26+$0x168E0] =	vst.add.f32.msk $0xffff, v1  }
0x510: {  	s25 =	sand.u32 $0x300, s25;
	s28 =	sor.u32 s28, s24;
	[tilespmem:s26+$0x144F0] =	vst.add.f32.msk $0xffff, v0  }
0x511: {  	s24 =	sor.u32 s25, s24;
	v0 =	vld [tilespmem:s28+$0x70]  }
0x512: {  	v4 =	vld [tilespmem:s24+$0x0]  }
0x513: {  	v5 =	vld [tilespmem:s24+$0x10]  }
0x514: {  	s4 =	sadd.s32 $0x400, s4;
	v6 =	vld [tilespmem:s24+$0x20]  }
0x515: {  	s26 =	sshra.s32 s4, $0x2;
	v7 =	vld [tilespmem:s24+$0x30]  }
0x516: {  	[tilespmem:s26+$0x168F0] =	vst.add.f32.msk $0xffff, v0  }
0x517: {  	v8 =	vld [tilespmem:s24+$0x40]  }
0x518: {  	v9 =	vld [tilespmem:s24+$0x50]  }
0x519: {  	v10 =	vld [tilespmem:s24+$0x60]  }
0x51a: {  	v11 =	vld [tilespmem:s24+$0x70]  }
0x51b: {  	v12 =	vld [tilespmem:s28+$0x0]  }
0x51c: {  	v13 =	vld [tilespmem:s28+$0x10]  }
0x51d: {  	v14 =	vld [tilespmem:s28+$0x20]  }
0x51e: {  	v15 =	vld [tilespmem:s28+$0x30]  }
0x51f: {  	v3 =	vld [tilespmem:s28+$0x40]  }
0x520: {  	v2 =	vld [tilespmem:s28+$0x50]  }
0x521: {  	v1 =	vld [tilespmem:s28+$0x60]  }
0x522: {  	[tilespmem:s26+$0x14400] =	vst.add.f32.msk $0xffff, v4  }
0x523: {  	[tilespmem:s26+$0x16800] =	vst.add.f32.msk $0xffff, v4  }
0x524: {  	[tilespmem:s26+$0x14410] =	vst.add.f32.msk $0xffff, v5  }
0x525: {  	[tilespmem:s26+$0x16810] =	vst.add.f32.msk $0xffff, v5  }
0x526: {  	[tilespmem:s26+$0x14420] =	vst.add.f32.msk $0xffff, v6  }
0x527: {  	[tilespmem:s26+$0x16820] =	vst.add.f32.msk $0xffff, v6  }
0x528: {  	[tilespmem:s26+$0x14430] =	vst.add.f32.msk $0xffff, v7  }
0x529: {  	[tilespmem:s26+$0x16830] =	vst.add.f32.msk $0xffff, v7  }
0x52a: {  	[tilespmem:s26+$0x14440] =	vst.add.f32.msk $0xffff, v8  }
0x52b: {  	[tilespmem:s26+$0x16840] =	vst.add.f32.msk $0xffff, v8  }
0x52c: {  	[tilespmem:s26+$0x14450] =	vst.add.f32.msk $0xffff, v9  }
0x52d: {  	[tilespmem:s26+$0x16850] =	vst.add.f32.msk $0xffff, v9  }
0x52e: {  	[tilespmem:s26+$0x14460] =	vst.add.f32.msk $0xffff, v10  }
0x52f: {  	[tilespmem:s26+$0x16860] =	vst.add.f32.msk $0xffff, v10  }
0x530: {  	[tilespmem:s26+$0x14470] =	vst.add.f32.msk $0xffff, v11  }
0x531: {  	[tilespmem:s26+$0x16870] =	vst.add.f32.msk $0xffff, v11  }
0x532: {  	[tilespmem:s26+$0x14480] =	vst.add.f32.msk $0xffff, v12  }
0x533: {  	[tilespmem:s26+$0x16880] =	vst.add.f32.msk $0xffff, v12  }
0x534: {  	[tilespmem:s26+$0x14490] =	vst.add.f32.msk $0xffff, v13  }
.Ltmp8:
0x535: {  	[tilespmem:s26+$0x16890] =	vst.add.f32.msk $0xffff, v13;
	(pc) =	sbr.rel @p0 .LBB2_18-.Ltmp8, $4  }
0x536: {  	[tilespmem:s26+$0x144A0] =	vst.add.f32.msk $0xffff, v14  }
0x537: {  	[tilespmem:s26+$0x168A0] =	vst.add.f32.msk $0xffff, v14  }
0x538: {  	[tilespmem:s26+$0x144B0] =	vst.add.f32.msk $0xffff, v15  }
0x539: {  	[tilespmem:s26+$0x168B0] =	vst.add.f32.msk $0xffff, v15  }
0x53a: {  	[tilespmem:s26+$0x144C0] =	vst.add.f32.msk $0xffff, v3  }
0x53b: {  	[tilespmem:s26+$0x168C0] =	vst.add.f32.msk $0xffff, v3  }
0x53c: {  	[tilespmem:s26+$0x144D0] =	vst.add.f32.msk $0xffff, v2  }
0x53d: {  	[tilespmem:s26+$0x168D0] =	vst.add.f32.msk $0xffff, v2  }
0x53e: {  	[tilespmem:s26+$0x144E0] =	vst.add.f32.msk $0xffff, v1  }
0x53f: {  	[tilespmem:s26+$0x168E0] =	vst.add.f32.msk $0xffff, v1  }
0x540: {  	[tilespmem:s26+$0x144F0] =	vst.add.f32.msk $0xffff, v0  }
0x541: {  	s4 =	sld [smem:$0x7FB];
	_ =	sdelay $0x1  }
0x542: {  	s28 =	sld [smem:$0x7FC]  }
0x543: {  	[hbm4b:s4+s22] =	stream.strided.scatter [tilespmem:s2], [sflag:$0x10], $0x2400, s23, s22, $0x38;
	[tilespmem:$0x1B000] =	vst v63  }
0x544: {  	_ = 	snop  }
0x545: {  	[hbm4b:s28+s22] =	stream.strided.scatter [tilespmem:s3], [sflag:$0x11], $0x2400, s23, s22, $0x38;
	[tilespmem:$0x1B000] =	vst v63  }
0x546: {  	_ =	swait.ge [sflag:s8], $0x2400  }
0x547: {  	[sflag:s8] =	ssyncset.done $0x0  }
0x548: {  	[sflag:s8] =	ssyncadd.s32 $0xFFFFDC00  }
0x549: {  	_ =	swait.ge [sflag:s9], $0x2400  }
0x54a: {  	[sflag:s9] =	ssyncset.done $0x0  }
0x54b: {  	[sflag:s9] =	ssyncadd.s32 $0xFFFFDC00  }
0x54c: {  	_ =	swait.ge [sflag:s14], $0x2400  }
0x54d: {  	[sflag:s14] =	ssyncset.done $0x0  }
0x54e: {  	[sflag:s14] =	ssyncadd.s32 $0xFFFFDC00  }
0x54f: {  	_ =	swait.ge [sflag:s15], $0x2400  }
0x550: {  	[sflag:s15] =	ssyncset.done $0x0  }
0x551: {  	[sflag:s15] =	ssyncadd.s32 $0xFFFFDC00  }
0x552: {  	_ =	swait.ge [sflag:s17], $0x2400  }
0x553: {  	[sflag:s17] =	ssyncset.done $0x0  }
0x554: {  	[sflag:s17] =	ssyncadd.s32 $0xFFFFDC00  }
0x555: {  	_ =	swait.ge [sflag:s18], $0x2400  }
0x556: {  	s30 =	sld [smem:$0x7FD];
	_ =	sdelay $0x1  }
0x557: {  	s20 =	sadd.s32 $0x1, s20  }
0x558: {  	p0 =	sne.s32 s20, s30  }
.Ltmp9:
0x559: {  	_ = 	snop;
	(pc) =	sbr.rel @p0 .LBB2_1-.Ltmp9, $3  }
0x55a: {  	_ =	sdelay $0x1  }
0x55b: {  	[sflag:s18] =	ssyncset.done $0x0  }
0x55c: {  	[sflag:s18] =	ssyncadd.s32 $0xFFFFDC00  }
0x55d: {  	_ =	sfence.sel $0x180000  }
0x55e: {  	[bflag:$0x0] =	sbarrier.arrive $0xFFFF  }
0x55f: {  	_ =	strace $0x90000047  }
0x560: {  	s0 =	stileid.u32;
	[bflag:$0x2] =	sbarrier.arrive $0xFFFF  }
0x561: {  	p0 =	sne.s32 s0, $0x0;
	s0 =	rddreg [dreg:$0x3]  }
0x562: {  	s0 =	sadd.s32 @!p0 $0x100000, s0  }
0x563: {  	[sflag:s0] =	ssyncadd.tile.s32 @!p0 $0x1;
	_ =	shalt  }
.Lfunc_end2:
_tile_overlayer_lowered:
.L_overlay_start_2:
0x564: {  	(tag) =	ssettag $0x2  }
0x565: {  	s0 =	rddreg [dreg:$0x0];
	s2 =	stileid.u32  }
0x566: {  	s1 =	rddreg [dreg:$0x1];
	p0 =	sne.s32 s2, $0x0  }
0x567: {  	s3 =	rddreg [dreg:$0x2];
	[bflag:$0x3] =	sbarrier.arrive $0xFFFF;
	s2 =	simm.s32 @!p0 $0x1C01  }
0x568: {  	[timem:s3], [sflag:s2] =	dma.local @!p0 [hbm:s0], s1  }
0x569: {  	s0 =	simm.s32 @!p0 $0x1  }
0x56a: {  	_ =	swait.ge @!p0 [sflag:s0], s1  }
0x56b: {  	s1 =	ssub.s32 @!p0 $0x0, s1;
	[sflag:s0] =	ssyncset.done @!p0 $0x0  }
0x56c: {  	[sflag:s0] =	ssyncadd.s32 @!p0 s1  }
0x56d: {  	[bflag:$0x3] =	sbarrier.arrive $0xFFFF  }
0x56e: {  	_ =	shalt  }

</sc_bundles>
